<compile_context>
chip_gen: v7x
topology: tpu7x:2x2x1
jax: 0.10.2.dev20260603
libtpu: 0.0.44.dev20260713+nightly
codegen_flags: <defaults>
</compile_context>

<pallas_src>
import functools

import jax
import jax.numpy as jnp
from jax import lax
from jax.experimental import pallas as pl
from jax.experimental.pallas import tpu as pltpu
from jax.experimental.pallas import tpu_sc as plsc

N = 10000
E = 320000
H = 128
HH = H // 2
NGRAPHS = 64

NPAD = 10240
NC, NS = 2, 16
CH = 128
NCHUNK = 160
CHD = 128
NCHUNKD = 160
EPAD = NS * NCHUNK * CH
ROWS_PER_TILE = NPAD // NS
BLK = 1280
GRID = NPAD // BLK

_mesh = plsc.VectorSubcoreMesh(core_axis_name="c", subcore_axis_name="s")


def _zero_rows(ref, nrows, ncols):
    zero16 = jnp.zeros((16,), jnp.float32)

    def body(i):
        for k in range(ncols // 16):
            ref[i, pl.ds(k * 16, 16)] = zero16

    pl.loop(0, nrows)(body)


_DEG_KWARGS = dict(
    out_type=jax.ShapeDtypeStruct((NC, NPAD, 16), jnp.float32),
    mesh=_mesh,
    scratch_types=[
        pltpu.VMEM((NCHUNKD // 2, CHD), jnp.int32),
        pltpu.VMEM((CHD, 16), jnp.float32),
        pltpu.VMEM((CHD, 16), jnp.float32),
        pltpu.VMEM_SHARED((NPAD, 16), jnp.float32),
        pltpu.SemaphoreType.DMA,
    ],
    compiler_params=pltpu.CompilerParams(use_tc_tiling_on_sc=False),
)


def _deg_body(dst_hbm, out_hbm, idxd, ones_r, zb, acc, sem):
    c = lax.axis_index("c")
    s = lax.axis_index("s")

    pltpu.sync_copy(dst_hbm.at[s, pl.ds(c * (NCHUNKD // 2), NCHUNKD // 2)], idxd)

    one0 = jnp.where(lax.iota(jnp.int32, 16) == 0, 1.0, 0.0).astype(jnp.float32)
    zero16 = jnp.zeros((16,), jnp.float32)

    def init(i):
        ones_r[i] = one0
        zb[i] = zero16

    pl.loop(0, CHD)(init)

    base = s * ROWS_PER_TILE
    for k in range(ROWS_PER_TILE // CHD):
        pltpu.sync_copy(zb, acc.at[pl.ds(base + k * CHD, CHD)])
    plsc.subcore_barrier()

    def fire(j):
        descs = [
            pltpu.async_copy(ones_r, acc.at[idxd.at[j + k]], sem, add=True)
            for k in range(8)
        ]
        for d in descs:
            d.wait()

    pl.loop(0, NCHUNKD // 2, step=8)(fire)
    plsc.subcore_barrier()

    for k in range(ROWS_PER_TILE // CHD):
        pltpu.sync_copy(acc.at[pl.ds(base + k * CHD, CHD)], zb)
        pltpu.sync_copy(zb, out_hbm.at[c, pl.ds(base + k * CHD, CHD)])


_deg_kernel = pl.kernel(_deg_body, **_DEG_KWARGS)


NBKT = 640
EPT = NCHUNK * CH
EPL = EPT // 16

_SORT_KWARGS = dict(
    out_type=[
        jax.ShapeDtypeStruct((NS, EPT), jnp.int32),
        jax.ShapeDtypeStruct((NS, EPT), jnp.int32),
    ],
    mesh=_mesh,
    scratch_types=[
        pltpu.VMEM((EPT,), jnp.int32),
        pltpu.VMEM((EPT,), jnp.int32),
        pltpu.VMEM((EPT,), jnp.int32),
        pltpu.VMEM((NBKT, 16), jnp.int32),
        pltpu.VMEM((NBKT, 16), jnp.int32),
    ],
    compiler_params=pltpu.CompilerParams(
        use_tc_tiling_on_sc=False, needs_layout_passes=False),
)


def _sort_body(src_hbm, dst_hbm, outs_hbm, outd_hbm,
               srcv, dstv, sortv, hist, offs):
    c = lax.axis_index("c")
    s = lax.axis_index("s")
    lanes = lax.iota(jnp.int32, 16)
    ones = jnp.ones((16,), jnp.int32)

    pltpu.sync_copy(src_hbm.at[s], srcv)
    pltpu.sync_copy(dst_hbm.at[s], dstv)

    zero16 = jnp.zeros((16,), jnp.int32)

    def zh(i):
        hist[i] = zero16

    pl.loop(0, NBKT)(zh)

    def histpass(e):
        v = srcv[pl.ds(e * 16, 16)]
        plsc.addupdate_scatter(hist, [v >> 4, lanes], ones)

    pl.loop(0, EPL)(histpass)

    def prefix(b, acc):
        h = hist[b]
        incl = jnp.cumsum(h)
        offs[b] = acc + incl - h
        return acc + jnp.sum(h)

    pl.loop(0, NBKT, init_carry=jnp.int32(0))(prefix)

    def place(e):
        v = srcv[pl.ds(e * 16, 16)]
        b = v >> 4
        p = plsc.load_gather(offs, [b, lanes])
        plsc.store_scatter(offs, [b, lanes], p + 1)
        val = jnp.where(c == 0, v, dstv[pl.ds(e * 16, 16)])
        plsc.store_scatter(sortv, [p], val)

    pl.loop(0, EPL)(place)

    @pl.when(c == 0)
    def _():
        pltpu.sync_copy(sortv, outs_hbm.at[s])

    @pl.when(c == 1)
    def _():
        pltpu.sync_copy(sortv, outd_hbm.at[s])


_sort_kernel = pl.kernel(_sort_body, **_SORT_KWARGS)


_AGG_KWARGS = dict(
    out_type=jax.ShapeDtypeStruct((NC, NPAD, HH), jnp.float32),
    mesh=_mesh,
    scratch_types=[
        pltpu.VMEM((NCHUNK, CH), jnp.int32),
        pltpu.VMEM((NCHUNK, CH), jnp.int32),
        pltpu.VMEM((CH, HH), jnp.float32),
        pltpu.VMEM((CH, HH), jnp.float32),
        pltpu.VMEM((CH, HH), jnp.float32),
        pltpu.VMEM((CH, HH), jnp.float32),
        pltpu.VMEM((CHD, HH), jnp.float32),
        pltpu.VMEM_SHARED((NPAD, HH), jnp.float32),
        pltpu.SemaphoreType.DMA,
        pltpu.SemaphoreType.DMA,
        pltpu.SemaphoreType.DMA,
        pltpu.SemaphoreType.DMA,
        pltpu.SemaphoreType.DMA,
        pltpu.SemaphoreType.DMA,
        pltpu.SemaphoreType.DMA,
        pltpu.SemaphoreType.DMA,
    ],
    compiler_params=pltpu.CompilerParams(use_tc_tiling_on_sc=False),
)


def _agg_body(zh_hbm, src_hbm, dst_hbm, out_hbm,
              idxs, idxd, rows0, rows1, rows2, rows3, zb, acc,
              gs0, gs1, gs2, gs3, ss0, ss1, ss2, ss3):
    rows = (rows0, rows1, rows2, rows3)
    gs = (gs0, gs1, gs2, gs3)
    ss = (ss0, ss1, ss2, ss3)
    c = lax.axis_index("c")
    s = lax.axis_index("s")

    pltpu.sync_copy(src_hbm.at[s], idxs)
    pltpu.sync_copy(dst_hbm.at[s], idxd)

    _zero_rows(zb, CHD, HH)
    base = s * ROWS_PER_TILE
    for k in range(ROWS_PER_TILE // CHD):
        pltpu.sync_copy(zb, acc.at[pl.ds(base + k * CHD, CHD)])
    plsc.subcore_barrier()

    def gather(j, buf, sem):
        pltpu.async_copy(zh_hbm.at[c].at[idxs.at[j]], buf, sem)

    def wait_gather(j, buf, sem):
        pltpu.make_async_copy(zh_hbm.at[c].at[idxs.at[j]], buf, sem).wait()

    def scatter(j, buf, sem):
        pltpu.async_copy(buf, acc.at[idxd.at[j]], sem, add=True)

    def wait_scatter(j, buf, sem):
        pltpu.make_async_copy(buf, acc.at[idxd.at[j]], sem).wait()

    NB = 4
    for b in range(NB):
        gather(b, rows[b], gs[b])

    def body(t):
        j = NB * t
        for b in range(NB):
            wait_gather(j + b, rows[b], gs[b])
            scatter(j + b, rows[b], ss[b])

        @pl.when(t < NCHUNK // NB - 1)
        def _():
            for b in range(NB):
                wait_scatter(j + b, rows[b], ss[b])
                gather(j + NB + b, rows[b], gs[b])

    pl.loop(0, NCHUNK // NB)(body)

    jlast = NCHUNK - NB
    for b in range(NB):
        wait_scatter(jlast + b, rows[b], ss[b])
    plsc.subcore_barrier()

    for k in range(ROWS_PER_TILE // CHD):
        pltpu.sync_copy(acc.at[pl.ds(base + k * CHD, CHD)], zb)
        pltpu.sync_copy(zb, out_hbm.at[c, pl.ds(base + k * CHD, CHD)])


_agg_kernel = pl.kernel(_agg_body, **_AGG_KWARGS)


def _mm(a, b):
    return jnp.dot(a.astype(jnp.bfloat16), b.astype(jnp.bfloat16),
                   preferred_element_type=jnp.float32)


def _mm_exact(a, b):
    return jnp.dot(a, b, preferred_element_type=jnp.float32)


def _enc_body(x_ref, pos_ref, degp_ref, wa_ref, wb_ref, encb_ref,
              convw_ref, resw_ref, resb_ref, z_ref, r_ref, dinv_ref):
    dinv = 1.0 / jnp.sqrt(1.0 + degp_ref[0] + degp_ref[1])
    xh = _mm(x_ref[...], wa_ref[...]) + _mm(pos_ref[...], wb_ref[...]) + encb_ref[...]
    z = dinv * _mm(xh, convw_ref[...])
    z_ref[0] = z[:, :HH]
    z_ref[1] = z[:, HH:]
    r_ref[...] = _mm(xh, resw_ref[...]) + resb_ref[...]
    dinv_ref[...] = dinv


def _agg_full(p_ref, zp_ref):
    return (jnp.concatenate([p_ref[0], p_ref[1]], axis=-1)
            + jnp.concatenate([zp_ref[0], zp_ref[1]], axis=-1))


def _layer_body(p_ref, zp_ref, rp_ref, dinv_ref, convb_ref,
                convw_ref, resw_ref, resb_ref, z_ref, r_ref):
    dinv = dinv_ref[...]
    xh = jnp.maximum(
        dinv * _agg_full(p_ref, zp_ref) + convb_ref[...] + rp_ref[...], 0.0)
    z = dinv * _mm(xh, convw_ref[...])
    z_ref[0] = z[:, :HH]
    z_ref[1] = z[:, HH:]
    r_ref[...] = _mm(xh, resw_ref[...]) + resb_ref[...]


def _final_body(p_ref, zp_ref, rp_ref, dinv_ref, convb_ref,
                decw_ref, decb_ref, batch_ref, pool_ref):
    i = pl.program_id(0)
    xh = jnp.maximum(
        dinv_ref[...] * _agg_full(p_ref, zp_ref) + convb_ref[...] + rp_ref[...],
        0.0)
    xh16 = xh.astype(jnp.bfloat16).astype(jnp.float32)
    dw16 = decw_ref[...].astype(jnp.bfloat16).astype(jnp.float32)
    outcol = jnp.sum(xh16 * dw16, axis=1, keepdims=True) + decb_ref[...]
    seg = lax.broadcasted_iota(jnp.int32, (NGRAPHS, BLK), 0)
    mask = (seg == batch_ref[...]).astype(jnp.float32)
    contrib = _mm_exact(mask, outcol)

    @pl.when(i == 0)
    def _():
        pool_ref[...] = jnp.zeros_like(pool_ref)

    pool_ref[...] += contrib


def _rowb():
    return pl.BlockSpec((BLK, H), lambda i: (i, 0))


def _partb():
    return pl.BlockSpec((NC, BLK, HH), lambda i: (0, i, 0))


def _colb():
    return pl.BlockSpec((BLK, 1), lambda i: (i, 0))


def _wb(r):
    return pl.BlockSpec((r, H), lambda i: (0, 0))


_enc_call = pl.pallas_call(
    _enc_body,
    grid=(GRID,),
    in_specs=[
        _rowb(),
        pl.BlockSpec((BLK, 8), lambda i: (i, 0)),
        pl.BlockSpec((NC, BLK, 1), lambda i: (0, i, 0)),
        _wb(H), pl.BlockSpec((8, H), lambda i: (0, 0)),
        _wb(1),
        _wb(H), _wb(H), _wb(1),
    ],
    out_specs=[_partb(), _rowb(), _colb()],
    out_shape=[
        jax.ShapeDtypeStruct((NC, NPAD, HH), jnp.float32),
        jax.ShapeDtypeStruct((NPAD, H), jnp.float32),
        jax.ShapeDtypeStruct((NPAD, 1), jnp.float32),
    ],
)

_layer_call = pl.pallas_call(
    _layer_body,
    grid=(GRID,),
    in_specs=[
        _partb(),
        _partb(), _rowb(),
        _colb(),
        _wb(1),
        _wb(H), _wb(H), _wb(1),
    ],
    out_specs=[_partb(), _rowb()],
    out_shape=[
        jax.ShapeDtypeStruct((NC, NPAD, HH), jnp.float32),
        jax.ShapeDtypeStruct((NPAD, H), jnp.float32),
    ],
)

_final_call = pl.pallas_call(
    _final_body,
    grid=(GRID,),
    in_specs=[
        _partb(),
        _partb(), _rowb(),
        _colb(),
        _wb(1),
        _wb(1),
        pl.BlockSpec((1, 1), lambda i: (0, 0)),
        pl.BlockSpec((1, BLK), lambda i: (0, i)),
    ],
    out_specs=pl.BlockSpec((NGRAPHS, 1), lambda i: (0, 0)),
    out_shape=jax.ShapeDtypeStruct((NGRAPHS, 1), jnp.float32),
)


def kernel(x, pos, edge_index, batch, enc_W, enc_b, conv_W, conv_b,
           res_W, res_b, dec_W, dec_b):
    src = edge_index[0]
    dst = edge_index[1]
    padlen = EPAD - E
    src_t = jnp.concatenate([src, jnp.full((padlen,), N, jnp.int32)]).reshape(
        NS, NCHUNK, CH)
    dst_t = jnp.concatenate([dst, jnp.full((padlen,), N, jnp.int32)]).reshape(
        NS, NCHUNK, CH)

    x_p = jnp.pad(x, ((0, NPAD - N), (0, 0)))
    pos_p = jnp.pad(pos, ((0, NPAD - N), (0, 8 - pos.shape[1])))
    batch_row = jnp.pad(batch, (0, NPAD - N), constant_values=NGRAPHS).reshape(
        1, NPAD)

    wa = enc_W[:H]
    wb = jnp.pad(enc_W[H:], ((0, 8 - (enc_W.shape[0] - H)), (0, 0)))
    encb = enc_b.reshape(1, H)
    convb = conv_b.reshape(1, H)
    resb = res_b.reshape(1, H)
    decw = dec_W.reshape(1, H)
    decb = dec_b.reshape(1, 1)

    src_s, dst_s = _sort_kernel(src_t.reshape(NS, EPT), dst_t.reshape(NS, EPT))
    src_t = src_s.reshape(NS, NCHUNK, CH)
    dst_t = dst_s.reshape(NS, NCHUNK, CH)
    degp = _deg_kernel(dst_t.reshape(NS, NCHUNKD, CHD))
    degp = degp[:, :, :1]

    z, r, dinv = _enc_call(x_p, pos_p, degp, wa, wb, encb, conv_W, res_W, resb)

    for _ in range(2):
        p = _agg_kernel(z, src_t, dst_t)
        z, r = _layer_call(p, z, r, dinv, convb, conv_W, res_W, resb)
    p = _agg_kernel(z, src_t, dst_t)

    pooled = _final_call(p, z, r, dinv, convb, decw, decb, batch_row)
    return pooled.reshape(NGRAPHS)

# --- scband reference (transcript-rebuilt; emitter-appended) ---
"""Pipeline reference for scband-graph-con-gcn-65292092834213 (READ-ONLY COPY).

The authoritative reference and input builder live on the scoring server;
editing this copy changes nothing except your own understanding.
"""

import jax, jax.numpy as jnp
import numpy as np

N = 10000
E = 320000
NFEAT = 131
NHID = 128
NCLASS = 1
NLAYERS = 3
DT = 1.0
ALPHA = 1.0
GAMMA = 1.0
NGRAPHS = 64


def setup_inputs(seed: int = 0):
    key = jax.random.key(seed)
    ks = jax.random.split(key, 12)
    s = 0.05
    x = jax.random.normal(ks[0], (N, 128), dtype=jnp.float32)
    pos = jax.random.normal(ks[1], (N, 3), dtype=jnp.float32)
    edge_index = jax.random.randint(ks[2], (2, E), 0, N, dtype=jnp.int32)
    batch = jnp.sort(jax.random.randint(ks[3], (N,), 0, NGRAPHS, dtype=jnp.int32))
    enc_W = jax.random.normal(ks[4], (NFEAT, NHID), dtype=jnp.float32) * s
    enc_b = jnp.zeros((NHID,), dtype=jnp.float32)
    conv_W = jax.random.normal(ks[5], (NHID, NHID), dtype=jnp.float32) * s
    conv_b = jnp.zeros((NHID,), dtype=jnp.float32)
    res_W = jax.random.normal(ks[6], (NHID, NHID), dtype=jnp.float32) * s
    res_b = jnp.zeros((NHID,), dtype=jnp.float32)
    dec_W = jax.random.normal(ks[7], (NHID, NCLASS), dtype=jnp.float32) * s
    dec_b = jnp.zeros((NCLASS,), dtype=jnp.float32)
    return {"x": x, "pos": pos, "edge_index": edge_index, "batch": batch,
            "enc_W": enc_W, "enc_b": enc_b, "conv_W": conv_W, "conv_b": conv_b,
            "res_W": res_W, "res_b": res_b, "dec_W": dec_W, "dec_b": dec_b}


def _gcn_conv(X, src, dst, W, b):
    # PyG GCNConv: add self-loops, symmetric normalization D^-1/2 (A+I) D^-1/2 X W + b
    XW = X @ W
    loop = jnp.arange(N, dtype=src.dtype)
    s_idx = jnp.concatenate([src, loop])
    d_idx = jnp.concatenate([dst, loop])
    deg = jnp.zeros((N,), dtype=XW.dtype).at[d_idx].add(1.0)
    dinv = jnp.where(deg > 0, 1.0 / jnp.sqrt(deg), 0.0)
    norm = dinv[s_idx] * dinv[d_idx]
    msg = XW[s_idx] * norm[:, None]
    out = jnp.zeros_like(XW).at[d_idx].add(msg)
    return out + b


def reference(x, pos, edge_index, batch, enc_W, enc_b, conv_W, conv_b, res_W, res_b, dec_W, dec_b):
    # dropout in eval mode (training=False) is identity
    src = edge_index[0]
    dst = edge_index[1]
    inp = jnp.concatenate([x, pos], axis=-1)
    Y = inp @ enc_W + enc_b
    Xh = Y
    for _ in range(NLAYERS):
        conv_out = _gcn_conv(Xh, src, dst, conv_W, conv_b)
        res = Xh @ res_W + res_b
        Y = Y + DT * (jax.nn.relu(conv_out + res) - ALPHA * Y - GAMMA * Xh)
        Xh = Xh + DT * Y
    out = Xh @ dec_W + dec_b
    pooled = jax.ops.segment_sum(out, batch, num_segments=NGRAPHS)
    return pooled.squeeze(-1)

if __name__ == "__main__":
    import jax
    _d = setup_inputs()
    print(jax.jit(kernel)(*tuple(_d.values())))

</pallas_src>

<mosaic_0001>
#map = affine_map<(d0, d1) -> (0, 0)>
module attributes {stable_mosaic.version = 14 : i64} {
  func.func @_sort_body(%arg0: i32, %arg1: i32, %arg2: memref<16x20480xi32, #tpu.memory_space<hbm>>, %arg3: memref<16x20480xi32, #tpu.memory_space<hbm>>, %arg4: memref<16x20480xi32, #tpu.memory_space<hbm>>, %arg5: memref<16x20480xi32, #tpu.memory_space<hbm>>, %arg6: memref<20480xi32, #tpu.memory_space<vmem>>, %arg7: memref<20480xi32, #tpu.memory_space<vmem>>, %arg8: memref<20480xi32, #tpu.memory_space<vmem>>, %arg9: memref<640x16xi32, #tpu.memory_space<vmem>>, %arg10: memref<640x16xi32, #tpu.memory_space<vmem>>) attributes {dimension_semantics = [#tpu.dimension_semantics<core_parallel>, #tpu.dimension_semantics<subcore_parallel>], iteration_bounds = array<i64: 2, 16>, scalar_prefetch = 0 : i64, scratch_operands = 5 : i64, tpu.core_type = #tpu.core_type<sc_vector_subcore>, window_params = [{transform_indices = #map}, {transform_indices = #map}, {transform_indices = #map}, {transform_indices = #map}]} {
    %iota3A = tpu.iota {dimensions = array<i32: 0>} : vector<16xi32>
    %broadcast_in_dim3A = arith.constant 1 : i32
    %broadcast_in_dim3A_0 = vector.broadcast %broadcast_in_dim3A : i32 to vector<16xi32>
    "tpu.region"() ({
      %run_scoped3A = tpu.sem_alloc : memref<!tpu.dma_semaphore, #tpu.memory_space<semaphore_mem>>
      %dma_start3A = arith.constant 0 : i32
      %dma_start3A_31 = tpu.memref_slice %arg2[%arg1, %dma_start3A] : memref<16x20480xi32, #tpu.memory_space<hbm>> -> memref<1x20480xi32, #tpu.memory_space<hbm>>
      %dma_start3A_32 = tpu.memref_squeeze %dma_start3A_31 : memref<1x20480xi32, #tpu.memory_space<hbm>> -> memref<20480xi32, #tpu.memory_space<hbm>>
      %dma_start3A_33 = arith.constant 0 : i32
      %dma_start3A_34 = tpu.memref_slice %arg2[%arg1, %dma_start3A_33] : memref<16x20480xi32, #tpu.memory_space<hbm>> -> memref<1x20480xi32, #tpu.memory_space<hbm>>
      %dma_start3A_35 = tpu.memref_squeeze %dma_start3A_34 : memref<1x20480xi32, #tpu.memory_space<hbm>> -> memref<20480xi32, #tpu.memory_space<hbm>>
      tpu.enqueue_dma source(%dma_start3A_35 : memref<20480xi32, #tpu.memory_space<hbm>>) target(%arg6 : memref<20480xi32, #tpu.memory_space<vmem>>) target_semaphore(%run_scoped3A : memref<!tpu.dma_semaphore, #tpu.memory_space<semaphore_mem>>)
      %dma_wait3A = arith.constant 0 : i32
      %dma_wait3A_36 = tpu.memref_slice %arg2[%arg1, %dma_wait3A] : memref<16x20480xi32, #tpu.memory_space<hbm>> -> memref<1x20480xi32, #tpu.memory_space<hbm>>
      %dma_wait3A_37 = tpu.memref_squeeze %dma_wait3A_36 : memref<1x20480xi32, #tpu.memory_space<hbm>> -> memref<20480xi32, #tpu.memory_space<hbm>>
      %dma_wait3A_38 = arith.constant 0 : i32
      %dma_wait3A_39 = tpu.memref_slice %arg2[%arg1, %dma_wait3A_38] : memref<16x20480xi32, #tpu.memory_space<hbm>> -> memref<1x20480xi32, #tpu.memory_space<hbm>>
      %dma_wait3A_40 = tpu.memref_squeeze %dma_wait3A_39 : memref<1x20480xi32, #tpu.memory_space<hbm>> -> memref<20480xi32, #tpu.memory_space<hbm>>
      tpu.wait_dma2 semaphore(%run_scoped3A : memref<!tpu.dma_semaphore, #tpu.memory_space<semaphore_mem>>) src(%dma_wait3A_40 : memref<20480xi32, #tpu.memory_space<hbm>>) dst(%arg6 : memref<20480xi32, #tpu.memory_space<vmem>>)
      tpu.yield
    }) : () -> ()
    "tpu.region"() ({
      %run_scoped3A = tpu.sem_alloc : memref<!tpu.dma_semaphore, #tpu.memory_space<semaphore_mem>>
      %dma_start3A = arith.constant 0 : i32
      %dma_start3A_31 = tpu.memref_slice %arg3[%arg1, %dma_start3A] : memref<16x20480xi32, #tpu.memory_space<hbm>> -> memref<1x20480xi32, #tpu.memory_space<hbm>>
      %dma_start3A_32 = tpu.memref_squeeze %dma_start3A_31 : memref<1x20480xi32, #tpu.memory_space<hbm>> -> memref<20480xi32, #tpu.memory_space<hbm>>
      %dma_start3A_33 = arith.constant 0 : i32
      %dma_start3A_34 = tpu.memref_slice %arg3[%arg1, %dma_start3A_33] : memref<16x20480xi32, #tpu.memory_space<hbm>> -> memref<1x20480xi32, #tpu.memory_space<hbm>>
      %dma_start3A_35 = tpu.memref_squeeze %dma_start3A_34 : memref<1x20480xi32, #tpu.memory_space<hbm>> -> memref<20480xi32, #tpu.memory_space<hbm>>
      tpu.enqueue_dma source(%dma_start3A_35 : memref<20480xi32, #tpu.memory_space<hbm>>) target(%arg7 : memref<20480xi32, #tpu.memory_space<vmem>>) target_semaphore(%run_scoped3A : memref<!tpu.dma_semaphore, #tpu.memory_space<semaphore_mem>>)
      %dma_wait3A = arith.constant 0 : i32
      %dma_wait3A_36 = tpu.memref_slice %arg3[%arg1, %dma_wait3A] : memref<16x20480xi32, #tpu.memory_space<hbm>> -> memref<1x20480xi32, #tpu.memory_space<hbm>>
      %dma_wait3A_37 = tpu.memref_squeeze %dma_wait3A_36 : memref<1x20480xi32, #tpu.memory_space<hbm>> -> memref<20480xi32, #tpu.memory_space<hbm>>
      %dma_wait3A_38 = arith.constant 0 : i32
      %dma_wait3A_39 = tpu.memref_slice %arg3[%arg1, %dma_wait3A_38] : memref<16x20480xi32, #tpu.memory_space<hbm>> -> memref<1x20480xi32, #tpu.memory_space<hbm>>
      %dma_wait3A_40 = tpu.memref_squeeze %dma_wait3A_39 : memref<1x20480xi32, #tpu.memory_space<hbm>> -> memref<20480xi32, #tpu.memory_space<hbm>>
      tpu.wait_dma2 semaphore(%run_scoped3A : memref<!tpu.dma_semaphore, #tpu.memory_space<semaphore_mem>>) src(%dma_wait3A_40 : memref<20480xi32, #tpu.memory_space<hbm>>) dst(%arg7 : memref<20480xi32, #tpu.memory_space<vmem>>)
      tpu.yield
    }) : () -> ()
    %broadcast_in_dim3A_1 = arith.constant 0 : i32
    %broadcast_in_dim3A_2 = vector.broadcast %broadcast_in_dim3A_1 : i32 to vector<16xi32>
    %scan3A = arith.constant 0 : i32
    %scan3A_3 = arith.constant 640 : i32
    %scan3A_4 = arith.addi %scan3A, %scan3A_3 : i32
    %scan3A_5 = arith.constant 1 : i32
    scf.for %scan3A_31 = %scan3A to %scan3A_4 step %scan3A_5  : i32 {
      %mul3A = arith.constant 1 : i32
      %mul3A_32 = arith.muli %scan3A_31, %mul3A : i32
      %add3A = arith.constant 0 : i32
      %add3A_33 = arith.addi %add3A, %mul3A_32 : i32
      %swap3A = arith.index_cast %add3A_33 : i32 to index
      %swap3A_34 = arith.constant 0 : index
      %swap3A_35 = tpu.vector_load %arg9[%swap3A, %swap3A_34] {strides = array<i32>} : memref<640x16xi32, #tpu.memory_space<vmem>>, vector<16xi32>,
      tpu.vector_store %arg9[%swap3A, %swap3A_34], %broadcast_in_dim3A_2 {strides = array<i32>} : memref<640x16xi32, #tpu.memory_space<vmem>>, vector<16xi32>,
    }
    %scan3A_6 = arith.constant 640 : i32
    %scan3A_7 = arith.constant 0 : i32
    %scan3A_8 = arith.constant 1280 : i32
    %scan3A_9 = arith.addi %scan3A_7, %scan3A_8 : i32
    %scan3A_10 = arith.constant 1 : i32
    scf.for %scan3A_31 = %scan3A_7 to %scan3A_9 step %scan3A_10  : i32 {
      %mul3A = arith.constant 1 : i32
      %mul3A_32 = arith.muli %scan3A_31, %mul3A : i32
      %add3A = arith.constant 0 : i32
      %add3A_33 = arith.addi %add3A, %mul3A_32 : i32
      %mul3A_34 = arith.constant 16 : i32
      %mul3A_35 = arith.muli %add3A_33, %mul3A_34 : i32
      %get3A = arith.index_cast %mul3A_35 : i32 to index
      %get3A_36 = tpu.vector_load %arg6[%get3A] {strides = array<i32>} : memref<20480xi32, #tpu.memory_space<vmem>>, vector<16xi32>,
      %shift_right_arithmetic3A = arith.constant 4 : i32
      %shift_right_arithmetic3A_37 = vector.broadcast %shift_right_arithmetic3A : i32 to vector<16xi32>
      %shift_right_arithmetic3A_38 = arith.shrsi %get3A_36, %shift_right_arithmetic3A_37 : vector<16xi32>
      tpu.vector_store_idx %arg9[%shift_right_arithmetic3A_38, %iota3A], %broadcast_in_dim3A_0 {add = true} : memref<640x16xi32, #tpu.memory_space<vmem>>[vector<16xi32>, vector<16xi32>], vector<16xi32>,
    }
    %scan3A_11 = arith.constant 1280 : i32
    %scan3A_12 = arith.constant 0 : i32
    %scan3A_13 = arith.constant 0 : i32
    %scan3A_14 = arith.constant 640 : i32
    %scan3A_15 = arith.addi %scan3A_13, %scan3A_14 : i32
    %scan3A_16 = arith.constant 1 : i32
    %scan3A_17 = scf.for %scan3A_31 = %scan3A_13 to %scan3A_15 step %scan3A_16 iter_args(%scan3A_32 = %scan3A_12) -> (i32)  : i32 {
      %mul3A = arith.constant 1 : i32
      %mul3A_33 = arith.muli %scan3A_31, %mul3A : i32
      %add3A = arith.constant 0 : i32
      %add3A_34 = arith.addi %add3A, %mul3A_33 : i32
      %get3A = arith.index_cast %add3A_34 : i32 to index
      %get3A_35 = arith.constant 0 : index
      %get3A_36 = tpu.vector_load %arg9[%get3A, %get3A_35] {strides = array<i32>} : memref<640x16xi32, #tpu.memory_space<vmem>>, vector<16xi32>,
      %cumsum3A = arith.constant true
      %cumsum3A_37 = vector.broadcast %cumsum3A : i1 to vector<16xi1>
      %cumsum3A_38 = tpu.scan <sum>, %get3A_36 masked %cumsum3A_37 : vector<16xi32>, vector<16xi1> -> vector<16xi32>
      %add3A_39 = vector.broadcast %scan3A_32 : i32 to vector<16xi32>
      %add3A_40 = arith.addi %add3A_39, %cumsum3A_38 : vector<16xi32>
      %sub3A = arith.subi %add3A_40, %get3A_36 : vector<16xi32>
      %swap3A = arith.index_cast %add3A_34 : i32 to index
      %swap3A_41 = arith.constant 0 : index
      %swap3A_42 = tpu.vector_load %arg10[%swap3A, %swap3A_41] {strides = array<i32>} : memref<640x16xi32, #tpu.memory_space<vmem>>, vector<16xi32>,
      tpu.vector_store %arg10[%swap3A, %swap3A_41], %sub3A {strides = array<i32>} : memref<640x16xi32, #tpu.memory_space<vmem>>, vector<16xi32>,
      %reduce_sum3A = arith.constant true
      %reduce_sum3A_43 = vector.broadcast %reduce_sum3A : i1 to vector<16xi1>
      %reduce_sum3A_44 = tpu.scan <sum>, %get3A_36 masked %reduce_sum3A_43 : vector<16xi32>, vector<16xi1> -> vector<16xi32>
      %reduce_sum3A_45 = vector.extract %reduce_sum3A_44[15] : i32 from vector<16xi32>
      %add3A_46 = arith.addi %scan3A_32, %reduce_sum3A_45 : i32
      scf.yield %add3A_46 : i32
    }
    %scan3A_18 = arith.constant 640 : i32
    %scan3A_19 = arith.constant 0 : i32
    %scan3A_20 = arith.constant 1280 : i32
    %scan3A_21 = arith.addi %scan3A_19, %scan3A_20 : i32
    %scan3A_22 = arith.constant 1 : i32
    scf.for %scan3A_31 = %scan3A_19 to %scan3A_21 step %scan3A_22  : i32 {
      %mul3A = arith.constant 1 : i32
      %mul3A_32 = arith.muli %scan3A_31, %mul3A : i32
      %add3A = arith.constant 0 : i32
      %add3A_33 = arith.addi %add3A, %mul3A_32 : i32
      %mul3A_34 = arith.constant 16 : i32
      %mul3A_35 = arith.muli %add3A_33, %mul3A_34 : i32
      %get3A = arith.index_cast %mul3A_35 : i32 to index
      %get3A_36 = tpu.vector_load %arg6[%get3A] {strides = array<i32>} : memref<20480xi32, #tpu.memory_space<vmem>>, vector<16xi32>,
      %shift_right_arithmetic3A = arith.constant 4 : i32
      %shift_right_arithmetic3A_37 = vector.broadcast %shift_right_arithmetic3A : i32 to vector<16xi32>
      %shift_right_arithmetic3A_38 = arith.shrsi %get3A_36, %shift_right_arithmetic3A_37 : vector<16xi32>
      %gather3A = tpu.vector_load_idx %arg10[%shift_right_arithmetic3A_38, %iota3A] : memref<640x16xi32, #tpu.memory_space<vmem>>[vector<16xi32>, vector<16xi32>], vector<16xi32>,
      %add3A_39 = arith.constant 1 : i32
      %add3A_40 = vector.broadcast %add3A_39 : i32 to vector<16xi32>
      %add3A_41 = arith.addi %gather3A, %add3A_40 : vector<16xi32>
      tpu.vector_store_idx %arg10[%shift_right_arithmetic3A_38, %iota3A], %add3A_41 : memref<640x16xi32, #tpu.memory_space<vmem>>[vector<16xi32>, vector<16xi32>], vector<16xi32>,
      %eq3A_42 = arith.constant 0 : i32
      %eq3A_43 = arith.cmpi eq, %arg0, %eq3A_42 : i32
      %mul3A_44 = arith.constant 16 : i32
      %mul3A_45 = arith.muli %add3A_33, %mul3A_44 : i32
      %get3A_46 = arith.index_cast %mul3A_45 : i32 to index
      %get3A_47 = tpu.vector_load %arg7[%get3A_46] {strides = array<i32>} : memref<20480xi32, #tpu.memory_space<vmem>>, vector<16xi32>,
      %select_n3A = arith.select %eq3A_43, %get3A_36, %get3A_47 : vector<16xi32>
      tpu.vector_store_idx %arg8[%gather3A], %select_n3A : memref<20480xi32, #tpu.memory_space<vmem>>[vector<16xi32>], vector<16xi32>,
    }
    %scan3A_23 = arith.constant 1280 : i32
    %eq3A = arith.constant 0 : i32
    %eq3A_24 = arith.cmpi eq, %arg0, %eq3A : i32
    %convert_element_type3A = arith.extui %eq3A_24 : i1 to i32
    %cond3A = arith.constant 0 : i32
    %cond3A_25 = arith.cmpi ne, %convert_element_type3A, %cond3A : i32
    scf.if %cond3A_25 {
      "tpu.region"() ({
        %run_scoped3A = tpu.sem_alloc : memref<!tpu.dma_semaphore, #tpu.memory_space<semaphore_mem>>
        %dma_start3A = arith.constant 0 : i32
        %dma_start3A_31 = tpu.memref_slice %arg4[%arg1, %dma_start3A] : memref<16x20480xi32, #tpu.memory_space<hbm>> -> memref<1x20480xi32, #tpu.memory_space<hbm>>
        %dma_start3A_32 = tpu.memref_squeeze %dma_start3A_31 : memref<1x20480xi32, #tpu.memory_space<hbm>> -> memref<20480xi32, #tpu.memory_space<hbm>>
        %dma_start3A_33 = arith.constant 0 : i32
        %dma_start3A_34 = tpu.memref_slice %arg4[%arg1, %dma_start3A_33] : memref<16x20480xi32, #tpu.memory_space<hbm>> -> memref<1x20480xi32, #tpu.memory_space<hbm>>
        %dma_start3A_35 = tpu.memref_squeeze %dma_start3A_34 : memref<1x20480xi32, #tpu.memory_space<hbm>> -> memref<20480xi32, #tpu.memory_space<hbm>>
        tpu.enqueue_dma source(%arg8 : memref<20480xi32, #tpu.memory_space<vmem>>) target(%dma_start3A_35 : memref<20480xi32, #tpu.memory_space<hbm>>) target_semaphore(%run_scoped3A : memref<!tpu.dma_semaphore, #tpu.memory_space<semaphore_mem>>)
        %dma_wait3A = arith.constant 0 : i32
        %dma_wait3A_36 = tpu.memref_slice %arg4[%arg1, %dma_wait3A] : memref<16x20480xi32, #tpu.memory_space<hbm>> -> memref<1x20480xi32, #tpu.memory_space<hbm>>
        %dma_wait3A_37 = tpu.memref_squeeze %dma_wait3A_36 : memref<1x20480xi32, #tpu.memory_space<hbm>> -> memref<20480xi32, #tpu.memory_space<hbm>>
        %dma_wait3A_38 = arith.constant 0 : i32
        %dma_wait3A_39 = tpu.memref_slice %arg4[%arg1, %dma_wait3A_38] : memref<16x20480xi32, #tpu.memory_space<hbm>> -> memref<1x20480xi32, #tpu.memory_space<hbm>>
        %dma_wait3A_40 = tpu.memref_squeeze %dma_wait3A_39 : memref<1x20480xi32, #tpu.memory_space<hbm>> -> memref<20480xi32, #tpu.memory_space<hbm>>
        tpu.wait_dma2 semaphore(%run_scoped3A : memref<!tpu.dma_semaphore, #tpu.memory_space<semaphore_mem>>) src(%arg8 : memref<20480xi32, #tpu.memory_space<vmem>>) dst(%dma_wait3A_40 : memref<20480xi32, #tpu.memory_space<hbm>>)
        tpu.yield
      }) : () -> ()
    } else {
    }
    %eq3A_26 = arith.constant 1 : i32
    %eq3A_27 = arith.cmpi eq, %arg0, %eq3A_26 : i32
    %convert_element_type3A_28 = arith.extui %eq3A_27 : i1 to i32
    %cond3A_29 = arith.constant 0 : i32
    %cond3A_30 = arith.cmpi ne, %convert_element_type3A_28, %cond3A_29 : i32
    scf.if %cond3A_30 {
      "tpu.region"() ({
        %run_scoped3A = tpu.sem_alloc : memref<!tpu.dma_semaphore, #tpu.memory_space<semaphore_mem>>
        %dma_start3A = arith.constant 0 : i32
        %dma_start3A_31 = tpu.memref_slice %arg5[%arg1, %dma_start3A] : memref<16x20480xi32, #tpu.memory_space<hbm>> -> memref<1x20480xi32, #tpu.memory_space<hbm>>
        %dma_start3A_32 = tpu.memref_squeeze %dma_start3A_31 : memref<1x20480xi32, #tpu.memory_space<hbm>> -> memref<20480xi32, #tpu.memory_space<hbm>>
        %dma_start3A_33 = arith.constant 0 : i32
        %dma_start3A_34 = tpu.memref_slice %arg5[%arg1, %dma_start3A_33] : memref<16x20480xi32, #tpu.memory_space<hbm>> -> memref<1x20480xi32, #tpu.memory_space<hbm>>
        %dma_start3A_35 = tpu.memref_squeeze %dma_start3A_34 : memref<1x20480xi32, #tpu.memory_space<hbm>> -> memref<20480xi32, #tpu.memory_space<hbm>>
        tpu.enqueue_dma source(%arg8 : memref<20480xi32, #tpu.memory_space<vmem>>) target(%dma_start3A_35 : memref<20480xi32, #tpu.memory_space<hbm>>) target_semaphore(%run_scoped3A : memref<!tpu.dma_semaphore, #tpu.memory_space<semaphore_mem>>)
        %dma_wait3A = arith.constant 0 : i32
        %dma_wait3A_36 = tpu.memref_slice %arg5[%arg1, %dma_wait3A] : memref<16x20480xi32, #tpu.memory_space<hbm>> -> memref<1x20480xi32, #tpu.memory_space<hbm>>
        %dma_wait3A_37 = tpu.memref_squeeze %dma_wait3A_36 : memref<1x20480xi32, #tpu.memory_space<hbm>> -> memref<20480xi32, #tpu.memory_space<hbm>>
        %dma_wait3A_38 = arith.constant 0 : i32
        %dma_wait3A_39 = tpu.memref_slice %arg5[%arg1, %dma_wait3A_38] : memref<16x20480xi32, #tpu.memory_space<hbm>> -> memref<1x20480xi32, #tpu.memory_space<hbm>>
        %dma_wait3A_40 = tpu.memref_squeeze %dma_wait3A_39 : memref<1x20480xi32, #tpu.memory_space<hbm>> -> memref<20480xi32, #tpu.memory_space<hbm>>
        tpu.wait_dma2 semaphore(%run_scoped3A : memref<!tpu.dma_semaphore, #tpu.memory_space<semaphore_mem>>) src(%arg8 : memref<20480xi32, #tpu.memory_space<vmem>>) dst(%dma_wait3A_40 : memref<20480xi32, #tpu.memory_space<hbm>>)
        tpu.yield
      }) : () -> ()
    } else {
    }
    return
  }
}

#map = affine_map<(d0, d1) -> (0, 0, 0)>
module attributes {stable_mosaic.version = 14 : i64} {
  func.func @_agg_body(%arg0: i32, %arg1: i32, %arg2: memref<2x10240x64xf32, #tpu.memory_space<hbm>>, %arg3: memref<16x160x128xi32, #tpu.memory_space<hbm>>, %arg4: memref<16x160x128xi32, #tpu.memory_space<hbm>>, %arg5: memref<2x10240x64xf32, #tpu.memory_space<hbm>>, %arg6: memref<160x128xi32, #tpu.memory_space<vmem>>, %arg7: memref<160x128xi32, #tpu.memory_space<vmem>>, %arg8: memref<128x64xf32, #tpu.memory_space<vmem>>, %arg9: memref<128x64xf32, #tpu.memory_space<vmem>>, %arg10: memref<128x64xf32, #tpu.memory_space<vmem>>, %arg11: memref<128x64xf32, #tpu.memory_space<vmem>>, %arg12: memref<128x64xf32, #tpu.memory_space<vmem>>, %arg13: memref<10240x64xf32, #tpu.memory_space<vmem_shared>>, %arg14: memref<!tpu.dma_semaphore, #tpu.memory_space<semaphore_mem>>, %arg15: memref<!tpu.dma_semaphore, #tpu.memory_space<semaphore_mem>>, %arg16: memref<!tpu.dma_semaphore, #tpu.memory_space<semaphore_mem>>, %arg17: memref<!tpu.dma_semaphore, #tpu.memory_space<semaphore_mem>>, %arg18: memref<!tpu.dma_semaphore, #tpu.memory_space<semaphore_mem>>, %arg19: memref<!tpu.dma_semaphore, #tpu.memory_space<semaphore_mem>>, %arg20: memref<!tpu.dma_semaphore, #tpu.memory_space<semaphore_mem>>, %arg21: memref<!tpu.dma_semaphore, #tpu.memory_space<semaphore_mem>>) attributes {dimension_semantics = [#tpu.dimension_semantics<core_parallel>, #tpu.dimension_semantics<subcore_parallel>], iteration_bounds = array<i64: 2, 16>, scalar_prefetch = 0 : i64, scratch_operands = 16 : i64, tpu.core_type = #tpu.core_type<sc_vector_subcore>, window_params = [{transform_indices = #map}, {transform_indices = #map}, {transform_indices = #map}, {transform_indices = #map}]} {
    "tpu.region"() ({
      %run_scoped3A = tpu.sem_alloc : memref<!tpu.dma_semaphore, #tpu.memory_space<semaphore_mem>>
      %dma_start3A_111 = arith.constant 0 : i32
      %dma_start3A_112 = arith.constant 0 : i32
      %dma_start3A_113 = tpu.memref_slice %arg3[%arg1, %dma_start3A_111, %dma_start3A_112] : memref<16x160x128xi32, #tpu.memory_space<hbm>> -> memref<1x160x128xi32, #tpu.memory_space<hbm>>
      %dma_start3A_114 = tpu.memref_squeeze %dma_start3A_113 : memref<1x160x128xi32, #tpu.memory_space<hbm>> -> memref<160x128xi32, #tpu.memory_space<hbm>>
      %dma_start3A_115 = arith.constant 0 : i32
      %dma_start3A_116 = arith.constant 0 : i32
      %dma_start3A_117 = tpu.memref_slice %arg3[%arg1, %dma_start3A_115, %dma_start3A_116] : memref<16x160x128xi32, #tpu.memory_space<hbm>> -> memref<1x160x128xi32, #tpu.memory_space<hbm>>
      %dma_start3A_118 = tpu.memref_squeeze %dma_start3A_117 : memref<1x160x128xi32, #tpu.memory_space<hbm>> -> memref<160x128xi32, #tpu.memory_space<hbm>>
      tpu.enqueue_dma source(%dma_start3A_118 : memref<160x128xi32, #tpu.memory_space<hbm>>) target(%arg6 : memref<160x128xi32, #tpu.memory_space<vmem>>) target_semaphore(%run_scoped3A : memref<!tpu.dma_semaphore, #tpu.memory_space<semaphore_mem>>)
      %dma_wait3A_119 = arith.constant 0 : i32
      %dma_wait3A_120 = arith.constant 0 : i32
      %dma_wait3A_121 = tpu.memref_slice %arg3[%arg1, %dma_wait3A_119, %dma_wait3A_120] : memref<16x160x128xi32, #tpu.memory_space<hbm>> -> memref<1x160x128xi32, #tpu.memory_space<hbm>>
      %dma_wait3A_122 = tpu.memref_squeeze %dma_wait3A_121 : memref<1x160x128xi32, #tpu.memory_space<hbm>> -> memref<160x128xi32, #tpu.memory_space<hbm>>
      %dma_wait3A_123 = arith.constant 0 : i32
      %dma_wait3A_124 = arith.constant 0 : i32
      %dma_wait3A_125 = tpu.memref_slice %arg3[%arg1, %dma_wait3A_123, %dma_wait3A_124] : memref<16x160x128xi32, #tpu.memory_space<hbm>> -> memref<1x160x128xi32, #tpu.memory_space<hbm>>
      %dma_wait3A_126 = tpu.memref_squeeze %dma_wait3A_125 : memref<1x160x128xi32, #tpu.memory_space<hbm>> -> memref<160x128xi32, #tpu.memory_space<hbm>>
      tpu.wait_dma2 semaphore(%run_scoped3A : memref<!tpu.dma_semaphore, #tpu.memory_space<semaphore_mem>>) src(%dma_wait3A_126 : memref<160x128xi32, #tpu.memory_space<hbm>>) dst(%arg6 : memref<160x128xi32, #tpu.memory_space<vmem>>)
      tpu.yield
    }) : () -> ()
    "tpu.region"() ({
      %run_scoped3A = tpu.sem_alloc : memref<!tpu.dma_semaphore, #tpu.memory_space<semaphore_mem>>
      %dma_start3A_111 = arith.constant 0 : i32
      %dma_start3A_112 = arith.constant 0 : i32
      %dma_start3A_113 = tpu.memref_slice %arg4[%arg1, %dma_start3A_111, %dma_start3A_112] : memref<16x160x128xi32, #tpu.memory_space<hbm>> -> memref<1x160x128xi32, #tpu.memory_space<hbm>>
      %dma_start3A_114 = tpu.memref_squeeze %dma_start3A_113 : memref<1x160x128xi32, #tpu.memory_space<hbm>> -> memref<160x128xi32, #tpu.memory_space<hbm>>
      %dma_start3A_115 = arith.constant 0 : i32
      %dma_start3A_116 = arith.constant 0 : i32
      %dma_start3A_117 = tpu.memref_slice %arg4[%arg1, %dma_start3A_115, %dma_start3A_116] : memref<16x160x128xi32, #tpu.memory_space<hbm>> -> memref<1x160x128xi32, #tpu.memory_space<hbm>>
      %dma_start3A_118 = tpu.memref_squeeze %dma_start3A_117 : memref<1x160x128xi32, #tpu.memory_space<hbm>> -> memref<160x128xi32, #tpu.memory_space<hbm>>
      tpu.enqueue_dma source(%dma_start3A_118 : memref<160x128xi32, #tpu.memory_space<hbm>>) target(%arg7 : memref<160x128xi32, #tpu.memory_space<vmem>>) target_semaphore(%run_scoped3A : memref<!tpu.dma_semaphore, #tpu.memory_space<semaphore_mem>>)
      %dma_wait3A_119 = arith.constant 0 : i32
      %dma_wait3A_120 = arith.constant 0 : i32
      %dma_wait3A_121 = tpu.memref_slice %arg4[%arg1, %dma_wait3A_119, %dma_wait3A_120] : memref<16x160x128xi32, #tpu.memory_space<hbm>> -> memref<1x160x128xi32, #tpu.memory_space<hbm>>
      %dma_wait3A_122 = tpu.memref_squeeze %dma_wait3A_121 : memref<1x160x128xi32, #tpu.memory_space<hbm>> -> memref<160x128xi32, #tpu.memory_space<hbm>>
      %dma_wait3A_123 = arith.constant 0 : i32
      %dma_wait3A_124 = arith.constant 0 : i32
      %dma_wait3A_125 = tpu.memref_slice %arg4[%arg1, %dma_wait3A_123, %dma_wait3A_124] : memref<16x160x128xi32, #tpu.memory_space<hbm>> -> memref<1x160x128xi32, #tpu.memory_space<hbm>>
      %dma_wait3A_126 = tpu.memref_squeeze %dma_wait3A_125 : memref<1x160x128xi32, #tpu.memory_space<hbm>> -> memref<160x128xi32, #tpu.memory_space<hbm>>
      tpu.wait_dma2 semaphore(%run_scoped3A : memref<!tpu.dma_semaphore, #tpu.memory_space<semaphore_mem>>) src(%dma_wait3A_126 : memref<160x128xi32, #tpu.memory_space<hbm>>) dst(%arg7 : memref<160x128xi32, #tpu.memory_space<vmem>>)
      tpu.yield
    }) : () -> ()
    %broadcast_in_dim3A = arith.constant 0.000000e+00 : f32
    %broadcast_in_dim3A_0 = vector.broadcast %broadcast_in_dim3A : f32 to vector<16xf32>
    %scan3A = arith.constant 0 : i32
    %scan3A_1 = arith.constant 128 : i32
    %scan3A_2 = arith.addi %scan3A, %scan3A_1 : i32
    %scan3A_3 = arith.constant 1 : i32
    scf.for %scan3A_111 = %scan3A to %scan3A_2 step %scan3A_3  : i32 {
      %mul3A_112 = arith.constant 1 : i32
      %mul3A_113 = arith.muli %scan3A_111, %mul3A_112 : i32
      %add3A_114 = arith.constant 0 : i32
      %add3A_115 = arith.addi %add3A_114, %mul3A_113 : i32
      %swap3A = arith.index_cast %add3A_115 : i32 to index
      %swap3A_116 = arith.constant 0 : index
      %swap3A_117 = tpu.vector_load %arg12[%swap3A, %swap3A_116] {strides = array<i32>} : memref<128x64xf32, #tpu.memory_space<vmem>>, vector<1x16xf32>,
      %swap3A_118 = vector.shape_cast %swap3A_117 : vector<1x16xf32> to vector<16xf32>
      %swap3A_119 = vector.shape_cast %broadcast_in_dim3A_0 : vector<16xf32> to vector<1x16xf32>
      tpu.vector_store %arg12[%swap3A, %swap3A_116], %swap3A_119 {strides = array<i32>} : memref<128x64xf32, #tpu.memory_space<vmem>>, vector<1x16xf32>,
      %swap3A_120 = arith.index_cast %add3A_115 : i32 to index
      %swap3A_121 = arith.constant 16 : index
      %swap3A_122 = tpu.vector_load %arg12[%swap3A_120, %swap3A_121] {strides = array<i32>} : memref<128x64xf32, #tpu.memory_space<vmem>>, vector<1x16xf32>,
      %swap3A_123 = vector.shape_cast %swap3A_122 : vector<1x16xf32> to vector<16xf32>
      %swap3A_124 = vector.shape_cast %broadcast_in_dim3A_0 : vector<16xf32> to vector<1x16xf32>
      tpu.vector_store %arg12[%swap3A_120, %swap3A_121], %swap3A_124 {strides = array<i32>} : memref<128x64xf32, #tpu.memory_space<vmem>>, vector<1x16xf32>,
      %swap3A_125 = arith.index_cast %add3A_115 : i32 to index
      %swap3A_126 = arith.constant 32 : index
      %swap3A_127 = tpu.vector_load %arg12[%swap3A_125, %swap3A_126] {strides = array<i32>} : memref<128x64xf32, #tpu.memory_space<vmem>>, vector<1x16xf32>,
      %swap3A_128 = vector.shape_cast %swap3A_127 : vector<1x16xf32> to vector<16xf32>
      %swap3A_129 = vector.shape_cast %broadcast_in_dim3A_0 : vector<16xf32> to vector<1x16xf32>
      tpu.vector_store %arg12[%swap3A_125, %swap3A_126], %swap3A_129 {strides = array<i32>} : memref<128x64xf32, #tpu.memory_space<vmem>>, vector<1x16xf32>,
      %swap3A_130 = arith.index_cast %add3A_115 : i32 to index
      %swap3A_131 = arith.constant 48 : index
      %swap3A_132 = tpu.vector_load %arg12[%swap3A_130, %swap3A_131] {strides = array<i32>} : memref<128x64xf32, #tpu.memory_space<vmem>>, vector<1x16xf32>,
      %swap3A_133 = vector.shape_cast %swap3A_132 : vector<1x16xf32> to vector<16xf32>
      %swap3A_134 = vector.shape_cast %broadcast_in_dim3A_0 : vector<16xf32> to vector<1x16xf32>
      tpu.vector_store %arg12[%swap3A_130, %swap3A_131], %swap3A_134 {strides = array<i32>} : memref<128x64xf32, #tpu.memory_space<vmem>>, vector<1x16xf32>,
    }
    %scan3A_4 = arith.constant 128 : i32
    %mul3A = arith.constant 640 : i32
    %mul3A_5 = arith.muli %arg1, %mul3A : i32
    %add3A = arith.constant 0 : i32
    %add3A_6 = arith.addi %mul3A_5, %add3A : i32
    "tpu.region"() ({
      %run_scoped3A = tpu.sem_alloc : memref<!tpu.dma_semaphore, #tpu.memory_space<semaphore_mem>>
      %dma_start3A_111 = arith.constant 0 : i32
      %dma_start3A_112 = tpu.memref_slice %arg13[%add3A_6, %dma_start3A_111] : memref<10240x64xf32, #tpu.memory_space<vmem_shared>> -> memref<128x64xf32, #tpu.memory_space<vmem_shared>>
      %dma_start3A_113 = arith.constant 0 : i32
      %dma_start3A_114 = tpu.memref_slice %arg13[%add3A_6, %dma_start3A_113] : memref<10240x64xf32, #tpu.memory_space<vmem_shared>> -> memref<128x64xf32, #tpu.memory_space<vmem_shared>>
      tpu.enqueue_dma source(%arg12 : memref<128x64xf32, #tpu.memory_space<vmem>>) target(%dma_start3A_114 : memref<128x64xf32, #tpu.memory_space<vmem_shared>>) target_semaphore(%run_scoped3A : memref<!tpu.dma_semaphore, #tpu.memory_space<semaphore_mem>>)
      %dma_wait3A_115 = arith.constant 0 : i32
      %dma_wait3A_116 = tpu.memref_slice %arg13[%add3A_6, %dma_wait3A_115] : memref<10240x64xf32, #tpu.memory_space<vmem_shared>> -> memref<128x64xf32, #tpu.memory_space<vmem_shared>>
      %dma_wait3A_117 = arith.constant 0 : i32
      %dma_wait3A_118 = tpu.memref_slice %arg13[%add3A_6, %dma_wait3A_117] : memref<10240x64xf32, #tpu.memory_space<vmem_shared>> -> memref<128x64xf32, #tpu.memory_space<vmem_shared>>
      tpu.wait_dma2 semaphore(%run_scoped3A : memref<!tpu.dma_semaphore, #tpu.memory_space<semaphore_mem>>) src(%arg12 : memref<128x64xf32, #tpu.memory_space<vmem>>) dst(%dma_wait3A_118 : memref<128x64xf32, #tpu.memory_space<vmem_shared>>)
      tpu.yield
    }) : () -> ()
    %add3A_7 = arith.constant 128 : i32
    %add3A_8 = arith.addi %mul3A_5, %add3A_7 : i32
    "tpu.region"() ({
      %run_scoped3A = tpu.sem_alloc : memref<!tpu.dma_semaphore, #tpu.memory_space<semaphore_mem>>
      %dma_start3A_111 = arith.constant 0 : i32
      %dma_start3A_112 = tpu.memref_slice %arg13[%add3A_8, %dma_start3A_111] : memref<10240x64xf32, #tpu.memory_space<vmem_shared>> -> memref<128x64xf32, #tpu.memory_space<vmem_shared>>
      %dma_start3A_113 = arith.constant 0 : i32
      %dma_start3A_114 = tpu.memref_slice %arg13[%add3A_8, %dma_start3A_113] : memref<10240x64xf32, #tpu.memory_space<vmem_shared>> -> memref<128x64xf32, #tpu.memory_space<vmem_shared>>
      tpu.enqueue_dma source(%arg12 : memref<128x64xf32, #tpu.memory_space<vmem>>) target(%dma_start3A_114 : memref<128x64xf32, #tpu.memory_space<vmem_shared>>) target_semaphore(%run_scoped3A : memref<!tpu.dma_semaphore, #tpu.memory_space<semaphore_mem>>)
      %dma_wait3A_115 = arith.constant 0 : i32
      %dma_wait3A_116 = tpu.memref_slice %arg13[%add3A_8, %dma_wait3A_115] : memref<10240x64xf32, #tpu.memory_space<vmem_shared>> -> memref<128x64xf32, #tpu.memory_space<vmem_shared>>
      %dma_wait3A_117 = arith.constant 0 : i32
      %dma_wait3A_118 = tpu.memref_slice %arg13[%add3A_8, %dma_wait3A_117] : memref<10240x64xf32, #tpu.memory_space<vmem_shared>> -> memref<128x64xf32, #tpu.memory_space<vmem_shared>>
      tpu.wait_dma2 semaphore(%run_scoped3A : memref<!tpu.dma_semaphore, #tpu.memory_space<semaphore_mem>>) src(%arg12 : memref<128x64xf32, #tpu.memory_space<vmem>>) dst(%dma_wait3A_118 : memref<128x64xf32, #tpu.memory_space<vmem_shared>>)
      tpu.yield
    }) : () -> ()
    %add3A_9 = arith.constant 256 : i32
    %add3A_10 = arith.addi %mul3A_5, %add3A_9 : i32
    "tpu.region"() ({
      %run_scoped3A = tpu.sem_alloc : memref<!tpu.dma_semaphore, #tpu.memory_space<semaphore_mem>>
      %dma_start3A_111 = arith.constant 0 : i32
      %dma_start3A_112 = tpu.memref_slice %arg13[%add3A_10, %dma_start3A_111] : memref<10240x64xf32, #tpu.memory_space<vmem_shared>> -> memref<128x64xf32, #tpu.memory_space<vmem_shared>>
      %dma_start3A_113 = arith.constant 0 : i32
      %dma_start3A_114 = tpu.memref_slice %arg13[%add3A_10, %dma_start3A_113] : memref<10240x64xf32, #tpu.memory_space<vmem_shared>> -> memref<128x64xf32, #tpu.memory_space<vmem_shared>>
      tpu.enqueue_dma source(%arg12 : memref<128x64xf32, #tpu.memory_space<vmem>>) target(%dma_start3A_114 : memref<128x64xf32, #tpu.memory_space<vmem_shared>>) target_semaphore(%run_scoped3A : memref<!tpu.dma_semaphore, #tpu.memory_space<semaphore_mem>>)
      %dma_wait3A_115 = arith.constant 0 : i32
      %dma_wait3A_116 = tpu.memref_slice %arg13[%add3A_10, %dma_wait3A_115] : memref<10240x64xf32, #tpu.memory_space<vmem_shared>> -> memref<128x64xf32, #tpu.memory_space<vmem_shared>>
      %dma_wait3A_117 = arith.constant 0 : i32
      %dma_wait3A_118 = tpu.memref_slice %arg13[%add3A_10, %dma_wait3A_117] : memref<10240x64xf32, #tpu.memory_space<vmem_shared>> -> memref<128x64xf32, #tpu.memory_space<vmem_shared>>
      tpu.wait_dma2 semaphore(%run_scoped3A : memref<!tpu.dma_semaphore, #tpu.memory_space<semaphore_mem>>) src(%arg12 : memref<128x64xf32, #tpu.memory_space<vmem>>) dst(%dma_wait3A_118 : memref<128x64xf32, #tpu.memory_space<vmem_shared>>)
      tpu.yield
    }) : () -> ()
    %add3A_11 = arith.constant 384 : i32
    %add3A_12 = arith.addi %mul3A_5, %add3A_11 : i32
    "tpu.region"() ({
      %run_scoped3A = tpu.sem_alloc : memref<!tpu.dma_semaphore, #tpu.memory_space<semaphore_mem>>
      %dma_start3A_111 = arith.constant 0 : i32
      %dma_start3A_112 = tpu.memref_slice %arg13[%add3A_12, %dma_start3A_111] : memref<10240x64xf32, #tpu.memory_space<vmem_shared>> -> memref<128x64xf32, #tpu.memory_space<vmem_shared>>
      %dma_start3A_113 = arith.constant 0 : i32
      %dma_start3A_114 = tpu.memref_slice %arg13[%add3A_12, %dma_start3A_113] : memref<10240x64xf32, #tpu.memory_space<vmem_shared>> -> memref<128x64xf32, #tpu.memory_space<vmem_shared>>
      tpu.enqueue_dma source(%arg12 : memref<128x64xf32, #tpu.memory_space<vmem>>) target(%dma_start3A_114 : memref<128x64xf32, #tpu.memory_space<vmem_shared>>) target_semaphore(%run_scoped3A : memref<!tpu.dma_semaphore, #tpu.memory_space<semaphore_mem>>)
      %dma_wait3A_115 = arith.constant 0 : i32
      %dma_wait3A_116 = tpu.memref_slice %arg13[%add3A_12, %dma_wait3A_115] : memref<10240x64xf32, #tpu.memory_space<vmem_shared>> -> memref<128x64xf32, #tpu.memory_space<vmem_shared>>
      %dma_wait3A_117 = arith.constant 0 : i32
      %dma_wait3A_118 = tpu.memref_slice %arg13[%add3A_12, %dma_wait3A_117] : memref<10240x64xf32, #tpu.memory_space<vmem_shared>> -> memref<128x64xf32, #tpu.memory_space<vmem_shared>>
      tpu.wait_dma2 semaphore(%run_scoped3A : memref<!tpu.dma_semaphore, #tpu.memory_space<semaphore_mem>>) src(%arg12 : memref<128x64xf32, #tpu.memory_space<vmem>>) dst(%dma_wait3A_118 : memref<128x64xf32, #tpu.memory_space<vmem_shared>>)
      tpu.yield
    }) : () -> ()
    %add3A_13 = arith.constant 512 : i32
    %add3A_14 = arith.addi %mul3A_5, %add3A_13 : i32
    "tpu.region"() ({
      %run_scoped3A = tpu.sem_alloc : memref<!tpu.dma_semaphore, #tpu.memory_space<semaphore_mem>>
      %dma_start3A_111 = arith.constant 0 : i32
      %dma_start3A_112 = tpu.memref_slice %arg13[%add3A_14, %dma_start3A_111] : memref<10240x64xf32, #tpu.memory_space<vmem_shared>> -> memref<128x64xf32, #tpu.memory_space<vmem_shared>>
      %dma_start3A_113 = arith.constant 0 : i32
      %dma_start3A_114 = tpu.memref_slice %arg13[%add3A_14, %dma_start3A_113] : memref<10240x64xf32, #tpu.memory_space<vmem_shared>> -> memref<128x64xf32, #tpu.memory_space<vmem_shared>>
      tpu.enqueue_dma source(%arg12 : memref<128x64xf32, #tpu.memory_space<vmem>>) target(%dma_start3A_114 : memref<128x64xf32, #tpu.memory_space<vmem_shared>>) target_semaphore(%run_scoped3A : memref<!tpu.dma_semaphore, #tpu.memory_space<semaphore_mem>>)
      %dma_wait3A_115 = arith.constant 0 : i32
      %dma_wait3A_116 = tpu.memref_slice %arg13[%add3A_14, %dma_wait3A_115] : memref<10240x64xf32, #tpu.memory_space<vmem_shared>> -> memref<128x64xf32, #tpu.memory_space<vmem_shared>>
      %dma_wait3A_117 = arith.constant 0 : i32
      %dma_wait3A_118 = tpu.memref_slice %arg13[%add3A_14, %dma_wait3A_117] : memref<10240x64xf32, #tpu.memory_space<vmem_shared>> -> memref<128x64xf32, #tpu.memory_space<vmem_shared>>
      tpu.wait_dma2 semaphore(%run_scoped3A : memref<!tpu.dma_semaphore, #tpu.memory_space<semaphore_mem>>) src(%arg12 : memref<128x64xf32, #tpu.memory_space<vmem>>) dst(%dma_wait3A_118 : memref<128x64xf32, #tpu.memory_space<vmem_shared>>)
      tpu.yield
    }) : () -> ()
    %barrier3A = arith.constant 0 : index
    tpu.barrier barrier_id(%barrier3A)
    %dma_start3A = arith.constant 0 : i32
    %dma_start3A_15 = arith.constant 0 : i32
    %dma_start3A_16 = tpu.memref_slice %arg6[%dma_start3A, %dma_start3A_15] : memref<160x128xi32, #tpu.memory_space<vmem>> -> memref<1x128xi32, #tpu.memory_space<vmem>>
    %dma_start3A_17 = tpu.memref_squeeze %dma_start3A_16 : memref<1x128xi32, #tpu.memory_space<vmem>> -> memref<128xi32, #tpu.memory_space<vmem>>
    %dma_start3A_18 = arith.constant 0 : i32
    %dma_start3A_19 = arith.constant 0 : i32
    %dma_start3A_20 = tpu.memref_slice %arg2[%arg0, %dma_start3A_18, %dma_start3A_19] : memref<2x10240x64xf32, #tpu.memory_space<hbm>> -> memref<1x10240x64xf32, #tpu.memory_space<hbm>>
    %dma_start3A_21 = tpu.memref_squeeze %dma_start3A_20 : memref<1x10240x64xf32, #tpu.memory_space<hbm>> -> memref<10240x64xf32, #tpu.memory_space<hbm>>
    %dma_start3A_22 = arith.constant 0 : i32
    %dma_start3A_23 = arith.constant 0 : i32
    %dma_start3A_24 = tpu.memref_slice %dma_start3A_21[%dma_start3A_22, %dma_start3A_23] : memref<10240x64xf32, #tpu.memory_space<hbm>> -> memref<10240x64xf32, #tpu.memory_space<hbm>>
    tpu.enqueue_indirect_dma source(%dma_start3A_24 : memref<10240x64xf32, #tpu.memory_space<hbm>>) target(%arg8 : memref<128x64xf32, #tpu.memory_space<vmem>>) offsets(%dma_start3A_17 : memref<128xi32, #tpu.memory_space<vmem>>) semaphore(%arg14 : memref<!tpu.dma_semaphore, #tpu.memory_space<semaphore_mem>>)
    %dma_start3A_25 = arith.constant 1 : i32
    %dma_start3A_26 = arith.constant 0 : i32
    %dma_start3A_27 = tpu.memref_slice %arg6[%dma_start3A_25, %dma_start3A_26] : memref<160x128xi32, #tpu.memory_space<vmem>> -> memref<1x128xi32, #tpu.memory_space<vmem>>
    %dma_start3A_28 = tpu.memref_squeeze %dma_start3A_27 : memref<1x128xi32, #tpu.memory_space<vmem>> -> memref<128xi32, #tpu.memory_space<vmem>>
    %dma_start3A_29 = arith.constant 0 : i32
    %dma_start3A_30 = arith.constant 0 : i32
    %dma_start3A_31 = tpu.memref_slice %arg2[%arg0, %dma_start3A_29, %dma_start3A_30] : memref<2x10240x64xf32, #tpu.memory_space<hbm>> -> memref<1x10240x64xf32, #tpu.memory_space<hbm>>
    %dma_start3A_32 = tpu.memref_squeeze %dma_start3A_31 : memref<1x10240x64xf32, #tpu.memory_space<hbm>> -> memref<10240x64xf32, #tpu.memory_space<hbm>>
    %dma_start3A_33 = arith.constant 0 : i32
    %dma_start3A_34 = arith.constant 0 : i32
    %dma_start3A_35 = tpu.memref_slice %dma_start3A_32[%dma_start3A_33, %dma_start3A_34] : memref<10240x64xf32, #tpu.memory_space<hbm>> -> memref<10240x64xf32, #tpu.memory_space<hbm>>
    tpu.enqueue_indirect_dma source(%dma_start3A_35 : memref<10240x64xf32, #tpu.memory_space<hbm>>) target(%arg9 : memref<128x64xf32, #tpu.memory_space<vmem>>) offsets(%dma_start3A_28 : memref<128xi32, #tpu.memory_space<vmem>>) semaphore(%arg15 : memref<!tpu.dma_semaphore, #tpu.memory_space<semaphore_mem>>)
    %dma_start3A_36 = arith.constant 2 : i32
    %dma_start3A_37 = arith.constant 0 : i32
    %dma_start3A_38 = tpu.memref_slice %arg6[%dma_start3A_36, %dma_start3A_37] : memref<160x128xi32, #tpu.memory_space<vmem>> -> memref<1x128xi32, #tpu.memory_space<vmem>>
    %dma_start3A_39 = tpu.memref_squeeze %dma_start3A_38 : memref<1x128xi32, #tpu.memory_space<vmem>> -> memref<128xi32, #tpu.memory_space<vmem>>
    %dma_start3A_40 = arith.constant 0 : i32
    %dma_start3A_41 = arith.constant 0 : i32
    %dma_start3A_42 = tpu.memref_slice %arg2[%arg0, %dma_start3A_40, %dma_start3A_41] : memref<2x10240x64xf32, #tpu.memory_space<hbm>> -> memref<1x10240x64xf32, #tpu.memory_space<hbm>>
    %dma_start3A_43 = tpu.memref_squeeze %dma_start3A_42 : memref<1x10240x64xf32, #tpu.memory_space<hbm>> -> memref<10240x64xf32, #tpu.memory_space<hbm>>
    %dma_start3A_44 = arith.constant 0 : i32
    %dma_start3A_45 = arith.constant 0 : i32
    %dma_start3A_46 = tpu.memref_slice %dma_start3A_43[%dma_start3A_44, %dma_start3A_45] : memref<10240x64xf32, #tpu.memory_space<hbm>> -> memref<10240x64xf32, #tpu.memory_space<hbm>>
    tpu.enqueue_indirect_dma source(%dma_start3A_46 : memref<10240x64xf32, #tpu.memory_space<hbm>>) target(%arg10 : memref<128x64xf32, #tpu.memory_space<vmem>>) offsets(%dma_start3A_39 : memref<128xi32, #tpu.memory_space<vmem>>) semaphore(%arg16 : memref<!tpu.dma_semaphore, #tpu.memory_space<semaphore_mem>>)
    %dma_start3A_47 = arith.constant 3 : i32
    %dma_start3A_48 = arith.constant 0 : i32
    %dma_start3A_49 = tpu.memref_slice %arg6[%dma_start3A_47, %dma_start3A_48] : memref<160x128xi32, #tpu.memory_space<vmem>> -> memref<1x128xi32, #tpu.memory_space<vmem>>
    %dma_start3A_50 = tpu.memref_squeeze %dma_start3A_49 : memref<1x128xi32, #tpu.memory_space<vmem>> -> memref<128xi32, #tpu.memory_space<vmem>>
    %dma_start3A_51 = arith.constant 0 : i32
    %dma_start3A_52 = arith.constant 0 : i32
    %dma_start3A_53 = tpu.memref_slice %arg2[%arg0, %dma_start3A_51, %dma_start3A_52] : memref<2x10240x64xf32, #tpu.memory_space<hbm>> -> memref<1x10240x64xf32, #tpu.memory_space<hbm>>
    %dma_start3A_54 = tpu.memref_squeeze %dma_start3A_53 : memref<1x10240x64xf32, #tpu.memory_space<hbm>> -> memref<10240x64xf32, #tpu.memory_space<hbm>>
    %dma_start3A_55 = arith.constant 0 : i32
    %dma_start3A_56 = arith.constant 0 : i32
    %dma_start3A_57 = tpu.memref_slice %dma_start3A_54[%dma_start3A_55, %dma_start3A_56] : memref<10240x64xf32, #tpu.memory_space<hbm>> -> memref<10240x64xf32, #tpu.memory_space<hbm>>
    tpu.enqueue_indirect_dma source(%dma_start3A_57 : memref<10240x64xf32, #tpu.memory_space<hbm>>) target(%arg11 : memref<128x64xf32, #tpu.memory_space<vmem>>) offsets(%dma_start3A_50 : memref<128xi32, #tpu.memory_space<vmem>>) semaphore(%arg17 : memref<!tpu.dma_semaphore, #tpu.memory_space<semaphore_mem>>)
    %scan3A_58 = arith.constant 0 : i32
    %scan3A_59 = arith.constant 40 : i32
    %scan3A_60 = arith.addi %scan3A_58, %scan3A_59 : i32
    %scan3A_61 = arith.constant 1 : i32
    scf.for %scan3A_111 = %scan3A_58 to %scan3A_60 step %scan3A_61  : i32 {
      %mul3A_112 = arith.constant 1 : i32
      %mul3A_113 = arith.muli %scan3A_111, %mul3A_112 : i32
      %add3A_114 = arith.constant 0 : i32
      %add3A_115 = arith.addi %add3A_114, %mul3A_113 : i32
      %mul3A_116 = arith.constant 4 : i32
      %mul3A_117 = arith.muli %mul3A_116, %add3A_115 : i32
      %add3A_118 = arith.constant 0 : i32
      %add3A_119 = arith.addi %mul3A_117, %add3A_118 : i32
      %dma_wait3A_120 = arith.constant 0 : i32
      %dma_wait3A_121 = tpu.memref_slice %arg6[%add3A_119, %dma_wait3A_120] : memref<160x128xi32, #tpu.memory_space<vmem>> -> memref<1x128xi32, #tpu.memory_space<vmem>>
      %dma_wait3A_122 = tpu.memref_squeeze %dma_wait3A_121 : memref<1x128xi32, #tpu.memory_space<vmem>> -> memref<128xi32, #tpu.memory_space<vmem>>
      %dma_wait3A_123 = arith.constant 0 : i32
      %dma_wait3A_124 = arith.constant 0 : i32
      %dma_wait3A_125 = tpu.memref_slice %arg2[%arg0, %dma_wait3A_123, %dma_wait3A_124] : memref<2x10240x64xf32, #tpu.memory_space<hbm>> -> memref<1x10240x64xf32, #tpu.memory_space<hbm>>
      %dma_wait3A_126 = tpu.memref_squeeze %dma_wait3A_125 : memref<1x10240x64xf32, #tpu.memory_space<hbm>> -> memref<10240x64xf32, #tpu.memory_space<hbm>>
      %dma_wait3A_127 = arith.constant 0 : i32
      %dma_wait3A_128 = arith.constant 0 : i32
      %dma_wait3A_129 = tpu.memref_slice %dma_wait3A_126[%dma_wait3A_127, %dma_wait3A_128] : memref<10240x64xf32, #tpu.memory_space<hbm>> -> memref<10240x64xf32, #tpu.memory_space<hbm>>
      tpu.wait_indirect_dma semaphore(%arg14 : memref<!tpu.dma_semaphore, #tpu.memory_space<semaphore_mem>>) src(%dma_wait3A_129 : memref<10240x64xf32, #tpu.memory_space<hbm>>) dst(%arg8 : memref<128x64xf32, #tpu.memory_space<vmem>>)
      %add3A_130 = arith.constant 0 : i32
      %add3A_131 = arith.addi %mul3A_117, %add3A_130 : i32
      %dma_start3A_132 = arith.constant 0 : i32
      %dma_start3A_133 = tpu.memref_slice %arg7[%add3A_131, %dma_start3A_132] : memref<160x128xi32, #tpu.memory_space<vmem>> -> memref<1x128xi32, #tpu.memory_space<vmem>>
      %dma_start3A_134 = tpu.memref_squeeze %dma_start3A_133 : memref<1x128xi32, #tpu.memory_space<vmem>> -> memref<128xi32, #tpu.memory_space<vmem>>
      %dma_start3A_135 = arith.constant 0 : i32
      %dma_start3A_136 = arith.constant 0 : i32
      %dma_start3A_137 = tpu.memref_slice %arg13[%dma_start3A_135, %dma_start3A_136] : memref<10240x64xf32, #tpu.memory_space<vmem_shared>> -> memref<10240x64xf32, #tpu.memory_space<vmem_shared>>
      tpu.enqueue_indirect_dma source(%arg8 : memref<128x64xf32, #tpu.memory_space<vmem>>) target(%dma_start3A_137 : memref<10240x64xf32, #tpu.memory_space<vmem_shared>>) offsets(%dma_start3A_134 : memref<128xi32, #tpu.memory_space<vmem>>) semaphore(%arg18 : memref<!tpu.dma_semaphore, #tpu.memory_space<semaphore_mem>>) {add = true}
      %add3A_138 = arith.constant 1 : i32
      %add3A_139 = arith.addi %mul3A_117, %add3A_138 : i32
      %dma_wait3A_140 = arith.constant 0 : i32
      %dma_wait3A_141 = tpu.memref_slice %arg6[%add3A_139, %dma_wait3A_140] : memref<160x128xi32, #tpu.memory_space<vmem>> -> memref<1x128xi32, #tpu.memory_space<vmem>>
      %dma_wait3A_142 = tpu.memref_squeeze %dma_wait3A_141 : memref<1x128xi32, #tpu.memory_space<vmem>> -> memref<128xi32, #tpu.memory_space<vmem>>
      %dma_wait3A_143 = arith.constant 0 : i32
      %dma_wait3A_144 = arith.constant 0 : i32
      %dma_wait3A_145 = tpu.memref_slice %arg2[%arg0, %dma_wait3A_143, %dma_wait3A_144] : memref<2x10240x64xf32, #tpu.memory_space<hbm>> -> memref<1x10240x64xf32, #tpu.memory_space<hbm>>
      %dma_wait3A_146 = tpu.memref_squeeze %dma_wait3A_145 : memref<1x10240x64xf32, #tpu.memory_space<hbm>> -> memref<10240x64xf32, #tpu.memory_space<hbm>>
      %dma_wait3A_147 = arith.constant 0 : i32
      %dma_wait3A_148 = arith.constant 0 : i32
      %dma_wait3A_149 = tpu.memref_slice %dma_wait3A_146[%dma_wait3A_147, %dma_wait3A_148] : memref<10240x64xf32, #tpu.memory_space<hbm>> -> memref<10240x64xf32, #tpu.memory_space<hbm>>
      tpu.wait_indirect_dma semaphore(%arg15 : memref<!tpu.dma_semaphore, #tpu.memory_space<semaphore_mem>>) src(%dma_wait3A_149 : memref<10240x64xf32, #tpu.memory_space<hbm>>) dst(%arg9 : memref<128x64xf32, #tpu.memory_space<vmem>>)
      %add3A_150 = arith.constant 1 : i32
      %add3A_151 = arith.addi %mul3A_117, %add3A_150 : i32
      %dma_start3A_152 = arith.constant 0 : i32
      %dma_start3A_153 = tpu.memref_slice %arg7[%add3A_151, %dma_start3A_152] : memref<160x128xi32, #tpu.memory_space<vmem>> -> memref<1x128xi32, #tpu.memory_space<vmem>>
      %dma_start3A_154 = tpu.memref_squeeze %dma_start3A_153 : memref<1x128xi32, #tpu.memory_space<vmem>> -> memref<128xi32, #tpu.memory_space<vmem>>
      %dma_start3A_155 = arith.constant 0 : i32
      %dma_start3A_156 = arith.constant 0 : i32
      %dma_start3A_157 = tpu.memref_slice %arg13[%dma_start3A_155, %dma_start3A_156] : memref<10240x64xf32, #tpu.memory_space<vmem_shared>> -> memref<10240x64xf32, #tpu.memory_space<vmem_shared>>
      tpu.enqueue_indirect_dma source(%arg9 : memref<128x64xf32, #tpu.memory_space<vmem>>) target(%dma_start3A_157 : memref<10240x64xf32, #tpu.memory_space<vmem_shared>>) offsets(%dma_start3A_154 : memref<128xi32, #tpu.memory_space<vmem>>) semaphore(%arg19 : memref<!tpu.dma_semaphore, #tpu.memory_space<semaphore_mem>>) {add = true}
      %add3A_158 = arith.constant 2 : i32
      %add3A_159 = arith.addi %mul3A_117, %add3A_158 : i32
      %dma_wait3A_160 = arith.constant 0 : i32
      %dma_wait3A_161 = tpu.memref_slice %arg6[%add3A_159, %dma_wait3A_160] : memref<160x128xi32, #tpu.memory_space<vmem>> -> memref<1x128xi32, #tpu.memory_space<vmem>>
      %dma_wait3A_162 = tpu.memref_squeeze %dma_wait3A_161 : memref<1x128xi32, #tpu.memory_space<vmem>> -> memref<128xi32, #tpu.memory_space<vmem>>
      %dma_wait3A_163 = arith.constant 0 : i32
      %dma_wait3A_164 = arith.constant 0 : i32
      %dma_wait3A_165 = tpu.memref_slice %arg2[%arg0, %dma_wait3A_163, %dma_wait3A_164] : memref<2x10240x64xf32, #tpu.memory_space<hbm>> -> memref<1x10240x64xf32, #tpu.memory_space<hbm>>
      %dma_wait3A_166 = tpu.memref_squeeze %dma_wait3A_165 : memref<1x10240x64xf32, #tpu.memory_space<hbm>> -> memref<10240x64xf32, #tpu.memory_space<hbm>>
      %dma_wait3A_167 = arith.constant 0 : i32
      %dma_wait3A_168 = arith.constant 0 : i32
      %dma_wait3A_169 = tpu.memref_slice %dma_wait3A_166[%dma_wait3A_167, %dma_wait3A_168] : memref<10240x64xf32, #tpu.memory_space<hbm>> -> memref<10240x64xf32, #tpu.memory_space<hbm>>
      tpu.wait_indirect_dma semaphore(%arg16 : memref<!tpu.dma_semaphore, #tpu.memory_space<semaphore_mem>>) src(%dma_wait3A_169 : memref<10240x64xf32, #tpu.memory_space<hbm>>) dst(%arg10 : memref<128x64xf32, #tpu.memory_space<vmem>>)
      %add3A_170 = arith.constant 2 : i32
      %add3A_171 = arith.addi %mul3A_117, %add3A_170 : i32
      %dma_start3A_172 = arith.constant 0 : i32
      %dma_start3A_173 = tpu.memref_slice %arg7[%add3A_171, %dma_start3A_172] : memref<160x128xi32, #tpu.memory_space<vmem>> -> memref<1x128xi32, #tpu.memory_space<vmem>>
      %dma_start3A_174 = tpu.memref_squeeze %dma_start3A_173 : memref<1x128xi32, #tpu.memory_space<vmem>> -> memref<128xi32, #tpu.memory_space<vmem>>
      %dma_start3A_175 = arith.constant 0 : i32
      %dma_start3A_176 = arith.constant 0 : i32
      %dma_start3A_177 = tpu.memref_slice %arg13[%dma_start3A_175, %dma_start3A_176] : memref<10240x64xf32, #tpu.memory_space<vmem_shared>> -> memref<10240x64xf32, #tpu.memory_space<vmem_shared>>
      tpu.enqueue_indirect_dma source(%arg10 : memref<128x64xf32, #tpu.memory_space<vmem>>) target(%dma_start3A_177 : memref<10240x64xf32, #tpu.memory_space<vmem_shared>>) offsets(%dma_start3A_174 : memref<128xi32, #tpu.memory_space<vmem>>) semaphore(%arg20 : memref<!tpu.dma_semaphore, #tpu.memory_space<semaphore_mem>>) {add = true}
      %add3A_178 = arith.constant 3 : i32
      %add3A_179 = arith.addi %mul3A_117, %add3A_178 : i32
      %dma_wait3A_180 = arith.constant 0 : i32
      %dma_wait3A_181 = tpu.memref_slice %arg6[%add3A_179, %dma_wait3A_180] : memref<160x128xi32, #tpu.memory_space<vmem>> -> memref<1x128xi32, #tpu.memory_space<vmem>>
      %dma_wait3A_182 = tpu.memref_squeeze %dma_wait3A_181 : memref<1x128xi32, #tpu.memory_space<vmem>> -> memref<128xi32, #tpu.memory_space<vmem>>
      %dma_wait3A_183 = arith.constant 0 : i32
      %dma_wait3A_184 = arith.constant 0 : i32
      %dma_wait3A_185 = tpu.memref_slice %arg2[%arg0, %dma_wait3A_183, %dma_wait3A_184] : memref<2x10240x64xf32, #tpu.memory_space<hbm>> -> memref<1x10240x64xf32, #tpu.memory_space<hbm>>
      %dma_wait3A_186 = tpu.memref_squeeze %dma_wait3A_185 : memref<1x10240x64xf32, #tpu.memory_space<hbm>> -> memref<10240x64xf32, #tpu.memory_space<hbm>>
      %dma_wait3A_187 = arith.constant 0 : i32
      %dma_wait3A_188 = arith.constant 0 : i32
      %dma_wait3A_189 = tpu.memref_slice %dma_wait3A_186[%dma_wait3A_187, %dma_wait3A_188] : memref<10240x64xf32, #tpu.memory_space<hbm>> -> memref<10240x64xf32, #tpu.memory_space<hbm>>
      tpu.wait_indirect_dma semaphore(%arg17 : memref<!tpu.dma_semaphore, #tpu.memory_space<semaphore_mem>>) src(%dma_wait3A_189 : memref<10240x64xf32, #tpu.memory_space<hbm>>) dst(%arg11 : memref<128x64xf32, #tpu.memory_space<vmem>>)
      %add3A_190 = arith.constant 3 : i32
      %add3A_191 = arith.addi %mul3A_117, %add3A_190 : i32
      %dma_start3A_192 = arith.constant 0 : i32
      %dma_start3A_193 = tpu.memref_slice %arg7[%add3A_191, %dma_start3A_192] : memref<160x128xi32, #tpu.memory_space<vmem>> -> memref<1x128xi32, #tpu.memory_space<vmem>>
      %dma_start3A_194 = tpu.memref_squeeze %dma_start3A_193 : memref<1x128xi32, #tpu.memory_space<vmem>> -> memref<128xi32, #tpu.memory_space<vmem>>
      %dma_start3A_195 = arith.constant 0 : i32
      %dma_start3A_196 = arith.constant 0 : i32
      %dma_start3A_197 = tpu.memref_slice %arg13[%dma_start3A_195, %dma_start3A_196] : memref<10240x64xf32, #tpu.memory_space<vmem_shared>> -> memref<10240x64xf32, #tpu.memory_space<vmem_shared>>
      tpu.enqueue_indirect_dma source(%arg11 : memref<128x64xf32, #tpu.memory_space<vmem>>) target(%dma_start3A_197 : memref<10240x64xf32, #tpu.memory_space<vmem_shared>>) offsets(%dma_start3A_194 : memref<128xi32, #tpu.memory_space<vmem>>) semaphore(%arg21 : memref<!tpu.dma_semaphore, #tpu.memory_space<semaphore_mem>>) {add = true}
      %lt3A = arith.constant 39 : i32
      %lt3A_198 = arith.cmpi slt, %add3A_115, %lt3A : i32
      %convert_element_type3A = arith.extui %lt3A_198 : i1 to i32
      %cond3A = arith.constant 0 : i32
      %cond3A_199 = arith.cmpi ne, %convert_element_type3A, %cond3A : i32
      scf.if %cond3A_199 {
        %add3A_200 = arith.constant 0 : i32
        %add3A_201 = arith.addi %mul3A_117, %add3A_200 : i32
        %dma_wait3A_202 = arith.constant 0 : i32
        %dma_wait3A_203 = tpu.memref_slice %arg7[%add3A_201, %dma_wait3A_202] : memref<160x128xi32, #tpu.memory_space<vmem>> -> memref<1x128xi32, #tpu.memory_space<vmem>>
        %dma_wait3A_204 = tpu.memref_squeeze %dma_wait3A_203 : memref<1x128xi32, #tpu.memory_space<vmem>> -> memref<128xi32, #tpu.memory_space<vmem>>
        %dma_wait3A_205 = arith.constant 0 : i32
        %dma_wait3A_206 = arith.constant 0 : i32
        %dma_wait3A_207 = tpu.memref_slice %arg13[%dma_wait3A_205, %dma_wait3A_206] : memref<10240x64xf32, #tpu.memory_space<vmem_shared>> -> memref<10240x64xf32, #tpu.memory_space<vmem_shared>>
        tpu.wait_indirect_dma semaphore(%arg18 : memref<!tpu.dma_semaphore, #tpu.memory_space<semaphore_mem>>) src(%arg8 : memref<128x64xf32, #tpu.memory_space<vmem>>) dst(%dma_wait3A_207 : memref<10240x64xf32, #tpu.memory_space<vmem_shared>>)
        %add3A_208 = arith.constant 4 : i32
        %add3A_209 = arith.addi %mul3A_117, %add3A_208 : i32
        %add3A_210 = arith.constant 0 : i32
        %add3A_211 = arith.addi %add3A_209, %add3A_210 : i32
        %dma_start3A_212 = arith.constant 0 : i32
        %dma_start3A_213 = tpu.memref_slice %arg6[%add3A_211, %dma_start3A_212] : memref<160x128xi32, #tpu.memory_space<vmem>> -> memref<1x128xi32, #tpu.memory_space<vmem>>
        %dma_start3A_214 = tpu.memref_squeeze %dma_start3A_213 : memref<1x128xi32, #tpu.memory_space<vmem>> -> memref<128xi32, #tpu.memory_space<vmem>>
        %dma_start3A_215 = arith.constant 0 : i32
        %dma_start3A_216 = arith.constant 0 : i32
        %dma_start3A_217 = tpu.memref_slice %arg2[%arg0, %dma_start3A_215, %dma_start3A_216] : memref<2x10240x64xf32, #tpu.memory_space<hbm>> -> memref<1x10240x64xf32, #tpu.memory_space<hbm>>
        %dma_start3A_218 = tpu.memref_squeeze %dma_start3A_217 : memref<1x10240x64xf32, #tpu.memory_space<hbm>> -> memref<10240x64xf32, #tpu.memory_space<hbm>>
        %dma_start3A_219 = arith.constant 0 : i32
        %dma_start3A_220 = arith.constant 0 : i32
        %dma_start3A_221 = tpu.memref_slice %dma_start3A_218[%dma_start3A_219, %dma_start3A_220] : memref<10240x64xf32, #tpu.memory_space<hbm>> -> memref<10240x64xf32, #tpu.memory_space<hbm>>
        tpu.enqueue_indirect_dma source(%dma_start3A_221 : memref<10240x64xf32, #tpu.memory_space<hbm>>) target(%arg8 : memref<128x64xf32, #tpu.memory_space<vmem>>) offsets(%dma_start3A_214 : memref<128xi32, #tpu.memory_space<vmem>>) semaphore(%arg14 : memref<!tpu.dma_semaphore, #tpu.memory_space<semaphore_mem>>)
        %add3A_222 = arith.constant 1 : i32
        %add3A_223 = arith.addi %mul3A_117, %add3A_222 : i32
        %dma_wait3A_224 = arith.constant 0 : i32
        %dma_wait3A_225 = tpu.memref_slice %arg7[%add3A_223, %dma_wait3A_224] : memref<160x128xi32, #tpu.memory_space<vmem>> -> memref<1x128xi32, #tpu.memory_space<vmem>>
        %dma_wait3A_226 = tpu.memref_squeeze %dma_wait3A_225 : memref<1x128xi32, #tpu.memory_space<vmem>> -> memref<128xi32, #tpu.memory_space<vmem>>
        %dma_wait3A_227 = arith.constant 0 : i32
        %dma_wait3A_228 = arith.constant 0 : i32
        %dma_wait3A_229 = tpu.memref_slice %arg13[%dma_wait3A_227, %dma_wait3A_228] : memref<10240x64xf32, #tpu.memory_space<vmem_shared>> -> memref<10240x64xf32, #tpu.memory_space<vmem_shared>>
        tpu.wait_indirect_dma semaphore(%arg19 : memref<!tpu.dma_semaphore, #tpu.memory_space<semaphore_mem>>) src(%arg9 : memref<128x64xf32, #tpu.memory_space<vmem>>) dst(%dma_wait3A_229 : memref<10240x64xf32, #tpu.memory_space<vmem_shared>>)
        %add3A_230 = arith.constant 4 : i32
        %add3A_231 = arith.addi %mul3A_117, %add3A_230 : i32
        %add3A_232 = arith.constant 1 : i32
        %add3A_233 = arith.addi %add3A_231, %add3A_232 : i32
        %dma_start3A_234 = arith.constant 0 : i32
        %dma_start3A_235 = tpu.memref_slice %arg6[%add3A_233, %dma_start3A_234] : memref<160x128xi32, #tpu.memory_space<vmem>> -> memref<1x128xi32, #tpu.memory_space<vmem>>
        %dma_start3A_236 = tpu.memref_squeeze %dma_start3A_235 : memref<1x128xi32, #tpu.memory_space<vmem>> -> memref<128xi32, #tpu.memory_space<vmem>>
        %dma_start3A_237 = arith.constant 0 : i32
        %dma_start3A_238 = arith.constant 0 : i32
        %dma_start3A_239 = tpu.memref_slice %arg2[%arg0, %dma_start3A_237, %dma_start3A_238] : memref<2x10240x64xf32, #tpu.memory_space<hbm>> -> memref<1x10240x64xf32, #tpu.memory_space<hbm>>
        %dma_start3A_240 = tpu.memref_squeeze %dma_start3A_239 : memref<1x10240x64xf32, #tpu.memory_space<hbm>> -> memref<10240x64xf32, #tpu.memory_space<hbm>>
        %dma_start3A_241 = arith.constant 0 : i32
        %dma_start3A_242 = arith.constant 0 : i32
        %dma_start3A_243 = tpu.memref_slice %dma_start3A_240[%dma_start3A_241, %dma_start3A_242] : memref<10240x64xf32, #tpu.memory_space<hbm>> -> memref<10240x64xf32, #tpu.memory_space<hbm>>
        tpu.enqueue_indirect_dma source(%dma_start3A_243 : memref<10240x64xf32, #tpu.memory_space<hbm>>) target(%arg9 : memref<128x64xf32, #tpu.memory_space<vmem>>) offsets(%dma_start3A_236 : memref<128xi32, #tpu.memory_space<vmem>>) semaphore(%arg15 : memref<!tpu.dma_semaphore, #tpu.memory_space<semaphore_mem>>)
        %add3A_244 = arith.constant 2 : i32
        %add3A_245 = arith.addi %mul3A_117, %add3A_244 : i32
        %dma_wait3A_246 = arith.constant 0 : i32
        %dma_wait3A_247 = tpu.memref_slice %arg7[%add3A_245, %dma_wait3A_246] : memref<160x128xi32, #tpu.memory_space<vmem>> -> memref<1x128xi32, #tpu.memory_space<vmem>>
        %dma_wait3A_248 = tpu.memref_squeeze %dma_wait3A_247 : memref<1x128xi32, #tpu.memory_space<vmem>> -> memref<128xi32, #tpu.memory_space<vmem>>
        %dma_wait3A_249 = arith.constant 0 : i32
        %dma_wait3A_250 = arith.constant 0 : i32
        %dma_wait3A_251 = tpu.memref_slice %arg13[%dma_wait3A_249, %dma_wait3A_250] : memref<10240x64xf32, #tpu.memory_space<vmem_shared>> -> memref<10240x64xf32, #tpu.memory_space<vmem_shared>>
        tpu.wait_indirect_dma semaphore(%arg20 : memref<!tpu.dma_semaphore, #tpu.memory_space<semaphore_mem>>) src(%arg10 : memref<128x64xf32, #tpu.memory_space<vmem>>) dst(%dma_wait3A_251 : memref<10240x64xf32, #tpu.memory_space<vmem_shared>>)
        %add3A_252 = arith.constant 4 : i32
        %add3A_253 = arith.addi %mul3A_117, %add3A_252 : i32
        %add3A_254 = arith.constant 2 : i32
        %add3A_255 = arith.addi %add3A_253, %add3A_254 : i32
        %dma_start3A_256 = arith.constant 0 : i32
        %dma_start3A_257 = tpu.memref_slice %arg6[%add3A_255, %dma_start3A_256] : memref<160x128xi32, #tpu.memory_space<vmem>> -> memref<1x128xi32, #tpu.memory_space<vmem>>
        %dma_start3A_258 = tpu.memref_squeeze %dma_start3A_257 : memref<1x128xi32, #tpu.memory_space<vmem>> -> memref<128xi32, #tpu.memory_space<vmem>>
        %dma_start3A_259 = arith.constant 0 : i32
        %dma_start3A_260 = arith.constant 0 : i32
        %dma_start3A_261 = tpu.memref_slice %arg2[%arg0, %dma_start3A_259, %dma_start3A_260] : memref<2x10240x64xf32, #tpu.memory_space<hbm>> -> memref<1x10240x64xf32, #tpu.memory_space<hbm>>
        %dma_start3A_262 = tpu.memref_squeeze %dma_start3A_261 : memref<1x10240x64xf32, #tpu.memory_space<hbm>> -> memref<10240x64xf32, #tpu.memory_space<hbm>>
        %dma_start3A_263 = arith.constant 0 : i32
        %dma_start3A_264 = arith.constant 0 : i32
        %dma_start3A_265 = tpu.memref_slice %dma_start3A_262[%dma_start3A_263, %dma_start3A_264] : memref<10240x64xf32, #tpu.memory_space<hbm>> -> memref<10240x64xf32, #tpu.memory_space<hbm>>
        tpu.enqueue_indirect_dma source(%dma_start3A_265 : memref<10240x64xf32, #tpu.memory_space<hbm>>) target(%arg10 : memref<128x64xf32, #tpu.memory_space<vmem>>) offsets(%dma_start3A_258 : memref<128xi32, #tpu.memory_space<vmem>>) semaphore(%arg16 : memref<!tpu.dma_semaphore, #tpu.memory_space<semaphore_mem>>)
        %add3A_266 = arith.constant 3 : i32
        %add3A_267 = arith.addi %mul3A_117, %add3A_266 : i32
        %dma_wait3A_268 = arith.constant 0 : i32
        %dma_wait3A_269 = tpu.memref_slice %arg7[%add3A_267, %dma_wait3A_268] : memref<160x128xi32, #tpu.memory_space<vmem>> -> memref<1x128xi32, #tpu.memory_space<vmem>>
        %dma_wait3A_270 = tpu.memref_squeeze %dma_wait3A_269 : memref<1x128xi32, #tpu.memory_space<vmem>> -> memref<128xi32, #tpu.memory_space<vmem>>
        %dma_wait3A_271 = arith.constant 0 : i32
        %dma_wait3A_272 = arith.constant 0 : i32
        %dma_wait3A_273 = tpu.memref_slice %arg13[%dma_wait3A_271, %dma_wait3A_272] : memref<10240x64xf32, #tpu.memory_space<vmem_shared>> -> memref<10240x64xf32, #tpu.memory_space<vmem_shared>>
        tpu.wait_indirect_dma semaphore(%arg21 : memref<!tpu.dma_semaphore, #tpu.memory_space<semaphore_mem>>) src(%arg11 : memref<128x64xf32, #tpu.memory_space<vmem>>) dst(%dma_wait3A_273 : memref<10240x64xf32, #tpu.memory_space<vmem_shared>>)
        %add3A_274 = arith.constant 4 : i32
        %add3A_275 = arith.addi %mul3A_117, %add3A_274 : i32
        %add3A_276 = arith.constant 3 : i32
        %add3A_277 = arith.addi %add3A_275, %add3A_276 : i32
        %dma_start3A_278 = arith.constant 0 : i32
        %dma_start3A_279 = tpu.memref_slice %arg6[%add3A_277, %dma_start3A_278] : memref<160x128xi32, #tpu.memory_space<vmem>> -> memref<1x128xi32, #tpu.memory_space<vmem>>
        %dma_start3A_280 = tpu.memref_squeeze %dma_start3A_279 : memref<1x128xi32, #tpu.memory_space<vmem>> -> memref<128xi32, #tpu.memory_space<vmem>>
        %dma_start3A_281 = arith.constant 0 : i32
        %dma_start3A_282 = arith.constant 0 : i32
        %dma_start3A_283 = tpu.memref_slice %arg2[%arg0, %dma_start3A_281, %dma_start3A_282] : memref<2x10240x64xf32, #tpu.memory_space<hbm>> -> memref<1x10240x64xf32, #tpu.memory_space<hbm>>
        %dma_start3A_284 = tpu.memref_squeeze %dma_start3A_283 : memref<1x10240x64xf32, #tpu.memory_space<hbm>> -> memref<10240x64xf32, #tpu.memory_space<hbm>>
        %dma_start3A_285 = arith.constant 0 : i32
        %dma_start3A_286 = arith.constant 0 : i32
        %dma_start3A_287 = tpu.memref_slice %dma_start3A_284[%dma_start3A_285, %dma_start3A_286] : memref<10240x64xf32, #tpu.memory_space<hbm>> -> memref<10240x64xf32, #tpu.memory_space<hbm>>
        tpu.enqueue_indirect_dma source(%dma_start3A_287 : memref<10240x64xf32, #tpu.memory_space<hbm>>) target(%arg11 : memref<128x64xf32, #tpu.memory_space<vmem>>) offsets(%dma_start3A_280 : memref<128xi32, #tpu.memory_space<vmem>>) semaphore(%arg17 : memref<!tpu.dma_semaphore, #tpu.memory_space<semaphore_mem>>)
      } else {
      }
    }
    %scan3A_62 = arith.constant 40 : i32
    %dma_wait3A = arith.constant 156 : i32
    %dma_wait3A_63 = arith.constant 0 : i32
    %dma_wait3A_64 = tpu.memref_slice %arg7[%dma_wait3A, %dma_wait3A_63] : memref<160x128xi32, #tpu.memory_space<vmem>> -> memref<1x128xi32, #tpu.memory_space<vmem>>
    %dma_wait3A_65 = tpu.memref_squeeze %dma_wait3A_64 : memref<1x128xi32, #tpu.memory_space<vmem>> -> memref<128xi32, #tpu.memory_space<vmem>>
    %dma_wait3A_66 = arith.constant 0 : i32
    %dma_wait3A_67 = arith.constant 0 : i32
    %dma_wait3A_68 = tpu.memref_slice %arg13[%dma_wait3A_66, %dma_wait3A_67] : memref<10240x64xf32, #tpu.memory_space<vmem_shared>> -> memref<10240x64xf32, #tpu.memory_space<vmem_shared>>
    tpu.wait_indirect_dma semaphore(%arg18 : memref<!tpu.dma_semaphore, #tpu.memory_space<semaphore_mem>>) src(%arg8 : memref<128x64xf32, #tpu.memory_space<vmem>>) dst(%dma_wait3A_68 : memref<10240x64xf32, #tpu.memory_space<vmem_shared>>)
    %dma_wait3A_69 = arith.constant 157 : i32
    %dma_wait3A_70 = arith.constant 0 : i32
    %dma_wait3A_71 = tpu.memref_slice %arg7[%dma_wait3A_69, %dma_wait3A_70] : memref<160x128xi32, #tpu.memory_space<vmem>> -> memref<1x128xi32, #tpu.memory_space<vmem>>
    %dma_wait3A_72 = tpu.memref_squeeze %dma_wait3A_71 : memref<1x128xi32, #tpu.memory_space<vmem>> -> memref<128xi32, #tpu.memory_space<vmem>>
    %dma_wait3A_73 = arith.constant 0 : i32
    %dma_wait3A_74 = arith.constant 0 : i32
    %dma_wait3A_75 = tpu.memref_slice %arg13[%dma_wait3A_73, %dma_wait3A_74] : memref<10240x64xf32, #tpu.memory_space<vmem_shared>> -> memref<10240x64xf32, #tpu.memory_space<vmem_shared>>
    tpu.wait_indirect_dma semaphore(%arg19 : memref<!tpu.dma_semaphore, #tpu.memory_space<semaphore_mem>>) src(%arg9 : memref<128x64xf32, #tpu.memory_space<vmem>>) dst(%dma_wait3A_75 : memref<10240x64xf32, #tpu.memory_space<vmem_shared>>)
    %dma_wait3A_76 = arith.constant 158 : i32
    %dma_wait3A_77 = arith.constant 0 : i32
    %dma_wait3A_78 = tpu.memref_slice %arg7[%dma_wait3A_76, %dma_wait3A_77] : memref<160x128xi32, #tpu.memory_space<vmem>> -> memref<1x128xi32, #tpu.memory_space<vmem>>
    %dma_wait3A_79 = tpu.memref_squeeze %dma_wait3A_78 : memref<1x128xi32, #tpu.memory_space<vmem>> -> memref<128xi32, #tpu.memory_space<vmem>>
    %dma_wait3A_80 = arith.constant 0 : i32
    %dma_wait3A_81 = arith.constant 0 : i32
    %dma_wait3A_82 = tpu.memref_slice %arg13[%dma_wait3A_80, %dma_wait3A_81] : memref<10240x64xf32, #tpu.memory_space<vmem_shared>> -> memref<10240x64xf32, #tpu.memory_space<vmem_shared>>
    tpu.wait_indirect_dma semaphore(%arg20 : memref<!tpu.dma_semaphore, #tpu.memory_space<semaphore_mem>>) src(%arg10 : memref<128x64xf32, #tpu.memory_space<vmem>>) dst(%dma_wait3A_82 : memref<10240x64xf32, #tpu.memory_space<vmem_shared>>)
    %dma_wait3A_83 = arith.constant 159 : i32
    %dma_wait3A_84 = arith.constant 0 : i32
    %dma_wait3A_85 = tpu.memref_slice %arg7[%dma_wait3A_83, %dma_wait3A_84] : memref<160x128xi32, #tpu.memory_space<vmem>> -> memref<1x128xi32, #tpu.memory_space<vmem>>
    %dma_wait3A_86 = tpu.memref_squeeze %dma_wait3A_85 : memref<1x128xi32, #tpu.memory_space<vmem>> -> memref<128xi32, #tpu.memory_space<vmem>>
    %dma_wait3A_87 = arith.constant 0 : i32
    %dma_wait3A_88 = arith.constant 0 : i32
    %dma_wait3A_89 = tpu.memref_slice %arg13[%dma_wait3A_87, %dma_wait3A_88] : memref<10240x64xf32, #tpu.memory_space<vmem_shared>> -> memref<10240x64xf32, #tpu.memory_space<vmem_shared>>
    tpu.wait_indirect_dma semaphore(%arg21 : memref<!tpu.dma_semaphore, #tpu.memory_space<semaphore_mem>>) src(%arg11 : memref<128x64xf32, #tpu.memory_space<vmem>>) dst(%dma_wait3A_89 : memref<10240x64xf32, #tpu.memory_space<vmem_shared>>)
    %barrier3A_90 = arith.constant 0 : index
    tpu.barrier barrier_id(%barrier3A_90)
    %add3A_91 = arith.constant 0 : i32
    %add3A_92 = arith.addi %mul3A_5, %add3A_91 : i32
    "tpu.region"() ({
      %run_scoped3A = tpu.sem_alloc : memref<!tpu.dma_semaphore, #tpu.memory_space<semaphore_mem>>
      %dma_start3A_111 = arith.constant 0 : i32
      %dma_start3A_112 = tpu.memref_slice %arg13[%add3A_92, %dma_start3A_111] : memref<10240x64xf32, #tpu.memory_space<vmem_shared>> -> memref<128x64xf32, #tpu.memory_space<vmem_shared>>
      %dma_start3A_113 = arith.constant 0 : i32
      %dma_start3A_114 = tpu.memref_slice %arg13[%add3A_92, %dma_start3A_113] : memref<10240x64xf32, #tpu.memory_space<vmem_shared>> -> memref<128x64xf32, #tpu.memory_space<vmem_shared>>
      tpu.enqueue_dma source(%dma_start3A_114 : memref<128x64xf32, #tpu.memory_space<vmem_shared>>) target(%arg12 : memref<128x64xf32, #tpu.memory_space<vmem>>) target_semaphore(%run_scoped3A : memref<!tpu.dma_semaphore, #tpu.memory_space<semaphore_mem>>)
      %dma_wait3A_115 = arith.constant 0 : i32
      %dma_wait3A_116 = tpu.memref_slice %arg13[%add3A_92, %dma_wait3A_115] : memref<10240x64xf32, #tpu.memory_space<vmem_shared>> -> memref<128x64xf32, #tpu.memory_space<vmem_shared>>
      %dma_wait3A_117 = arith.constant 0 : i32
      %dma_wait3A_118 = tpu.memref_slice %arg13[%add3A_92, %dma_wait3A_117] : memref<10240x64xf32, #tpu.memory_space<vmem_shared>> -> memref<128x64xf32, #tpu.memory_space<vmem_shared>>
      tpu.wait_dma2 semaphore(%run_scoped3A : memref<!tpu.dma_semaphore, #tpu.memory_space<semaphore_mem>>) src(%dma_wait3A_118 : memref<128x64xf32, #tpu.memory_space<vmem_shared>>) dst(%arg12 : memref<128x64xf32, #tpu.memory_space<vmem>>)
      tpu.yield
    }) : () -> ()
    %add3A_93 = arith.constant 0 : i32
    %add3A_94 = arith.addi %mul3A_5, %add3A_93 : i32
    "tpu.region"() ({
      %run_scoped3A = tpu.sem_alloc : memref<!tpu.dma_semaphore, #tpu.memory_space<semaphore_mem>>
      %dma_start3A_111 = arith.constant 0 : i32
      %dma_start3A_112 = tpu.memref_slice %arg5[%arg0, %add3A_94, %dma_start3A_111] : memref<2x10240x64xf32, #tpu.memory_space<hbm>> -> memref<1x128x64xf32, #tpu.memory_space<hbm>>
      %dma_start3A_113 = tpu.memref_squeeze %dma_start3A_112 : memref<1x128x64xf32, #tpu.memory_space<hbm>> -> memref<128x64xf32, #tpu.memory_space<hbm>>
      %dma_start3A_114 = arith.constant 0 : i32
      %dma_start3A_115 = tpu.memref_slice %arg5[%arg0, %add3A_94, %dma_start3A_114] : memref<2x10240x64xf32, #tpu.memory_space<hbm>> -> memref<1x128x64xf32, #tpu.memory_space<hbm>>
      %dma_start3A_116 = tpu.memref_squeeze %dma_start3A_115 : memref<1x128x64xf32, #tpu.memory_space<hbm>> -> memref<128x64xf32, #tpu.memory_space<hbm>>
      tpu.enqueue_dma source(%arg12 : memref<128x64xf32, #tpu.memory_space<vmem>>) target(%dma_start3A_116 : memref<128x64xf32, #tpu.memory_space<hbm>>) target_semaphore(%run_scoped3A : memref<!tpu.dma_semaphore, #tpu.memory_space<semaphore_mem>>)
      %dma_wait3A_117 = arith.constant 0 : i32
      %dma_wait3A_118 = tpu.memref_slice %arg5[%arg0, %add3A_94, %dma_wait3A_117] : memref<2x10240x64xf32, #tpu.memory_space<hbm>> -> memref<1x128x64xf32, #tpu.memory_space<hbm>>
      %dma_wait3A_119 = tpu.memref_squeeze %dma_wait3A_118 : memref<1x128x64xf32, #tpu.memory_space<hbm>> -> memref<128x64xf32, #tpu.memory_space<hbm>>
      %dma_wait3A_120 = arith.constant 0 : i32
      %dma_wait3A_121 = tpu.memref_slice %arg5[%arg0, %add3A_94, %dma_wait3A_120] : memref<2x10240x64xf32, #tpu.memory_space<hbm>> -> memref<1x128x64xf32, #tpu.memory_space<hbm>>
      %dma_wait3A_122 = tpu.memref_squeeze %dma_wait3A_121 : memref<1x128x64xf32, #tpu.memory_space<hbm>> -> memref<128x64xf32, #tpu.memory_space<hbm>>
      tpu.wait_dma2 semaphore(%run_scoped3A : memref<!tpu.dma_semaphore, #tpu.memory_space<semaphore_mem>>) src(%arg12 : memref<128x64xf32, #tpu.memory_space<vmem>>) dst(%dma_wait3A_122 : memref<128x64xf32, #tpu.memory_space<hbm>>)
      tpu.yield
    }) : () -> ()
    %add3A_95 = arith.constant 128 : i32
    %add3A_96 = arith.addi %mul3A_5, %add3A_95 : i32
    "tpu.region"() ({
      %run_scoped3A = tpu.sem_alloc : memref<!tpu.dma_semaphore, #tpu.memory_space<semaphore_mem>>
      %dma_start3A_111 = arith.constant 0 : i32
      %dma_start3A_112 = tpu.memref_slice %arg13[%add3A_96, %dma_start3A_111] : memref<10240x64xf32, #tpu.memory_space<vmem_shared>> -> memref<128x64xf32, #tpu.memory_space<vmem_shared>>
      %dma_start3A_113 = arith.constant 0 : i32
      %dma_start3A_114 = tpu.memref_slice %arg13[%add3A_96, %dma_start3A_113] : memref<10240x64xf32, #tpu.memory_space<vmem_shared>> -> memref<128x64xf32, #tpu.memory_space<vmem_shared>>
      tpu.enqueue_dma source(%dma_start3A_114 : memref<128x64xf32, #tpu.memory_space<vmem_shared>>) target(%arg12 : memref<128x64xf32, #tpu.memory_space<vmem>>) target_semaphore(%run_scoped3A : memref<!tpu.dma_semaphore, #tpu.memory_space<semaphore_mem>>)
      %dma_wait3A_115 = arith.constant 0 : i32
      %dma_wait3A_116 = tpu.memref_slice %arg13[%add3A_96, %dma_wait3A_115] : memref<10240x64xf32, #tpu.memory_space<vmem_shared>> -> memref<128x64xf32, #tpu.memory_space<vmem_shared>>
      %dma_wait3A_117 = arith.constant 0 : i32
      %dma_wait3A_118 = tpu.memref_slice %arg13[%add3A_96, %dma_wait3A_117] : memref<10240x64xf32, #tpu.memory_space<vmem_shared>> -> memref<128x64xf32, #tpu.memory_space<vmem_shared>>
      tpu.wait_dma2 semaphore(%run_scoped3A : memref<!tpu.dma_semaphore, #tpu.memory_space<semaphore_mem>>) src(%dma_wait3A_118 : memref<128x64xf32, #tpu.memory_space<vmem_shared>>) dst(%arg12 : memref<128x64xf32, #tpu.memory_space<vmem>>)
      tpu.yield
    }) : () -> ()
    %add3A_97 = arith.constant 128 : i32
    %add3A_98 = arith.addi %mul3A_5, %add3A_97 : i32
    "tpu.region"() ({
      %run_scoped3A = tpu.sem_alloc : memref<!tpu.dma_semaphore, #tpu.memory_space<semaphore_mem>>
      %dma_start3A_111 = arith.constant 0 : i32
      %dma_start3A_112 = tpu.memref_slice %arg5[%arg0, %add3A_98, %dma_start3A_111] : memref<2x10240x64xf32, #tpu.memory_space<hbm>> -> memref<1x128x64xf32, #tpu.memory_space<hbm>>
      %dma_start3A_113 = tpu.memref_squeeze %dma_start3A_112 : memref<1x128x64xf32, #tpu.memory_space<hbm>> -> memref<128x64xf32, #tpu.memory_space<hbm>>
      %dma_start3A_114 = arith.constant 0 : i32
      %dma_start3A_115 = tpu.memref_slice %arg5[%arg0, %add3A_98, %dma_start3A_114] : memref<2x10240x64xf32, #tpu.memory_space<hbm>> -> memref<1x128x64xf32, #tpu.memory_space<hbm>>
      %dma_start3A_116 = tpu.memref_squeeze %dma_start3A_115 : memref<1x128x64xf32, #tpu.memory_space<hbm>> -> memref<128x64xf32, #tpu.memory_space<hbm>>
      tpu.enqueue_dma source(%arg12 : memref<128x64xf32, #tpu.memory_space<vmem>>) target(%dma_start3A_116 : memref<128x64xf32, #tpu.memory_space<hbm>>) target_semaphore(%run_scoped3A : memref<!tpu.dma_semaphore, #tpu.memory_space<semaphore_mem>>)
      %dma_wait3A_117 = arith.constant 0 : i32
      %dma_wait3A_118 = tpu.memref_slice %arg5[%arg0, %add3A_98, %dma_wait3A_117] : memref<2x10240x64xf32, #tpu.memory_space<hbm>> -> memref<1x128x64xf32, #tpu.memory_space<hbm>>
      %dma_wait3A_119 = tpu.memref_squeeze %dma_wait3A_118 : memref<1x128x64xf32, #tpu.memory_space<hbm>> -> memref<128x64xf32, #tpu.memory_space<hbm>>
      %dma_wait3A_120 = arith.constant 0 : i32
      %dma_wait3A_121 = tpu.memref_slice %arg5[%arg0, %add3A_98, %dma_wait3A_120] : memref<2x10240x64xf32, #tpu.memory_space<hbm>> -> memref<1x128x64xf32, #tpu.memory_space<hbm>>
      %dma_wait3A_122 = tpu.memref_squeeze %dma_wait3A_121 : memref<1x128x64xf32, #tpu.memory_space<hbm>> -> memref<128x64xf32, #tpu.memory_space<hbm>>
      tpu.wait_dma2 semaphore(%run_scoped3A : memref<!tpu.dma_semaphore, #tpu.memory_space<semaphore_mem>>) src(%arg12 : memref<128x64xf32, #tpu.memory_space<vmem>>) dst(%dma_wait3A_122 : memref<128x64xf32, #tpu.memory_space<hbm>>)
      tpu.yield
    }) : () -> ()
    %add3A_99 = arith.constant 256 : i32
    %add3A_100 = arith.addi %mul3A_5, %add3A_99 : i32
    "tpu.region"() ({
      %run_scoped3A = tpu.sem_alloc : memref<!tpu.dma_semaphore, #tpu.memory_space<semaphore_mem>>
      %dma_start3A_111 = arith.constant 0 : i32
      %dma_start3A_112 = tpu.memref_slice %arg13[%add3A_100, %dma_start3A_111] : memref<10240x64xf32, #tpu.memory_space<vmem_shared>> -> memref<128x64xf32, #tpu.memory_space<vmem_shared>>
      %dma_start3A_113 = arith.constant 0 : i32
      %dma_start3A_114 = tpu.memref_slice %arg13[%add3A_100, %dma_start3A_113] : memref<10240x64xf32, #tpu.memory_space<vmem_shared>> -> memref<128x64xf32, #tpu.memory_space<vmem_shared>>
      tpu.enqueue_dma source(%dma_start3A_114 : memref<128x64xf32, #tpu.memory_space<vmem_shared>>) target(%arg12 : memref<128x64xf32, #tpu.memory_space<vmem>>) target_semaphore(%run_scoped3A : memref<!tpu.dma_semaphore, #tpu.memory_space<semaphore_mem>>)
      %dma_wait3A_115 = arith.constant 0 : i32
      %dma_wait3A_116 = tpu.memref_slice %arg13[%add3A_100, %dma_wait3A_115] : memref<10240x64xf32, #tpu.memory_space<vmem_shared>> -> memref<128x64xf32, #tpu.memory_space<vmem_shared>>
      %dma_wait3A_117 = arith.constant 0 : i32
      %dma_wait3A_118 = tpu.memref_slice %arg13[%add3A_100, %dma_wait3A_117] : memref<10240x64xf32, #tpu.memory_space<vmem_shared>> -> memref<128x64xf32, #tpu.memory_space<vmem_shared>>
      tpu.wait_dma2 semaphore(%run_scoped3A : memref<!tpu.dma_semaphore, #tpu.memory_space<semaphore_mem>>) src(%dma_wait3A_118 : memref<128x64xf32, #tpu.memory_space<vmem_shared>>) dst(%arg12 : memref<128x64xf32, #tpu.memory_space<vmem>>)
      tpu.yield
    }) : () -> ()
    %add3A_101 = arith.constant 256 : i32
    %add3A_102 = arith.addi %mul3A_5, %add3A_101 : i32
    "tpu.region"() ({
      %run_scoped3A = tpu.sem_alloc : memref<!tpu.dma_semaphore, #tpu.memory_space<semaphore_mem>>
      %dma_start3A_111 = arith.constant 0 : i32
      %dma_start3A_112 = tpu.memref_slice %arg5[%arg0, %add3A_102, %dma_start3A_111] : memref<2x10240x64xf32, #tpu.memory_space<hbm>> -> memref<1x128x64xf32, #tpu.memory_space<hbm>>
      %dma_start3A_113 = tpu.memref_squeeze %dma_start3A_112 : memref<1x128x64xf32, #tpu.memory_space<hbm>> -> memref<128x64xf32, #tpu.memory_space<hbm>>
      %dma_start3A_114 = arith.constant 0 : i32
      %dma_start3A_115 = tpu.memref_slice %arg5[%arg0, %add3A_102, %dma_start3A_114] : memref<2x10240x64xf32, #tpu.memory_space<hbm>> -> memref<1x128x64xf32, #tpu.memory_space<hbm>>
      %dma_start3A_116 = tpu.memref_squeeze %dma_start3A_115 : memref<1x128x64xf32, #tpu.memory_space<hbm>> -> memref<128x64xf32, #tpu.memory_space<hbm>>
      tpu.enqueue_dma source(%arg12 : memref<128x64xf32, #tpu.memory_space<vmem>>) target(%dma_start3A_116 : memref<128x64xf32, #tpu.memory_space<hbm>>) target_semaphore(%run_scoped3A : memref<!tpu.dma_semaphore, #tpu.memory_space<semaphore_mem>>)
      %dma_wait3A_117 = arith.constant 0 : i32
      %dma_wait3A_118 = tpu.memref_slice %arg5[%arg0, %add3A_102, %dma_wait3A_117] : memref<2x10240x64xf32, #tpu.memory_space<hbm>> -> memref<1x128x64xf32, #tpu.memory_space<hbm>>
      %dma_wait3A_119 = tpu.memref_squeeze %dma_wait3A_118 : memref<1x128x64xf32, #tpu.memory_space<hbm>> -> memref<128x64xf32, #tpu.memory_space<hbm>>
      %dma_wait3A_120 = arith.constant 0 : i32
      %dma_wait3A_121 = tpu.memref_slice %arg5[%arg0, %add3A_102, %dma_wait3A_120] : memref<2x10240x64xf32, #tpu.memory_space<hbm>> -> memref<1x128x64xf32, #tpu.memory_space<hbm>>
      %dma_wait3A_122 = tpu.memref_squeeze %dma_wait3A_121 : memref<1x128x64xf32, #tpu.memory_space<hbm>> -> memref<128x64xf32, #tpu.memory_space<hbm>>
      tpu.wait_dma2 semaphore(%run_scoped3A : memref<!tpu.dma_semaphore, #tpu.memory_space<semaphore_mem>>) src(%arg12 : memref<128x64xf32, #tpu.memory_space<vmem>>) dst(%dma_wait3A_122 : memref<128x64xf32, #tpu.memory_space<hbm>>)
      tpu.yield
    }) : () -> ()
    %add3A_103 = arith.constant 384 : i32
    %add3A_104 = arith.addi %mul3A_5, %add3A_103 : i32
    "tpu.region"() ({
      %run_scoped3A = tpu.sem_alloc : memref<!tpu.dma_semaphore, #tpu.memory_space<semaphore_mem>>
      %dma_start3A_111 = arith.constant 0 : i32
      %dma_start3A_112 = tpu.memref_slice %arg13[%add3A_104, %dma_start3A_111] : memref<10240x64xf32, #tpu.memory_space<vmem_shared>> -> memref<128x64xf32, #tpu.memory_space<vmem_shared>>
      %dma_start3A_113 = arith.constant 0 : i32
      %dma_start3A_114 = tpu.memref_slice %arg13[%add3A_104, %dma_start3A_113] : memref<10240x64xf32, #tpu.memory_space<vmem_shared>> -> memref<128x64xf32, #tpu.memory_space<vmem_shared>>
      tpu.enqueue_dma source(%dma_start3A_114 : memref<128x64xf32, #tpu.memory_space<vmem_shared>>) target(%arg12 : memref<128x64xf32, #tpu.memory_space<vmem>>) target_semaphore(%run_scoped3A : memref<!tpu.dma_semaphore, #tpu.memory_space<semaphore_mem>>)
      %dma_wait3A_115 = arith.constant 0 : i32
      %dma_wait3A_116 = tpu.memref_slice %arg13[%add3A_104, %dma_wait3A_115] : memref<10240x64xf32, #tpu.memory_space<vmem_shared>> -> memref<128x64xf32, #tpu.memory_space<vmem_shared>>
      %dma_wait3A_117 = arith.constant 0 : i32
      %dma_wait3A_118 = tpu.memref_slice %arg13[%add3A_104, %dma_wait3A_117] : memref<10240x64xf32, #tpu.memory_space<vmem_shared>> -> memref<128x64xf32, #tpu.memory_space<vmem_shared>>
      tpu.wait_dma2 semaphore(%run_scoped3A : memref<!tpu.dma_semaphore, #tpu.memory_space<semaphore_mem>>) src(%dma_wait3A_118 : memref<128x64xf32, #tpu.memory_space<vmem_shared>>) dst(%arg12 : memref<128x64xf32, #tpu.memory_space<vmem>>)
      tpu.yield
    }) : () -> ()
    %add3A_105 = arith.constant 384 : i32
    %add3A_106 = arith.addi %mul3A_5, %add3A_105 : i32
    "tpu.region"() ({
      %run_scoped3A = tpu.sem_alloc : memref<!tpu.dma_semaphore, #tpu.memory_space<semaphore_mem>>
      %dma_start3A_111 = arith.constant 0 : i32
      %dma_start3A_112 = tpu.memref_slice %arg5[%arg0, %add3A_106, %dma_start3A_111] : memref<2x10240x64xf32, #tpu.memory_space<hbm>> -> memref<1x128x64xf32, #tpu.memory_space<hbm>>
      %dma_start3A_113 = tpu.memref_squeeze %dma_start3A_112 : memref<1x128x64xf32, #tpu.memory_space<hbm>> -> memref<128x64xf32, #tpu.memory_space<hbm>>
      %dma_start3A_114 = arith.constant 0 : i32
      %dma_start3A_115 = tpu.memref_slice %arg5[%arg0, %add3A_106, %dma_start3A_114] : memref<2x10240x64xf32, #tpu.memory_space<hbm>> -> memref<1x128x64xf32, #tpu.memory_space<hbm>>
      %dma_start3A_116 = tpu.memref_squeeze %dma_start3A_115 : memref<1x128x64xf32, #tpu.memory_space<hbm>> -> memref<128x64xf32, #tpu.memory_space<hbm>>
      tpu.enqueue_dma source(%arg12 : memref<128x64xf32, #tpu.memory_space<vmem>>) target(%dma_start3A_116 : memref<128x64xf32, #tpu.memory_space<hbm>>) target_semaphore(%run_scoped3A : memref<!tpu.dma_semaphore, #tpu.memory_space<semaphore_mem>>)
      %dma_wait3A_117 = arith.constant 0 : i32
      %dma_wait3A_118 = tpu.memref_slice %arg5[%arg0, %add3A_106, %dma_wait3A_117] : memref<2x10240x64xf32, #tpu.memory_space<hbm>> -> memref<1x128x64xf32, #tpu.memory_space<hbm>>
      %dma_wait3A_119 = tpu.memref_squeeze %dma_wait3A_118 : memref<1x128x64xf32, #tpu.memory_space<hbm>> -> memref<128x64xf32, #tpu.memory_space<hbm>>
      %dma_wait3A_120 = arith.constant 0 : i32
      %dma_wait3A_121 = tpu.memref_slice %arg5[%arg0, %add3A_106, %dma_wait3A_120] : memref<2x10240x64xf32, #tpu.memory_space<hbm>> -> memref<1x128x64xf32, #tpu.memory_space<hbm>>
      %dma_wait3A_122 = tpu.memref_squeeze %dma_wait3A_121 : memref<1x128x64xf32, #tpu.memory_space<hbm>> -> memref<128x64xf32, #tpu.memory_space<hbm>>
      tpu.wait_dma2 semaphore(%run_scoped3A : memref<!tpu.dma_semaphore, #tpu.memory_space<semaphore_mem>>) src(%arg12 : memref<128x64xf32, #tpu.memory_space<vmem>>) dst(%dma_wait3A_122 : memref<128x64xf32, #tpu.memory_space<hbm>>)
      tpu.yield
    }) : () -> ()
    %add3A_107 = arith.constant 512 : i32
    %add3A_108 = arith.addi %mul3A_5, %add3A_107 : i32
    "tpu.region"() ({
      %run_scoped3A = tpu.sem_alloc : memref<!tpu.dma_semaphore, #tpu.memory_space<semaphore_mem>>
      %dma_start3A_111 = arith.constant 0 : i32
      %dma_start3A_112 = tpu.memref_slice %arg13[%add3A_108, %dma_start3A_111] : memref<10240x64xf32, #tpu.memory_space<vmem_shared>> -> memref<128x64xf32, #tpu.memory_space<vmem_shared>>
      %dma_start3A_113 = arith.constant 0 : i32
      %dma_start3A_114 = tpu.memref_slice %arg13[%add3A_108, %dma_start3A_113] : memref<10240x64xf32, #tpu.memory_space<vmem_shared>> -> memref<128x64xf32, #tpu.memory_space<vmem_shared>>
      tpu.enqueue_dma source(%dma_start3A_114 : memref<128x64xf32, #tpu.memory_space<vmem_shared>>) target(%arg12 : memref<128x64xf32, #tpu.memory_space<vmem>>) target_semaphore(%run_scoped3A : memref<!tpu.dma_semaphore, #tpu.memory_space<semaphore_mem>>)
      %dma_wait3A_115 = arith.constant 0 : i32
      %dma_wait3A_116 = tpu.memref_slice %arg13[%add3A_108, %dma_wait3A_115] : memref<10240x64xf32, #tpu.memory_space<vmem_shared>> -> memref<128x64xf32, #tpu.memory_space<vmem_shared>>
      %dma_wait3A_117 = arith.constant 0 : i32
      %dma_wait3A_118 = tpu.memref_slice %arg13[%add3A_108, %dma_wait3A_117] : memref<10240x64xf32, #tpu.memory_space<vmem_shared>> -> memref<128x64xf32, #tpu.memory_space<vmem_shared>>
      tpu.wait_dma2 semaphore(%run_scoped3A : memref<!tpu.dma_semaphore, #tpu.memory_space<semaphore_mem>>) src(%dma_wait3A_118 : memref<128x64xf32, #tpu.memory_space<vmem_shared>>) dst(%arg12 : memref<128x64xf32, #tpu.memory_space<vmem>>)
      tpu.yield
    }) : () -> ()
    %add3A_109 = arith.constant 512 : i32
    %add3A_110 = arith.addi %mul3A_5, %add3A_109 : i32
    "tpu.region"() ({
      %run_scoped3A = tpu.sem_alloc : memref<!tpu.dma_semaphore, #tpu.memory_space<semaphore_mem>>
      %dma_start3A_111 = arith.constant 0 : i32
      %dma_start3A_112 = tpu.memref_slice %arg5[%arg0, %add3A_110, %dma_start3A_111] : memref<2x10240x64xf32, #tpu.memory_space<hbm>> -> memref<1x128x64xf32, #tpu.memory_space<hbm>>
      %dma_start3A_113 = tpu.memref_squeeze %dma_start3A_112 : memref<1x128x64xf32, #tpu.memory_space<hbm>> -> memref<128x64xf32, #tpu.memory_space<hbm>>
      %dma_start3A_114 = arith.constant 0 : i32
      %dma_start3A_115 = tpu.memref_slice %arg5[%arg0, %add3A_110, %dma_start3A_114] : memref<2x10240x64xf32, #tpu.memory_space<hbm>> -> memref<1x128x64xf32, #tpu.memory_space<hbm>>
      %dma_start3A_116 = tpu.memref_squeeze %dma_start3A_115 : memref<1x128x64xf32, #tpu.memory_space<hbm>> -> memref<128x64xf32, #tpu.memory_space<hbm>>
      tpu.enqueue_dma source(%arg12 : memref<128x64xf32, #tpu.memory_space<vmem>>) target(%dma_start3A_116 : memref<128x64xf32, #tpu.memory_space<hbm>>) target_semaphore(%run_scoped3A : memref<!tpu.dma_semaphore, #tpu.memory_space<semaphore_mem>>)
      %dma_wait3A_117 = arith.constant 0 : i32
      %dma_wait3A_118 = tpu.memref_slice %arg5[%arg0, %add3A_110, %dma_wait3A_117] : memref<2x10240x64xf32, #tpu.memory_space<hbm>> -> memref<1x128x64xf32, #tpu.memory_space<hbm>>
      %dma_wait3A_119 = tpu.memref_squeeze %dma_wait3A_118 : memref<1x128x64xf32, #tpu.memory_space<hbm>> -> memref<128x64xf32, #tpu.memory_space<hbm>>
      %dma_wait3A_120 = arith.constant 0 : i32
      %dma_wait3A_121 = tpu.memref_slice %arg5[%arg0, %add3A_110, %dma_wait3A_120] : memref<2x10240x64xf32, #tpu.memory_space<hbm>> -> memref<1x128x64xf32, #tpu.memory_space<hbm>>
      %dma_wait3A_122 = tpu.memref_squeeze %dma_wait3A_121 : memref<1x128x64xf32, #tpu.memory_space<hbm>> -> memref<128x64xf32, #tpu.memory_space<hbm>>
      tpu.wait_dma2 semaphore(%run_scoped3A : memref<!tpu.dma_semaphore, #tpu.memory_space<semaphore_mem>>) src(%arg12 : memref<128x64xf32, #tpu.memory_space<vmem>>) dst(%dma_wait3A_122 : memref<128x64xf32, #tpu.memory_space<hbm>>)
      tpu.yield
    }) : () -> ()
    return
  }
}

#map = affine_map<(d0, d1) -> (0, 0, 0)>
module attributes {stable_mosaic.version = 14 : i64} {
  func.func @_deg_body(%arg0: i32, %arg1: i32, %arg2: memref<16x160x128xi32, #tpu.memory_space<hbm>>, %arg3: memref<2x10240x16xf32, #tpu.memory_space<hbm>>, %arg4: memref<80x128xi32, #tpu.memory_space<vmem>>, %arg5: memref<128x16xf32, #tpu.memory_space<vmem>>, %arg6: memref<128x16xf32, #tpu.memory_space<vmem>>, %arg7: memref<10240x16xf32, #tpu.memory_space<vmem_shared>>, %arg8: memref<!tpu.dma_semaphore, #tpu.memory_space<semaphore_mem>>) attributes {dimension_semantics = [#tpu.dimension_semantics<core_parallel>, #tpu.dimension_semantics<subcore_parallel>], iteration_bounds = array<i64: 2, 16>, scalar_prefetch = 0 : i64, scratch_operands = 5 : i64, tpu.core_type = #tpu.core_type<sc_vector_subcore>, window_params = [{transform_indices = #map}, {transform_indices = #map}]} {
    %mul3A = arith.constant 80 : i32
    %mul3A_0 = arith.muli %arg0, %mul3A : i32
    "tpu.region"() ({
      %run_scoped3A = tpu.sem_alloc : memref<!tpu.dma_semaphore, #tpu.memory_space<semaphore_mem>>
      %dma_start3A = arith.constant 0 : i32
      %dma_start3A_48 = tpu.memref_slice %arg2[%arg1, %mul3A_0, %dma_start3A] : memref<16x160x128xi32, #tpu.memory_space<hbm>> -> memref<1x80x128xi32, #tpu.memory_space<hbm>>
      %dma_start3A_49 = tpu.memref_squeeze %dma_start3A_48 : memref<1x80x128xi32, #tpu.memory_space<hbm>> -> memref<80x128xi32, #tpu.memory_space<hbm>>
      %dma_start3A_50 = arith.constant 0 : i32
      %dma_start3A_51 = tpu.memref_slice %arg2[%arg1, %mul3A_0, %dma_start3A_50] : memref<16x160x128xi32, #tpu.memory_space<hbm>> -> memref<1x80x128xi32, #tpu.memory_space<hbm>>
      %dma_start3A_52 = tpu.memref_squeeze %dma_start3A_51 : memref<1x80x128xi32, #tpu.memory_space<hbm>> -> memref<80x128xi32, #tpu.memory_space<hbm>>
      tpu.enqueue_dma source(%dma_start3A_52 : memref<80x128xi32, #tpu.memory_space<hbm>>) target(%arg4 : memref<80x128xi32, #tpu.memory_space<vmem>>) target_semaphore(%run_scoped3A : memref<!tpu.dma_semaphore, #tpu.memory_space<semaphore_mem>>)
      %dma_wait3A = arith.constant 0 : i32
      %dma_wait3A_53 = tpu.memref_slice %arg2[%arg1, %mul3A_0, %dma_wait3A] : memref<16x160x128xi32, #tpu.memory_space<hbm>> -> memref<1x80x128xi32, #tpu.memory_space<hbm>>
      %dma_wait3A_54 = tpu.memref_squeeze %dma_wait3A_53 : memref<1x80x128xi32, #tpu.memory_space<hbm>> -> memref<80x128xi32, #tpu.memory_space<hbm>>
      %dma_wait3A_55 = arith.constant 0 : i32
      %dma_wait3A_56 = tpu.memref_slice %arg2[%arg1, %mul3A_0, %dma_wait3A_55] : memref<16x160x128xi32, #tpu.memory_space<hbm>> -> memref<1x80x128xi32, #tpu.memory_space<hbm>>
      %dma_wait3A_57 = tpu.memref_squeeze %dma_wait3A_56 : memref<1x80x128xi32, #tpu.memory_space<hbm>> -> memref<80x128xi32, #tpu.memory_space<hbm>>
      tpu.wait_dma2 semaphore(%run_scoped3A : memref<!tpu.dma_semaphore, #tpu.memory_space<semaphore_mem>>) src(%dma_wait3A_57 : memref<80x128xi32, #tpu.memory_space<hbm>>) dst(%arg4 : memref<80x128xi32, #tpu.memory_space<vmem>>)
      tpu.yield
    }) : () -> ()
    %iota3A = tpu.iota {dimensions = array<i32: 0>} : vector<16xi32>
    %eq3A = arith.constant 0 : i32
    %eq3A_1 = vector.broadcast %eq3A : i32 to vector<16xi32>
    %eq3A_2 = arith.cmpi eq, %iota3A, %eq3A_1 : vector<16xi32>
    %jit3A = arith.constant 1.000000e+00 : f32
    %jit3A_3 = arith.constant 0.000000e+00 : f32
    %broadcast_in_dim3A = vector.broadcast %jit3A : f32 to vector<16xf32>
    %broadcast_in_dim3A_4 = vector.broadcast %jit3A_3 : f32 to vector<16xf32>
    %select_n3A = arith.select %eq3A_2, %broadcast_in_dim3A, %broadcast_in_dim3A_4 : vector<16xi1>, vector<16xf32>
    %broadcast_in_dim3A_5 = arith.constant 0.000000e+00 : f32
    %broadcast_in_dim3A_6 = vector.broadcast %broadcast_in_dim3A_5 : f32 to vector<16xf32>
    %scan3A = arith.constant 0 : i32
    %scan3A_7 = arith.constant 128 : i32
    %scan3A_8 = arith.addi %scan3A, %scan3A_7 : i32
    %scan3A_9 = arith.constant 1 : i32
    scf.for %scan3A_48 = %scan3A to %scan3A_8 step %scan3A_9  : i32 {
      %mul3A_49 = arith.constant 1 : i32
      %mul3A_50 = arith.muli %scan3A_48, %mul3A_49 : i32
      %add3A_51 = arith.constant 0 : i32
      %add3A_52 = arith.addi %add3A_51, %mul3A_50 : i32
      %swap3A = arith.index_cast %add3A_52 : i32 to index
      %swap3A_53 = arith.constant 0 : index
      %swap3A_54 = tpu.vector_load %arg5[%swap3A, %swap3A_53] {strides = array<i32>} : memref<128x16xf32, #tpu.memory_space<vmem>>, vector<1x16xf32>,
      %swap3A_55 = vector.shape_cast %swap3A_54 : vector<1x16xf32> to vector<16xf32>
      %swap3A_56 = vector.shape_cast %select_n3A : vector<16xf32> to vector<1x16xf32>
      tpu.vector_store %arg5[%swap3A, %swap3A_53], %swap3A_56 {strides = array<i32>} : memref<128x16xf32, #tpu.memory_space<vmem>>, vector<1x16xf32>,
      %swap3A_57 = arith.index_cast %add3A_52 : i32 to index
      %swap3A_58 = arith.constant 0 : index
      %swap3A_59 = tpu.vector_load %arg6[%swap3A_57, %swap3A_58] {strides = array<i32>} : memref<128x16xf32, #tpu.memory_space<vmem>>, vector<1x16xf32>,
      %swap3A_60 = vector.shape_cast %swap3A_59 : vector<1x16xf32> to vector<16xf32>
      %swap3A_61 = vector.shape_cast %broadcast_in_dim3A_6 : vector<16xf32> to vector<1x16xf32>
      tpu.vector_store %arg6[%swap3A_57, %swap3A_58], %swap3A_61 {strides = array<i32>} : memref<128x16xf32, #tpu.memory_space<vmem>>, vector<1x16xf32>,
    }
    %scan3A_10 = arith.constant 128 : i32
    %mul3A_11 = arith.constant 640 : i32
    %mul3A_12 = arith.muli %arg1, %mul3A_11 : i32
    %add3A = arith.constant 0 : i32
    %add3A_13 = arith.addi %mul3A_12, %add3A : i32
    "tpu.region"() ({
      %run_scoped3A = tpu.sem_alloc : memref<!tpu.dma_semaphore, #tpu.memory_space<semaphore_mem>>
      %dma_start3A = arith.constant 0 : i32
      %dma_start3A_48 = tpu.memref_slice %arg7[%add3A_13, %dma_start3A] : memref<10240x16xf32, #tpu.memory_space<vmem_shared>> -> memref<128x16xf32, #tpu.memory_space<vmem_shared>>
      %dma_start3A_49 = arith.constant 0 : i32
      %dma_start3A_50 = tpu.memref_slice %arg7[%add3A_13, %dma_start3A_49] : memref<10240x16xf32, #tpu.memory_space<vmem_shared>> -> memref<128x16xf32, #tpu.memory_space<vmem_shared>>
      tpu.enqueue_dma source(%arg6 : memref<128x16xf32, #tpu.memory_space<vmem>>) target(%dma_start3A_50 : memref<128x16xf32, #tpu.memory_space<vmem_shared>>) target_semaphore(%run_scoped3A : memref<!tpu.dma_semaphore, #tpu.memory_space<semaphore_mem>>)
      %dma_wait3A = arith.constant 0 : i32
      %dma_wait3A_51 = tpu.memref_slice %arg7[%add3A_13, %dma_wait3A] : memref<10240x16xf32, #tpu.memory_space<vmem_shared>> -> memref<128x16xf32, #tpu.memory_space<vmem_shared>>
      %dma_wait3A_52 = arith.constant 0 : i32
      %dma_wait3A_53 = tpu.memref_slice %arg7[%add3A_13, %dma_wait3A_52] : memref<10240x16xf32, #tpu.memory_space<vmem_shared>> -> memref<128x16xf32, #tpu.memory_space<vmem_shared>>
      tpu.wait_dma2 semaphore(%run_scoped3A : memref<!tpu.dma_semaphore, #tpu.memory_space<semaphore_mem>>) src(%arg6 : memref<128x16xf32, #tpu.memory_space<vmem>>) dst(%dma_wait3A_53 : memref<128x16xf32, #tpu.memory_space<vmem_shared>>)
      tpu.yield
    }) : () -> ()
    %add3A_14 = arith.constant 128 : i32
    %add3A_15 = arith.addi %mul3A_12, %add3A_14 : i32
    "tpu.region"() ({
      %run_scoped3A = tpu.sem_alloc : memref<!tpu.dma_semaphore, #tpu.memory_space<semaphore_mem>>
      %dma_start3A = arith.constant 0 : i32
      %dma_start3A_48 = tpu.memref_slice %arg7[%add3A_15, %dma_start3A] : memref<10240x16xf32, #tpu.memory_space<vmem_shared>> -> memref<128x16xf32, #tpu.memory_space<vmem_shared>>
      %dma_start3A_49 = arith.constant 0 : i32
      %dma_start3A_50 = tpu.memref_slice %arg7[%add3A_15, %dma_start3A_49] : memref<10240x16xf32, #tpu.memory_space<vmem_shared>> -> memref<128x16xf32, #tpu.memory_space<vmem_shared>>
      tpu.enqueue_dma source(%arg6 : memref<128x16xf32, #tpu.memory_space<vmem>>) target(%dma_start3A_50 : memref<128x16xf32, #tpu.memory_space<vmem_shared>>) target_semaphore(%run_scoped3A : memref<!tpu.dma_semaphore, #tpu.memory_space<semaphore_mem>>)
      %dma_wait3A = arith.constant 0 : i32
      %dma_wait3A_51 = tpu.memref_slice %arg7[%add3A_15, %dma_wait3A] : memref<10240x16xf32, #tpu.memory_space<vmem_shared>> -> memref<128x16xf32, #tpu.memory_space<vmem_shared>>
      %dma_wait3A_52 = arith.constant 0 : i32
      %dma_wait3A_53 = tpu.memref_slice %arg7[%add3A_15, %dma_wait3A_52] : memref<10240x16xf32, #tpu.memory_space<vmem_shared>> -> memref<128x16xf32, #tpu.memory_space<vmem_shared>>
      tpu.wait_dma2 semaphore(%run_scoped3A : memref<!tpu.dma_semaphore, #tpu.memory_space<semaphore_mem>>) src(%arg6 : memref<128x16xf32, #tpu.memory_space<vmem>>) dst(%dma_wait3A_53 : memref<128x16xf32, #tpu.memory_space<vmem_shared>>)
      tpu.yield
    }) : () -> ()
    %add3A_16 = arith.constant 256 : i32
    %add3A_17 = arith.addi %mul3A_12, %add3A_16 : i32
    "tpu.region"() ({
      %run_scoped3A = tpu.sem_alloc : memref<!tpu.dma_semaphore, #tpu.memory_space<semaphore_mem>>
      %dma_start3A = arith.constant 0 : i32
      %dma_start3A_48 = tpu.memref_slice %arg7[%add3A_17, %dma_start3A] : memref<10240x16xf32, #tpu.memory_space<vmem_shared>> -> memref<128x16xf32, #tpu.memory_space<vmem_shared>>
      %dma_start3A_49 = arith.constant 0 : i32
      %dma_start3A_50 = tpu.memref_slice %arg7[%add3A_17, %dma_start3A_49] : memref<10240x16xf32, #tpu.memory_space<vmem_shared>> -> memref<128x16xf32, #tpu.memory_space<vmem_shared>>
      tpu.enqueue_dma source(%arg6 : memref<128x16xf32, #tpu.memory_space<vmem>>) target(%dma_start3A_50 : memref<128x16xf32, #tpu.memory_space<vmem_shared>>) target_semaphore(%run_scoped3A : memref<!tpu.dma_semaphore, #tpu.memory_space<semaphore_mem>>)
      %dma_wait3A = arith.constant 0 : i32
      %dma_wait3A_51 = tpu.memref_slice %arg7[%add3A_17, %dma_wait3A] : memref<10240x16xf32, #tpu.memory_space<vmem_shared>> -> memref<128x16xf32, #tpu.memory_space<vmem_shared>>
      %dma_wait3A_52 = arith.constant 0 : i32
      %dma_wait3A_53 = tpu.memref_slice %arg7[%add3A_17, %dma_wait3A_52] : memref<10240x16xf32, #tpu.memory_space<vmem_shared>> -> memref<128x16xf32, #tpu.memory_space<vmem_shared>>
      tpu.wait_dma2 semaphore(%run_scoped3A : memref<!tpu.dma_semaphore, #tpu.memory_space<semaphore_mem>>) src(%arg6 : memref<128x16xf32, #tpu.memory_space<vmem>>) dst(%dma_wait3A_53 : memref<128x16xf32, #tpu.memory_space<vmem_shared>>)
      tpu.yield
    }) : () -> ()
    %add3A_18 = arith.constant 384 : i32
    %add3A_19 = arith.addi %mul3A_12, %add3A_18 : i32
    "tpu.region"() ({
      %run_scoped3A = tpu.sem_alloc : memref<!tpu.dma_semaphore, #tpu.memory_space<semaphore_mem>>
      %dma_start3A = arith.constant 0 : i32
      %dma_start3A_48 = tpu.memref_slice %arg7[%add3A_19, %dma_start3A] : memref<10240x16xf32, #tpu.memory_space<vmem_shared>> -> memref<128x16xf32, #tpu.memory_space<vmem_shared>>
      %dma_start3A_49 = arith.constant 0 : i32
      %dma_start3A_50 = tpu.memref_slice %arg7[%add3A_19, %dma_start3A_49] : memref<10240x16xf32, #tpu.memory_space<vmem_shared>> -> memref<128x16xf32, #tpu.memory_space<vmem_shared>>
      tpu.enqueue_dma source(%arg6 : memref<128x16xf32, #tpu.memory_space<vmem>>) target(%dma_start3A_50 : memref<128x16xf32, #tpu.memory_space<vmem_shared>>) target_semaphore(%run_scoped3A : memref<!tpu.dma_semaphore, #tpu.memory_space<semaphore_mem>>)
      %dma_wait3A = arith.constant 0 : i32
      %dma_wait3A_51 = tpu.memref_slice %arg7[%add3A_19, %dma_wait3A] : memref<10240x16xf32, #tpu.memory_space<vmem_shared>> -> memref<128x16xf32, #tpu.memory_space<vmem_shared>>
      %dma_wait3A_52 = arith.constant 0 : i32
      %dma_wait3A_53 = tpu.memref_slice %arg7[%add3A_19, %dma_wait3A_52] : memref<10240x16xf32, #tpu.memory_space<vmem_shared>> -> memref<128x16xf32, #tpu.memory_space<vmem_shared>>
      tpu.wait_dma2 semaphore(%run_scoped3A : memref<!tpu.dma_semaphore, #tpu.memory_space<semaphore_mem>>) src(%arg6 : memref<128x16xf32, #tpu.memory_space<vmem>>) dst(%dma_wait3A_53 : memref<128x16xf32, #tpu.memory_space<vmem_shared>>)
      tpu.yield
    }) : () -> ()
    %add3A_20 = arith.constant 512 : i32
    %add3A_21 = arith.addi %mul3A_12, %add3A_20 : i32
    "tpu.region"() ({
      %run_scoped3A = tpu.sem_alloc : memref<!tpu.dma_semaphore, #tpu.memory_space<semaphore_mem>>
      %dma_start3A = arith.constant 0 : i32
      %dma_start3A_48 = tpu.memref_slice %arg7[%add3A_21, %dma_start3A] : memref<10240x16xf32, #tpu.memory_space<vmem_shared>> -> memref<128x16xf32, #tpu.memory_space<vmem_shared>>
      %dma_start3A_49 = arith.constant 0 : i32
      %dma_start3A_50 = tpu.memref_slice %arg7[%add3A_21, %dma_start3A_49] : memref<10240x16xf32, #tpu.memory_space<vmem_shared>> -> memref<128x16xf32, #tpu.memory_space<vmem_shared>>
      tpu.enqueue_dma source(%arg6 : memref<128x16xf32, #tpu.memory_space<vmem>>) target(%dma_start3A_50 : memref<128x16xf32, #tpu.memory_space<vmem_shared>>) target_semaphore(%run_scoped3A : memref<!tpu.dma_semaphore, #tpu.memory_space<semaphore_mem>>)
      %dma_wait3A = arith.constant 0 : i32
      %dma_wait3A_51 = tpu.memref_slice %arg7[%add3A_21, %dma_wait3A] : memref<10240x16xf32, #tpu.memory_space<vmem_shared>> -> memref<128x16xf32, #tpu.memory_space<vmem_shared>>
      %dma_wait3A_52 = arith.constant 0 : i32
      %dma_wait3A_53 = tpu.memref_slice %arg7[%add3A_21, %dma_wait3A_52] : memref<10240x16xf32, #tpu.memory_space<vmem_shared>> -> memref<128x16xf32, #tpu.memory_space<vmem_shared>>
      tpu.wait_dma2 semaphore(%run_scoped3A : memref<!tpu.dma_semaphore, #tpu.memory_space<semaphore_mem>>) src(%arg6 : memref<128x16xf32, #tpu.memory_space<vmem>>) dst(%dma_wait3A_53 : memref<128x16xf32, #tpu.memory_space<vmem_shared>>)
      tpu.yield
    }) : () -> ()
    %barrier3A = arith.constant 0 : index
    tpu.barrier barrier_id(%barrier3A)
    %scan3A_22 = arith.constant 0 : i32
    %scan3A_23 = arith.constant 10 : i32
    %scan3A_24 = arith.addi %scan3A_22, %scan3A_23 : i32
    %scan3A_25 = arith.constant 1 : i32
    scf.for %scan3A_48 = %scan3A_22 to %scan3A_24 step %scan3A_25  : i32 {
      %mul3A_49 = arith.constant 8 : i32
      %mul3A_50 = arith.muli %scan3A_48, %mul3A_49 : i32
      %add3A_51 = arith.constant 0 : i32
      %add3A_52 = arith.addi %add3A_51, %mul3A_50 : i32
      %add3A_53 = arith.constant 0 : i32
      %add3A_54 = arith.addi %add3A_52, %add3A_53 : i32
      %dma_start3A = arith.constant 0 : i32
      %dma_start3A_55 = tpu.memref_slice %arg4[%add3A_54, %dma_start3A] : memref<80x128xi32, #tpu.memory_space<vmem>> -> memref<1x128xi32, #tpu.memory_space<vmem>>
      %dma_start3A_56 = tpu.memref_squeeze %dma_start3A_55 : memref<1x128xi32, #tpu.memory_space<vmem>> -> memref<128xi32, #tpu.memory_space<vmem>>
      %dma_start3A_57 = arith.constant 0 : i32
      %dma_start3A_58 = arith.constant 0 : i32
      %dma_start3A_59 = tpu.memref_slice %arg7[%dma_start3A_57, %dma_start3A_58] : memref<10240x16xf32, #tpu.memory_space<vmem_shared>> -> memref<10240x16xf32, #tpu.memory_space<vmem_shared>>
      tpu.enqueue_indirect_dma source(%arg5 : memref<128x16xf32, #tpu.memory_space<vmem>>) target(%dma_start3A_59 : memref<10240x16xf32, #tpu.memory_space<vmem_shared>>) offsets(%dma_start3A_56 : memref<128xi32, #tpu.memory_space<vmem>>) semaphore(%arg8 : memref<!tpu.dma_semaphore, #tpu.memory_space<semaphore_mem>>) {add = true}
      %add3A_60 = arith.constant 1 : i32
      %add3A_61 = arith.addi %add3A_52, %add3A_60 : i32
      %dma_start3A_62 = arith.constant 0 : i32
      %dma_start3A_63 = tpu.memref_slice %arg4[%add3A_61, %dma_start3A_62] : memref<80x128xi32, #tpu.memory_space<vmem>> -> memref<1x128xi32, #tpu.memory_space<vmem>>
      %dma_start3A_64 = tpu.memref_squeeze %dma_start3A_63 : memref<1x128xi32, #tpu.memory_space<vmem>> -> memref<128xi32, #tpu.memory_space<vmem>>
      %dma_start3A_65 = arith.constant 0 : i32
      %dma_start3A_66 = arith.constant 0 : i32
      %dma_start3A_67 = tpu.memref_slice %arg7[%dma_start3A_65, %dma_start3A_66] : memref<10240x16xf32, #tpu.memory_space<vmem_shared>> -> memref<10240x16xf32, #tpu.memory_space<vmem_shared>>
      tpu.enqueue_indirect_dma source(%arg5 : memref<128x16xf32, #tpu.memory_space<vmem>>) target(%dma_start3A_67 : memref<10240x16xf32, #tpu.memory_space<vmem_shared>>) offsets(%dma_start3A_64 : memref<128xi32, #tpu.memory_space<vmem>>) semaphore(%arg8 : memref<!tpu.dma_semaphore, #tpu.memory_space<semaphore_mem>>) {add = true}
      %add3A_68 = arith.constant 2 : i32
      %add3A_69 = arith.addi %add3A_52, %add3A_68 : i32
      %dma_start3A_70 = arith.constant 0 : i32
      %dma_start3A_71 = tpu.memref_slice %arg4[%add3A_69, %dma_start3A_70] : memref<80x128xi32, #tpu.memory_space<vmem>> -> memref<1x128xi32, #tpu.memory_space<vmem>>
      %dma_start3A_72 = tpu.memref_squeeze %dma_start3A_71 : memref<1x128xi32, #tpu.memory_space<vmem>> -> memref<128xi32, #tpu.memory_space<vmem>>
      %dma_start3A_73 = arith.constant 0 : i32
      %dma_start3A_74 = arith.constant 0 : i32
      %dma_start3A_75 = tpu.memref_slice %arg7[%dma_start3A_73, %dma_start3A_74] : memref<10240x16xf32, #tpu.memory_space<vmem_shared>> -> memref<10240x16xf32, #tpu.memory_space<vmem_shared>>
      tpu.enqueue_indirect_dma source(%arg5 : memref<128x16xf32, #tpu.memory_space<vmem>>) target(%dma_start3A_75 : memref<10240x16xf32, #tpu.memory_space<vmem_shared>>) offsets(%dma_start3A_72 : memref<128xi32, #tpu.memory_space<vmem>>) semaphore(%arg8 : memref<!tpu.dma_semaphore, #tpu.memory_space<semaphore_mem>>) {add = true}
      %add3A_76 = arith.constant 3 : i32
      %add3A_77 = arith.addi %add3A_52, %add3A_76 : i32
      %dma_start3A_78 = arith.constant 0 : i32
      %dma_start3A_79 = tpu.memref_slice %arg4[%add3A_77, %dma_start3A_78] : memref<80x128xi32, #tpu.memory_space<vmem>> -> memref<1x128xi32, #tpu.memory_space<vmem>>
      %dma_start3A_80 = tpu.memref_squeeze %dma_start3A_79 : memref<1x128xi32, #tpu.memory_space<vmem>> -> memref<128xi32, #tpu.memory_space<vmem>>
      %dma_start3A_81 = arith.constant 0 : i32
      %dma_start3A_82 = arith.constant 0 : i32
      %dma_start3A_83 = tpu.memref_slice %arg7[%dma_start3A_81, %dma_start3A_82] : memref<10240x16xf32, #tpu.memory_space<vmem_shared>> -> memref<10240x16xf32, #tpu.memory_space<vmem_shared>>
      tpu.enqueue_indirect_dma source(%arg5 : memref<128x16xf32, #tpu.memory_space<vmem>>) target(%dma_start3A_83 : memref<10240x16xf32, #tpu.memory_space<vmem_shared>>) offsets(%dma_start3A_80 : memref<128xi32, #tpu.memory_space<vmem>>) semaphore(%arg8 : memref<!tpu.dma_semaphore, #tpu.memory_space<semaphore_mem>>) {add = true}
      %add3A_84 = arith.constant 4 : i32
      %add3A_85 = arith.addi %add3A_52, %add3A_84 : i32
      %dma_start3A_86 = arith.constant 0 : i32
      %dma_start3A_87 = tpu.memref_slice %arg4[%add3A_85, %dma_start3A_86] : memref<80x128xi32, #tpu.memory_space<vmem>> -> memref<1x128xi32, #tpu.memory_space<vmem>>
      %dma_start3A_88 = tpu.memref_squeeze %dma_start3A_87 : memref<1x128xi32, #tpu.memory_space<vmem>> -> memref<128xi32, #tpu.memory_space<vmem>>
      %dma_start3A_89 = arith.constant 0 : i32
      %dma_start3A_90 = arith.constant 0 : i32
      %dma_start3A_91 = tpu.memref_slice %arg7[%dma_start3A_89, %dma_start3A_90] : memref<10240x16xf32, #tpu.memory_space<vmem_shared>> -> memref<10240x16xf32, #tpu.memory_space<vmem_shared>>
      tpu.enqueue_indirect_dma source(%arg5 : memref<128x16xf32, #tpu.memory_space<vmem>>) target(%dma_start3A_91 : memref<10240x16xf32, #tpu.memory_space<vmem_shared>>) offsets(%dma_start3A_88 : memref<128xi32, #tpu.memory_space<vmem>>) semaphore(%arg8 : memref<!tpu.dma_semaphore, #tpu.memory_space<semaphore_mem>>) {add = true}
      %add3A_92 = arith.constant 5 : i32
      %add3A_93 = arith.addi %add3A_52, %add3A_92 : i32
      %dma_start3A_94 = arith.constant 0 : i32
      %dma_start3A_95 = tpu.memref_slice %arg4[%add3A_93, %dma_start3A_94] : memref<80x128xi32, #tpu.memory_space<vmem>> -> memref<1x128xi32, #tpu.memory_space<vmem>>
      %dma_start3A_96 = tpu.memref_squeeze %dma_start3A_95 : memref<1x128xi32, #tpu.memory_space<vmem>> -> memref<128xi32, #tpu.memory_space<vmem>>
      %dma_start3A_97 = arith.constant 0 : i32
      %dma_start3A_98 = arith.constant 0 : i32
      %dma_start3A_99 = tpu.memref_slice %arg7[%dma_start3A_97, %dma_start3A_98] : memref<10240x16xf32, #tpu.memory_space<vmem_shared>> -> memref<10240x16xf32, #tpu.memory_space<vmem_shared>>
      tpu.enqueue_indirect_dma source(%arg5 : memref<128x16xf32, #tpu.memory_space<vmem>>) target(%dma_start3A_99 : memref<10240x16xf32, #tpu.memory_space<vmem_shared>>) offsets(%dma_start3A_96 : memref<128xi32, #tpu.memory_space<vmem>>) semaphore(%arg8 : memref<!tpu.dma_semaphore, #tpu.memory_space<semaphore_mem>>) {add = true}
      %add3A_100 = arith.constant 6 : i32
      %add3A_101 = arith.addi %add3A_52, %add3A_100 : i32
      %dma_start3A_102 = arith.constant 0 : i32
      %dma_start3A_103 = tpu.memref_slice %arg4[%add3A_101, %dma_start3A_102] : memref<80x128xi32, #tpu.memory_space<vmem>> -> memref<1x128xi32, #tpu.memory_space<vmem>>
      %dma_start3A_104 = tpu.memref_squeeze %dma_start3A_103 : memref<1x128xi32, #tpu.memory_space<vmem>> -> memref<128xi32, #tpu.memory_space<vmem>>
      %dma_start3A_105 = arith.constant 0 : i32
      %dma_start3A_106 = arith.constant 0 : i32
      %dma_start3A_107 = tpu.memref_slice %arg7[%dma_start3A_105, %dma_start3A_106] : memref<10240x16xf32, #tpu.memory_space<vmem_shared>> -> memref<10240x16xf32, #tpu.memory_space<vmem_shared>>
      tpu.enqueue_indirect_dma source(%arg5 : memref<128x16xf32, #tpu.memory_space<vmem>>) target(%dma_start3A_107 : memref<10240x16xf32, #tpu.memory_space<vmem_shared>>) offsets(%dma_start3A_104 : memref<128xi32, #tpu.memory_space<vmem>>) semaphore(%arg8 : memref<!tpu.dma_semaphore, #tpu.memory_space<semaphore_mem>>) {add = true}
      %add3A_108 = arith.constant 7 : i32
      %add3A_109 = arith.addi %add3A_52, %add3A_108 : i32
      %dma_start3A_110 = arith.constant 0 : i32
      %dma_start3A_111 = tpu.memref_slice %arg4[%add3A_109, %dma_start3A_110] : memref<80x128xi32, #tpu.memory_space<vmem>> -> memref<1x128xi32, #tpu.memory_space<vmem>>
      %dma_start3A_112 = tpu.memref_squeeze %dma_start3A_111 : memref<1x128xi32, #tpu.memory_space<vmem>> -> memref<128xi32, #tpu.memory_space<vmem>>
      %dma_start3A_113 = arith.constant 0 : i32
      %dma_start3A_114 = arith.constant 0 : i32
      %dma_start3A_115 = tpu.memref_slice %arg7[%dma_start3A_113, %dma_start3A_114] : memref<10240x16xf32, #tpu.memory_space<vmem_shared>> -> memref<10240x16xf32, #tpu.memory_space<vmem_shared>>
      tpu.enqueue_indirect_dma source(%arg5 : memref<128x16xf32, #tpu.memory_space<vmem>>) target(%dma_start3A_115 : memref<10240x16xf32, #tpu.memory_space<vmem_shared>>) offsets(%dma_start3A_112 : memref<128xi32, #tpu.memory_space<vmem>>) semaphore(%arg8 : memref<!tpu.dma_semaphore, #tpu.memory_space<semaphore_mem>>) {add = true}
      %dma_wait3A = arith.constant 0 : i32
      %dma_wait3A_116 = tpu.memref_slice %arg4[%add3A_54, %dma_wait3A] : memref<80x128xi32, #tpu.memory_space<vmem>> -> memref<1x128xi32, #tpu.memory_space<vmem>>
      %dma_wait3A_117 = tpu.memref_squeeze %dma_wait3A_116 : memref<1x128xi32, #tpu.memory_space<vmem>> -> memref<128xi32, #tpu.memory_space<vmem>>
      %dma_wait3A_118 = arith.constant 0 : i32
      %dma_wait3A_119 = arith.constant 0 : i32
      %dma_wait3A_120 = tpu.memref_slice %arg7[%dma_wait3A_118, %dma_wait3A_119] : memref<10240x16xf32, #tpu.memory_space<vmem_shared>> -> memref<10240x16xf32, #tpu.memory_space<vmem_shared>>
      tpu.wait_indirect_dma semaphore(%arg8 : memref<!tpu.dma_semaphore, #tpu.memory_space<semaphore_mem>>) src(%arg5 : memref<128x16xf32, #tpu.memory_space<vmem>>) dst(%dma_wait3A_120 : memref<10240x16xf32, #tpu.memory_space<vmem_shared>>)
      %dma_wait3A_121 = arith.constant 0 : i32
      %dma_wait3A_122 = tpu.memref_slice %arg4[%add3A_61, %dma_wait3A_121] : memref<80x128xi32, #tpu.memory_space<vmem>> -> memref<1x128xi32, #tpu.memory_space<vmem>>
      %dma_wait3A_123 = tpu.memref_squeeze %dma_wait3A_122 : memref<1x128xi32, #tpu.memory_space<vmem>> -> memref<128xi32, #tpu.memory_space<vmem>>
      %dma_wait3A_124 = arith.constant 0 : i32
      %dma_wait3A_125 = arith.constant 0 : i32
      %dma_wait3A_126 = tpu.memref_slice %arg7[%dma_wait3A_124, %dma_wait3A_125] : memref<10240x16xf32, #tpu.memory_space<vmem_shared>> -> memref<10240x16xf32, #tpu.memory_space<vmem_shared>>
      tpu.wait_indirect_dma semaphore(%arg8 : memref<!tpu.dma_semaphore, #tpu.memory_space<semaphore_mem>>) src(%arg5 : memref<128x16xf32, #tpu.memory_space<vmem>>) dst(%dma_wait3A_126 : memref<10240x16xf32, #tpu.memory_space<vmem_shared>>)
      %dma_wait3A_127 = arith.constant 0 : i32
      %dma_wait3A_128 = tpu.memref_slice %arg4[%add3A_69, %dma_wait3A_127] : memref<80x128xi32, #tpu.memory_space<vmem>> -> memref<1x128xi32, #tpu.memory_space<vmem>>
      %dma_wait3A_129 = tpu.memref_squeeze %dma_wait3A_128 : memref<1x128xi32, #tpu.memory_space<vmem>> -> memref<128xi32, #tpu.memory_space<vmem>>
      %dma_wait3A_130 = arith.constant 0 : i32
      %dma_wait3A_131 = arith.constant 0 : i32
      %dma_wait3A_132 = tpu.memref_slice %arg7[%dma_wait3A_130, %dma_wait3A_131] : memref<10240x16xf32, #tpu.memory_space<vmem_shared>> -> memref<10240x16xf32, #tpu.memory_space<vmem_shared>>
      tpu.wait_indirect_dma semaphore(%arg8 : memref<!tpu.dma_semaphore, #tpu.memory_space<semaphore_mem>>) src(%arg5 : memref<128x16xf32, #tpu.memory_space<vmem>>) dst(%dma_wait3A_132 : memref<10240x16xf32, #tpu.memory_space<vmem_shared>>)
      %dma_wait3A_133 = arith.constant 0 : i32
      %dma_wait3A_134 = tpu.memref_slice %arg4[%add3A_77, %dma_wait3A_133] : memref<80x128xi32, #tpu.memory_space<vmem>> -> memref<1x128xi32, #tpu.memory_space<vmem>>
      %dma_wait3A_135 = tpu.memref_squeeze %dma_wait3A_134 : memref<1x128xi32, #tpu.memory_space<vmem>> -> memref<128xi32, #tpu.memory_space<vmem>>
      %dma_wait3A_136 = arith.constant 0 : i32
      %dma_wait3A_137 = arith.constant 0 : i32
      %dma_wait3A_138 = tpu.memref_slice %arg7[%dma_wait3A_136, %dma_wait3A_137] : memref<10240x16xf32, #tpu.memory_space<vmem_shared>> -> memref<10240x16xf32, #tpu.memory_space<vmem_shared>>
      tpu.wait_indirect_dma semaphore(%arg8 : memref<!tpu.dma_semaphore, #tpu.memory_space<semaphore_mem>>) src(%arg5 : memref<128x16xf32, #tpu.memory_space<vmem>>) dst(%dma_wait3A_138 : memref<10240x16xf32, #tpu.memory_space<vmem_shared>>)
      %dma_wait3A_139 = arith.constant 0 : i32
      %dma_wait3A_140 = tpu.memref_slice %arg4[%add3A_85, %dma_wait3A_139] : memref<80x128xi32, #tpu.memory_space<vmem>> -> memref<1x128xi32, #tpu.memory_space<vmem>>
      %dma_wait3A_141 = tpu.memref_squeeze %dma_wait3A_140 : memref<1x128xi32, #tpu.memory_space<vmem>> -> memref<128xi32, #tpu.memory_space<vmem>>
      %dma_wait3A_142 = arith.constant 0 : i32
      %dma_wait3A_143 = arith.constant 0 : i32
      %dma_wait3A_144 = tpu.memref_slice %arg7[%dma_wait3A_142, %dma_wait3A_143] : memref<10240x16xf32, #tpu.memory_space<vmem_shared>> -> memref<10240x16xf32, #tpu.memory_space<vmem_shared>>
      tpu.wait_indirect_dma semaphore(%arg8 : memref<!tpu.dma_semaphore, #tpu.memory_space<semaphore_mem>>) src(%arg5 : memref<128x16xf32, #tpu.memory_space<vmem>>) dst(%dma_wait3A_144 : memref<10240x16xf32, #tpu.memory_space<vmem_shared>>)
      %dma_wait3A_145 = arith.constant 0 : i32
      %dma_wait3A_146 = tpu.memref_slice %arg4[%add3A_93, %dma_wait3A_145] : memref<80x128xi32, #tpu.memory_space<vmem>> -> memref<1x128xi32, #tpu.memory_space<vmem>>
      %dma_wait3A_147 = tpu.memref_squeeze %dma_wait3A_146 : memref<1x128xi32, #tpu.memory_space<vmem>> -> memref<128xi32, #tpu.memory_space<vmem>>
      %dma_wait3A_148 = arith.constant 0 : i32
      %dma_wait3A_149 = arith.constant 0 : i32
      %dma_wait3A_150 = tpu.memref_slice %arg7[%dma_wait3A_148, %dma_wait3A_149] : memref<10240x16xf32, #tpu.memory_space<vmem_shared>> -> memref<10240x16xf32, #tpu.memory_space<vmem_shared>>
      tpu.wait_indirect_dma semaphore(%arg8 : memref<!tpu.dma_semaphore, #tpu.memory_space<semaphore_mem>>) src(%arg5 : memref<128x16xf32, #tpu.memory_space<vmem>>) dst(%dma_wait3A_150 : memref<10240x16xf32, #tpu.memory_space<vmem_shared>>)
      %dma_wait3A_151 = arith.constant 0 : i32
      %dma_wait3A_152 = tpu.memref_slice %arg4[%add3A_101, %dma_wait3A_151] : memref<80x128xi32, #tpu.memory_space<vmem>> -> memref<1x128xi32, #tpu.memory_space<vmem>>
      %dma_wait3A_153 = tpu.memref_squeeze %dma_wait3A_152 : memref<1x128xi32, #tpu.memory_space<vmem>> -> memref<128xi32, #tpu.memory_space<vmem>>
      %dma_wait3A_154 = arith.constant 0 : i32
      %dma_wait3A_155 = arith.constant 0 : i32
      %dma_wait3A_156 = tpu.memref_slice %arg7[%dma_wait3A_154, %dma_wait3A_155] : memref<10240x16xf32, #tpu.memory_space<vmem_shared>> -> memref<10240x16xf32, #tpu.memory_space<vmem_shared>>
      tpu.wait_indirect_dma semaphore(%arg8 : memref<!tpu.dma_semaphore, #tpu.memory_space<semaphore_mem>>) src(%arg5 : memref<128x16xf32, #tpu.memory_space<vmem>>) dst(%dma_wait3A_156 : memref<10240x16xf32, #tpu.memory_space<vmem_shared>>)
      %dma_wait3A_157 = arith.constant 0 : i32
      %dma_wait3A_158 = tpu.memref_slice %arg4[%add3A_109, %dma_wait3A_157] : memref<80x128xi32, #tpu.memory_space<vmem>> -> memref<1x128xi32, #tpu.memory_space<vmem>>
      %dma_wait3A_159 = tpu.memref_squeeze %dma_wait3A_158 : memref<1x128xi32, #tpu.memory_space<vmem>> -> memref<128xi32, #tpu.memory_space<vmem>>
      %dma_wait3A_160 = arith.constant 0 : i32
      %dma_wait3A_161 = arith.constant 0 : i32
      %dma_wait3A_162 = tpu.memref_slice %arg7[%dma_wait3A_160, %dma_wait3A_161] : memref<10240x16xf32, #tpu.memory_space<vmem_shared>> -> memref<10240x16xf32, #tpu.memory_space<vmem_shared>>
      tpu.wait_indirect_dma semaphore(%arg8 : memref<!tpu.dma_semaphore, #tpu.memory_space<semaphore_mem>>) src(%arg5 : memref<128x16xf32, #tpu.memory_space<vmem>>) dst(%dma_wait3A_162 : memref<10240x16xf32, #tpu.memory_space<vmem_shared>>)
    }
    %scan3A_26 = arith.constant 10 : i32
    %barrier3A_27 = arith.constant 0 : index
    tpu.barrier barrier_id(%barrier3A_27)
    %add3A_28 = arith.constant 0 : i32
    %add3A_29 = arith.addi %mul3A_12, %add3A_28 : i32
    "tpu.region"() ({
      %run_scoped3A = tpu.sem_alloc : memref<!tpu.dma_semaphore, #tpu.memory_space<semaphore_mem>>
      %dma_start3A = arith.constant 0 : i32
      %dma_start3A_48 = tpu.memref_slice %arg7[%add3A_29, %dma_start3A] : memref<10240x16xf32, #tpu.memory_space<vmem_shared>> -> memref<128x16xf32, #tpu.memory_space<vmem_shared>>
      %dma_start3A_49 = arith.constant 0 : i32
      %dma_start3A_50 = tpu.memref_slice %arg7[%add3A_29, %dma_start3A_49] : memref<10240x16xf32, #tpu.memory_space<vmem_shared>> -> memref<128x16xf32, #tpu.memory_space<vmem_shared>>
      tpu.enqueue_dma source(%dma_start3A_50 : memref<128x16xf32, #tpu.memory_space<vmem_shared>>) target(%arg6 : memref<128x16xf32, #tpu.memory_space<vmem>>) target_semaphore(%run_scoped3A : memref<!tpu.dma_semaphore, #tpu.memory_space<semaphore_mem>>)
      %dma_wait3A = arith.constant 0 : i32
      %dma_wait3A_51 = tpu.memref_slice %arg7[%add3A_29, %dma_wait3A] : memref<10240x16xf32, #tpu.memory_space<vmem_shared>> -> memref<128x16xf32, #tpu.memory_space<vmem_shared>>
      %dma_wait3A_52 = arith.constant 0 : i32
      %dma_wait3A_53 = tpu.memref_slice %arg7[%add3A_29, %dma_wait3A_52] : memref<10240x16xf32, #tpu.memory_space<vmem_shared>> -> memref<128x16xf32, #tpu.memory_space<vmem_shared>>
      tpu.wait_dma2 semaphore(%run_scoped3A : memref<!tpu.dma_semaphore, #tpu.memory_space<semaphore_mem>>) src(%dma_wait3A_53 : memref<128x16xf32, #tpu.memory_space<vmem_shared>>) dst(%arg6 : memref<128x16xf32, #tpu.memory_space<vmem>>)
      tpu.yield
    }) : () -> ()
    %add3A_30 = arith.constant 0 : i32
    %add3A_31 = arith.addi %mul3A_12, %add3A_30 : i32
    "tpu.region"() ({
      %run_scoped3A = tpu.sem_alloc : memref<!tpu.dma_semaphore, #tpu.memory_space<semaphore_mem>>
      %dma_start3A = arith.constant 0 : i32
      %dma_start3A_48 = tpu.memref_slice %arg3[%arg0, %add3A_31, %dma_start3A] : memref<2x10240x16xf32, #tpu.memory_space<hbm>> -> memref<1x128x16xf32, #tpu.memory_space<hbm>>
      %dma_start3A_49 = tpu.memref_squeeze %dma_start3A_48 : memref<1x128x16xf32, #tpu.memory_space<hbm>> -> memref<128x16xf32, #tpu.memory_space<hbm>>
      %dma_start3A_50 = arith.constant 0 : i32
      %dma_start3A_51 = tpu.memref_slice %arg3[%arg0, %add3A_31, %dma_start3A_50] : memref<2x10240x16xf32, #tpu.memory_space<hbm>> -> memref<1x128x16xf32, #tpu.memory_space<hbm>>
      %dma_start3A_52 = tpu.memref_squeeze %dma_start3A_51 : memref<1x128x16xf32, #tpu.memory_space<hbm>> -> memref<128x16xf32, #tpu.memory_space<hbm>>
      tpu.enqueue_dma source(%arg6 : memref<128x16xf32, #tpu.memory_space<vmem>>) target(%dma_start3A_52 : memref<128x16xf32, #tpu.memory_space<hbm>>) target_semaphore(%run_scoped3A : memref<!tpu.dma_semaphore, #tpu.memory_space<semaphore_mem>>)
      %dma_wait3A = arith.constant 0 : i32
      %dma_wait3A_53 = tpu.memref_slice %arg3[%arg0, %add3A_31, %dma_wait3A] : memref<2x10240x16xf32, #tpu.memory_space<hbm>> -> memref<1x128x16xf32, #tpu.memory_space<hbm>>
      %dma_wait3A_54 = tpu.memref_squeeze %dma_wait3A_53 : memref<1x128x16xf32, #tpu.memory_space<hbm>> -> memref<128x16xf32, #tpu.memory_space<hbm>>
      %dma_wait3A_55 = arith.constant 0 : i32
      %dma_wait3A_56 = tpu.memref_slice %arg3[%arg0, %add3A_31, %dma_wait3A_55] : memref<2x10240x16xf32, #tpu.memory_space<hbm>> -> memref<1x128x16xf32, #tpu.memory_space<hbm>>
      %dma_wait3A_57 = tpu.memref_squeeze %dma_wait3A_56 : memref<1x128x16xf32, #tpu.memory_space<hbm>> -> memref<128x16xf32, #tpu.memory_space<hbm>>
      tpu.wait_dma2 semaphore(%run_scoped3A : memref<!tpu.dma_semaphore, #tpu.memory_space<semaphore_mem>>) src(%arg6 : memref<128x16xf32, #tpu.memory_space<vmem>>) dst(%dma_wait3A_57 : memref<128x16xf32, #tpu.memory_space<hbm>>)
      tpu.yield
    }) : () -> ()
    %add3A_32 = arith.constant 128 : i32
    %add3A_33 = arith.addi %mul3A_12, %add3A_32 : i32
    "tpu.region"() ({
      %run_scoped3A = tpu.sem_alloc : memref<!tpu.dma_semaphore, #tpu.memory_space<semaphore_mem>>
      %dma_start3A = arith.constant 0 : i32
      %dma_start3A_48 = tpu.memref_slice %arg7[%add3A_33, %dma_start3A] : memref<10240x16xf32, #tpu.memory_space<vmem_shared>> -> memref<128x16xf32, #tpu.memory_space<vmem_shared>>
      %dma_start3A_49 = arith.constant 0 : i32
      %dma_start3A_50 = tpu.memref_slice %arg7[%add3A_33, %dma_start3A_49] : memref<10240x16xf32, #tpu.memory_space<vmem_shared>> -> memref<128x16xf32, #tpu.memory_space<vmem_shared>>
      tpu.enqueue_dma source(%dma_start3A_50 : memref<128x16xf32, #tpu.memory_space<vmem_shared>>) target(%arg6 : memref<128x16xf32, #tpu.memory_space<vmem>>) target_semaphore(%run_scoped3A : memref<!tpu.dma_semaphore, #tpu.memory_space<semaphore_mem>>)
      %dma_wait3A = arith.constant 0 : i32
      %dma_wait3A_51 = tpu.memref_slice %arg7[%add3A_33, %dma_wait3A] : memref<10240x16xf32, #tpu.memory_space<vmem_shared>> -> memref<128x16xf32, #tpu.memory_space<vmem_shared>>
      %dma_wait3A_52 = arith.constant 0 : i32
      %dma_wait3A_53 = tpu.memref_slice %arg7[%add3A_33, %dma_wait3A_52] : memref<10240x16xf32, #tpu.memory_space<vmem_shared>> -> memref<128x16xf32, #tpu.memory_space<vmem_shared>>
      tpu.wait_dma2 semaphore(%run_scoped3A : memref<!tpu.dma_semaphore, #tpu.memory_space<semaphore_mem>>) src(%dma_wait3A_53 : memref<128x16xf32, #tpu.memory_space<vmem_shared>>) dst(%arg6 : memref<128x16xf32, #tpu.memory_space<vmem>>)
      tpu.yield
    }) : () -> ()
    %add3A_34 = arith.constant 128 : i32
    %add3A_35 = arith.addi %mul3A_12, %add3A_34 : i32
    "tpu.region"() ({
      %run_scoped3A = tpu.sem_alloc : memref<!tpu.dma_semaphore, #tpu.memory_space<semaphore_mem>>
      %dma_start3A = arith.constant 0 : i32
      %dma_start3A_48 = tpu.memref_slice %arg3[%arg0, %add3A_35, %dma_start3A] : memref<2x10240x16xf32, #tpu.memory_space<hbm>> -> memref<1x128x16xf32, #tpu.memory_space<hbm>>
      %dma_start3A_49 = tpu.memref_squeeze %dma_start3A_48 : memref<1x128x16xf32, #tpu.memory_space<hbm>> -> memref<128x16xf32, #tpu.memory_space<hbm>>
      %dma_start3A_50 = arith.constant 0 : i32
      %dma_start3A_51 = tpu.memref_slice %arg3[%arg0, %add3A_35, %dma_start3A_50] : memref<2x10240x16xf32, #tpu.memory_space<hbm>> -> memref<1x128x16xf32, #tpu.memory_space<hbm>>
      %dma_start3A_52 = tpu.memref_squeeze %dma_start3A_51 : memref<1x128x16xf32, #tpu.memory_space<hbm>> -> memref<128x16xf32, #tpu.memory_space<hbm>>
      tpu.enqueue_dma source(%arg6 : memref<128x16xf32, #tpu.memory_space<vmem>>) target(%dma_start3A_52 : memref<128x16xf32, #tpu.memory_space<hbm>>) target_semaphore(%run_scoped3A : memref<!tpu.dma_semaphore, #tpu.memory_space<semaphore_mem>>)
      %dma_wait3A = arith.constant 0 : i32
      %dma_wait3A_53 = tpu.memref_slice %arg3[%arg0, %add3A_35, %dma_wait3A] : memref<2x10240x16xf32, #tpu.memory_space<hbm>> -> memref<1x128x16xf32, #tpu.memory_space<hbm>>
      %dma_wait3A_54 = tpu.memref_squeeze %dma_wait3A_53 : memref<1x128x16xf32, #tpu.memory_space<hbm>> -> memref<128x16xf32, #tpu.memory_space<hbm>>
      %dma_wait3A_55 = arith.constant 0 : i32
      %dma_wait3A_56 = tpu.memref_slice %arg3[%arg0, %add3A_35, %dma_wait3A_55] : memref<2x10240x16xf32, #tpu.memory_space<hbm>> -> memref<1x128x16xf32, #tpu.memory_space<hbm>>
      %dma_wait3A_57 = tpu.memref_squeeze %dma_wait3A_56 : memref<1x128x16xf32, #tpu.memory_space<hbm>> -> memref<128x16xf32, #tpu.memory_space<hbm>>
      tpu.wait_dma2 semaphore(%run_scoped3A : memref<!tpu.dma_semaphore, #tpu.memory_space<semaphore_mem>>) src(%arg6 : memref<128x16xf32, #tpu.memory_space<vmem>>) dst(%dma_wait3A_57 : memref<128x16xf32, #tpu.memory_space<hbm>>)
      tpu.yield
    }) : () -> ()
    %add3A_36 = arith.constant 256 : i32
    %add3A_37 = arith.addi %mul3A_12, %add3A_36 : i32
    "tpu.region"() ({
      %run_scoped3A = tpu.sem_alloc : memref<!tpu.dma_semaphore, #tpu.memory_space<semaphore_mem>>
      %dma_start3A = arith.constant 0 : i32
      %dma_start3A_48 = tpu.memref_slice %arg7[%add3A_37, %dma_start3A] : memref<10240x16xf32, #tpu.memory_space<vmem_shared>> -> memref<128x16xf32, #tpu.memory_space<vmem_shared>>
      %dma_start3A_49 = arith.constant 0 : i32
      %dma_start3A_50 = tpu.memref_slice %arg7[%add3A_37, %dma_start3A_49] : memref<10240x16xf32, #tpu.memory_space<vmem_shared>> -> memref<128x16xf32, #tpu.memory_space<vmem_shared>>
      tpu.enqueue_dma source(%dma_start3A_50 : memref<128x16xf32, #tpu.memory_space<vmem_shared>>) target(%arg6 : memref<128x16xf32, #tpu.memory_space<vmem>>) target_semaphore(%run_scoped3A : memref<!tpu.dma_semaphore, #tpu.memory_space<semaphore_mem>>)
      %dma_wait3A = arith.constant 0 : i32
      %dma_wait3A_51 = tpu.memref_slice %arg7[%add3A_37, %dma_wait3A] : memref<10240x16xf32, #tpu.memory_space<vmem_shared>> -> memref<128x16xf32, #tpu.memory_space<vmem_shared>>
      %dma_wait3A_52 = arith.constant 0 : i32
      %dma_wait3A_53 = tpu.memref_slice %arg7[%add3A_37, %dma_wait3A_52] : memref<10240x16xf32, #tpu.memory_space<vmem_shared>> -> memref<128x16xf32, #tpu.memory_space<vmem_shared>>
      tpu.wait_dma2 semaphore(%run_scoped3A : memref<!tpu.dma_semaphore, #tpu.memory_space<semaphore_mem>>) src(%dma_wait3A_53 : memref<128x16xf32, #tpu.memory_space<vmem_shared>>) dst(%arg6 : memref<128x16xf32, #tpu.memory_space<vmem>>)
      tpu.yield
    }) : () -> ()
    %add3A_38 = arith.constant 256 : i32
    %add3A_39 = arith.addi %mul3A_12, %add3A_38 : i32
    "tpu.region"() ({
      %run_scoped3A = tpu.sem_alloc : memref<!tpu.dma_semaphore, #tpu.memory_space<semaphore_mem>>
      %dma_start3A = arith.constant 0 : i32
      %dma_start3A_48 = tpu.memref_slice %arg3[%arg0, %add3A_39, %dma_start3A] : memref<2x10240x16xf32, #tpu.memory_space<hbm>> -> memref<1x128x16xf32, #tpu.memory_space<hbm>>
      %dma_start3A_49 = tpu.memref_squeeze %dma_start3A_48 : memref<1x128x16xf32, #tpu.memory_space<hbm>> -> memref<128x16xf32, #tpu.memory_space<hbm>>
      %dma_start3A_50 = arith.constant 0 : i32
      %dma_start3A_51 = tpu.memref_slice %arg3[%arg0, %add3A_39, %dma_start3A_50] : memref<2x10240x16xf32, #tpu.memory_space<hbm>> -> memref<1x128x16xf32, #tpu.memory_space<hbm>>
      %dma_start3A_52 = tpu.memref_squeeze %dma_start3A_51 : memref<1x128x16xf32, #tpu.memory_space<hbm>> -> memref<128x16xf32, #tpu.memory_space<hbm>>
      tpu.enqueue_dma source(%arg6 : memref<128x16xf32, #tpu.memory_space<vmem>>) target(%dma_start3A_52 : memref<128x16xf32, #tpu.memory_space<hbm>>) target_semaphore(%run_scoped3A : memref<!tpu.dma_semaphore, #tpu.memory_space<semaphore_mem>>)
      %dma_wait3A = arith.constant 0 : i32
      %dma_wait3A_53 = tpu.memref_slice %arg3[%arg0, %add3A_39, %dma_wait3A] : memref<2x10240x16xf32, #tpu.memory_space<hbm>> -> memref<1x128x16xf32, #tpu.memory_space<hbm>>
      %dma_wait3A_54 = tpu.memref_squeeze %dma_wait3A_53 : memref<1x128x16xf32, #tpu.memory_space<hbm>> -> memref<128x16xf32, #tpu.memory_space<hbm>>
      %dma_wait3A_55 = arith.constant 0 : i32
      %dma_wait3A_56 = tpu.memref_slice %arg3[%arg0, %add3A_39, %dma_wait3A_55] : memref<2x10240x16xf32, #tpu.memory_space<hbm>> -> memref<1x128x16xf32, #tpu.memory_space<hbm>>
      %dma_wait3A_57 = tpu.memref_squeeze %dma_wait3A_56 : memref<1x128x16xf32, #tpu.memory_space<hbm>> -> memref<128x16xf32, #tpu.memory_space<hbm>>
      tpu.wait_dma2 semaphore(%run_scoped3A : memref<!tpu.dma_semaphore, #tpu.memory_space<semaphore_mem>>) src(%arg6 : memref<128x16xf32, #tpu.memory_space<vmem>>) dst(%dma_wait3A_57 : memref<128x16xf32, #tpu.memory_space<hbm>>)
      tpu.yield
    }) : () -> ()
    %add3A_40 = arith.constant 384 : i32
    %add3A_41 = arith.addi %mul3A_12, %add3A_40 : i32
    "tpu.region"() ({
      %run_scoped3A = tpu.sem_alloc : memref<!tpu.dma_semaphore, #tpu.memory_space<semaphore_mem>>
      %dma_start3A = arith.constant 0 : i32
      %dma_start3A_48 = tpu.memref_slice %arg7[%add3A_41, %dma_start3A] : memref<10240x16xf32, #tpu.memory_space<vmem_shared>> -> memref<128x16xf32, #tpu.memory_space<vmem_shared>>
      %dma_start3A_49 = arith.constant 0 : i32
      %dma_start3A_50 = tpu.memref_slice %arg7[%add3A_41, %dma_start3A_49] : memref<10240x16xf32, #tpu.memory_space<vmem_shared>> -> memref<128x16xf32, #tpu.memory_space<vmem_shared>>
      tpu.enqueue_dma source(%dma_start3A_50 : memref<128x16xf32, #tpu.memory_space<vmem_shared>>) target(%arg6 : memref<128x16xf32, #tpu.memory_space<vmem>>) target_semaphore(%run_scoped3A : memref<!tpu.dma_semaphore, #tpu.memory_space<semaphore_mem>>)
      %dma_wait3A = arith.constant 0 : i32
      %dma_wait3A_51 = tpu.memref_slice %arg7[%add3A_41, %dma_wait3A] : memref<10240x16xf32, #tpu.memory_space<vmem_shared>> -> memref<128x16xf32, #tpu.memory_space<vmem_shared>>
      %dma_wait3A_52 = arith.constant 0 : i32
      %dma_wait3A_53 = tpu.memref_slice %arg7[%add3A_41, %dma_wait3A_52] : memref<10240x16xf32, #tpu.memory_space<vmem_shared>> -> memref<128x16xf32, #tpu.memory_space<vmem_shared>>
      tpu.wait_dma2 semaphore(%run_scoped3A : memref<!tpu.dma_semaphore, #tpu.memory_space<semaphore_mem>>) src(%dma_wait3A_53 : memref<128x16xf32, #tpu.memory_space<vmem_shared>>) dst(%arg6 : memref<128x16xf32, #tpu.memory_space<vmem>>)
      tpu.yield
    }) : () -> ()
    %add3A_42 = arith.constant 384 : i32
    %add3A_43 = arith.addi %mul3A_12, %add3A_42 : i32
    "tpu.region"() ({
      %run_scoped3A = tpu.sem_alloc : memref<!tpu.dma_semaphore, #tpu.memory_space<semaphore_mem>>
      %dma_start3A = arith.constant 0 : i32
      %dma_start3A_48 = tpu.memref_slice %arg3[%arg0, %add3A_43, %dma_start3A] : memref<2x10240x16xf32, #tpu.memory_space<hbm>> -> memref<1x128x16xf32, #tpu.memory_space<hbm>>
      %dma_start3A_49 = tpu.memref_squeeze %dma_start3A_48 : memref<1x128x16xf32, #tpu.memory_space<hbm>> -> memref<128x16xf32, #tpu.memory_space<hbm>>
      %dma_start3A_50 = arith.constant 0 : i32
      %dma_start3A_51 = tpu.memref_slice %arg3[%arg0, %add3A_43, %dma_start3A_50] : memref<2x10240x16xf32, #tpu.memory_space<hbm>> -> memref<1x128x16xf32, #tpu.memory_space<hbm>>
      %dma_start3A_52 = tpu.memref_squeeze %dma_start3A_51 : memref<1x128x16xf32, #tpu.memory_space<hbm>> -> memref<128x16xf32, #tpu.memory_space<hbm>>
      tpu.enqueue_dma source(%arg6 : memref<128x16xf32, #tpu.memory_space<vmem>>) target(%dma_start3A_52 : memref<128x16xf32, #tpu.memory_space<hbm>>) target_semaphore(%run_scoped3A : memref<!tpu.dma_semaphore, #tpu.memory_space<semaphore_mem>>)
      %dma_wait3A = arith.constant 0 : i32
      %dma_wait3A_53 = tpu.memref_slice %arg3[%arg0, %add3A_43, %dma_wait3A] : memref<2x10240x16xf32, #tpu.memory_space<hbm>> -> memref<1x128x16xf32, #tpu.memory_space<hbm>>
      %dma_wait3A_54 = tpu.memref_squeeze %dma_wait3A_53 : memref<1x128x16xf32, #tpu.memory_space<hbm>> -> memref<128x16xf32, #tpu.memory_space<hbm>>
      %dma_wait3A_55 = arith.constant 0 : i32
      %dma_wait3A_56 = tpu.memref_slice %arg3[%arg0, %add3A_43, %dma_wait3A_55] : memref<2x10240x16xf32, #tpu.memory_space<hbm>> -> memref<1x128x16xf32, #tpu.memory_space<hbm>>
      %dma_wait3A_57 = tpu.memref_squeeze %dma_wait3A_56 : memref<1x128x16xf32, #tpu.memory_space<hbm>> -> memref<128x16xf32, #tpu.memory_space<hbm>>
      tpu.wait_dma2 semaphore(%run_scoped3A : memref<!tpu.dma_semaphore, #tpu.memory_space<semaphore_mem>>) src(%arg6 : memref<128x16xf32, #tpu.memory_space<vmem>>) dst(%dma_wait3A_57 : memref<128x16xf32, #tpu.memory_space<hbm>>)
      tpu.yield
    }) : () -> ()
    %add3A_44 = arith.constant 512 : i32
    %add3A_45 = arith.addi %mul3A_12, %add3A_44 : i32
    "tpu.region"() ({
      %run_scoped3A = tpu.sem_alloc : memref<!tpu.dma_semaphore, #tpu.memory_space<semaphore_mem>>
      %dma_start3A = arith.constant 0 : i32
      %dma_start3A_48 = tpu.memref_slice %arg7[%add3A_45, %dma_start3A] : memref<10240x16xf32, #tpu.memory_space<vmem_shared>> -> memref<128x16xf32, #tpu.memory_space<vmem_shared>>
      %dma_start3A_49 = arith.constant 0 : i32
      %dma_start3A_50 = tpu.memref_slice %arg7[%add3A_45, %dma_start3A_49] : memref<10240x16xf32, #tpu.memory_space<vmem_shared>> -> memref<128x16xf32, #tpu.memory_space<vmem_shared>>
      tpu.enqueue_dma source(%dma_start3A_50 : memref<128x16xf32, #tpu.memory_space<vmem_shared>>) target(%arg6 : memref<128x16xf32, #tpu.memory_space<vmem>>) target_semaphore(%run_scoped3A : memref<!tpu.dma_semaphore, #tpu.memory_space<semaphore_mem>>)
      %dma_wait3A = arith.constant 0 : i32
      %dma_wait3A_51 = tpu.memref_slice %arg7[%add3A_45, %dma_wait3A] : memref<10240x16xf32, #tpu.memory_space<vmem_shared>> -> memref<128x16xf32, #tpu.memory_space<vmem_shared>>
      %dma_wait3A_52 = arith.constant 0 : i32
      %dma_wait3A_53 = tpu.memref_slice %arg7[%add3A_45, %dma_wait3A_52] : memref<10240x16xf32, #tpu.memory_space<vmem_shared>> -> memref<128x16xf32, #tpu.memory_space<vmem_shared>>
      tpu.wait_dma2 semaphore(%run_scoped3A : memref<!tpu.dma_semaphore, #tpu.memory_space<semaphore_mem>>) src(%dma_wait3A_53 : memref<128x16xf32, #tpu.memory_space<vmem_shared>>) dst(%arg6 : memref<128x16xf32, #tpu.memory_space<vmem>>)
      tpu.yield
    }) : () -> ()
    %add3A_46 = arith.constant 512 : i32
    %add3A_47 = arith.addi %mul3A_12, %add3A_46 : i32
    "tpu.region"() ({
      %run_scoped3A = tpu.sem_alloc : memref<!tpu.dma_semaphore, #tpu.memory_space<semaphore_mem>>
      %dma_start3A = arith.constant 0 : i32
      %dma_start3A_48 = tpu.memref_slice %arg3[%arg0, %add3A_47, %dma_start3A] : memref<2x10240x16xf32, #tpu.memory_space<hbm>> -> memref<1x128x16xf32, #tpu.memory_space<hbm>>
      %dma_start3A_49 = tpu.memref_squeeze %dma_start3A_48 : memref<1x128x16xf32, #tpu.memory_space<hbm>> -> memref<128x16xf32, #tpu.memory_space<hbm>>
      %dma_start3A_50 = arith.constant 0 : i32
      %dma_start3A_51 = tpu.memref_slice %arg3[%arg0, %add3A_47, %dma_start3A_50] : memref<2x10240x16xf32, #tpu.memory_space<hbm>> -> memref<1x128x16xf32, #tpu.memory_space<hbm>>
      %dma_start3A_52 = tpu.memref_squeeze %dma_start3A_51 : memref<1x128x16xf32, #tpu.memory_space<hbm>> -> memref<128x16xf32, #tpu.memory_space<hbm>>
      tpu.enqueue_dma source(%arg6 : memref<128x16xf32, #tpu.memory_space<vmem>>) target(%dma_start3A_52 : memref<128x16xf32, #tpu.memory_space<hbm>>) target_semaphore(%run_scoped3A : memref<!tpu.dma_semaphore, #tpu.memory_space<semaphore_mem>>)
      %dma_wait3A = arith.constant 0 : i32
      %dma_wait3A_53 = tpu.memref_slice %arg3[%arg0, %add3A_47, %dma_wait3A] : memref<2x10240x16xf32, #tpu.memory_space<hbm>> -> memref<1x128x16xf32, #tpu.memory_space<hbm>>
      %dma_wait3A_54 = tpu.memref_squeeze %dma_wait3A_53 : memref<1x128x16xf32, #tpu.memory_space<hbm>> -> memref<128x16xf32, #tpu.memory_space<hbm>>
      %dma_wait3A_55 = arith.constant 0 : i32
      %dma_wait3A_56 = tpu.memref_slice %arg3[%arg0, %add3A_47, %dma_wait3A_55] : memref<2x10240x16xf32, #tpu.memory_space<hbm>> -> memref<1x128x16xf32, #tpu.memory_space<hbm>>
      %dma_wait3A_57 = tpu.memref_squeeze %dma_wait3A_56 : memref<1x128x16xf32, #tpu.memory_space<hbm>> -> memref<128x16xf32, #tpu.memory_space<hbm>>
      tpu.wait_dma2 semaphore(%run_scoped3A : memref<!tpu.dma_semaphore, #tpu.memory_space<semaphore_mem>>) src(%arg6 : memref<128x16xf32, #tpu.memory_space<vmem>>) dst(%dma_wait3A_57 : memref<128x16xf32, #tpu.memory_space<hbm>>)
      tpu.yield
    }) : () -> ()
    return
  }
}

#map = affine_map<(d0, d1) -> (0, 0, 0)>
module attributes {stable_mosaic.version = 14 : i64} {
  func.func @_agg_body(%arg0: i32, %arg1: i32, %arg2: memref<2x10240x64xf32, #tpu.memory_space<hbm>>, %arg3: memref<16x160x128xi32, #tpu.memory_space<hbm>>, %arg4: memref<16x160x128xi32, #tpu.memory_space<hbm>>, %arg5: memref<2x10240x64xf32, #tpu.memory_space<hbm>>, %arg6: memref<160x128xi32, #tpu.memory_space<vmem>>, %arg7: memref<160x128xi32, #tpu.memory_space<vmem>>, %arg8: memref<128x64xf32, #tpu.memory_space<vmem>>, %arg9: memref<128x64xf32, #tpu.memory_space<vmem>>, %arg10: memref<128x64xf32, #tpu.memory_space<vmem>>, %arg11: memref<128x64xf32, #tpu.memory_space<vmem>>, %arg12: memref<128x64xf32, #tpu.memory_space<vmem>>, %arg13: memref<10240x64xf32, #tpu.memory_space<vmem_shared>>, %arg14: memref<!tpu.dma_semaphore, #tpu.memory_space<semaphore_mem>>, %arg15: memref<!tpu.dma_semaphore, #tpu.memory_space<semaphore_mem>>, %arg16: memref<!tpu.dma_semaphore, #tpu.memory_space<semaphore_mem>>, %arg17: memref<!tpu.dma_semaphore, #tpu.memory_space<semaphore_mem>>, %arg18: memref<!tpu.dma_semaphore, #tpu.memory_space<semaphore_mem>>, %arg19: memref<!tpu.dma_semaphore, #tpu.memory_space<semaphore_mem>>, %arg20: memref<!tpu.dma_semaphore, #tpu.memory_space<semaphore_mem>>, %arg21: memref<!tpu.dma_semaphore, #tpu.memory_space<semaphore_mem>>) attributes {dimension_semantics = [#tpu.dimension_semantics<core_parallel>, #tpu.dimension_semantics<subcore_parallel>], iteration_bounds = array<i64: 2, 16>, scalar_prefetch = 0 : i64, scratch_operands = 16 : i64, tpu.core_type = #tpu.core_type<sc_vector_subcore>, window_params = [{transform_indices = #map}, {transform_indices = #map}, {transform_indices = #map}, {transform_indices = #map}]} {
    "tpu.region"() ({
      %run_scoped3A = tpu.sem_alloc : memref<!tpu.dma_semaphore, #tpu.memory_space<semaphore_mem>>
      %dma_start3A_111 = arith.constant 0 : i32
      %dma_start3A_112 = arith.constant 0 : i32
      %dma_start3A_113 = tpu.memref_slice %arg3[%arg1, %dma_start3A_111, %dma_start3A_112] : memref<16x160x128xi32, #tpu.memory_space<hbm>> -> memref<1x160x128xi32, #tpu.memory_space<hbm>>
      %dma_start3A_114 = tpu.memref_squeeze %dma_start3A_113 : memref<1x160x128xi32, #tpu.memory_space<hbm>> -> memref<160x128xi32, #tpu.memory_space<hbm>>
      %dma_start3A_115 = arith.constant 0 : i32
      %dma_start3A_116 = arith.constant 0 : i32
      %dma_start3A_117 = tpu.memref_slice %arg3[%arg1, %dma_start3A_115, %dma_start3A_116] : memref<16x160x128xi32, #tpu.memory_space<hbm>> -> memref<1x160x128xi32, #tpu.memory_space<hbm>>
      %dma_start3A_118 = tpu.memref_squeeze %dma_start3A_117 : memref<1x160x128xi32, #tpu.memory_space<hbm>> -> memref<160x128xi32, #tpu.memory_space<hbm>>
      tpu.enqueue_dma source(%dma_start3A_118 : memref<160x128xi32, #tpu.memory_space<hbm>>) target(%arg6 : memref<160x128xi32, #tpu.memory_space<vmem>>) target_semaphore(%run_scoped3A : memref<!tpu.dma_semaphore, #tpu.memory_space<semaphore_mem>>)
      %dma_wait3A_119 = arith.constant 0 : i32
      %dma_wait3A_120 = arith.constant 0 : i32
      %dma_wait3A_121 = tpu.memref_slice %arg3[%arg1, %dma_wait3A_119, %dma_wait3A_120] : memref<16x160x128xi32, #tpu.memory_space<hbm>> -> memref<1x160x128xi32, #tpu.memory_space<hbm>>
      %dma_wait3A_122 = tpu.memref_squeeze %dma_wait3A_121 : memref<1x160x128xi32, #tpu.memory_space<hbm>> -> memref<160x128xi32, #tpu.memory_space<hbm>>
      %dma_wait3A_123 = arith.constant 0 : i32
      %dma_wait3A_124 = arith.constant 0 : i32
      %dma_wait3A_125 = tpu.memref_slice %arg3[%arg1, %dma_wait3A_123, %dma_wait3A_124] : memref<16x160x128xi32, #tpu.memory_space<hbm>> -> memref<1x160x128xi32, #tpu.memory_space<hbm>>
      %dma_wait3A_126 = tpu.memref_squeeze %dma_wait3A_125 : memref<1x160x128xi32, #tpu.memory_space<hbm>> -> memref<160x128xi32, #tpu.memory_space<hbm>>
      tpu.wait_dma2 semaphore(%run_scoped3A : memref<!tpu.dma_semaphore, #tpu.memory_space<semaphore_mem>>) src(%dma_wait3A_126 : memref<160x128xi32, #tpu.memory_space<hbm>>) dst(%arg6 : memref<160x128xi32, #tpu.memory_space<vmem>>)
      tpu.yield
    }) : () -> ()
    "tpu.region"() ({
      %run_scoped3A = tpu.sem_alloc : memref<!tpu.dma_semaphore, #tpu.memory_space<semaphore_mem>>
      %dma_start3A_111 = arith.constant 0 : i32
      %dma_start3A_112 = arith.constant 0 : i32
      %dma_start3A_113 = tpu.memref_slice %arg4[%arg1, %dma_start3A_111, %dma_start3A_112] : memref<16x160x128xi32, #tpu.memory_space<hbm>> -> memref<1x160x128xi32, #tpu.memory_space<hbm>>
      %dma_start3A_114 = tpu.memref_squeeze %dma_start3A_113 : memref<1x160x128xi32, #tpu.memory_space<hbm>> -> memref<160x128xi32, #tpu.memory_space<hbm>>
      %dma_start3A_115 = arith.constant 0 : i32
      %dma_start3A_116 = arith.constant 0 : i32
      %dma_start3A_117 = tpu.memref_slice %arg4[%arg1, %dma_start3A_115, %dma_start3A_116] : memref<16x160x128xi32, #tpu.memory_space<hbm>> -> memref<1x160x128xi32, #tpu.memory_space<hbm>>
      %dma_start3A_118 = tpu.memref_squeeze %dma_start3A_117 : memref<1x160x128xi32, #tpu.memory_space<hbm>> -> memref<160x128xi32, #tpu.memory_space<hbm>>
      tpu.enqueue_dma source(%dma_start3A_118 : memref<160x128xi32, #tpu.memory_space<hbm>>) target(%arg7 : memref<160x128xi32, #tpu.memory_space<vmem>>) target_semaphore(%run_scoped3A : memref<!tpu.dma_semaphore, #tpu.memory_space<semaphore_mem>>)
      %dma_wait3A_119 = arith.constant 0 : i32
      %dma_wait3A_120 = arith.constant 0 : i32
      %dma_wait3A_121 = tpu.memref_slice %arg4[%arg1, %dma_wait3A_119, %dma_wait3A_120] : memref<16x160x128xi32, #tpu.memory_space<hbm>> -> memref<1x160x128xi32, #tpu.memory_space<hbm>>
      %dma_wait3A_122 = tpu.memref_squeeze %dma_wait3A_121 : memref<1x160x128xi32, #tpu.memory_space<hbm>> -> memref<160x128xi32, #tpu.memory_space<hbm>>
      %dma_wait3A_123 = arith.constant 0 : i32
      %dma_wait3A_124 = arith.constant 0 : i32
      %dma_wait3A_125 = tpu.memref_slice %arg4[%arg1, %dma_wait3A_123, %dma_wait3A_124] : memref<16x160x128xi32, #tpu.memory_space<hbm>> -> memref<1x160x128xi32, #tpu.memory_space<hbm>>
      %dma_wait3A_126 = tpu.memref_squeeze %dma_wait3A_125 : memref<1x160x128xi32, #tpu.memory_space<hbm>> -> memref<160x128xi32, #tpu.memory_space<hbm>>
      tpu.wait_dma2 semaphore(%run_scoped3A : memref<!tpu.dma_semaphore, #tpu.memory_space<semaphore_mem>>) src(%dma_wait3A_126 : memref<160x128xi32, #tpu.memory_space<hbm>>) dst(%arg7 : memref<160x128xi32, #tpu.memory_space<vmem>>)
      tpu.yield
    }) : () -> ()
    %broadcast_in_dim3A = arith.constant 0.000000e+00 : f32
    %broadcast_in_dim3A_0 = vector.broadcast %broadcast_in_dim3A : f32 to vector<16xf32>
    %scan3A = arith.constant 0 : i32
    %scan3A_1 = arith.constant 128 : i32
    %scan3A_2 = arith.addi %scan3A, %scan3A_1 : i32
    %scan3A_3 = arith.constant 1 : i32
    scf.for %scan3A_111 = %scan3A to %scan3A_2 step %scan3A_3  : i32 {
      %mul3A_112 = arith.constant 1 : i32
      %mul3A_113 = arith.muli %scan3A_111, %mul3A_112 : i32
      %add3A_114 = arith.constant 0 : i32
      %add3A_115 = arith.addi %add3A_114, %mul3A_113 : i32
      %swap3A = arith.index_cast %add3A_115 : i32 to index
      %swap3A_116 = arith.constant 0 : index
      %swap3A_117 = tpu.vector_load %arg12[%swap3A, %swap3A_116] {strides = array<i32>} : memref<128x64xf32, #tpu.memory_space<vmem>>, vector<1x16xf32>,
      %swap3A_118 = vector.shape_cast %swap3A_117 : vector<1x16xf32> to vector<16xf32>
      %swap3A_119 = vector.shape_cast %broadcast_in_dim3A_0 : vector<16xf32> to vector<1x16xf32>
      tpu.vector_store %arg12[%swap3A, %swap3A_116], %swap3A_119 {strides = array<i32>} : memref<128x64xf32, #tpu.memory_space<vmem>>, vector<1x16xf32>,
      %swap3A_120 = arith.index_cast %add3A_115 : i32 to index
      %swap3A_121 = arith.constant 16 : index
      %swap3A_122 = tpu.vector_load %arg12[%swap3A_120, %swap3A_121] {strides = array<i32>} : memref<128x64xf32, #tpu.memory_space<vmem>>, vector<1x16xf32>,
      %swap3A_123 = vector.shape_cast %swap3A_122 : vector<1x16xf32> to vector<16xf32>
      %swap3A_124 = vector.shape_cast %broadcast_in_dim3A_0 : vector<16xf32> to vector<1x16xf32>
      tpu.vector_store %arg12[%swap3A_120, %swap3A_121], %swap3A_124 {strides = array<i32>} : memref<128x64xf32, #tpu.memory_space<vmem>>, vector<1x16xf32>,
      %swap3A_125 = arith.index_cast %add3A_115 : i32 to index
      %swap3A_126 = arith.constant 32 : index
      %swap3A_127 = tpu.vector_load %arg12[%swap3A_125, %swap3A_126] {strides = array<i32>} : memref<128x64xf32, #tpu.memory_space<vmem>>, vector<1x16xf32>,
      %swap3A_128 = vector.shape_cast %swap3A_127 : vector<1x16xf32> to vector<16xf32>
      %swap3A_129 = vector.shape_cast %broadcast_in_dim3A_0 : vector<16xf32> to vector<1x16xf32>
      tpu.vector_store %arg12[%swap3A_125, %swap3A_126], %swap3A_129 {strides = array<i32>} : memref<128x64xf32, #tpu.memory_space<vmem>>, vector<1x16xf32>,
      %swap3A_130 = arith.index_cast %add3A_115 : i32 to index
      %swap3A_131 = arith.constant 48 : index
      %swap3A_132 = tpu.vector_load %arg12[%swap3A_130, %swap3A_131] {strides = array<i32>} : memref<128x64xf32, #tpu.memory_space<vmem>>, vector<1x16xf32>,
      %swap3A_133 = vector.shape_cast %swap3A_132 : vector<1x16xf32> to vector<16xf32>
      %swap3A_134 = vector.shape_cast %broadcast_in_dim3A_0 : vector<16xf32> to vector<1x16xf32>
      tpu.vector_store %arg12[%swap3A_130, %swap3A_131], %swap3A_134 {strides = array<i32>} : memref<128x64xf32, #tpu.memory_space<vmem>>, vector<1x16xf32>,
    }
    %scan3A_4 = arith.constant 128 : i32
    %mul3A = arith.constant 640 : i32
    %mul3A_5 = arith.muli %arg1, %mul3A : i32
    %add3A = arith.constant 0 : i32
    %add3A_6 = arith.addi %mul3A_5, %add3A : i32
    "tpu.region"() ({
      %run_scoped3A = tpu.sem_alloc : memref<!tpu.dma_semaphore, #tpu.memory_space<semaphore_mem>>
      %dma_start3A_111 = arith.constant 0 : i32
      %dma_start3A_112 = tpu.memref_slice %arg13[%add3A_6, %dma_start3A_111] : memref<10240x64xf32, #tpu.memory_space<vmem_shared>> -> memref<128x64xf32, #tpu.memory_space<vmem_shared>>
      %dma_start3A_113 = arith.constant 0 : i32
      %dma_start3A_114 = tpu.memref_slice %arg13[%add3A_6, %dma_start3A_113] : memref<10240x64xf32, #tpu.memory_space<vmem_shared>> -> memref<128x64xf32, #tpu.memory_space<vmem_shared>>
      tpu.enqueue_dma source(%arg12 : memref<128x64xf32, #tpu.memory_space<vmem>>) target(%dma_start3A_114 : memref<128x64xf32, #tpu.memory_space<vmem_shared>>) target_semaphore(%run_scoped3A : memref<!tpu.dma_semaphore, #tpu.memory_space<semaphore_mem>>)
      %dma_wait3A_115 = arith.constant 0 : i32
      %dma_wait3A_116 = tpu.memref_slice %arg13[%add3A_6, %dma_wait3A_115] : memref<10240x64xf32, #tpu.memory_space<vmem_shared>> -> memref<128x64xf32, #tpu.memory_space<vmem_shared>>
      %dma_wait3A_117 = arith.constant 0 : i32
      %dma_wait3A_118 = tpu.memref_slice %arg13[%add3A_6, %dma_wait3A_117] : memref<10240x64xf32, #tpu.memory_space<vmem_shared>> -> memref<128x64xf32, #tpu.memory_space<vmem_shared>>
      tpu.wait_dma2 semaphore(%run_scoped3A : memref<!tpu.dma_semaphore, #tpu.memory_space<semaphore_mem>>) src(%arg12 : memref<128x64xf32, #tpu.memory_space<vmem>>) dst(%dma_wait3A_118 : memref<128x64xf32, #tpu.memory_space<vmem_shared>>)
      tpu.yield
    }) : () -> ()
    %add3A_7 = arith.constant 128 : i32
    %add3A_8 = arith.addi %mul3A_5, %add3A_7 : i32
    "tpu.region"() ({
      %run_scoped3A = tpu.sem_alloc : memref<!tpu.dma_semaphore, #tpu.memory_space<semaphore_mem>>
      %dma_start3A_111 = arith.constant 0 : i32
      %dma_start3A_112 = tpu.memref_slice %arg13[%add3A_8, %dma_start3A_111] : memref<10240x64xf32, #tpu.memory_space<vmem_shared>> -> memref<128x64xf32, #tpu.memory_space<vmem_shared>>
      %dma_start3A_113 = arith.constant 0 : i32
      %dma_start3A_114 = tpu.memref_slice %arg13[%add3A_8, %dma_start3A_113] : memref<10240x64xf32, #tpu.memory_space<vmem_shared>> -> memref<128x64xf32, #tpu.memory_space<vmem_shared>>
      tpu.enqueue_dma source(%arg12 : memref<128x64xf32, #tpu.memory_space<vmem>>) target(%dma_start3A_114 : memref<128x64xf32, #tpu.memory_space<vmem_shared>>) target_semaphore(%run_scoped3A : memref<!tpu.dma_semaphore, #tpu.memory_space<semaphore_mem>>)
      %dma_wait3A_115 = arith.constant 0 : i32
      %dma_wait3A_116 = tpu.memref_slice %arg13[%add3A_8, %dma_wait3A_115] : memref<10240x64xf32, #tpu.memory_space<vmem_shared>> -> memref<128x64xf32, #tpu.memory_space<vmem_shared>>
      %dma_wait3A_117 = arith.constant 0 : i32
      %dma_wait3A_118 = tpu.memref_slice %arg13[%add3A_8, %dma_wait3A_117] : memref<10240x64xf32, #tpu.memory_space<vmem_shared>> -> memref<128x64xf32, #tpu.memory_space<vmem_shared>>
      tpu.wait_dma2 semaphore(%run_scoped3A : memref<!tpu.dma_semaphore, #tpu.memory_space<semaphore_mem>>) src(%arg12 : memref<128x64xf32, #tpu.memory_space<vmem>>) dst(%dma_wait3A_118 : memref<128x64xf32, #tpu.memory_space<vmem_shared>>)
      tpu.yield
    }) : () -> ()
    %add3A_9 = arith.constant 256 : i32
    %add3A_10 = arith.addi %mul3A_5, %add3A_9 : i32
    "tpu.region"() ({
      %run_scoped3A = tpu.sem_alloc : memref<!tpu.dma_semaphore, #tpu.memory_space<semaphore_mem>>
      %dma_start3A_111 = arith.constant 0 : i32
      %dma_start3A_112 = tpu.memref_slice %arg13[%add3A_10, %dma_start3A_111] : memref<10240x64xf32, #tpu.memory_space<vmem_shared>> -> memref<128x64xf32, #tpu.memory_space<vmem_shared>>
      %dma_start3A_113 = arith.constant 0 : i32
      %dma_start3A_114 = tpu.memref_slice %arg13[%add3A_10, %dma_start3A_113] : memref<10240x64xf32, #tpu.memory_space<vmem_shared>> -> memref<128x64xf32, #tpu.memory_space<vmem_shared>>
      tpu.enqueue_dma source(%arg12 : memref<128x64xf32, #tpu.memory_space<vmem>>) target(%dma_start3A_114 : memref<128x64xf32, #tpu.memory_space<vmem_shared>>) target_semaphore(%run_scoped3A : memref<!tpu.dma_semaphore, #tpu.memory_space<semaphore_mem>>)
      %dma_wait3A_115 = arith.constant 0 : i32
      %dma_wait3A_116 = tpu.memref_slice %arg13[%add3A_10, %dma_wait3A_115] : memref<10240x64xf32, #tpu.memory_space<vmem_shared>> -> memref<128x64xf32, #tpu.memory_space<vmem_shared>>
      %dma_wait3A_117 = arith.constant 0 : i32
      %dma_wait3A_118 = tpu.memref_slice %arg13[%add3A_10, %dma_wait3A_117] : memref<10240x64xf32, #tpu.memory_space<vmem_shared>> -> memref<128x64xf32, #tpu.memory_space<vmem_shared>>
      tpu.wait_dma2 semaphore(%run_scoped3A : memref<!tpu.dma_semaphore, #tpu.memory_space<semaphore_mem>>) src(%arg12 : memref<128x64xf32, #tpu.memory_space<vmem>>) dst(%dma_wait3A_118 : memref<128x64xf32, #tpu.memory_space<vmem_shared>>)
      tpu.yield
    }) : () -> ()
    %add3A_11 = arith.constant 384 : i32
    %add3A_12 = arith.addi %mul3A_5, %add3A_11 : i32
    "tpu.region"() ({
      %run_scoped3A = tpu.sem_alloc : memref<!tpu.dma_semaphore, #tpu.memory_space<semaphore_mem>>
      %dma_start3A_111 = arith.constant 0 : i32
      %dma_start3A_112 = tpu.memref_slice %arg13[%add3A_12, %dma_start3A_111] : memref<10240x64xf32, #tpu.memory_space<vmem_shared>> -> memref<128x64xf32, #tpu.memory_space<vmem_shared>>
      %dma_start3A_113 = arith.constant 0 : i32
      %dma_start3A_114 = tpu.memref_slice %arg13[%add3A_12, %dma_start3A_113] : memref<10240x64xf32, #tpu.memory_space<vmem_shared>> -> memref<128x64xf32, #tpu.memory_space<vmem_shared>>
      tpu.enqueue_dma source(%arg12 : memref<128x64xf32, #tpu.memory_space<vmem>>) target(%dma_start3A_114 : memref<128x64xf32, #tpu.memory_space<vmem_shared>>) target_semaphore(%run_scoped3A : memref<!tpu.dma_semaphore, #tpu.memory_space<semaphore_mem>>)
      %dma_wait3A_115 = arith.constant 0 : i32
      %dma_wait3A_116 = tpu.memref_slice %arg13[%add3A_12, %dma_wait3A_115] : memref<10240x64xf32, #tpu.memory_space<vmem_shared>> -> memref<128x64xf32, #tpu.memory_space<vmem_shared>>
      %dma_wait3A_117 = arith.constant 0 : i32
      %dma_wait3A_118 = tpu.memref_slice %arg13[%add3A_12, %dma_wait3A_117] : memref<10240x64xf32, #tpu.memory_space<vmem_shared>> -> memref<128x64xf32, #tpu.memory_space<vmem_shared>>
      tpu.wait_dma2 semaphore(%run_scoped3A : memref<!tpu.dma_semaphore, #tpu.memory_space<semaphore_mem>>) src(%arg12 : memref<128x64xf32, #tpu.memory_space<vmem>>) dst(%dma_wait3A_118 : memref<128x64xf32, #tpu.memory_space<vmem_shared>>)
      tpu.yield
    }) : () -> ()
    %add3A_13 = arith.constant 512 : i32
    %add3A_14 = arith.addi %mul3A_5, %add3A_13 : i32
    "tpu.region"() ({
      %run_scoped3A = tpu.sem_alloc : memref<!tpu.dma_semaphore, #tpu.memory_space<semaphore_mem>>
      %dma_start3A_111 = arith.constant 0 : i32
      %dma_start3A_112 = tpu.memref_slice %arg13[%add3A_14, %dma_start3A_111] : memref<10240x64xf32, #tpu.memory_space<vmem_shared>> -> memref<128x64xf32, #tpu.memory_space<vmem_shared>>
      %dma_start3A_113 = arith.constant 0 : i32
      %dma_start3A_114 = tpu.memref_slice %arg13[%add3A_14, %dma_start3A_113] : memref<10240x64xf32, #tpu.memory_space<vmem_shared>> -> memref<128x64xf32, #tpu.memory_space<vmem_shared>>
      tpu.enqueue_dma source(%arg12 : memref<128x64xf32, #tpu.memory_space<vmem>>) target(%dma_start3A_114 : memref<128x64xf32, #tpu.memory_space<vmem_shared>>) target_semaphore(%run_scoped3A : memref<!tpu.dma_semaphore, #tpu.memory_space<semaphore_mem>>)
      %dma_wait3A_115 = arith.constant 0 : i32
      %dma_wait3A_116 = tpu.memref_slice %arg13[%add3A_14, %dma_wait3A_115] : memref<10240x64xf32, #tpu.memory_space<vmem_shared>> -> memref<128x64xf32, #tpu.memory_space<vmem_shared>>
      %dma_wait3A_117 = arith.constant 0 : i32
      %dma_wait3A_118 = tpu.memref_slice %arg13[%add3A_14, %dma_wait3A_117] : memref<10240x64xf32, #tpu.memory_space<vmem_shared>> -> memref<128x64xf32, #tpu.memory_space<vmem_shared>>
      tpu.wait_dma2 semaphore(%run_scoped3A : memref<!tpu.dma_semaphore, #tpu.memory_space<semaphore_mem>>) src(%arg12 : memref<128x64xf32, #tpu.memory_space<vmem>>) dst(%dma_wait3A_118 : memref<128x64xf32, #tpu.memory_space<vmem_shared>>)
      tpu.yield
    }) : () -> ()
    %barrier3A = arith.constant 0 : index
    tpu.barrier barrier_id(%barrier3A)
    %dma_start3A = arith.constant 0 : i32
    %dma_start3A_15 = arith.constant 0 : i32
    %dma_start3A_16 = tpu.memref_slice %arg6[%dma_start3A, %dma_start3A_15] : memref<160x128xi32, #tpu.memory_space<vmem>> -> memref<1x128xi32, #tpu.memory_space<vmem>>
    %dma_start3A_17 = tpu.memref_squeeze %dma_start3A_16 : memref<1x128xi32, #tpu.memory_space<vmem>> -> memref<128xi32, #tpu.memory_space<vmem>>
    %dma_start3A_18 = arith.constant 0 : i32
    %dma_start3A_19 = arith.constant 0 : i32
    %dma_start3A_20 = tpu.memref_slice %arg2[%arg0, %dma_start3A_18, %dma_start3A_19] : memref<2x10240x64xf32, #tpu.memory_space<hbm>> -> memref<1x10240x64xf32, #tpu.memory_space<hbm>>
    %dma_start3A_21 = tpu.memref_squeeze %dma_start3A_20 : memref<1x10240x64xf32, #tpu.memory_space<hbm>> -> memref<10240x64xf32, #tpu.memory_space<hbm>>
    %dma_start3A_22 = arith.constant 0 : i32
    %dma_start3A_23 = arith.constant 0 : i32
    %dma_start3A_24 = tpu.memref_slice %dma_start3A_21[%dma_start3A_22, %dma_start3A_23] : memref<10240x64xf32, #tpu.memory_space<hbm>> -> memref<10240x64xf32, #tpu.memory_space<hbm>>
    tpu.enqueue_indirect_dma source(%dma_start3A_24 : memref<10240x64xf32, #tpu.memory_space<hbm>>) target(%arg8 : memref<128x64xf32, #tpu.memory_space<vmem>>) offsets(%dma_start3A_17 : memref<128xi32, #tpu.memory_space<vmem>>) semaphore(%arg14 : memref<!tpu.dma_semaphore, #tpu.memory_space<semaphore_mem>>)
    %dma_start3A_25 = arith.constant 1 : i32
    %dma_start3A_26 = arith.constant 0 : i32
    %dma_start3A_27 = tpu.memref_slice %arg6[%dma_start3A_25, %dma_start3A_26] : memref<160x128xi32, #tpu.memory_space<vmem>> -> memref<1x128xi32, #tpu.memory_space<vmem>>
    %dma_start3A_28 = tpu.memref_squeeze %dma_start3A_27 : memref<1x128xi32, #tpu.memory_space<vmem>> -> memref<128xi32, #tpu.memory_space<vmem>>
    %dma_start3A_29 = arith.constant 0 : i32
    %dma_start3A_30 = arith.constant 0 : i32
    %dma_start3A_31 = tpu.memref_slice %arg2[%arg0, %dma_start3A_29, %dma_start3A_30] : memref<2x10240x64xf32, #tpu.memory_space<hbm>> -> memref<1x10240x64xf32, #tpu.memory_space<hbm>>
    %dma_start3A_32 = tpu.memref_squeeze %dma_start3A_31 : memref<1x10240x64xf32, #tpu.memory_space<hbm>> -> memref<10240x64xf32, #tpu.memory_space<hbm>>
    %dma_start3A_33 = arith.constant 0 : i32
    %dma_start3A_34 = arith.constant 0 : i32
    %dma_start3A_35 = tpu.memref_slice %dma_start3A_32[%dma_start3A_33, %dma_start3A_34] : memref<10240x64xf32, #tpu.memory_space<hbm>> -> memref<10240x64xf32, #tpu.memory_space<hbm>>
    tpu.enqueue_indirect_dma source(%dma_start3A_35 : memref<10240x64xf32, #tpu.memory_space<hbm>>) target(%arg9 : memref<128x64xf32, #tpu.memory_space<vmem>>) offsets(%dma_start3A_28 : memref<128xi32, #tpu.memory_space<vmem>>) semaphore(%arg15 : memref<!tpu.dma_semaphore, #tpu.memory_space<semaphore_mem>>)
    %dma_start3A_36 = arith.constant 2 : i32
    %dma_start3A_37 = arith.constant 0 : i32
    %dma_start3A_38 = tpu.memref_slice %arg6[%dma_start3A_36, %dma_start3A_37] : memref<160x128xi32, #tpu.memory_space<vmem>> -> memref<1x128xi32, #tpu.memory_space<vmem>>
    %dma_start3A_39 = tpu.memref_squeeze %dma_start3A_38 : memref<1x128xi32, #tpu.memory_space<vmem>> -> memref<128xi32, #tpu.memory_space<vmem>>
    %dma_start3A_40 = arith.constant 0 : i32
    %dma_start3A_41 = arith.constant 0 : i32
    %dma_start3A_42 = tpu.memref_slice %arg2[%arg0, %dma_start3A_40, %dma_start3A_41] : memref<2x10240x64xf32, #tpu.memory_space<hbm>> -> memref<1x10240x64xf32, #tpu.memory_space<hbm>>
    %dma_start3A_43 = tpu.memref_squeeze %dma_start3A_42 : memref<1x10240x64xf32, #tpu.memory_space<hbm>> -> memref<10240x64xf32, #tpu.memory_space<hbm>>
    %dma_start3A_44 = arith.constant 0 : i32
    %dma_start3A_45 = arith.constant 0 : i32
    %dma_start3A_46 = tpu.memref_slice %dma_start3A_43[%dma_start3A_44, %dma_start3A_45] : memref<10240x64xf32, #tpu.memory_space<hbm>> -> memref<10240x64xf32, #tpu.memory_space<hbm>>
    tpu.enqueue_indirect_dma source(%dma_start3A_46 : memref<10240x64xf32, #tpu.memory_space<hbm>>) target(%arg10 : memref<128x64xf32, #tpu.memory_space<vmem>>) offsets(%dma_start3A_39 : memref<128xi32, #tpu.memory_space<vmem>>) semaphore(%arg16 : memref<!tpu.dma_semaphore, #tpu.memory_space<semaphore_mem>>)
    %dma_start3A_47 = arith.constant 3 : i32
    %dma_start3A_48 = arith.constant 0 : i32
    %dma_start3A_49 = tpu.memref_slice %arg6[%dma_start3A_47, %dma_start3A_48] : memref<160x128xi32, #tpu.memory_space<vmem>> -> memref<1x128xi32, #tpu.memory_space<vmem>>
    %dma_start3A_50 = tpu.memref_squeeze %dma_start3A_49 : memref<1x128xi32, #tpu.memory_space<vmem>> -> memref<128xi32, #tpu.memory_space<vmem>>
    %dma_start3A_51 = arith.constant 0 : i32
    %dma_start3A_52 = arith.constant 0 : i32
    %dma_start3A_53 = tpu.memref_slice %arg2[%arg0, %dma_start3A_51, %dma_start3A_52] : memref<2x10240x64xf32, #tpu.memory_space<hbm>> -> memref<1x10240x64xf32, #tpu.memory_space<hbm>>
    %dma_start3A_54 = tpu.memref_squeeze %dma_start3A_53 : memref<1x10240x64xf32, #tpu.memory_space<hbm>> -> memref<10240x64xf32, #tpu.memory_space<hbm>>
    %dma_start3A_55 = arith.constant 0 : i32
    %dma_start3A_56 = arith.constant 0 : i32
    %dma_start3A_57 = tpu.memref_slice %dma_start3A_54[%dma_start3A_55, %dma_start3A_56] : memref<10240x64xf32, #tpu.memory_space<hbm>> -> memref<10240x64xf32, #tpu.memory_space<hbm>>
    tpu.enqueue_indirect_dma source(%dma_start3A_57 : memref<10240x64xf32, #tpu.memory_space<hbm>>) target(%arg11 : memref<128x64xf32, #tpu.memory_space<vmem>>) offsets(%dma_start3A_50 : memref<128xi32, #tpu.memory_space<vmem>>) semaphore(%arg17 : memref<!tpu.dma_semaphore, #tpu.memory_space<semaphore_mem>>)
    %scan3A_58 = arith.constant 0 : i32
    %scan3A_59 = arith.constant 40 : i32
    %scan3A_60 = arith.addi %scan3A_58, %scan3A_59 : i32
    %scan3A_61 = arith.constant 1 : i32
    scf.for %scan3A_111 = %scan3A_58 to %scan3A_60 step %scan3A_61  : i32 {
      %mul3A_112 = arith.constant 1 : i32
      %mul3A_113 = arith.muli %scan3A_111, %mul3A_112 : i32
      %add3A_114 = arith.constant 0 : i32
      %add3A_115 = arith.addi %add3A_114, %mul3A_113 : i32
      %mul3A_116 = arith.constant 4 : i32
      %mul3A_117 = arith.muli %mul3A_116, %add3A_115 : i32
      %add3A_118 = arith.constant 0 : i32
      %add3A_119 = arith.addi %mul3A_117, %add3A_118 : i32
      %dma_wait3A_120 = arith.constant 0 : i32
      %dma_wait3A_121 = tpu.memref_slice %arg6[%add3A_119, %dma_wait3A_120] : memref<160x128xi32, #tpu.memory_space<vmem>> -> memref<1x128xi32, #tpu.memory_space<vmem>>
      %dma_wait3A_122 = tpu.memref_squeeze %dma_wait3A_121 : memref<1x128xi32, #tpu.memory_space<vmem>> -> memref<128xi32, #tpu.memory_space<vmem>>
      %dma_wait3A_123 = arith.constant 0 : i32
      %dma_wait3A_124 = arith.constant 0 : i32
      %dma_wait3A_125 = tpu.memref_slice %arg2[%arg0, %dma_wait3A_123, %dma_wait3A_124] : memref<2x10240x64xf32, #tpu.memory_space<hbm>> -> memref<1x10240x64xf32, #tpu.memory_space<hbm>>
      %dma_wait3A_126 = tpu.memref_squeeze %dma_wait3A_125 : memref<1x10240x64xf32, #tpu.memory_space<hbm>> -> memref<10240x64xf32, #tpu.memory_space<hbm>>
      %dma_wait3A_127 = arith.constant 0 : i32
      %dma_wait3A_128 = arith.constant 0 : i32
      %dma_wait3A_129 = tpu.memref_slice %dma_wait3A_126[%dma_wait3A_127, %dma_wait3A_128] : memref<10240x64xf32, #tpu.memory_space<hbm>> -> memref<10240x64xf32, #tpu.memory_space<hbm>>
      tpu.wait_indirect_dma semaphore(%arg14 : memref<!tpu.dma_semaphore, #tpu.memory_space<semaphore_mem>>) src(%dma_wait3A_129 : memref<10240x64xf32, #tpu.memory_space<hbm>>) dst(%arg8 : memref<128x64xf32, #tpu.memory_space<vmem>>)
      %add3A_130 = arith.constant 0 : i32
      %add3A_131 = arith.addi %mul3A_117, %add3A_130 : i32
      %dma_start3A_132 = arith.constant 0 : i32
      %dma_start3A_133 = tpu.memref_slice %arg7[%add3A_131, %dma_start3A_132] : memref<160x128xi32, #tpu.memory_space<vmem>> -> memref<1x128xi32, #tpu.memory_space<vmem>>
      %dma_start3A_134 = tpu.memref_squeeze %dma_start3A_133 : memref<1x128xi32, #tpu.memory_space<vmem>> -> memref<128xi32, #tpu.memory_space<vmem>>
      %dma_start3A_135 = arith.constant 0 : i32
      %dma_start3A_136 = arith.constant 0 : i32
      %dma_start3A_137 = tpu.memref_slice %arg13[%dma_start3A_135, %dma_start3A_136] : memref<10240x64xf32, #tpu.memory_space<vmem_shared>> -> memref<10240x64xf32, #tpu.memory_space<vmem_shared>>
      tpu.enqueue_indirect_dma source(%arg8 : memref<128x64xf32, #tpu.memory_space<vmem>>) target(%dma_start3A_137 : memref<10240x64xf32, #tpu.memory_space<vmem_shared>>) offsets(%dma_start3A_134 : memref<128xi32, #tpu.memory_space<vmem>>) semaphore(%arg18 : memref<!tpu.dma_semaphore, #tpu.memory_space<semaphore_mem>>) {add = true}
      %add3A_138 = arith.constant 1 : i32
      %add3A_139 = arith.addi %mul3A_117, %add3A_138 : i32
      %dma_wait3A_140 = arith.constant 0 : i32
      %dma_wait3A_141 = tpu.memref_slice %arg6[%add3A_139, %dma_wait3A_140] : memref<160x128xi32, #tpu.memory_space<vmem>> -> memref<1x128xi32, #tpu.memory_space<vmem>>
      %dma_wait3A_142 = tpu.memref_squeeze %dma_wait3A_141 : memref<1x128xi32, #tpu.memory_space<vmem>> -> memref<128xi32, #tpu.memory_space<vmem>>
      %dma_wait3A_143 = arith.constant 0 : i32
      %dma_wait3A_144 = arith.constant 0 : i32
      %dma_wait3A_145 = tpu.memref_slice %arg2[%arg0, %dma_wait3A_143, %dma_wait3A_144] : memref<2x10240x64xf32, #tpu.memory_space<hbm>> -> memref<1x10240x64xf32, #tpu.memory_space<hbm>>
      %dma_wait3A_146 = tpu.memref_squeeze %dma_wait3A_145 : memref<1x10240x64xf32, #tpu.memory_space<hbm>> -> memref<10240x64xf32, #tpu.memory_space<hbm>>
      %dma_wait3A_147 = arith.constant 0 : i32
      %dma_wait3A_148 = arith.constant 0 : i32
      %dma_wait3A_149 = tpu.memref_slice %dma_wait3A_146[%dma_wait3A_147, %dma_wait3A_148] : memref<10240x64xf32, #tpu.memory_space<hbm>> -> memref<10240x64xf32, #tpu.memory_space<hbm>>
      tpu.wait_indirect_dma semaphore(%arg15 : memref<!tpu.dma_semaphore, #tpu.memory_space<semaphore_mem>>) src(%dma_wait3A_149 : memref<10240x64xf32, #tpu.memory_space<hbm>>) dst(%arg9 : memref<128x64xf32, #tpu.memory_space<vmem>>)
      %add3A_150 = arith.constant 1 : i32
      %add3A_151 = arith.addi %mul3A_117, %add3A_150 : i32
      %dma_start3A_152 = arith.constant 0 : i32
      %dma_start3A_153 = tpu.memref_slice %arg7[%add3A_151, %dma_start3A_152] : memref<160x128xi32, #tpu.memory_space<vmem>> -> memref<1x128xi32, #tpu.memory_space<vmem>>
      %dma_start3A_154 = tpu.memref_squeeze %dma_start3A_153 : memref<1x128xi32, #tpu.memory_space<vmem>> -> memref<128xi32, #tpu.memory_space<vmem>>
      %dma_start3A_155 = arith.constant 0 : i32
      %dma_start3A_156 = arith.constant 0 : i32
      %dma_start3A_157 = tpu.memref_slice %arg13[%dma_start3A_155, %dma_start3A_156] : memref<10240x64xf32, #tpu.memory_space<vmem_shared>> -> memref<10240x64xf32, #tpu.memory_space<vmem_shared>>
      tpu.enqueue_indirect_dma source(%arg9 : memref<128x64xf32, #tpu.memory_space<vmem>>) target(%dma_start3A_157 : memref<10240x64xf32, #tpu.memory_space<vmem_shared>>) offsets(%dma_start3A_154 : memref<128xi32, #tpu.memory_space<vmem>>) semaphore(%arg19 : memref<!tpu.dma_semaphore, #tpu.memory_space<semaphore_mem>>) {add = true}
      %add3A_158 = arith.constant 2 : i32
      %add3A_159 = arith.addi %mul3A_117, %add3A_158 : i32
      %dma_wait3A_160 = arith.constant 0 : i32
      %dma_wait3A_161 = tpu.memref_slice %arg6[%add3A_159, %dma_wait3A_160] : memref<160x128xi32, #tpu.memory_space<vmem>> -> memref<1x128xi32, #tpu.memory_space<vmem>>
      %dma_wait3A_162 = tpu.memref_squeeze %dma_wait3A_161 : memref<1x128xi32, #tpu.memory_space<vmem>> -> memref<128xi32, #tpu.memory_space<vmem>>
      %dma_wait3A_163 = arith.constant 0 : i32
      %dma_wait3A_164 = arith.constant 0 : i32
      %dma_wait3A_165 = tpu.memref_slice %arg2[%arg0, %dma_wait3A_163, %dma_wait3A_164] : memref<2x10240x64xf32, #tpu.memory_space<hbm>> -> memref<1x10240x64xf32, #tpu.memory_space<hbm>>
      %dma_wait3A_166 = tpu.memref_squeeze %dma_wait3A_165 : memref<1x10240x64xf32, #tpu.memory_space<hbm>> -> memref<10240x64xf32, #tpu.memory_space<hbm>>
      %dma_wait3A_167 = arith.constant 0 : i32
      %dma_wait3A_168 = arith.constant 0 : i32
      %dma_wait3A_169 = tpu.memref_slice %dma_wait3A_166[%dma_wait3A_167, %dma_wait3A_168] : memref<10240x64xf32, #tpu.memory_space<hbm>> -> memref<10240x64xf32, #tpu.memory_space<hbm>>
      tpu.wait_indirect_dma semaphore(%arg16 : memref<!tpu.dma_semaphore, #tpu.memory_space<semaphore_mem>>) src(%dma_wait3A_169 : memref<10240x64xf32, #tpu.memory_space<hbm>>) dst(%arg10 : memref<128x64xf32, #tpu.memory_space<vmem>>)
      %add3A_170 = arith.constant 2 : i32
      %add3A_171 = arith.addi %mul3A_117, %add3A_170 : i32
      %dma_start3A_172 = arith.constant 0 : i32
      %dma_start3A_173 = tpu.memref_slice %arg7[%add3A_171, %dma_start3A_172] : memref<160x128xi32, #tpu.memory_space<vmem>> -> memref<1x128xi32, #tpu.memory_space<vmem>>
      %dma_start3A_174 = tpu.memref_squeeze %dma_start3A_173 : memref<1x128xi32, #tpu.memory_space<vmem>> -> memref<128xi32, #tpu.memory_space<vmem>>
      %dma_start3A_175 = arith.constant 0 : i32
      %dma_start3A_176 = arith.constant 0 : i32
      %dma_start3A_177 = tpu.memref_slice %arg13[%dma_start3A_175, %dma_start3A_176] : memref<10240x64xf32, #tpu.memory_space<vmem_shared>> -> memref<10240x64xf32, #tpu.memory_space<vmem_shared>>
      tpu.enqueue_indirect_dma source(%arg10 : memref<128x64xf32, #tpu.memory_space<vmem>>) target(%dma_start3A_177 : memref<10240x64xf32, #tpu.memory_space<vmem_shared>>) offsets(%dma_start3A_174 : memref<128xi32, #tpu.memory_space<vmem>>) semaphore(%arg20 : memref<!tpu.dma_semaphore, #tpu.memory_space<semaphore_mem>>) {add = true}
      %add3A_178 = arith.constant 3 : i32
      %add3A_179 = arith.addi %mul3A_117, %add3A_178 : i32
      %dma_wait3A_180 = arith.constant 0 : i32
      %dma_wait3A_181 = tpu.memref_slice %arg6[%add3A_179, %dma_wait3A_180] : memref<160x128xi32, #tpu.memory_space<vmem>> -> memref<1x128xi32, #tpu.memory_space<vmem>>
      %dma_wait3A_182 = tpu.memref_squeeze %dma_wait3A_181 : memref<1x128xi32, #tpu.memory_space<vmem>> -> memref<128xi32, #tpu.memory_space<vmem>>
      %dma_wait3A_183 = arith.constant 0 : i32
      %dma_wait3A_184 = arith.constant 0 : i32
      %dma_wait3A_185 = tpu.memref_slice %arg2[%arg0, %dma_wait3A_183, %dma_wait3A_184] : memref<2x10240x64xf32, #tpu.memory_space<hbm>> -> memref<1x10240x64xf32, #tpu.memory_space<hbm>>
      %dma_wait3A_186 = tpu.memref_squeeze %dma_wait3A_185 : memref<1x10240x64xf32, #tpu.memory_space<hbm>> -> memref<10240x64xf32, #tpu.memory_space<hbm>>
      %dma_wait3A_187 = arith.constant 0 : i32
      %dma_wait3A_188 = arith.constant 0 : i32
      %dma_wait3A_189 = tpu.memref_slice %dma_wait3A_186[%dma_wait3A_187, %dma_wait3A_188] : memref<10240x64xf32, #tpu.memory_space<hbm>> -> memref<10240x64xf32, #tpu.memory_space<hbm>>
      tpu.wait_indirect_dma semaphore(%arg17 : memref<!tpu.dma_semaphore, #tpu.memory_space<semaphore_mem>>) src(%dma_wait3A_189 : memref<10240x64xf32, #tpu.memory_space<hbm>>) dst(%arg11 : memref<128x64xf32, #tpu.memory_space<vmem>>)
      %add3A_190 = arith.constant 3 : i32
      %add3A_191 = arith.addi %mul3A_117, %add3A_190 : i32
      %dma_start3A_192 = arith.constant 0 : i32
      %dma_start3A_193 = tpu.memref_slice %arg7[%add3A_191, %dma_start3A_192] : memref<160x128xi32, #tpu.memory_space<vmem>> -> memref<1x128xi32, #tpu.memory_space<vmem>>
      %dma_start3A_194 = tpu.memref_squeeze %dma_start3A_193 : memref<1x128xi32, #tpu.memory_space<vmem>> -> memref<128xi32, #tpu.memory_space<vmem>>
      %dma_start3A_195 = arith.constant 0 : i32
      %dma_start3A_196 = arith.constant 0 : i32
      %dma_start3A_197 = tpu.memref_slice %arg13[%dma_start3A_195, %dma_start3A_196] : memref<10240x64xf32, #tpu.memory_space<vmem_shared>> -> memref<10240x64xf32, #tpu.memory_space<vmem_shared>>
      tpu.enqueue_indirect_dma source(%arg11 : memref<128x64xf32, #tpu.memory_space<vmem>>) target(%dma_start3A_197 : memref<10240x64xf32, #tpu.memory_space<vmem_shared>>) offsets(%dma_start3A_194 : memref<128xi32, #tpu.memory_space<vmem>>) semaphore(%arg21 : memref<!tpu.dma_semaphore, #tpu.memory_space<semaphore_mem>>) {add = true}
      %lt3A = arith.constant 39 : i32
      %lt3A_198 = arith.cmpi slt, %add3A_115, %lt3A : i32
      %convert_element_type3A = arith.extui %lt3A_198 : i1 to i32
      %cond3A = arith.constant 0 : i32
      %cond3A_199 = arith.cmpi ne, %convert_element_type3A, %cond3A : i32
      scf.if %cond3A_199 {
        %add3A_200 = arith.constant 0 : i32
        %add3A_201 = arith.addi %mul3A_117, %add3A_200 : i32
        %dma_wait3A_202 = arith.constant 0 : i32
        %dma_wait3A_203 = tpu.memref_slice %arg7[%add3A_201, %dma_wait3A_202] : memref<160x128xi32, #tpu.memory_space<vmem>> -> memref<1x128xi32, #tpu.memory_space<vmem>>
        %dma_wait3A_204 = tpu.memref_squeeze %dma_wait3A_203 : memref<1x128xi32, #tpu.memory_space<vmem>> -> memref<128xi32, #tpu.memory_space<vmem>>
        %dma_wait3A_205 = arith.constant 0 : i32
        %dma_wait3A_206 = arith.constant 0 : i32
        %dma_wait3A_207 = tpu.memref_slice %arg13[%dma_wait3A_205, %dma_wait3A_206] : memref<10240x64xf32, #tpu.memory_space<vmem_shared>> -> memref<10240x64xf32, #tpu.memory_space<vmem_shared>>
        tpu.wait_indirect_dma semaphore(%arg18 : memref<!tpu.dma_semaphore, #tpu.memory_space<semaphore_mem>>) src(%arg8 : memref<128x64xf32, #tpu.memory_space<vmem>>) dst(%dma_wait3A_207 : memref<10240x64xf32, #tpu.memory_space<vmem_shared>>)
        %add3A_208 = arith.constant 4 : i32
        %add3A_209 = arith.addi %mul3A_117, %add3A_208 : i32
        %add3A_210 = arith.constant 0 : i32
        %add3A_211 = arith.addi %add3A_209, %add3A_210 : i32
        %dma_start3A_212 = arith.constant 0 : i32
        %dma_start3A_213 = tpu.memref_slice %arg6[%add3A_211, %dma_start3A_212] : memref<160x128xi32, #tpu.memory_space<vmem>> -> memref<1x128xi32, #tpu.memory_space<vmem>>
        %dma_start3A_214 = tpu.memref_squeeze %dma_start3A_213 : memref<1x128xi32, #tpu.memory_space<vmem>> -> memref<128xi32, #tpu.memory_space<vmem>>
        %dma_start3A_215 = arith.constant 0 : i32
        %dma_start3A_216 = arith.constant 0 : i32
        %dma_start3A_217 = tpu.memref_slice %arg2[%arg0, %dma_start3A_215, %dma_start3A_216] : memref<2x10240x64xf32, #tpu.memory_space<hbm>> -> memref<1x10240x64xf32, #tpu.memory_space<hbm>>
        %dma_start3A_218 = tpu.memref_squeeze %dma_start3A_217 : memref<1x10240x64xf32, #tpu.memory_space<hbm>> -> memref<10240x64xf32, #tpu.memory_space<hbm>>
        %dma_start3A_219 = arith.constant 0 : i32
        %dma_start3A_220 = arith.constant 0 : i32
        %dma_start3A_221 = tpu.memref_slice %dma_start3A_218[%dma_start3A_219, %dma_start3A_220] : memref<10240x64xf32, #tpu.memory_space<hbm>> -> memref<10240x64xf32, #tpu.memory_space<hbm>>
        tpu.enqueue_indirect_dma source(%dma_start3A_221 : memref<10240x64xf32, #tpu.memory_space<hbm>>) target(%arg8 : memref<128x64xf32, #tpu.memory_space<vmem>>) offsets(%dma_start3A_214 : memref<128xi32, #tpu.memory_space<vmem>>) semaphore(%arg14 : memref<!tpu.dma_semaphore, #tpu.memory_space<semaphore_mem>>)
        %add3A_222 = arith.constant 1 : i32
        %add3A_223 = arith.addi %mul3A_117, %add3A_222 : i32
        %dma_wait3A_224 = arith.constant 0 : i32
        %dma_wait3A_225 = tpu.memref_slice %arg7[%add3A_223, %dma_wait3A_224] : memref<160x128xi32, #tpu.memory_space<vmem>> -> memref<1x128xi32, #tpu.memory_space<vmem>>
        %dma_wait3A_226 = tpu.memref_squeeze %dma_wait3A_225 : memref<1x128xi32, #tpu.memory_space<vmem>> -> memref<128xi32, #tpu.memory_space<vmem>>
        %dma_wait3A_227 = arith.constant 0 : i32
        %dma_wait3A_228 = arith.constant 0 : i32
        %dma_wait3A_229 = tpu.memref_slice %arg13[%dma_wait3A_227, %dma_wait3A_228] : memref<10240x64xf32, #tpu.memory_space<vmem_shared>> -> memref<10240x64xf32, #tpu.memory_space<vmem_shared>>
        tpu.wait_indirect_dma semaphore(%arg19 : memref<!tpu.dma_semaphore, #tpu.memory_space<semaphore_mem>>) src(%arg9 : memref<128x64xf32, #tpu.memory_space<vmem>>) dst(%dma_wait3A_229 : memref<10240x64xf32, #tpu.memory_space<vmem_shared>>)
        %add3A_230 = arith.constant 4 : i32
        %add3A_231 = arith.addi %mul3A_117, %add3A_230 : i32
        %add3A_232 = arith.constant 1 : i32
        %add3A_233 = arith.addi %add3A_231, %add3A_232 : i32
        %dma_start3A_234 = arith.constant 0 : i32
        %dma_start3A_235 = tpu.memref_slice %arg6[%add3A_233, %dma_start3A_234] : memref<160x128xi32, #tpu.memory_space<vmem>> -> memref<1x128xi32, #tpu.memory_space<vmem>>
        %dma_start3A_236 = tpu.memref_squeeze %dma_start3A_235 : memref<1x128xi32, #tpu.memory_space<vmem>> -> memref<128xi32, #tpu.memory_space<vmem>>
        %dma_start3A_237 = arith.constant 0 : i32
        %dma_start3A_238 = arith.constant 0 : i32
        %dma_start3A_239 = tpu.memref_slice %arg2[%arg0, %dma_start3A_237, %dma_start3A_238] : memref<2x10240x64xf32, #tpu.memory_space<hbm>> -> memref<1x10240x64xf32, #tpu.memory_space<hbm>>
        %dma_start3A_240 = tpu.memref_squeeze %dma_start3A_239 : memref<1x10240x64xf32, #tpu.memory_space<hbm>> -> memref<10240x64xf32, #tpu.memory_space<hbm>>
        %dma_start3A_241 = arith.constant 0 : i32
        %dma_start3A_242 = arith.constant 0 : i32
        %dma_start3A_243 = tpu.memref_slice %dma_start3A_240[%dma_start3A_241, %dma_start3A_242] : memref<10240x64xf32, #tpu.memory_space<hbm>> -> memref<10240x64xf32, #tpu.memory_space<hbm>>
        tpu.enqueue_indirect_dma source(%dma_start3A_243 : memref<10240x64xf32, #tpu.memory_space<hbm>>) target(%arg9 : memref<128x64xf32, #tpu.memory_space<vmem>>) offsets(%dma_start3A_236 : memref<128xi32, #tpu.memory_space<vmem>>) semaphore(%arg15 : memref<!tpu.dma_semaphore, #tpu.memory_space<semaphore_mem>>)
        %add3A_244 = arith.constant 2 : i32
        %add3A_245 = arith.addi %mul3A_117, %add3A_244 : i32
        %dma_wait3A_246 = arith.constant 0 : i32
        %dma_wait3A_247 = tpu.memref_slice %arg7[%add3A_245, %dma_wait3A_246] : memref<160x128xi32, #tpu.memory_space<vmem>> -> memref<1x128xi32, #tpu.memory_space<vmem>>
        %dma_wait3A_248 = tpu.memref_squeeze %dma_wait3A_247 : memref<1x128xi32, #tpu.memory_space<vmem>> -> memref<128xi32, #tpu.memory_space<vmem>>
        %dma_wait3A_249 = arith.constant 0 : i32
        %dma_wait3A_250 = arith.constant 0 : i32
        %dma_wait3A_251 = tpu.memref_slice %arg13[%dma_wait3A_249, %dma_wait3A_250] : memref<10240x64xf32, #tpu.memory_space<vmem_shared>> -> memref<10240x64xf32, #tpu.memory_space<vmem_shared>>
        tpu.wait_indirect_dma semaphore(%arg20 : memref<!tpu.dma_semaphore, #tpu.memory_space<semaphore_mem>>) src(%arg10 : memref<128x64xf32, #tpu.memory_space<vmem>>) dst(%dma_wait3A_251 : memref<10240x64xf32, #tpu.memory_space<vmem_shared>>)
        %add3A_252 = arith.constant 4 : i32
        %add3A_253 = arith.addi %mul3A_117, %add3A_252 : i32
        %add3A_254 = arith.constant 2 : i32
        %add3A_255 = arith.addi %add3A_253, %add3A_254 : i32
        %dma_start3A_256 = arith.constant 0 : i32
        %dma_start3A_257 = tpu.memref_slice %arg6[%add3A_255, %dma_start3A_256] : memref<160x128xi32, #tpu.memory_space<vmem>> -> memref<1x128xi32, #tpu.memory_space<vmem>>
        %dma_start3A_258 = tpu.memref_squeeze %dma_start3A_257 : memref<1x128xi32, #tpu.memory_space<vmem>> -> memref<128xi32, #tpu.memory_space<vmem>>
        %dma_start3A_259 = arith.constant 0 : i32
        %dma_start3A_260 = arith.constant 0 : i32
        %dma_start3A_261 = tpu.memref_slice %arg2[%arg0, %dma_start3A_259, %dma_start3A_260] : memref<2x10240x64xf32, #tpu.memory_space<hbm>> -> memref<1x10240x64xf32, #tpu.memory_space<hbm>>
        %dma_start3A_262 = tpu.memref_squeeze %dma_start3A_261 : memref<1x10240x64xf32, #tpu.memory_space<hbm>> -> memref<10240x64xf32, #tpu.memory_space<hbm>>
        %dma_start3A_263 = arith.constant 0 : i32
        %dma_start3A_264 = arith.constant 0 : i32
        %dma_start3A_265 = tpu.memref_slice %dma_start3A_262[%dma_start3A_263, %dma_start3A_264] : memref<10240x64xf32, #tpu.memory_space<hbm>> -> memref<10240x64xf32, #tpu.memory_space<hbm>>
        tpu.enqueue_indirect_dma source(%dma_start3A_265 : memref<10240x64xf32, #tpu.memory_space<hbm>>) target(%arg10 : memref<128x64xf32, #tpu.memory_space<vmem>>) offsets(%dma_start3A_258 : memref<128xi32, #tpu.memory_space<vmem>>) semaphore(%arg16 : memref<!tpu.dma_semaphore, #tpu.memory_space<semaphore_mem>>)
        %add3A_266 = arith.constant 3 : i32
        %add3A_267 = arith.addi %mul3A_117, %add3A_266 : i32
        %dma_wait3A_268 = arith.constant 0 : i32
        %dma_wait3A_269 = tpu.memref_slice %arg7[%add3A_267, %dma_wait3A_268] : memref<160x128xi32, #tpu.memory_space<vmem>> -> memref<1x128xi32, #tpu.memory_space<vmem>>
        %dma_wait3A_270 = tpu.memref_squeeze %dma_wait3A_269 : memref<1x128xi32, #tpu.memory_space<vmem>> -> memref<128xi32, #tpu.memory_space<vmem>>
        %dma_wait3A_271 = arith.constant 0 : i32
        %dma_wait3A_272 = arith.constant 0 : i32
        %dma_wait3A_273 = tpu.memref_slice %arg13[%dma_wait3A_271, %dma_wait3A_272] : memref<10240x64xf32, #tpu.memory_space<vmem_shared>> -> memref<10240x64xf32, #tpu.memory_space<vmem_shared>>
        tpu.wait_indirect_dma semaphore(%arg21 : memref<!tpu.dma_semaphore, #tpu.memory_space<semaphore_mem>>) src(%arg11 : memref<128x64xf32, #tpu.memory_space<vmem>>) dst(%dma_wait3A_273 : memref<10240x64xf32, #tpu.memory_space<vmem_shared>>)
        %add3A_274 = arith.constant 4 : i32
        %add3A_275 = arith.addi %mul3A_117, %add3A_274 : i32
        %add3A_276 = arith.constant 3 : i32
        %add3A_277 = arith.addi %add3A_275, %add3A_276 : i32
        %dma_start3A_278 = arith.constant 0 : i32
        %dma_start3A_279 = tpu.memref_slice %arg6[%add3A_277, %dma_start3A_278] : memref<160x128xi32, #tpu.memory_space<vmem>> -> memref<1x128xi32, #tpu.memory_space<vmem>>
        %dma_start3A_280 = tpu.memref_squeeze %dma_start3A_279 : memref<1x128xi32, #tpu.memory_space<vmem>> -> memref<128xi32, #tpu.memory_space<vmem>>
        %dma_start3A_281 = arith.constant 0 : i32
        %dma_start3A_282 = arith.constant 0 : i32
        %dma_start3A_283 = tpu.memref_slice %arg2[%arg0, %dma_start3A_281, %dma_start3A_282] : memref<2x10240x64xf32, #tpu.memory_space<hbm>> -> memref<1x10240x64xf32, #tpu.memory_space<hbm>>
        %dma_start3A_284 = tpu.memref_squeeze %dma_start3A_283 : memref<1x10240x64xf32, #tpu.memory_space<hbm>> -> memref<10240x64xf32, #tpu.memory_space<hbm>>
        %dma_start3A_285 = arith.constant 0 : i32
        %dma_start3A_286 = arith.constant 0 : i32
        %dma_start3A_287 = tpu.memref_slice %dma_start3A_284[%dma_start3A_285, %dma_start3A_286] : memref<10240x64xf32, #tpu.memory_space<hbm>> -> memref<10240x64xf32, #tpu.memory_space<hbm>>
        tpu.enqueue_indirect_dma source(%dma_start3A_287 : memref<10240x64xf32, #tpu.memory_space<hbm>>) target(%arg11 : memref<128x64xf32, #tpu.memory_space<vmem>>) offsets(%dma_start3A_280 : memref<128xi32, #tpu.memory_space<vmem>>) semaphore(%arg17 : memref<!tpu.dma_semaphore, #tpu.memory_space<semaphore_mem>>)
      } else {
      }
    }
    %scan3A_62 = arith.constant 40 : i32
    %dma_wait3A = arith.constant 156 : i32
    %dma_wait3A_63 = arith.constant 0 : i32
    %dma_wait3A_64 = tpu.memref_slice %arg7[%dma_wait3A, %dma_wait3A_63] : memref<160x128xi32, #tpu.memory_space<vmem>> -> memref<1x128xi32, #tpu.memory_space<vmem>>
    %dma_wait3A_65 = tpu.memref_squeeze %dma_wait3A_64 : memref<1x128xi32, #tpu.memory_space<vmem>> -> memref<128xi32, #tpu.memory_space<vmem>>
    %dma_wait3A_66 = arith.constant 0 : i32
    %dma_wait3A_67 = arith.constant 0 : i32
    %dma_wait3A_68 = tpu.memref_slice %arg13[%dma_wait3A_66, %dma_wait3A_67] : memref<10240x64xf32, #tpu.memory_space<vmem_shared>> -> memref<10240x64xf32, #tpu.memory_space<vmem_shared>>
    tpu.wait_indirect_dma semaphore(%arg18 : memref<!tpu.dma_semaphore, #tpu.memory_space<semaphore_mem>>) src(%arg8 : memref<128x64xf32, #tpu.memory_space<vmem>>) dst(%dma_wait3A_68 : memref<10240x64xf32, #tpu.memory_space<vmem_shared>>)
    %dma_wait3A_69 = arith.constant 157 : i32
    %dma_wait3A_70 = arith.constant 0 : i32
    %dma_wait3A_71 = tpu.memref_slice %arg7[%dma_wait3A_69, %dma_wait3A_70] : memref<160x128xi32, #tpu.memory_space<vmem>> -> memref<1x128xi32, #tpu.memory_space<vmem>>
    %dma_wait3A_72 = tpu.memref_squeeze %dma_wait3A_71 : memref<1x128xi32, #tpu.memory_space<vmem>> -> memref<128xi32, #tpu.memory_space<vmem>>
    %dma_wait3A_73 = arith.constant 0 : i32
    %dma_wait3A_74 = arith.constant 0 : i32
    %dma_wait3A_75 = tpu.memref_slice %arg13[%dma_wait3A_73, %dma_wait3A_74] : memref<10240x64xf32, #tpu.memory_space<vmem_shared>> -> memref<10240x64xf32, #tpu.memory_space<vmem_shared>>
    tpu.wait_indirect_dma semaphore(%arg19 : memref<!tpu.dma_semaphore, #tpu.memory_space<semaphore_mem>>) src(%arg9 : memref<128x64xf32, #tpu.memory_space<vmem>>) dst(%dma_wait3A_75 : memref<10240x64xf32, #tpu.memory_space<vmem_shared>>)
    %dma_wait3A_76 = arith.constant 158 : i32
    %dma_wait3A_77 = arith.constant 0 : i32
    %dma_wait3A_78 = tpu.memref_slice %arg7[%dma_wait3A_76, %dma_wait3A_77] : memref<160x128xi32, #tpu.memory_space<vmem>> -> memref<1x128xi32, #tpu.memory_space<vmem>>
    %dma_wait3A_79 = tpu.memref_squeeze %dma_wait3A_78 : memref<1x128xi32, #tpu.memory_space<vmem>> -> memref<128xi32, #tpu.memory_space<vmem>>
    %dma_wait3A_80 = arith.constant 0 : i32
    %dma_wait3A_81 = arith.constant 0 : i32
    %dma_wait3A_82 = tpu.memref_slice %arg13[%dma_wait3A_80, %dma_wait3A_81] : memref<10240x64xf32, #tpu.memory_space<vmem_shared>> -> memref<10240x64xf32, #tpu.memory_space<vmem_shared>>
    tpu.wait_indirect_dma semaphore(%arg20 : memref<!tpu.dma_semaphore, #tpu.memory_space<semaphore_mem>>) src(%arg10 : memref<128x64xf32, #tpu.memory_space<vmem>>) dst(%dma_wait3A_82 : memref<10240x64xf32, #tpu.memory_space<vmem_shared>>)
    %dma_wait3A_83 = arith.constant 159 : i32
    %dma_wait3A_84 = arith.constant 0 : i32
    %dma_wait3A_85 = tpu.memref_slice %arg7[%dma_wait3A_83, %dma_wait3A_84] : memref<160x128xi32, #tpu.memory_space<vmem>> -> memref<1x128xi32, #tpu.memory_space<vmem>>
    %dma_wait3A_86 = tpu.memref_squeeze %dma_wait3A_85 : memref<1x128xi32, #tpu.memory_space<vmem>> -> memref<128xi32, #tpu.memory_space<vmem>>
    %dma_wait3A_87 = arith.constant 0 : i32
    %dma_wait3A_88 = arith.constant 0 : i32
    %dma_wait3A_89 = tpu.memref_slice %arg13[%dma_wait3A_87, %dma_wait3A_88] : memref<10240x64xf32, #tpu.memory_space<vmem_shared>> -> memref<10240x64xf32, #tpu.memory_space<vmem_shared>>
    tpu.wait_indirect_dma semaphore(%arg21 : memref<!tpu.dma_semaphore, #tpu.memory_space<semaphore_mem>>) src(%arg11 : memref<128x64xf32, #tpu.memory_space<vmem>>) dst(%dma_wait3A_89 : memref<10240x64xf32, #tpu.memory_space<vmem_shared>>)
    %barrier3A_90 = arith.constant 0 : index
    tpu.barrier barrier_id(%barrier3A_90)
    %add3A_91 = arith.constant 0 : i32
    %add3A_92 = arith.addi %mul3A_5, %add3A_91 : i32
    "tpu.region"() ({
      %run_scoped3A = tpu.sem_alloc : memref<!tpu.dma_semaphore, #tpu.memory_space<semaphore_mem>>
      %dma_start3A_111 = arith.constant 0 : i32
      %dma_start3A_112 = tpu.memref_slice %arg13[%add3A_92, %dma_start3A_111] : memref<10240x64xf32, #tpu.memory_space<vmem_shared>> -> memref<128x64xf32, #tpu.memory_space<vmem_shared>>
      %dma_start3A_113 = arith.constant 0 : i32
      %dma_start3A_114 = tpu.memref_slice %arg13[%add3A_92, %dma_start3A_113] : memref<10240x64xf32, #tpu.memory_space<vmem_shared>> -> memref<128x64xf32, #tpu.memory_space<vmem_shared>>
      tpu.enqueue_dma source(%dma_start3A_114 : memref<128x64xf32, #tpu.memory_space<vmem_shared>>) target(%arg12 : memref<128x64xf32, #tpu.memory_space<vmem>>) target_semaphore(%run_scoped3A : memref<!tpu.dma_semaphore, #tpu.memory_space<semaphore_mem>>)
      %dma_wait3A_115 = arith.constant 0 : i32
      %dma_wait3A_116 = tpu.memref_slice %arg13[%add3A_92, %dma_wait3A_115] : memref<10240x64xf32, #tpu.memory_space<vmem_shared>> -> memref<128x64xf32, #tpu.memory_space<vmem_shared>>
      %dma_wait3A_117 = arith.constant 0 : i32
      %dma_wait3A_118 = tpu.memref_slice %arg13[%add3A_92, %dma_wait3A_117] : memref<10240x64xf32, #tpu.memory_space<vmem_shared>> -> memref<128x64xf32, #tpu.memory_space<vmem_shared>>
      tpu.wait_dma2 semaphore(%run_scoped3A : memref<!tpu.dma_semaphore, #tpu.memory_space<semaphore_mem>>) src(%dma_wait3A_118 : memref<128x64xf32, #tpu.memory_space<vmem_shared>>) dst(%arg12 : memref<128x64xf32, #tpu.memory_space<vmem>>)
      tpu.yield
    }) : () -> ()
    %add3A_93 = arith.constant 0 : i32
    %add3A_94 = arith.addi %mul3A_5, %add3A_93 : i32
    "tpu.region"() ({
      %run_scoped3A = tpu.sem_alloc : memref<!tpu.dma_semaphore, #tpu.memory_space<semaphore_mem>>
      %dma_start3A_111 = arith.constant 0 : i32
      %dma_start3A_112 = tpu.memref_slice %arg5[%arg0, %add3A_94, %dma_start3A_111] : memref<2x10240x64xf32, #tpu.memory_space<hbm>> -> memref<1x128x64xf32, #tpu.memory_space<hbm>>
      %dma_start3A_113 = tpu.memref_squeeze %dma_start3A_112 : memref<1x128x64xf32, #tpu.memory_space<hbm>> -> memref<128x64xf32, #tpu.memory_space<hbm>>
      %dma_start3A_114 = arith.constant 0 : i32
      %dma_start3A_115 = tpu.memref_slice %arg5[%arg0, %add3A_94, %dma_start3A_114] : memref<2x10240x64xf32, #tpu.memory_space<hbm>> -> memref<1x128x64xf32, #tpu.memory_space<hbm>>
      %dma_start3A_116 = tpu.memref_squeeze %dma_start3A_115 : memref<1x128x64xf32, #tpu.memory_space<hbm>> -> memref<128x64xf32, #tpu.memory_space<hbm>>
      tpu.enqueue_dma source(%arg12 : memref<128x64xf32, #tpu.memory_space<vmem>>) target(%dma_start3A_116 : memref<128x64xf32, #tpu.memory_space<hbm>>) target_semaphore(%run_scoped3A : memref<!tpu.dma_semaphore, #tpu.memory_space<semaphore_mem>>)
      %dma_wait3A_117 = arith.constant 0 : i32
      %dma_wait3A_118 = tpu.memref_slice %arg5[%arg0, %add3A_94, %dma_wait3A_117] : memref<2x10240x64xf32, #tpu.memory_space<hbm>> -> memref<1x128x64xf32, #tpu.memory_space<hbm>>
      %dma_wait3A_119 = tpu.memref_squeeze %dma_wait3A_118 : memref<1x128x64xf32, #tpu.memory_space<hbm>> -> memref<128x64xf32, #tpu.memory_space<hbm>>
      %dma_wait3A_120 = arith.constant 0 : i32
      %dma_wait3A_121 = tpu.memref_slice %arg5[%arg0, %add3A_94, %dma_wait3A_120] : memref<2x10240x64xf32, #tpu.memory_space<hbm>> -> memref<1x128x64xf32, #tpu.memory_space<hbm>>
      %dma_wait3A_122 = tpu.memref_squeeze %dma_wait3A_121 : memref<1x128x64xf32, #tpu.memory_space<hbm>> -> memref<128x64xf32, #tpu.memory_space<hbm>>
      tpu.wait_dma2 semaphore(%run_scoped3A : memref<!tpu.dma_semaphore, #tpu.memory_space<semaphore_mem>>) src(%arg12 : memref<128x64xf32, #tpu.memory_space<vmem>>) dst(%dma_wait3A_122 : memref<128x64xf32, #tpu.memory_space<hbm>>)
      tpu.yield
    }) : () -> ()
    %add3A_95 = arith.constant 128 : i32
    %add3A_96 = arith.addi %mul3A_5, %add3A_95 : i32
    "tpu.region"() ({
      %run_scoped3A = tpu.sem_alloc : memref<!tpu.dma_semaphore, #tpu.memory_space<semaphore_mem>>
      %dma_start3A_111 = arith.constant 0 : i32
      %dma_start3A_112 = tpu.memref_slice %arg13[%add3A_96, %dma_start3A_111] : memref<10240x64xf32, #tpu.memory_space<vmem_shared>> -> memref<128x64xf32, #tpu.memory_space<vmem_shared>>
      %dma_start3A_113 = arith.constant 0 : i32
      %dma_start3A_114 = tpu.memref_slice %arg13[%add3A_96, %dma_start3A_113] : memref<10240x64xf32, #tpu.memory_space<vmem_shared>> -> memref<128x64xf32, #tpu.memory_space<vmem_shared>>
      tpu.enqueue_dma source(%dma_start3A_114 : memref<128x64xf32, #tpu.memory_space<vmem_shared>>) target(%arg12 : memref<128x64xf32, #tpu.memory_space<vmem>>) target_semaphore(%run_scoped3A : memref<!tpu.dma_semaphore, #tpu.memory_space<semaphore_mem>>)
      %dma_wait3A_115 = arith.constant 0 : i32
      %dma_wait3A_116 = tpu.memref_slice %arg13[%add3A_96, %dma_wait3A_115] : memref<10240x64xf32, #tpu.memory_space<vmem_shared>> -> memref<128x64xf32, #tpu.memory_space<vmem_shared>>
      %dma_wait3A_117 = arith.constant 0 : i32
      %dma_wait3A_118 = tpu.memref_slice %arg13[%add3A_96, %dma_wait3A_117] : memref<10240x64xf32, #tpu.memory_space<vmem_shared>> -> memref<128x64xf32, #tpu.memory_space<vmem_shared>>
      tpu.wait_dma2 semaphore(%run_scoped3A : memref<!tpu.dma_semaphore, #tpu.memory_space<semaphore_mem>>) src(%dma_wait3A_118 : memref<128x64xf32, #tpu.memory_space<vmem_shared>>) dst(%arg12 : memref<128x64xf32, #tpu.memory_space<vmem>>)
      tpu.yield
    }) : () -> ()
    %add3A_97 = arith.constant 128 : i32
    %add3A_98 = arith.addi %mul3A_5, %add3A_97 : i32
    "tpu.region"() ({
      %run_scoped3A = tpu.sem_alloc : memref<!tpu.dma_semaphore, #tpu.memory_space<semaphore_mem>>
      %dma_start3A_111 = arith.constant 0 : i32
      %dma_start3A_112 = tpu.memref_slice %arg5[%arg0, %add3A_98, %dma_start3A_111] : memref<2x10240x64xf32, #tpu.memory_space<hbm>> -> memref<1x128x64xf32, #tpu.memory_space<hbm>>
      %dma_start3A_113 = tpu.memref_squeeze %dma_start3A_112 : memref<1x128x64xf32, #tpu.memory_space<hbm>> -> memref<128x64xf32, #tpu.memory_space<hbm>>
      %dma_start3A_114 = arith.constant 0 : i32
      %dma_start3A_115 = tpu.memref_slice %arg5[%arg0, %add3A_98, %dma_start3A_114] : memref<2x10240x64xf32, #tpu.memory_space<hbm>> -> memref<1x128x64xf32, #tpu.memory_space<hbm>>
      %dma_start3A_116 = tpu.memref_squeeze %dma_start3A_115 : memref<1x128x64xf32, #tpu.memory_space<hbm>> -> memref<128x64xf32, #tpu.memory_space<hbm>>
      tpu.enqueue_dma source(%arg12 : memref<128x64xf32, #tpu.memory_space<vmem>>) target(%dma_start3A_116 : memref<128x64xf32, #tpu.memory_space<hbm>>) target_semaphore(%run_scoped3A : memref<!tpu.dma_semaphore, #tpu.memory_space<semaphore_mem>>)
      %dma_wait3A_117 = arith.constant 0 : i32
      %dma_wait3A_118 = tpu.memref_slice %arg5[%arg0, %add3A_98, %dma_wait3A_117] : memref<2x10240x64xf32, #tpu.memory_space<hbm>> -> memref<1x128x64xf32, #tpu.memory_space<hbm>>
      %dma_wait3A_119 = tpu.memref_squeeze %dma_wait3A_118 : memref<1x128x64xf32, #tpu.memory_space<hbm>> -> memref<128x64xf32, #tpu.memory_space<hbm>>
      %dma_wait3A_120 = arith.constant 0 : i32
      %dma_wait3A_121 = tpu.memref_slice %arg5[%arg0, %add3A_98, %dma_wait3A_120] : memref<2x10240x64xf32, #tpu.memory_space<hbm>> -> memref<1x128x64xf32, #tpu.memory_space<hbm>>
      %dma_wait3A_122 = tpu.memref_squeeze %dma_wait3A_121 : memref<1x128x64xf32, #tpu.memory_space<hbm>> -> memref<128x64xf32, #tpu.memory_space<hbm>>
      tpu.wait_dma2 semaphore(%run_scoped3A : memref<!tpu.dma_semaphore, #tpu.memory_space<semaphore_mem>>) src(%arg12 : memref<128x64xf32, #tpu.memory_space<vmem>>) dst(%dma_wait3A_122 : memref<128x64xf32, #tpu.memory_space<hbm>>)
      tpu.yield
    }) : () -> ()
    %add3A_99 = arith.constant 256 : i32
    %add3A_100 = arith.addi %mul3A_5, %add3A_99 : i32
    "tpu.region"() ({
      %run_scoped3A = tpu.sem_alloc : memref<!tpu.dma_semaphore, #tpu.memory_space<semaphore_mem>>
      %dma_start3A_111 = arith.constant 0 : i32
      %dma_start3A_112 = tpu.memref_slice %arg13[%add3A_100, %dma_start3A_111] : memref<10240x64xf32, #tpu.memory_space<vmem_shared>> -> memref<128x64xf32, #tpu.memory_space<vmem_shared>>
      %dma_start3A_113 = arith.constant 0 : i32
      %dma_start3A_114 = tpu.memref_slice %arg13[%add3A_100, %dma_start3A_113] : memref<10240x64xf32, #tpu.memory_space<vmem_shared>> -> memref<128x64xf32, #tpu.memory_space<vmem_shared>>
      tpu.enqueue_dma source(%dma_start3A_114 : memref<128x64xf32, #tpu.memory_space<vmem_shared>>) target(%arg12 : memref<128x64xf32, #tpu.memory_space<vmem>>) target_semaphore(%run_scoped3A : memref<!tpu.dma_semaphore, #tpu.memory_space<semaphore_mem>>)
      %dma_wait3A_115 = arith.constant 0 : i32
      %dma_wait3A_116 = tpu.memref_slice %arg13[%add3A_100, %dma_wait3A_115] : memref<10240x64xf32, #tpu.memory_space<vmem_shared>> -> memref<128x64xf32, #tpu.memory_space<vmem_shared>>
      %dma_wait3A_117 = arith.constant 0 : i32
      %dma_wait3A_118 = tpu.memref_slice %arg13[%add3A_100, %dma_wait3A_117] : memref<10240x64xf32, #tpu.memory_space<vmem_shared>> -> memref<128x64xf32, #tpu.memory_space<vmem_shared>>
      tpu.wait_dma2 semaphore(%run_scoped3A : memref<!tpu.dma_semaphore, #tpu.memory_space<semaphore_mem>>) src(%dma_wait3A_118 : memref<128x64xf32, #tpu.memory_space<vmem_shared>>) dst(%arg12 : memref<128x64xf32, #tpu.memory_space<vmem>>)
      tpu.yield
    }) : () -> ()
    %add3A_101 = arith.constant 256 : i32
    %add3A_102 = arith.addi %mul3A_5, %add3A_101 : i32
    "tpu.region"() ({
      %run_scoped3A = tpu.sem_alloc : memref<!tpu.dma_semaphore, #tpu.memory_space<semaphore_mem>>
      %dma_start3A_111 = arith.constant 0 : i32
      %dma_start3A_112 = tpu.memref_slice %arg5[%arg0, %add3A_102, %dma_start3A_111] : memref<2x10240x64xf32, #tpu.memory_space<hbm>> -> memref<1x128x64xf32, #tpu.memory_space<hbm>>
      %dma_start3A_113 = tpu.memref_squeeze %dma_start3A_112 : memref<1x128x64xf32, #tpu.memory_space<hbm>> -> memref<128x64xf32, #tpu.memory_space<hbm>>
      %dma_start3A_114 = arith.constant 0 : i32
      %dma_start3A_115 = tpu.memref_slice %arg5[%arg0, %add3A_102, %dma_start3A_114] : memref<2x10240x64xf32, #tpu.memory_space<hbm>> -> memref<1x128x64xf32, #tpu.memory_space<hbm>>
      %dma_start3A_116 = tpu.memref_squeeze %dma_start3A_115 : memref<1x128x64xf32, #tpu.memory_space<hbm>> -> memref<128x64xf32, #tpu.memory_space<hbm>>
      tpu.enqueue_dma source(%arg12 : memref<128x64xf32, #tpu.memory_space<vmem>>) target(%dma_start3A_116 : memref<128x64xf32, #tpu.memory_space<hbm>>) target_semaphore(%run_scoped3A : memref<!tpu.dma_semaphore, #tpu.memory_space<semaphore_mem>>)
      %dma_wait3A_117 = arith.constant 0 : i32
      %dma_wait3A_118 = tpu.memref_slice %arg5[%arg0, %add3A_102, %dma_wait3A_117] : memref<2x10240x64xf32, #tpu.memory_space<hbm>> -> memref<1x128x64xf32, #tpu.memory_space<hbm>>
      %dma_wait3A_119 = tpu.memref_squeeze %dma_wait3A_118 : memref<1x128x64xf32, #tpu.memory_space<hbm>> -> memref<128x64xf32, #tpu.memory_space<hbm>>
      %dma_wait3A_120 = arith.constant 0 : i32
      %dma_wait3A_121 = tpu.memref_slice %arg5[%arg0, %add3A_102, %dma_wait3A_120] : memref<2x10240x64xf32, #tpu.memory_space<hbm>> -> memref<1x128x64xf32, #tpu.memory_space<hbm>>
      %dma_wait3A_122 = tpu.memref_squeeze %dma_wait3A_121 : memref<1x128x64xf32, #tpu.memory_space<hbm>> -> memref<128x64xf32, #tpu.memory_space<hbm>>
      tpu.wait_dma2 semaphore(%run_scoped3A : memref<!tpu.dma_semaphore, #tpu.memory_space<semaphore_mem>>) src(%arg12 : memref<128x64xf32, #tpu.memory_space<vmem>>) dst(%dma_wait3A_122 : memref<128x64xf32, #tpu.memory_space<hbm>>)
      tpu.yield
    }) : () -> ()
    %add3A_103 = arith.constant 384 : i32
    %add3A_104 = arith.addi %mul3A_5, %add3A_103 : i32
    "tpu.region"() ({
      %run_scoped3A = tpu.sem_alloc : memref<!tpu.dma_semaphore, #tpu.memory_space<semaphore_mem>>
      %dma_start3A_111 = arith.constant 0 : i32
      %dma_start3A_112 = tpu.memref_slice %arg13[%add3A_104, %dma_start3A_111] : memref<10240x64xf32, #tpu.memory_space<vmem_shared>> -> memref<128x64xf32, #tpu.memory_space<vmem_shared>>
      %dma_start3A_113 = arith.constant 0 : i32
      %dma_start3A_114 = tpu.memref_slice %arg13[%add3A_104, %dma_start3A_113] : memref<10240x64xf32, #tpu.memory_space<vmem_shared>> -> memref<128x64xf32, #tpu.memory_space<vmem_shared>>
      tpu.enqueue_dma source(%dma_start3A_114 : memref<128x64xf32, #tpu.memory_space<vmem_shared>>) target(%arg12 : memref<128x64xf32, #tpu.memory_space<vmem>>) target_semaphore(%run_scoped3A : memref<!tpu.dma_semaphore, #tpu.memory_space<semaphore_mem>>)
      %dma_wait3A_115 = arith.constant 0 : i32
      %dma_wait3A_116 = tpu.memref_slice %arg13[%add3A_104, %dma_wait3A_115] : memref<10240x64xf32, #tpu.memory_space<vmem_shared>> -> memref<128x64xf32, #tpu.memory_space<vmem_shared>>
      %dma_wait3A_117 = arith.constant 0 : i32
      %dma_wait3A_118 = tpu.memref_slice %arg13[%add3A_104, %dma_wait3A_117] : memref<10240x64xf32, #tpu.memory_space<vmem_shared>> -> memref<128x64xf32, #tpu.memory_space<vmem_shared>>
      tpu.wait_dma2 semaphore(%run_scoped3A : memref<!tpu.dma_semaphore, #tpu.memory_space<semaphore_mem>>) src(%dma_wait3A_118 : memref<128x64xf32, #tpu.memory_space<vmem_shared>>) dst(%arg12 : memref<128x64xf32, #tpu.memory_space<vmem>>)
      tpu.yield
    }) : () -> ()
    %add3A_105 = arith.constant 384 : i32
    %add3A_106 = arith.addi %mul3A_5, %add3A_105 : i32
    "tpu.region"() ({
      %run_scoped3A = tpu.sem_alloc : memref<!tpu.dma_semaphore, #tpu.memory_space<semaphore_mem>>
      %dma_start3A_111 = arith.constant 0 : i32
      %dma_start3A_112 = tpu.memref_slice %arg5[%arg0, %add3A_106, %dma_start3A_111] : memref<2x10240x64xf32, #tpu.memory_space<hbm>> -> memref<1x128x64xf32, #tpu.memory_space<hbm>>
      %dma_start3A_113 = tpu.memref_squeeze %dma_start3A_112 : memref<1x128x64xf32, #tpu.memory_space<hbm>> -> memref<128x64xf32, #tpu.memory_space<hbm>>
      %dma_start3A_114 = arith.constant 0 : i32
      %dma_start3A_115 = tpu.memref_slice %arg5[%arg0, %add3A_106, %dma_start3A_114] : memref<2x10240x64xf32, #tpu.memory_space<hbm>> -> memref<1x128x64xf32, #tpu.memory_space<hbm>>
      %dma_start3A_116 = tpu.memref_squeeze %dma_start3A_115 : memref<1x128x64xf32, #tpu.memory_space<hbm>> -> memref<128x64xf32, #tpu.memory_space<hbm>>
      tpu.enqueue_dma source(%arg12 : memref<128x64xf32, #tpu.memory_space<vmem>>) target(%dma_start3A_116 : memref<128x64xf32, #tpu.memory_space<hbm>>) target_semaphore(%run_scoped3A : memref<!tpu.dma_semaphore, #tpu.memory_space<semaphore_mem>>)
      %dma_wait3A_117 = arith.constant 0 : i32
      %dma_wait3A_118 = tpu.memref_slice %arg5[%arg0, %add3A_106, %dma_wait3A_117] : memref<2x10240x64xf32, #tpu.memory_space<hbm>> -> memref<1x128x64xf32, #tpu.memory_space<hbm>>
      %dma_wait3A_119 = tpu.memref_squeeze %dma_wait3A_118 : memref<1x128x64xf32, #tpu.memory_space<hbm>> -> memref<128x64xf32, #tpu.memory_space<hbm>>
      %dma_wait3A_120 = arith.constant 0 : i32
      %dma_wait3A_121 = tpu.memref_slice %arg5[%arg0, %add3A_106, %dma_wait3A_120] : memref<2x10240x64xf32, #tpu.memory_space<hbm>> -> memref<1x128x64xf32, #tpu.memory_space<hbm>>
      %dma_wait3A_122 = tpu.memref_squeeze %dma_wait3A_121 : memref<1x128x64xf32, #tpu.memory_space<hbm>> -> memref<128x64xf32, #tpu.memory_space<hbm>>
      tpu.wait_dma2 semaphore(%run_scoped3A : memref<!tpu.dma_semaphore, #tpu.memory_space<semaphore_mem>>) src(%arg12 : memref<128x64xf32, #tpu.memory_space<vmem>>) dst(%dma_wait3A_122 : memref<128x64xf32, #tpu.memory_space<hbm>>)
      tpu.yield
    }) : () -> ()
    %add3A_107 = arith.constant 512 : i32
    %add3A_108 = arith.addi %mul3A_5, %add3A_107 : i32
    "tpu.region"() ({
      %run_scoped3A = tpu.sem_alloc : memref<!tpu.dma_semaphore, #tpu.memory_space<semaphore_mem>>
      %dma_start3A_111 = arith.constant 0 : i32
      %dma_start3A_112 = tpu.memref_slice %arg13[%add3A_108, %dma_start3A_111] : memref<10240x64xf32, #tpu.memory_space<vmem_shared>> -> memref<128x64xf32, #tpu.memory_space<vmem_shared>>
      %dma_start3A_113 = arith.constant 0 : i32
      %dma_start3A_114 = tpu.memref_slice %arg13[%add3A_108, %dma_start3A_113] : memref<10240x64xf32, #tpu.memory_space<vmem_shared>> -> memref<128x64xf32, #tpu.memory_space<vmem_shared>>
      tpu.enqueue_dma source(%dma_start3A_114 : memref<128x64xf32, #tpu.memory_space<vmem_shared>>) target(%arg12 : memref<128x64xf32, #tpu.memory_space<vmem>>) target_semaphore(%run_scoped3A : memref<!tpu.dma_semaphore, #tpu.memory_space<semaphore_mem>>)
      %dma_wait3A_115 = arith.constant 0 : i32
      %dma_wait3A_116 = tpu.memref_slice %arg13[%add3A_108, %dma_wait3A_115] : memref<10240x64xf32, #tpu.memory_space<vmem_shared>> -> memref<128x64xf32, #tpu.memory_space<vmem_shared>>
      %dma_wait3A_117 = arith.constant 0 : i32
      %dma_wait3A_118 = tpu.memref_slice %arg13[%add3A_108, %dma_wait3A_117] : memref<10240x64xf32, #tpu.memory_space<vmem_shared>> -> memref<128x64xf32, #tpu.memory_space<vmem_shared>>
      tpu.wait_dma2 semaphore(%run_scoped3A : memref<!tpu.dma_semaphore, #tpu.memory_space<semaphore_mem>>) src(%dma_wait3A_118 : memref<128x64xf32, #tpu.memory_space<vmem_shared>>) dst(%arg12 : memref<128x64xf32, #tpu.memory_space<vmem>>)
      tpu.yield
    }) : () -> ()
    %add3A_109 = arith.constant 512 : i32
    %add3A_110 = arith.addi %mul3A_5, %add3A_109 : i32
    "tpu.region"() ({
      %run_scoped3A = tpu.sem_alloc : memref<!tpu.dma_semaphore, #tpu.memory_space<semaphore_mem>>
      %dma_start3A_111 = arith.constant 0 : i32
      %dma_start3A_112 = tpu.memref_slice %arg5[%arg0, %add3A_110, %dma_start3A_111] : memref<2x10240x64xf32, #tpu.memory_space<hbm>> -> memref<1x128x64xf32, #tpu.memory_space<hbm>>
      %dma_start3A_113 = tpu.memref_squeeze %dma_start3A_112 : memref<1x128x64xf32, #tpu.memory_space<hbm>> -> memref<128x64xf32, #tpu.memory_space<hbm>>
      %dma_start3A_114 = arith.constant 0 : i32
      %dma_start3A_115 = tpu.memref_slice %arg5[%arg0, %add3A_110, %dma_start3A_114] : memref<2x10240x64xf32, #tpu.memory_space<hbm>> -> memref<1x128x64xf32, #tpu.memory_space<hbm>>
      %dma_start3A_116 = tpu.memref_squeeze %dma_start3A_115 : memref<1x128x64xf32, #tpu.memory_space<hbm>> -> memref<128x64xf32, #tpu.memory_space<hbm>>
      tpu.enqueue_dma source(%arg12 : memref<128x64xf32, #tpu.memory_space<vmem>>) target(%dma_start3A_116 : memref<128x64xf32, #tpu.memory_space<hbm>>) target_semaphore(%run_scoped3A : memref<!tpu.dma_semaphore, #tpu.memory_space<semaphore_mem>>)
      %dma_wait3A_117 = arith.constant 0 : i32
      %dma_wait3A_118 = tpu.memref_slice %arg5[%arg0, %add3A_110, %dma_wait3A_117] : memref<2x10240x64xf32, #tpu.memory_space<hbm>> -> memref<1x128x64xf32, #tpu.memory_space<hbm>>
      %dma_wait3A_119 = tpu.memref_squeeze %dma_wait3A_118 : memref<1x128x64xf32, #tpu.memory_space<hbm>> -> memref<128x64xf32, #tpu.memory_space<hbm>>
      %dma_wait3A_120 = arith.constant 0 : i32
      %dma_wait3A_121 = tpu.memref_slice %arg5[%arg0, %add3A_110, %dma_wait3A_120] : memref<2x10240x64xf32, #tpu.memory_space<hbm>> -> memref<1x128x64xf32, #tpu.memory_space<hbm>>
      %dma_wait3A_122 = tpu.memref_squeeze %dma_wait3A_121 : memref<1x128x64xf32, #tpu.memory_space<hbm>> -> memref<128x64xf32, #tpu.memory_space<hbm>>
      tpu.wait_dma2 semaphore(%run_scoped3A : memref<!tpu.dma_semaphore, #tpu.memory_space<semaphore_mem>>) src(%arg12 : memref<128x64xf32, #tpu.memory_space<vmem>>) dst(%dma_wait3A_122 : memref<128x64xf32, #tpu.memory_space<hbm>>)
      tpu.yield
    }) : () -> ()
    return
  }
}

#map = affine_map<(d0, d1) -> (0, 0, 0)>
module attributes {stable_mosaic.version = 14 : i64} {
  func.func @_agg_body(%arg0: i32, %arg1: i32, %arg2: memref<2x10240x64xf32, #tpu.memory_space<hbm>>, %arg3: memref<16x160x128xi32, #tpu.memory_space<hbm>>, %arg4: memref<16x160x128xi32, #tpu.memory_space<hbm>>, %arg5: memref<2x10240x64xf32, #tpu.memory_space<hbm>>, %arg6: memref<160x128xi32, #tpu.memory_space<vmem>>, %arg7: memref<160x128xi32, #tpu.memory_space<vmem>>, %arg8: memref<128x64xf32, #tpu.memory_space<vmem>>, %arg9: memref<128x64xf32, #tpu.memory_space<vmem>>, %arg10: memref<128x64xf32, #tpu.memory_space<vmem>>, %arg11: memref<128x64xf32, #tpu.memory_space<vmem>>, %arg12: memref<128x64xf32, #tpu.memory_space<vmem>>, %arg13: memref<10240x64xf32, #tpu.memory_space<vmem_shared>>, %arg14: memref<!tpu.dma_semaphore, #tpu.memory_space<semaphore_mem>>, %arg15: memref<!tpu.dma_semaphore, #tpu.memory_space<semaphore_mem>>, %arg16: memref<!tpu.dma_semaphore, #tpu.memory_space<semaphore_mem>>, %arg17: memref<!tpu.dma_semaphore, #tpu.memory_space<semaphore_mem>>, %arg18: memref<!tpu.dma_semaphore, #tpu.memory_space<semaphore_mem>>, %arg19: memref<!tpu.dma_semaphore, #tpu.memory_space<semaphore_mem>>, %arg20: memref<!tpu.dma_semaphore, #tpu.memory_space<semaphore_mem>>, %arg21: memref<!tpu.dma_semaphore, #tpu.memory_space<semaphore_mem>>) attributes {dimension_semantics = [#tpu.dimension_semantics<core_parallel>, #tpu.dimension_semantics<subcore_parallel>], iteration_bounds = array<i64: 2, 16>, scalar_prefetch = 0 : i64, scratch_operands = 16 : i64, tpu.core_type = #tpu.core_type<sc_vector_subcore>, window_params = [{transform_indices = #map}, {transform_indices = #map}, {transform_indices = #map}, {transform_indices = #map}]} {
    "tpu.region"() ({
      %run_scoped3A = tpu.sem_alloc : memref<!tpu.dma_semaphore, #tpu.memory_space<semaphore_mem>>
      %dma_start3A_111 = arith.constant 0 : i32
      %dma_start3A_112 = arith.constant 0 : i32
      %dma_start3A_113 = tpu.memref_slice %arg3[%arg1, %dma_start3A_111, %dma_start3A_112] : memref<16x160x128xi32, #tpu.memory_space<hbm>> -> memref<1x160x128xi32, #tpu.memory_space<hbm>>
      %dma_start3A_114 = tpu.memref_squeeze %dma_start3A_113 : memref<1x160x128xi32, #tpu.memory_space<hbm>> -> memref<160x128xi32, #tpu.memory_space<hbm>>
      %dma_start3A_115 = arith.constant 0 : i32
      %dma_start3A_116 = arith.constant 0 : i32
      %dma_start3A_117 = tpu.memref_slice %arg3[%arg1, %dma_start3A_115, %dma_start3A_116] : memref<16x160x128xi32, #tpu.memory_space<hbm>> -> memref<1x160x128xi32, #tpu.memory_space<hbm>>
      %dma_start3A_118 = tpu.memref_squeeze %dma_start3A_117 : memref<1x160x128xi32, #tpu.memory_space<hbm>> -> memref<160x128xi32, #tpu.memory_space<hbm>>
      tpu.enqueue_dma source(%dma_start3A_118 : memref<160x128xi32, #tpu.memory_space<hbm>>) target(%arg6 : memref<160x128xi32, #tpu.memory_space<vmem>>) target_semaphore(%run_scoped3A : memref<!tpu.dma_semaphore, #tpu.memory_space<semaphore_mem>>)
      %dma_wait3A_119 = arith.constant 0 : i32
      %dma_wait3A_120 = arith.constant 0 : i32
      %dma_wait3A_121 = tpu.memref_slice %arg3[%arg1, %dma_wait3A_119, %dma_wait3A_120] : memref<16x160x128xi32, #tpu.memory_space<hbm>> -> memref<1x160x128xi32, #tpu.memory_space<hbm>>
      %dma_wait3A_122 = tpu.memref_squeeze %dma_wait3A_121 : memref<1x160x128xi32, #tpu.memory_space<hbm>> -> memref<160x128xi32, #tpu.memory_space<hbm>>
      %dma_wait3A_123 = arith.constant 0 : i32
      %dma_wait3A_124 = arith.constant 0 : i32
      %dma_wait3A_125 = tpu.memref_slice %arg3[%arg1, %dma_wait3A_123, %dma_wait3A_124] : memref<16x160x128xi32, #tpu.memory_space<hbm>> -> memref<1x160x128xi32, #tpu.memory_space<hbm>>
      %dma_wait3A_126 = tpu.memref_squeeze %dma_wait3A_125 : memref<1x160x128xi32, #tpu.memory_space<hbm>> -> memref<160x128xi32, #tpu.memory_space<hbm>>
      tpu.wait_dma2 semaphore(%run_scoped3A : memref<!tpu.dma_semaphore, #tpu.memory_space<semaphore_mem>>) src(%dma_wait3A_126 : memref<160x128xi32, #tpu.memory_space<hbm>>) dst(%arg6 : memref<160x128xi32, #tpu.memory_space<vmem>>)
      tpu.yield
    }) : () -> ()
    "tpu.region"() ({
      %run_scoped3A = tpu.sem_alloc : memref<!tpu.dma_semaphore, #tpu.memory_space<semaphore_mem>>
      %dma_start3A_111 = arith.constant 0 : i32
      %dma_start3A_112 = arith.constant 0 : i32
      %dma_start3A_113 = tpu.memref_slice %arg4[%arg1, %dma_start3A_111, %dma_start3A_112] : memref<16x160x128xi32, #tpu.memory_space<hbm>> -> memref<1x160x128xi32, #tpu.memory_space<hbm>>
      %dma_start3A_114 = tpu.memref_squeeze %dma_start3A_113 : memref<1x160x128xi32, #tpu.memory_space<hbm>> -> memref<160x128xi32, #tpu.memory_space<hbm>>
      %dma_start3A_115 = arith.constant 0 : i32
      %dma_start3A_116 = arith.constant 0 : i32
      %dma_start3A_117 = tpu.memref_slice %arg4[%arg1, %dma_start3A_115, %dma_start3A_116] : memref<16x160x128xi32, #tpu.memory_space<hbm>> -> memref<1x160x128xi32, #tpu.memory_space<hbm>>
      %dma_start3A_118 = tpu.memref_squeeze %dma_start3A_117 : memref<1x160x128xi32, #tpu.memory_space<hbm>> -> memref<160x128xi32, #tpu.memory_space<hbm>>
      tpu.enqueue_dma source(%dma_start3A_118 : memref<160x128xi32, #tpu.memory_space<hbm>>) target(%arg7 : memref<160x128xi32, #tpu.memory_space<vmem>>) target_semaphore(%run_scoped3A : memref<!tpu.dma_semaphore, #tpu.memory_space<semaphore_mem>>)
      %dma_wait3A_119 = arith.constant 0 : i32
      %dma_wait3A_120 = arith.constant 0 : i32
      %dma_wait3A_121 = tpu.memref_slice %arg4[%arg1, %dma_wait3A_119, %dma_wait3A_120] : memref<16x160x128xi32, #tpu.memory_space<hbm>> -> memref<1x160x128xi32, #tpu.memory_space<hbm>>
      %dma_wait3A_122 = tpu.memref_squeeze %dma_wait3A_121 : memref<1x160x128xi32, #tpu.memory_space<hbm>> -> memref<160x128xi32, #tpu.memory_space<hbm>>
      %dma_wait3A_123 = arith.constant 0 : i32
      %dma_wait3A_124 = arith.constant 0 : i32
      %dma_wait3A_125 = tpu.memref_slice %arg4[%arg1, %dma_wait3A_123, %dma_wait3A_124] : memref<16x160x128xi32, #tpu.memory_space<hbm>> -> memref<1x160x128xi32, #tpu.memory_space<hbm>>
      %dma_wait3A_126 = tpu.memref_squeeze %dma_wait3A_125 : memref<1x160x128xi32, #tpu.memory_space<hbm>> -> memref<160x128xi32, #tpu.memory_space<hbm>>
      tpu.wait_dma2 semaphore(%run_scoped3A : memref<!tpu.dma_semaphore, #tpu.memory_space<semaphore_mem>>) src(%dma_wait3A_126 : memref<160x128xi32, #tpu.memory_space<hbm>>) dst(%arg7 : memref<160x128xi32, #tpu.memory_space<vmem>>)
      tpu.yield
    }) : () -> ()
    %broadcast_in_dim3A = arith.constant 0.000000e+00 : f32
    %broadcast_in_dim3A_0 = vector.broadcast %broadcast_in_dim3A : f32 to vector<16xf32>
    %scan3A = arith.constant 0 : i32
    %scan3A_1 = arith.constant 128 : i32
    %scan3A_2 = arith.addi %scan3A, %scan3A_1 : i32
    %scan3A_3 = arith.constant 1 : i32
    scf.for %scan3A_111 = %scan3A to %scan3A_2 step %scan3A_3  : i32 {
      %mul3A_112 = arith.constant 1 : i32
      %mul3A_113 = arith.muli %scan3A_111, %mul3A_112 : i32
      %add3A_114 = arith.constant 0 : i32
      %add3A_115 = arith.addi %add3A_114, %mul3A_113 : i32
      %swap3A = arith.index_cast %add3A_115 : i32 to index
      %swap3A_116 = arith.constant 0 : index
      %swap3A_117 = tpu.vector_load %arg12[%swap3A, %swap3A_116] {strides = array<i32>} : memref<128x64xf32, #tpu.memory_space<vmem>>, vector<1x16xf32>,
      %swap3A_118 = vector.shape_cast %swap3A_117 : vector<1x16xf32> to vector<16xf32>
      %swap3A_119 = vector.shape_cast %broadcast_in_dim3A_0 : vector<16xf32> to vector<1x16xf32>
      tpu.vector_store %arg12[%swap3A, %swap3A_116], %swap3A_119 {strides = array<i32>} : memref<128x64xf32, #tpu.memory_space<vmem>>, vector<1x16xf32>,
      %swap3A_120 = arith.index_cast %add3A_115 : i32 to index
      %swap3A_121 = arith.constant 16 : index
      %swap3A_122 = tpu.vector_load %arg12[%swap3A_120, %swap3A_121] {strides = array<i32>} : memref<128x64xf32, #tpu.memory_space<vmem>>, vector<1x16xf32>,
      %swap3A_123 = vector.shape_cast %swap3A_122 : vector<1x16xf32> to vector<16xf32>
      %swap3A_124 = vector.shape_cast %broadcast_in_dim3A_0 : vector<16xf32> to vector<1x16xf32>
      tpu.vector_store %arg12[%swap3A_120, %swap3A_121], %swap3A_124 {strides = array<i32>} : memref<128x64xf32, #tpu.memory_space<vmem>>, vector<1x16xf32>,
      %swap3A_125 = arith.index_cast %add3A_115 : i32 to index
      %swap3A_126 = arith.constant 32 : index
      %swap3A_127 = tpu.vector_load %arg12[%swap3A_125, %swap3A_126] {strides = array<i32>} : memref<128x64xf32, #tpu.memory_space<vmem>>, vector<1x16xf32>,
      %swap3A_128 = vector.shape_cast %swap3A_127 : vector<1x16xf32> to vector<16xf32>
      %swap3A_129 = vector.shape_cast %broadcast_in_dim3A_0 : vector<16xf32> to vector<1x16xf32>
      tpu.vector_store %arg12[%swap3A_125, %swap3A_126], %swap3A_129 {strides = array<i32>} : memref<128x64xf32, #tpu.memory_space<vmem>>, vector<1x16xf32>,
      %swap3A_130 = arith.index_cast %add3A_115 : i32 to index
      %swap3A_131 = arith.constant 48 : index
      %swap3A_132 = tpu.vector_load %arg12[%swap3A_130, %swap3A_131] {strides = array<i32>} : memref<128x64xf32, #tpu.memory_space<vmem>>, vector<1x16xf32>,
      %swap3A_133 = vector.shape_cast %swap3A_132 : vector<1x16xf32> to vector<16xf32>
      %swap3A_134 = vector.shape_cast %broadcast_in_dim3A_0 : vector<16xf32> to vector<1x16xf32>
      tpu.vector_store %arg12[%swap3A_130, %swap3A_131], %swap3A_134 {strides = array<i32>} : memref<128x64xf32, #tpu.memory_space<vmem>>, vector<1x16xf32>,
    }
    %scan3A_4 = arith.constant 128 : i32
    %mul3A = arith.constant 640 : i32
    %mul3A_5 = arith.muli %arg1, %mul3A : i32
    %add3A = arith.constant 0 : i32
    %add3A_6 = arith.addi %mul3A_5, %add3A : i32
    "tpu.region"() ({
      %run_scoped3A = tpu.sem_alloc : memref<!tpu.dma_semaphore, #tpu.memory_space<semaphore_mem>>
      %dma_start3A_111 = arith.constant 0 : i32
      %dma_start3A_112 = tpu.memref_slice %arg13[%add3A_6, %dma_start3A_111] : memref<10240x64xf32, #tpu.memory_space<vmem_shared>> -> memref<128x64xf32, #tpu.memory_space<vmem_shared>>
      %dma_start3A_113 = arith.constant 0 : i32
      %dma_start3A_114 = tpu.memref_slice %arg13[%add3A_6, %dma_start3A_113] : memref<10240x64xf32, #tpu.memory_space<vmem_shared>> -> memref<128x64xf32, #tpu.memory_space<vmem_shared>>
      tpu.enqueue_dma source(%arg12 : memref<128x64xf32, #tpu.memory_space<vmem>>) target(%dma_start3A_114 : memref<128x64xf32, #tpu.memory_space<vmem_shared>>) target_semaphore(%run_scoped3A : memref<!tpu.dma_semaphore, #tpu.memory_space<semaphore_mem>>)
      %dma_wait3A_115 = arith.constant 0 : i32
      %dma_wait3A_116 = tpu.memref_slice %arg13[%add3A_6, %dma_wait3A_115] : memref<10240x64xf32, #tpu.memory_space<vmem_shared>> -> memref<128x64xf32, #tpu.memory_space<vmem_shared>>
      %dma_wait3A_117 = arith.constant 0 : i32
      %dma_wait3A_118 = tpu.memref_slice %arg13[%add3A_6, %dma_wait3A_117] : memref<10240x64xf32, #tpu.memory_space<vmem_shared>> -> memref<128x64xf32, #tpu.memory_space<vmem_shared>>
      tpu.wait_dma2 semaphore(%run_scoped3A : memref<!tpu.dma_semaphore, #tpu.memory_space<semaphore_mem>>) src(%arg12 : memref<128x64xf32, #tpu.memory_space<vmem>>) dst(%dma_wait3A_118 : memref<128x64xf32, #tpu.memory_space<vmem_shared>>)
      tpu.yield
    }) : () -> ()
    %add3A_7 = arith.constant 128 : i32
    %add3A_8 = arith.addi %mul3A_5, %add3A_7 : i32
    "tpu.region"() ({
      %run_scoped3A = tpu.sem_alloc : memref<!tpu.dma_semaphore, #tpu.memory_space<semaphore_mem>>
      %dma_start3A_111 = arith.constant 0 : i32
      %dma_start3A_112 = tpu.memref_slice %arg13[%add3A_8, %dma_start3A_111] : memref<10240x64xf32, #tpu.memory_space<vmem_shared>> -> memref<128x64xf32, #tpu.memory_space<vmem_shared>>
      %dma_start3A_113 = arith.constant 0 : i32
      %dma_start3A_114 = tpu.memref_slice %arg13[%add3A_8, %dma_start3A_113] : memref<10240x64xf32, #tpu.memory_space<vmem_shared>> -> memref<128x64xf32, #tpu.memory_space<vmem_shared>>
      tpu.enqueue_dma source(%arg12 : memref<128x64xf32, #tpu.memory_space<vmem>>) target(%dma_start3A_114 : memref<128x64xf32, #tpu.memory_space<vmem_shared>>) target_semaphore(%run_scoped3A : memref<!tpu.dma_semaphore, #tpu.memory_space<semaphore_mem>>)
      %dma_wait3A_115 = arith.constant 0 : i32
      %dma_wait3A_116 = tpu.memref_slice %arg13[%add3A_8, %dma_wait3A_115] : memref<10240x64xf32, #tpu.memory_space<vmem_shared>> -> memref<128x64xf32, #tpu.memory_space<vmem_shared>>
      %dma_wait3A_117 = arith.constant 0 : i32
      %dma_wait3A_118 = tpu.memref_slice %arg13[%add3A_8, %dma_wait3A_117] : memref<10240x64xf32, #tpu.memory_space<vmem_shared>> -> memref<128x64xf32, #tpu.memory_space<vmem_shared>>
      tpu.wait_dma2 semaphore(%run_scoped3A : memref<!tpu.dma_semaphore, #tpu.memory_space<semaphore_mem>>) src(%arg12 : memref<128x64xf32, #tpu.memory_space<vmem>>) dst(%dma_wait3A_118 : memref<128x64xf32, #tpu.memory_space<vmem_shared>>)
      tpu.yield
    }) : () -> ()
    %add3A_9 = arith.constant 256 : i32
    %add3A_10 = arith.addi %mul3A_5, %add3A_9 : i32
    "tpu.region"() ({
      %run_scoped3A = tpu.sem_alloc : memref<!tpu.dma_semaphore, #tpu.memory_space<semaphore_mem>>
      %dma_start3A_111 = arith.constant 0 : i32
      %dma_start3A_112 = tpu.memref_slice %arg13[%add3A_10, %dma_start3A_111] : memref<10240x64xf32, #tpu.memory_space<vmem_shared>> -> memref<128x64xf32, #tpu.memory_space<vmem_shared>>
      %dma_start3A_113 = arith.constant 0 : i32
      %dma_start3A_114 = tpu.memref_slice %arg13[%add3A_10, %dma_start3A_113] : memref<10240x64xf32, #tpu.memory_space<vmem_shared>> -> memref<128x64xf32, #tpu.memory_space<vmem_shared>>
      tpu.enqueue_dma source(%arg12 : memref<128x64xf32, #tpu.memory_space<vmem>>) target(%dma_start3A_114 : memref<128x64xf32, #tpu.memory_space<vmem_shared>>) target_semaphore(%run_scoped3A : memref<!tpu.dma_semaphore, #tpu.memory_space<semaphore_mem>>)
      %dma_wait3A_115 = arith.constant 0 : i32
      %dma_wait3A_116 = tpu.memref_slice %arg13[%add3A_10, %dma_wait3A_115] : memref<10240x64xf32, #tpu.memory_space<vmem_shared>> -> memref<128x64xf32, #tpu.memory_space<vmem_shared>>
      %dma_wait3A_117 = arith.constant 0 : i32
      %dma_wait3A_118 = tpu.memref_slice %arg13[%add3A_10, %dma_wait3A_117] : memref<10240x64xf32, #tpu.memory_space<vmem_shared>> -> memref<128x64xf32, #tpu.memory_space<vmem_shared>>
      tpu.wait_dma2 semaphore(%run_scoped3A : memref<!tpu.dma_semaphore, #tpu.memory_space<semaphore_mem>>) src(%arg12 : memref<128x64xf32, #tpu.memory_space<vmem>>) dst(%dma_wait3A_118 : memref<128x64xf32, #tpu.memory_space<vmem_shared>>)
      tpu.yield
    }) : () -> ()
    %add3A_11 = arith.constant 384 : i32
    %add3A_12 = arith.addi %mul3A_5, %add3A_11 : i32
    "tpu.region"() ({
      %run_scoped3A = tpu.sem_alloc : memref<!tpu.dma_semaphore, #tpu.memory_space<semaphore_mem>>
      %dma_start3A_111 = arith.constant 0 : i32
      %dma_start3A_112 = tpu.memref_slice %arg13[%add3A_12, %dma_start3A_111] : memref<10240x64xf32, #tpu.memory_space<vmem_shared>> -> memref<128x64xf32, #tpu.memory_space<vmem_shared>>
      %dma_start3A_113 = arith.constant 0 : i32
      %dma_start3A_114 = tpu.memref_slice %arg13[%add3A_12, %dma_start3A_113] : memref<10240x64xf32, #tpu.memory_space<vmem_shared>> -> memref<128x64xf32, #tpu.memory_space<vmem_shared>>
      tpu.enqueue_dma source(%arg12 : memref<128x64xf32, #tpu.memory_space<vmem>>) target(%dma_start3A_114 : memref<128x64xf32, #tpu.memory_space<vmem_shared>>) target_semaphore(%run_scoped3A : memref<!tpu.dma_semaphore, #tpu.memory_space<semaphore_mem>>)
      %dma_wait3A_115 = arith.constant 0 : i32
      %dma_wait3A_116 = tpu.memref_slice %arg13[%add3A_12, %dma_wait3A_115] : memref<10240x64xf32, #tpu.memory_space<vmem_shared>> -> memref<128x64xf32, #tpu.memory_space<vmem_shared>>
      %dma_wait3A_117 = arith.constant 0 : i32
      %dma_wait3A_118 = tpu.memref_slice %arg13[%add3A_12, %dma_wait3A_117] : memref<10240x64xf32, #tpu.memory_space<vmem_shared>> -> memref<128x64xf32, #tpu.memory_space<vmem_shared>>
      tpu.wait_dma2 semaphore(%run_scoped3A : memref<!tpu.dma_semaphore, #tpu.memory_space<semaphore_mem>>) src(%arg12 : memref<128x64xf32, #tpu.memory_space<vmem>>) dst(%dma_wait3A_118 : memref<128x64xf32, #tpu.memory_space<vmem_shared>>)
      tpu.yield
    }) : () -> ()
    %add3A_13 = arith.constant 512 : i32
    %add3A_14 = arith.addi %mul3A_5, %add3A_13 : i32
    "tpu.region"() ({
      %run_scoped3A = tpu.sem_alloc : memref<!tpu.dma_semaphore, #tpu.memory_space<semaphore_mem>>
      %dma_start3A_111 = arith.constant 0 : i32
      %dma_start3A_112 = tpu.memref_slice %arg13[%add3A_14, %dma_start3A_111] : memref<10240x64xf32, #tpu.memory_space<vmem_shared>> -> memref<128x64xf32, #tpu.memory_space<vmem_shared>>
      %dma_start3A_113 = arith.constant 0 : i32
      %dma_start3A_114 = tpu.memref_slice %arg13[%add3A_14, %dma_start3A_113] : memref<10240x64xf32, #tpu.memory_space<vmem_shared>> -> memref<128x64xf32, #tpu.memory_space<vmem_shared>>
      tpu.enqueue_dma source(%arg12 : memref<128x64xf32, #tpu.memory_space<vmem>>) target(%dma_start3A_114 : memref<128x64xf32, #tpu.memory_space<vmem_shared>>) target_semaphore(%run_scoped3A : memref<!tpu.dma_semaphore, #tpu.memory_space<semaphore_mem>>)
      %dma_wait3A_115 = arith.constant 0 : i32
      %dma_wait3A_116 = tpu.memref_slice %arg13[%add3A_14, %dma_wait3A_115] : memref<10240x64xf32, #tpu.memory_space<vmem_shared>> -> memref<128x64xf32, #tpu.memory_space<vmem_shared>>
      %dma_wait3A_117 = arith.constant 0 : i32
      %dma_wait3A_118 = tpu.memref_slice %arg13[%add3A_14, %dma_wait3A_117] : memref<10240x64xf32, #tpu.memory_space<vmem_shared>> -> memref<128x64xf32, #tpu.memory_space<vmem_shared>>
      tpu.wait_dma2 semaphore(%run_scoped3A : memref<!tpu.dma_semaphore, #tpu.memory_space<semaphore_mem>>) src(%arg12 : memref<128x64xf32, #tpu.memory_space<vmem>>) dst(%dma_wait3A_118 : memref<128x64xf32, #tpu.memory_space<vmem_shared>>)
      tpu.yield
    }) : () -> ()
    %barrier3A = arith.constant 0 : index
    tpu.barrier barrier_id(%barrier3A)
    %dma_start3A = arith.constant 0 : i32
    %dma_start3A_15 = arith.constant 0 : i32
    %dma_start3A_16 = tpu.memref_slice %arg6[%dma_start3A, %dma_start3A_15] : memref<160x128xi32, #tpu.memory_space<vmem>> -> memref<1x128xi32, #tpu.memory_space<vmem>>
    %dma_start3A_17 = tpu.memref_squeeze %dma_start3A_16 : memref<1x128xi32, #tpu.memory_space<vmem>> -> memref<128xi32, #tpu.memory_space<vmem>>
    %dma_start3A_18 = arith.constant 0 : i32
    %dma_start3A_19 = arith.constant 0 : i32
    %dma_start3A_20 = tpu.memref_slice %arg2[%arg0, %dma_start3A_18, %dma_start3A_19] : memref<2x10240x64xf32, #tpu.memory_space<hbm>> -> memref<1x10240x64xf32, #tpu.memory_space<hbm>>
    %dma_start3A_21 = tpu.memref_squeeze %dma_start3A_20 : memref<1x10240x64xf32, #tpu.memory_space<hbm>> -> memref<10240x64xf32, #tpu.memory_space<hbm>>
    %dma_start3A_22 = arith.constant 0 : i32
    %dma_start3A_23 = arith.constant 0 : i32
    %dma_start3A_24 = tpu.memref_slice %dma_start3A_21[%dma_start3A_22, %dma_start3A_23] : memref<10240x64xf32, #tpu.memory_space<hbm>> -> memref<10240x64xf32, #tpu.memory_space<hbm>>
    tpu.enqueue_indirect_dma source(%dma_start3A_24 : memref<10240x64xf32, #tpu.memory_space<hbm>>) target(%arg8 : memref<128x64xf32, #tpu.memory_space<vmem>>) offsets(%dma_start3A_17 : memref<128xi32, #tpu.memory_space<vmem>>) semaphore(%arg14 : memref<!tpu.dma_semaphore, #tpu.memory_space<semaphore_mem>>)
    %dma_start3A_25 = arith.constant 1 : i32
    %dma_start3A_26 = arith.constant 0 : i32
    %dma_start3A_27 = tpu.memref_slice %arg6[%dma_start3A_25, %dma_start3A_26] : memref<160x128xi32, #tpu.memory_space<vmem>> -> memref<1x128xi32, #tpu.memory_space<vmem>>
    %dma_start3A_28 = tpu.memref_squeeze %dma_start3A_27 : memref<1x128xi32, #tpu.memory_space<vmem>> -> memref<128xi32, #tpu.memory_space<vmem>>
    %dma_start3A_29 = arith.constant 0 : i32
    %dma_start3A_30 = arith.constant 0 : i32
    %dma_start3A_31 = tpu.memref_slice %arg2[%arg0, %dma_start3A_29, %dma_start3A_30] : memref<2x10240x64xf32, #tpu.memory_space<hbm>> -> memref<1x10240x64xf32, #tpu.memory_space<hbm>>
    %dma_start3A_32 = tpu.memref_squeeze %dma_start3A_31 : memref<1x10240x64xf32, #tpu.memory_space<hbm>> -> memref<10240x64xf32, #tpu.memory_space<hbm>>
    %dma_start3A_33 = arith.constant 0 : i32
    %dma_start3A_34 = arith.constant 0 : i32
    %dma_start3A_35 = tpu.memref_slice %dma_start3A_32[%dma_start3A_33, %dma_start3A_34] : memref<10240x64xf32, #tpu.memory_space<hbm>> -> memref<10240x64xf32, #tpu.memory_space<hbm>>
    tpu.enqueue_indirect_dma source(%dma_start3A_35 : memref<10240x64xf32, #tpu.memory_space<hbm>>) target(%arg9 : memref<128x64xf32, #tpu.memory_space<vmem>>) offsets(%dma_start3A_28 : memref<128xi32, #tpu.memory_space<vmem>>) semaphore(%arg15 : memref<!tpu.dma_semaphore, #tpu.memory_space<semaphore_mem>>)
    %dma_start3A_36 = arith.constant 2 : i32
    %dma_start3A_37 = arith.constant 0 : i32
    %dma_start3A_38 = tpu.memref_slice %arg6[%dma_start3A_36, %dma_start3A_37] : memref<160x128xi32, #tpu.memory_space<vmem>> -> memref<1x128xi32, #tpu.memory_space<vmem>>
    %dma_start3A_39 = tpu.memref_squeeze %dma_start3A_38 : memref<1x128xi32, #tpu.memory_space<vmem>> -> memref<128xi32, #tpu.memory_space<vmem>>
    %dma_start3A_40 = arith.constant 0 : i32
    %dma_start3A_41 = arith.constant 0 : i32
    %dma_start3A_42 = tpu.memref_slice %arg2[%arg0, %dma_start3A_40, %dma_start3A_41] : memref<2x10240x64xf32, #tpu.memory_space<hbm>> -> memref<1x10240x64xf32, #tpu.memory_space<hbm>>
    %dma_start3A_43 = tpu.memref_squeeze %dma_start3A_42 : memref<1x10240x64xf32, #tpu.memory_space<hbm>> -> memref<10240x64xf32, #tpu.memory_space<hbm>>
    %dma_start3A_44 = arith.constant 0 : i32
    %dma_start3A_45 = arith.constant 0 : i32
    %dma_start3A_46 = tpu.memref_slice %dma_start3A_43[%dma_start3A_44, %dma_start3A_45] : memref<10240x64xf32, #tpu.memory_space<hbm>> -> memref<10240x64xf32, #tpu.memory_space<hbm>>
    tpu.enqueue_indirect_dma source(%dma_start3A_46 : memref<10240x64xf32, #tpu.memory_space<hbm>>) target(%arg10 : memref<128x64xf32, #tpu.memory_space<vmem>>) offsets(%dma_start3A_39 : memref<128xi32, #tpu.memory_space<vmem>>) semaphore(%arg16 : memref<!tpu.dma_semaphore, #tpu.memory_space<semaphore_mem>>)
    %dma_start3A_47 = arith.constant 3 : i32
    %dma_start3A_48 = arith.constant 0 : i32
    %dma_start3A_49 = tpu.memref_slice %arg6[%dma_start3A_47, %dma_start3A_48] : memref<160x128xi32, #tpu.memory_space<vmem>> -> memref<1x128xi32, #tpu.memory_space<vmem>>
    %dma_start3A_50 = tpu.memref_squeeze %dma_start3A_49 : memref<1x128xi32, #tpu.memory_space<vmem>> -> memref<128xi32, #tpu.memory_space<vmem>>
    %dma_start3A_51 = arith.constant 0 : i32
    %dma_start3A_52 = arith.constant 0 : i32
    %dma_start3A_53 = tpu.memref_slice %arg2[%arg0, %dma_start3A_51, %dma_start3A_52] : memref<2x10240x64xf32, #tpu.memory_space<hbm>> -> memref<1x10240x64xf32, #tpu.memory_space<hbm>>
    %dma_start3A_54 = tpu.memref_squeeze %dma_start3A_53 : memref<1x10240x64xf32, #tpu.memory_space<hbm>> -> memref<10240x64xf32, #tpu.memory_space<hbm>>
    %dma_start3A_55 = arith.constant 0 : i32
    %dma_start3A_56 = arith.constant 0 : i32
    %dma_start3A_57 = tpu.memref_slice %dma_start3A_54[%dma_start3A_55, %dma_start3A_56] : memref<10240x64xf32, #tpu.memory_space<hbm>> -> memref<10240x64xf32, #tpu.memory_space<hbm>>
    tpu.enqueue_indirect_dma source(%dma_start3A_57 : memref<10240x64xf32, #tpu.memory_space<hbm>>) target(%arg11 : memref<128x64xf32, #tpu.memory_space<vmem>>) offsets(%dma_start3A_50 : memref<128xi32, #tpu.memory_space<vmem>>) semaphore(%arg17 : memref<!tpu.dma_semaphore, #tpu.memory_space<semaphore_mem>>)
    %scan3A_58 = arith.constant 0 : i32
    %scan3A_59 = arith.constant 40 : i32
    %scan3A_60 = arith.addi %scan3A_58, %scan3A_59 : i32
    %scan3A_61 = arith.constant 1 : i32
    scf.for %scan3A_111 = %scan3A_58 to %scan3A_60 step %scan3A_61  : i32 {
      %mul3A_112 = arith.constant 1 : i32
      %mul3A_113 = arith.muli %scan3A_111, %mul3A_112 : i32
      %add3A_114 = arith.constant 0 : i32
      %add3A_115 = arith.addi %add3A_114, %mul3A_113 : i32
      %mul3A_116 = arith.constant 4 : i32
      %mul3A_117 = arith.muli %mul3A_116, %add3A_115 : i32
      %add3A_118 = arith.constant 0 : i32
      %add3A_119 = arith.addi %mul3A_117, %add3A_118 : i32
      %dma_wait3A_120 = arith.constant 0 : i32
      %dma_wait3A_121 = tpu.memref_slice %arg6[%add3A_119, %dma_wait3A_120] : memref<160x128xi32, #tpu.memory_space<vmem>> -> memref<1x128xi32, #tpu.memory_space<vmem>>
      %dma_wait3A_122 = tpu.memref_squeeze %dma_wait3A_121 : memref<1x128xi32, #tpu.memory_space<vmem>> -> memref<128xi32, #tpu.memory_space<vmem>>
      %dma_wait3A_123 = arith.constant 0 : i32
      %dma_wait3A_124 = arith.constant 0 : i32
      %dma_wait3A_125 = tpu.memref_slice %arg2[%arg0, %dma_wait3A_123, %dma_wait3A_124] : memref<2x10240x64xf32, #tpu.memory_space<hbm>> -> memref<1x10240x64xf32, #tpu.memory_space<hbm>>
      %dma_wait3A_126 = tpu.memref_squeeze %dma_wait3A_125 : memref<1x10240x64xf32, #tpu.memory_space<hbm>> -> memref<10240x64xf32, #tpu.memory_space<hbm>>
      %dma_wait3A_127 = arith.constant 0 : i32
      %dma_wait3A_128 = arith.constant 0 : i32
      %dma_wait3A_129 = tpu.memref_slice %dma_wait3A_126[%dma_wait3A_127, %dma_wait3A_128] : memref<10240x64xf32, #tpu.memory_space<hbm>> -> memref<10240x64xf32, #tpu.memory_space<hbm>>
      tpu.wait_indirect_dma semaphore(%arg14 : memref<!tpu.dma_semaphore, #tpu.memory_space<semaphore_mem>>) src(%dma_wait3A_129 : memref<10240x64xf32, #tpu.memory_space<hbm>>) dst(%arg8 : memref<128x64xf32, #tpu.memory_space<vmem>>)
      %add3A_130 = arith.constant 0 : i32
      %add3A_131 = arith.addi %mul3A_117, %add3A_130 : i32
      %dma_start3A_132 = arith.constant 0 : i32
      %dma_start3A_133 = tpu.memref_slice %arg7[%add3A_131, %dma_start3A_132] : memref<160x128xi32, #tpu.memory_space<vmem>> -> memref<1x128xi32, #tpu.memory_space<vmem>>
      %dma_start3A_134 = tpu.memref_squeeze %dma_start3A_133 : memref<1x128xi32, #tpu.memory_space<vmem>> -> memref<128xi32, #tpu.memory_space<vmem>>
      %dma_start3A_135 = arith.constant 0 : i32
      %dma_start3A_136 = arith.constant 0 : i32
      %dma_start3A_137 = tpu.memref_slice %arg13[%dma_start3A_135, %dma_start3A_136] : memref<10240x64xf32, #tpu.memory_space<vmem_shared>> -> memref<10240x64xf32, #tpu.memory_space<vmem_shared>>
      tpu.enqueue_indirect_dma source(%arg8 : memref<128x64xf32, #tpu.memory_space<vmem>>) target(%dma_start3A_137 : memref<10240x64xf32, #tpu.memory_space<vmem_shared>>) offsets(%dma_start3A_134 : memref<128xi32, #tpu.memory_space<vmem>>) semaphore(%arg18 : memref<!tpu.dma_semaphore, #tpu.memory_space<semaphore_mem>>) {add = true}
      %add3A_138 = arith.constant 1 : i32
      %add3A_139 = arith.addi %mul3A_117, %add3A_138 : i32
      %dma_wait3A_140 = arith.constant 0 : i32
      %dma_wait3A_141 = tpu.memref_slice %arg6[%add3A_139, %dma_wait3A_140] : memref<160x128xi32, #tpu.memory_space<vmem>> -> memref<1x128xi32, #tpu.memory_space<vmem>>
      %dma_wait3A_142 = tpu.memref_squeeze %dma_wait3A_141 : memref<1x128xi32, #tpu.memory_space<vmem>> -> memref<128xi32, #tpu.memory_space<vmem>>
      %dma_wait3A_143 = arith.constant 0 : i32
      %dma_wait3A_144 = arith.constant 0 : i32
      %dma_wait3A_145 = tpu.memref_slice %arg2[%arg0, %dma_wait3A_143, %dma_wait3A_144] : memref<2x10240x64xf32, #tpu.memory_space<hbm>> -> memref<1x10240x64xf32, #tpu.memory_space<hbm>>
      %dma_wait3A_146 = tpu.memref_squeeze %dma_wait3A_145 : memref<1x10240x64xf32, #tpu.memory_space<hbm>> -> memref<10240x64xf32, #tpu.memory_space<hbm>>
      %dma_wait3A_147 = arith.constant 0 : i32
      %dma_wait3A_148 = arith.constant 0 : i32
      %dma_wait3A_149 = tpu.memref_slice %dma_wait3A_146[%dma_wait3A_147, %dma_wait3A_148] : memref<10240x64xf32, #tpu.memory_space<hbm>> -> memref<10240x64xf32, #tpu.memory_space<hbm>>
      tpu.wait_indirect_dma semaphore(%arg15 : memref<!tpu.dma_semaphore, #tpu.memory_space<semaphore_mem>>) src(%dma_wait3A_149 : memref<10240x64xf32, #tpu.memory_space<hbm>>) dst(%arg9 : memref<128x64xf32, #tpu.memory_space<vmem>>)
      %add3A_150 = arith.constant 1 : i32
      %add3A_151 = arith.addi %mul3A_117, %add3A_150 : i32
      %dma_start3A_152 = arith.constant 0 : i32
      %dma_start3A_153 = tpu.memref_slice %arg7[%add3A_151, %dma_start3A_152] : memref<160x128xi32, #tpu.memory_space<vmem>> -> memref<1x128xi32, #tpu.memory_space<vmem>>
      %dma_start3A_154 = tpu.memref_squeeze %dma_start3A_153 : memref<1x128xi32, #tpu.memory_space<vmem>> -> memref<128xi32, #tpu.memory_space<vmem>>
      %dma_start3A_155 = arith.constant 0 : i32
      %dma_start3A_156 = arith.constant 0 : i32
      %dma_start3A_157 = tpu.memref_slice %arg13[%dma_start3A_155, %dma_start3A_156] : memref<10240x64xf32, #tpu.memory_space<vmem_shared>> -> memref<10240x64xf32, #tpu.memory_space<vmem_shared>>
      tpu.enqueue_indirect_dma source(%arg9 : memref<128x64xf32, #tpu.memory_space<vmem>>) target(%dma_start3A_157 : memref<10240x64xf32, #tpu.memory_space<vmem_shared>>) offsets(%dma_start3A_154 : memref<128xi32, #tpu.memory_space<vmem>>) semaphore(%arg19 : memref<!tpu.dma_semaphore, #tpu.memory_space<semaphore_mem>>) {add = true}
      %add3A_158 = arith.constant 2 : i32
      %add3A_159 = arith.addi %mul3A_117, %add3A_158 : i32
      %dma_wait3A_160 = arith.constant 0 : i32
      %dma_wait3A_161 = tpu.memref_slice %arg6[%add3A_159, %dma_wait3A_160] : memref<160x128xi32, #tpu.memory_space<vmem>> -> memref<1x128xi32, #tpu.memory_space<vmem>>
      %dma_wait3A_162 = tpu.memref_squeeze %dma_wait3A_161 : memref<1x128xi32, #tpu.memory_space<vmem>> -> memref<128xi32, #tpu.memory_space<vmem>>
      %dma_wait3A_163 = arith.constant 0 : i32
      %dma_wait3A_164 = arith.constant 0 : i32
      %dma_wait3A_165 = tpu.memref_slice %arg2[%arg0, %dma_wait3A_163, %dma_wait3A_164] : memref<2x10240x64xf32, #tpu.memory_space<hbm>> -> memref<1x10240x64xf32, #tpu.memory_space<hbm>>
      %dma_wait3A_166 = tpu.memref_squeeze %dma_wait3A_165 : memref<1x10240x64xf32, #tpu.memory_space<hbm>> -> memref<10240x64xf32, #tpu.memory_space<hbm>>
      %dma_wait3A_167 = arith.constant 0 : i32
      %dma_wait3A_168 = arith.constant 0 : i32
      %dma_wait3A_169 = tpu.memref_slice %dma_wait3A_166[%dma_wait3A_167, %dma_wait3A_168] : memref<10240x64xf32, #tpu.memory_space<hbm>> -> memref<10240x64xf32, #tpu.memory_space<hbm>>
      tpu.wait_indirect_dma semaphore(%arg16 : memref<!tpu.dma_semaphore, #tpu.memory_space<semaphore_mem>>) src(%dma_wait3A_169 : memref<10240x64xf32, #tpu.memory_space<hbm>>) dst(%arg10 : memref<128x64xf32, #tpu.memory_space<vmem>>)
      %add3A_170 = arith.constant 2 : i32
      %add3A_171 = arith.addi %mul3A_117, %add3A_170 : i32
      %dma_start3A_172 = arith.constant 0 : i32
      %dma_start3A_173 = tpu.memref_slice %arg7[%add3A_171, %dma_start3A_172] : memref<160x128xi32, #tpu.memory_space<vmem>> -> memref<1x128xi32, #tpu.memory_space<vmem>>
      %dma_start3A_174 = tpu.memref_squeeze %dma_start3A_173 : memref<1x128xi32, #tpu.memory_space<vmem>> -> memref<128xi32, #tpu.memory_space<vmem>>
      %dma_start3A_175 = arith.constant 0 : i32
      %dma_start3A_176 = arith.constant 0 : i32
      %dma_start3A_177 = tpu.memref_slice %arg13[%dma_start3A_175, %dma_start3A_176] : memref<10240x64xf32, #tpu.memory_space<vmem_shared>> -> memref<10240x64xf32, #tpu.memory_space<vmem_shared>>
      tpu.enqueue_indirect_dma source(%arg10 : memref<128x64xf32, #tpu.memory_space<vmem>>) target(%dma_start3A_177 : memref<10240x64xf32, #tpu.memory_space<vmem_shared>>) offsets(%dma_start3A_174 : memref<128xi32, #tpu.memory_space<vmem>>) semaphore(%arg20 : memref<!tpu.dma_semaphore, #tpu.memory_space<semaphore_mem>>) {add = true}
      %add3A_178 = arith.constant 3 : i32
      %add3A_179 = arith.addi %mul3A_117, %add3A_178 : i32
      %dma_wait3A_180 = arith.constant 0 : i32
      %dma_wait3A_181 = tpu.memref_slice %arg6[%add3A_179, %dma_wait3A_180] : memref<160x128xi32, #tpu.memory_space<vmem>> -> memref<1x128xi32, #tpu.memory_space<vmem>>
      %dma_wait3A_182 = tpu.memref_squeeze %dma_wait3A_181 : memref<1x128xi32, #tpu.memory_space<vmem>> -> memref<128xi32, #tpu.memory_space<vmem>>
      %dma_wait3A_183 = arith.constant 0 : i32
      %dma_wait3A_184 = arith.constant 0 : i32
      %dma_wait3A_185 = tpu.memref_slice %arg2[%arg0, %dma_wait3A_183, %dma_wait3A_184] : memref<2x10240x64xf32, #tpu.memory_space<hbm>> -> memref<1x10240x64xf32, #tpu.memory_space<hbm>>
      %dma_wait3A_186 = tpu.memref_squeeze %dma_wait3A_185 : memref<1x10240x64xf32, #tpu.memory_space<hbm>> -> memref<10240x64xf32, #tpu.memory_space<hbm>>
      %dma_wait3A_187 = arith.constant 0 : i32
      %dma_wait3A_188 = arith.constant 0 : i32
      %dma_wait3A_189 = tpu.memref_slice %dma_wait3A_186[%dma_wait3A_187, %dma_wait3A_188] : memref<10240x64xf32, #tpu.memory_space<hbm>> -> memref<10240x64xf32, #tpu.memory_space<hbm>>
      tpu.wait_indirect_dma semaphore(%arg17 : memref<!tpu.dma_semaphore, #tpu.memory_space<semaphore_mem>>) src(%dma_wait3A_189 : memref<10240x64xf32, #tpu.memory_space<hbm>>) dst(%arg11 : memref<128x64xf32, #tpu.memory_space<vmem>>)
      %add3A_190 = arith.constant 3 : i32
      %add3A_191 = arith.addi %mul3A_117, %add3A_190 : i32
      %dma_start3A_192 = arith.constant 0 : i32
      %dma_start3A_193 = tpu.memref_slice %arg7[%add3A_191, %dma_start3A_192] : memref<160x128xi32, #tpu.memory_space<vmem>> -> memref<1x128xi32, #tpu.memory_space<vmem>>
      %dma_start3A_194 = tpu.memref_squeeze %dma_start3A_193 : memref<1x128xi32, #tpu.memory_space<vmem>> -> memref<128xi32, #tpu.memory_space<vmem>>
      %dma_start3A_195 = arith.constant 0 : i32
      %dma_start3A_196 = arith.constant 0 : i32
      %dma_start3A_197 = tpu.memref_slice %arg13[%dma_start3A_195, %dma_start3A_196] : memref<10240x64xf32, #tpu.memory_space<vmem_shared>> -> memref<10240x64xf32, #tpu.memory_space<vmem_shared>>
      tpu.enqueue_indirect_dma source(%arg11 : memref<128x64xf32, #tpu.memory_space<vmem>>) target(%dma_start3A_197 : memref<10240x64xf32, #tpu.memory_space<vmem_shared>>) offsets(%dma_start3A_194 : memref<128xi32, #tpu.memory_space<vmem>>) semaphore(%arg21 : memref<!tpu.dma_semaphore, #tpu.memory_space<semaphore_mem>>) {add = true}
      %lt3A = arith.constant 39 : i32
      %lt3A_198 = arith.cmpi slt, %add3A_115, %lt3A : i32
      %convert_element_type3A = arith.extui %lt3A_198 : i1 to i32
      %cond3A = arith.constant 0 : i32
      %cond3A_199 = arith.cmpi ne, %convert_element_type3A, %cond3A : i32
      scf.if %cond3A_199 {
        %add3A_200 = arith.constant 0 : i32
        %add3A_201 = arith.addi %mul3A_117, %add3A_200 : i32
        %dma_wait3A_202 = arith.constant 0 : i32
        %dma_wait3A_203 = tpu.memref_slice %arg7[%add3A_201, %dma_wait3A_202] : memref<160x128xi32, #tpu.memory_space<vmem>> -> memref<1x128xi32, #tpu.memory_space<vmem>>
        %dma_wait3A_204 = tpu.memref_squeeze %dma_wait3A_203 : memref<1x128xi32, #tpu.memory_space<vmem>> -> memref<128xi32, #tpu.memory_space<vmem>>
        %dma_wait3A_205 = arith.constant 0 : i32
        %dma_wait3A_206 = arith.constant 0 : i32
        %dma_wait3A_207 = tpu.memref_slice %arg13[%dma_wait3A_205, %dma_wait3A_206] : memref<10240x64xf32, #tpu.memory_space<vmem_shared>> -> memref<10240x64xf32, #tpu.memory_space<vmem_shared>>
        tpu.wait_indirect_dma semaphore(%arg18 : memref<!tpu.dma_semaphore, #tpu.memory_space<semaphore_mem>>) src(%arg8 : memref<128x64xf32, #tpu.memory_space<vmem>>) dst(%dma_wait3A_207 : memref<10240x64xf32, #tpu.memory_space<vmem_shared>>)
        %add3A_208 = arith.constant 4 : i32
        %add3A_209 = arith.addi %mul3A_117, %add3A_208 : i32
        %add3A_210 = arith.constant 0 : i32
        %add3A_211 = arith.addi %add3A_209, %add3A_210 : i32
        %dma_start3A_212 = arith.constant 0 : i32
        %dma_start3A_213 = tpu.memref_slice %arg6[%add3A_211, %dma_start3A_212] : memref<160x128xi32, #tpu.memory_space<vmem>> -> memref<1x128xi32, #tpu.memory_space<vmem>>
        %dma_start3A_214 = tpu.memref_squeeze %dma_start3A_213 : memref<1x128xi32, #tpu.memory_space<vmem>> -> memref<128xi32, #tpu.memory_space<vmem>>
        %dma_start3A_215 = arith.constant 0 : i32
        %dma_start3A_216 = arith.constant 0 : i32
        %dma_start3A_217 = tpu.memref_slice %arg2[%arg0, %dma_start3A_215, %dma_start3A_216] : memref<2x10240x64xf32, #tpu.memory_space<hbm>> -> memref<1x10240x64xf32, #tpu.memory_space<hbm>>
        %dma_start3A_218 = tpu.memref_squeeze %dma_start3A_217 : memref<1x10240x64xf32, #tpu.memory_space<hbm>> -> memref<10240x64xf32, #tpu.memory_space<hbm>>
        %dma_start3A_219 = arith.constant 0 : i32
        %dma_start3A_220 = arith.constant 0 : i32
        %dma_start3A_221 = tpu.memref_slice %dma_start3A_218[%dma_start3A_219, %dma_start3A_220] : memref<10240x64xf32, #tpu.memory_space<hbm>> -> memref<10240x64xf32, #tpu.memory_space<hbm>>
        tpu.enqueue_indirect_dma source(%dma_start3A_221 : memref<10240x64xf32, #tpu.memory_space<hbm>>) target(%arg8 : memref<128x64xf32, #tpu.memory_space<vmem>>) offsets(%dma_start3A_214 : memref<128xi32, #tpu.memory_space<vmem>>) semaphore(%arg14 : memref<!tpu.dma_semaphore, #tpu.memory_space<semaphore_mem>>)
        %add3A_222 = arith.constant 1 : i32
        %add3A_223 = arith.addi %mul3A_117, %add3A_222 : i32
        %dma_wait3A_224 = arith.constant 0 : i32
        %dma_wait3A_225 = tpu.memref_slice %arg7[%add3A_223, %dma_wait3A_224] : memref<160x128xi32, #tpu.memory_space<vmem>> -> memref<1x128xi32, #tpu.memory_space<vmem>>
        %dma_wait3A_226 = tpu.memref_squeeze %dma_wait3A_225 : memref<1x128xi32, #tpu.memory_space<vmem>> -> memref<128xi32, #tpu.memory_space<vmem>>
        %dma_wait3A_227 = arith.constant 0 : i32
        %dma_wait3A_228 = arith.constant 0 : i32
        %dma_wait3A_229 = tpu.memref_slice %arg13[%dma_wait3A_227, %dma_wait3A_228] : memref<10240x64xf32, #tpu.memory_space<vmem_shared>> -> memref<10240x64xf32, #tpu.memory_space<vmem_shared>>
        tpu.wait_indirect_dma semaphore(%arg19 : memref<!tpu.dma_semaphore, #tpu.memory_space<semaphore_mem>>) src(%arg9 : memref<128x64xf32, #tpu.memory_space<vmem>>) dst(%dma_wait3A_229 : memref<10240x64xf32, #tpu.memory_space<vmem_shared>>)
        %add3A_230 = arith.constant 4 : i32
        %add3A_231 = arith.addi %mul3A_117, %add3A_230 : i32
        %add3A_232 = arith.constant 1 : i32
        %add3A_233 = arith.addi %add3A_231, %add3A_232 : i32
        %dma_start3A_234 = arith.constant 0 : i32
        %dma_start3A_235 = tpu.memref_slice %arg6[%add3A_233, %dma_start3A_234] : memref<160x128xi32, #tpu.memory_space<vmem>> -> memref<1x128xi32, #tpu.memory_space<vmem>>
        %dma_start3A_236 = tpu.memref_squeeze %dma_start3A_235 : memref<1x128xi32, #tpu.memory_space<vmem>> -> memref<128xi32, #tpu.memory_space<vmem>>
        %dma_start3A_237 = arith.constant 0 : i32
        %dma_start3A_238 = arith.constant 0 : i32
        %dma_start3A_239 = tpu.memref_slice %arg2[%arg0, %dma_start3A_237, %dma_start3A_238] : memref<2x10240x64xf32, #tpu.memory_space<hbm>> -> memref<1x10240x64xf32, #tpu.memory_space<hbm>>
        %dma_start3A_240 = tpu.memref_squeeze %dma_start3A_239 : memref<1x10240x64xf32, #tpu.memory_space<hbm>> -> memref<10240x64xf32, #tpu.memory_space<hbm>>
        %dma_start3A_241 = arith.constant 0 : i32
        %dma_start3A_242 = arith.constant 0 : i32
        %dma_start3A_243 = tpu.memref_slice %dma_start3A_240[%dma_start3A_241, %dma_start3A_242] : memref<10240x64xf32, #tpu.memory_space<hbm>> -> memref<10240x64xf32, #tpu.memory_space<hbm>>
        tpu.enqueue_indirect_dma source(%dma_start3A_243 : memref<10240x64xf32, #tpu.memory_space<hbm>>) target(%arg9 : memref<128x64xf32, #tpu.memory_space<vmem>>) offsets(%dma_start3A_236 : memref<128xi32, #tpu.memory_space<vmem>>) semaphore(%arg15 : memref<!tpu.dma_semaphore, #tpu.memory_space<semaphore_mem>>)
        %add3A_244 = arith.constant 2 : i32
        %add3A_245 = arith.addi %mul3A_117, %add3A_244 : i32
        %dma_wait3A_246 = arith.constant 0 : i32
        %dma_wait3A_247 = tpu.memref_slice %arg7[%add3A_245, %dma_wait3A_246] : memref<160x128xi32, #tpu.memory_space<vmem>> -> memref<1x128xi32, #tpu.memory_space<vmem>>
        %dma_wait3A_248 = tpu.memref_squeeze %dma_wait3A_247 : memref<1x128xi32, #tpu.memory_space<vmem>> -> memref<128xi32, #tpu.memory_space<vmem>>
        %dma_wait3A_249 = arith.constant 0 : i32
        %dma_wait3A_250 = arith.constant 0 : i32
        %dma_wait3A_251 = tpu.memref_slice %arg13[%dma_wait3A_249, %dma_wait3A_250] : memref<10240x64xf32, #tpu.memory_space<vmem_shared>> -> memref<10240x64xf32, #tpu.memory_space<vmem_shared>>
        tpu.wait_indirect_dma semaphore(%arg20 : memref<!tpu.dma_semaphore, #tpu.memory_space<semaphore_mem>>) src(%arg10 : memref<128x64xf32, #tpu.memory_space<vmem>>) dst(%dma_wait3A_251 : memref<10240x64xf32, #tpu.memory_space<vmem_shared>>)
        %add3A_252 = arith.constant 4 : i32
        %add3A_253 = arith.addi %mul3A_117, %add3A_252 : i32
        %add3A_254 = arith.constant 2 : i32
        %add3A_255 = arith.addi %add3A_253, %add3A_254 : i32
        %dma_start3A_256 = arith.constant 0 : i32
        %dma_start3A_257 = tpu.memref_slice %arg6[%add3A_255, %dma_start3A_256] : memref<160x128xi32, #tpu.memory_space<vmem>> -> memref<1x128xi32, #tpu.memory_space<vmem>>
        %dma_start3A_258 = tpu.memref_squeeze %dma_start3A_257 : memref<1x128xi32, #tpu.memory_space<vmem>> -> memref<128xi32, #tpu.memory_space<vmem>>
        %dma_start3A_259 = arith.constant 0 : i32
        %dma_start3A_260 = arith.constant 0 : i32
        %dma_start3A_261 = tpu.memref_slice %arg2[%arg0, %dma_start3A_259, %dma_start3A_260] : memref<2x10240x64xf32, #tpu.memory_space<hbm>> -> memref<1x10240x64xf32, #tpu.memory_space<hbm>>
        %dma_start3A_262 = tpu.memref_squeeze %dma_start3A_261 : memref<1x10240x64xf32, #tpu.memory_space<hbm>> -> memref<10240x64xf32, #tpu.memory_space<hbm>>
        %dma_start3A_263 = arith.constant 0 : i32
        %dma_start3A_264 = arith.constant 0 : i32
        %dma_start3A_265 = tpu.memref_slice %dma_start3A_262[%dma_start3A_263, %dma_start3A_264] : memref<10240x64xf32, #tpu.memory_space<hbm>> -> memref<10240x64xf32, #tpu.memory_space<hbm>>
        tpu.enqueue_indirect_dma source(%dma_start3A_265 : memref<10240x64xf32, #tpu.memory_space<hbm>>) target(%arg10 : memref<128x64xf32, #tpu.memory_space<vmem>>) offsets(%dma_start3A_258 : memref<128xi32, #tpu.memory_space<vmem>>) semaphore(%arg16 : memref<!tpu.dma_semaphore, #tpu.memory_space<semaphore_mem>>)
        %add3A_266 = arith.constant 3 : i32
        %add3A_267 = arith.addi %mul3A_117, %add3A_266 : i32
        %dma_wait3A_268 = arith.constant 0 : i32
        %dma_wait3A_269 = tpu.memref_slice %arg7[%add3A_267, %dma_wait3A_268] : memref<160x128xi32, #tpu.memory_space<vmem>> -> memref<1x128xi32, #tpu.memory_space<vmem>>
        %dma_wait3A_270 = tpu.memref_squeeze %dma_wait3A_269 : memref<1x128xi32, #tpu.memory_space<vmem>> -> memref<128xi32, #tpu.memory_space<vmem>>
        %dma_wait3A_271 = arith.constant 0 : i32
        %dma_wait3A_272 = arith.constant 0 : i32
        %dma_wait3A_273 = tpu.memref_slice %arg13[%dma_wait3A_271, %dma_wait3A_272] : memref<10240x64xf32, #tpu.memory_space<vmem_shared>> -> memref<10240x64xf32, #tpu.memory_space<vmem_shared>>
        tpu.wait_indirect_dma semaphore(%arg21 : memref<!tpu.dma_semaphore, #tpu.memory_space<semaphore_mem>>) src(%arg11 : memref<128x64xf32, #tpu.memory_space<vmem>>) dst(%dma_wait3A_273 : memref<10240x64xf32, #tpu.memory_space<vmem_shared>>)
        %add3A_274 = arith.constant 4 : i32
        %add3A_275 = arith.addi %mul3A_117, %add3A_274 : i32
        %add3A_276 = arith.constant 3 : i32
        %add3A_277 = arith.addi %add3A_275, %add3A_276 : i32
        %dma_start3A_278 = arith.constant 0 : i32
        %dma_start3A_279 = tpu.memref_slice %arg6[%add3A_277, %dma_start3A_278] : memref<160x128xi32, #tpu.memory_space<vmem>> -> memref<1x128xi32, #tpu.memory_space<vmem>>
        %dma_start3A_280 = tpu.memref_squeeze %dma_start3A_279 : memref<1x128xi32, #tpu.memory_space<vmem>> -> memref<128xi32, #tpu.memory_space<vmem>>
        %dma_start3A_281 = arith.constant 0 : i32
        %dma_start3A_282 = arith.constant 0 : i32
        %dma_start3A_283 = tpu.memref_slice %arg2[%arg0, %dma_start3A_281, %dma_start3A_282] : memref<2x10240x64xf32, #tpu.memory_space<hbm>> -> memref<1x10240x64xf32, #tpu.memory_space<hbm>>
        %dma_start3A_284 = tpu.memref_squeeze %dma_start3A_283 : memref<1x10240x64xf32, #tpu.memory_space<hbm>> -> memref<10240x64xf32, #tpu.memory_space<hbm>>
        %dma_start3A_285 = arith.constant 0 : i32
        %dma_start3A_286 = arith.constant 0 : i32
        %dma_start3A_287 = tpu.memref_slice %dma_start3A_284[%dma_start3A_285, %dma_start3A_286] : memref<10240x64xf32, #tpu.memory_space<hbm>> -> memref<10240x64xf32, #tpu.memory_space<hbm>>
        tpu.enqueue_indirect_dma source(%dma_start3A_287 : memref<10240x64xf32, #tpu.memory_space<hbm>>) target(%arg11 : memref<128x64xf32, #tpu.memory_space<vmem>>) offsets(%dma_start3A_280 : memref<128xi32, #tpu.memory_space<vmem>>) semaphore(%arg17 : memref<!tpu.dma_semaphore, #tpu.memory_space<semaphore_mem>>)
      } else {
      }
    }
    %scan3A_62 = arith.constant 40 : i32
    %dma_wait3A = arith.constant 156 : i32
    %dma_wait3A_63 = arith.constant 0 : i32
    %dma_wait3A_64 = tpu.memref_slice %arg7[%dma_wait3A, %dma_wait3A_63] : memref<160x128xi32, #tpu.memory_space<vmem>> -> memref<1x128xi32, #tpu.memory_space<vmem>>
    %dma_wait3A_65 = tpu.memref_squeeze %dma_wait3A_64 : memref<1x128xi32, #tpu.memory_space<vmem>> -> memref<128xi32, #tpu.memory_space<vmem>>
    %dma_wait3A_66 = arith.constant 0 : i32
    %dma_wait3A_67 = arith.constant 0 : i32
    %dma_wait3A_68 = tpu.memref_slice %arg13[%dma_wait3A_66, %dma_wait3A_67] : memref<10240x64xf32, #tpu.memory_space<vmem_shared>> -> memref<10240x64xf32, #tpu.memory_space<vmem_shared>>
    tpu.wait_indirect_dma semaphore(%arg18 : memref<!tpu.dma_semaphore, #tpu.memory_space<semaphore_mem>>) src(%arg8 : memref<128x64xf32, #tpu.memory_space<vmem>>) dst(%dma_wait3A_68 : memref<10240x64xf32, #tpu.memory_space<vmem_shared>>)
    %dma_wait3A_69 = arith.constant 157 : i32
    %dma_wait3A_70 = arith.constant 0 : i32
    %dma_wait3A_71 = tpu.memref_slice %arg7[%dma_wait3A_69, %dma_wait3A_70] : memref<160x128xi32, #tpu.memory_space<vmem>> -> memref<1x128xi32, #tpu.memory_space<vmem>>
    %dma_wait3A_72 = tpu.memref_squeeze %dma_wait3A_71 : memref<1x128xi32, #tpu.memory_space<vmem>> -> memref<128xi32, #tpu.memory_space<vmem>>
    %dma_wait3A_73 = arith.constant 0 : i32
    %dma_wait3A_74 = arith.constant 0 : i32
    %dma_wait3A_75 = tpu.memref_slice %arg13[%dma_wait3A_73, %dma_wait3A_74] : memref<10240x64xf32, #tpu.memory_space<vmem_shared>> -> memref<10240x64xf32, #tpu.memory_space<vmem_shared>>
    tpu.wait_indirect_dma semaphore(%arg19 : memref<!tpu.dma_semaphore, #tpu.memory_space<semaphore_mem>>) src(%arg9 : memref<128x64xf32, #tpu.memory_space<vmem>>) dst(%dma_wait3A_75 : memref<10240x64xf32, #tpu.memory_space<vmem_shared>>)
    %dma_wait3A_76 = arith.constant 158 : i32
    %dma_wait3A_77 = arith.constant 0 : i32
    %dma_wait3A_78 = tpu.memref_slice %arg7[%dma_wait3A_76, %dma_wait3A_77] : memref<160x128xi32, #tpu.memory_space<vmem>> -> memref<1x128xi32, #tpu.memory_space<vmem>>
    %dma_wait3A_79 = tpu.memref_squeeze %dma_wait3A_78 : memref<1x128xi32, #tpu.memory_space<vmem>> -> memref<128xi32, #tpu.memory_space<vmem>>
    %dma_wait3A_80 = arith.constant 0 : i32
    %dma_wait3A_81 = arith.constant 0 : i32
    %dma_wait3A_82 = tpu.memref_slice %arg13[%dma_wait3A_80, %dma_wait3A_81] : memref<10240x64xf32, #tpu.memory_space<vmem_shared>> -> memref<10240x64xf32, #tpu.memory_space<vmem_shared>>
    tpu.wait_indirect_dma semaphore(%arg20 : memref<!tpu.dma_semaphore, #tpu.memory_space<semaphore_mem>>) src(%arg10 : memref<128x64xf32, #tpu.memory_space<vmem>>) dst(%dma_wait3A_82 : memref<10240x64xf32, #tpu.memory_space<vmem_shared>>)
    %dma_wait3A_83 = arith.constant 159 : i32
    %dma_wait3A_84 = arith.constant 0 : i32
    %dma_wait3A_85 = tpu.memref_slice %arg7[%dma_wait3A_83, %dma_wait3A_84] : memref<160x128xi32, #tpu.memory_space<vmem>> -> memref<1x128xi32, #tpu.memory_space<vmem>>
    %dma_wait3A_86 = tpu.memref_squeeze %dma_wait3A_85 : memref<1x128xi32, #tpu.memory_space<vmem>> -> memref<128xi32, #tpu.memory_space<vmem>>
    %dma_wait3A_87 = arith.constant 0 : i32
    %dma_wait3A_88 = arith.constant 0 : i32
    %dma_wait3A_89 = tpu.memref_slice %arg13[%dma_wait3A_87, %dma_wait3A_88] : memref<10240x64xf32, #tpu.memory_space<vmem_shared>> -> memref<10240x64xf32, #tpu.memory_space<vmem_shared>>
    tpu.wait_indirect_dma semaphore(%arg21 : memref<!tpu.dma_semaphore, #tpu.memory_space<semaphore_mem>>) src(%arg11 : memref<128x64xf32, #tpu.memory_space<vmem>>) dst(%dma_wait3A_89 : memref<10240x64xf32, #tpu.memory_space<vmem_shared>>)
    %barrier3A_90 = arith.constant 0 : index
    tpu.barrier barrier_id(%barrier3A_90)
    %add3A_91 = arith.constant 0 : i32
    %add3A_92 = arith.addi %mul3A_5, %add3A_91 : i32
    "tpu.region"() ({
      %run_scoped3A = tpu.sem_alloc : memref<!tpu.dma_semaphore, #tpu.memory_space<semaphore_mem>>
      %dma_start3A_111 = arith.constant 0 : i32
      %dma_start3A_112 = tpu.memref_slice %arg13[%add3A_92, %dma_start3A_111] : memref<10240x64xf32, #tpu.memory_space<vmem_shared>> -> memref<128x64xf32, #tpu.memory_space<vmem_shared>>
      %dma_start3A_113 = arith.constant 0 : i32
      %dma_start3A_114 = tpu.memref_slice %arg13[%add3A_92, %dma_start3A_113] : memref<10240x64xf32, #tpu.memory_space<vmem_shared>> -> memref<128x64xf32, #tpu.memory_space<vmem_shared>>
      tpu.enqueue_dma source(%dma_start3A_114 : memref<128x64xf32, #tpu.memory_space<vmem_shared>>) target(%arg12 : memref<128x64xf32, #tpu.memory_space<vmem>>) target_semaphore(%run_scoped3A : memref<!tpu.dma_semaphore, #tpu.memory_space<semaphore_mem>>)
      %dma_wait3A_115 = arith.constant 0 : i32
      %dma_wait3A_116 = tpu.memref_slice %arg13[%add3A_92, %dma_wait3A_115] : memref<10240x64xf32, #tpu.memory_space<vmem_shared>> -> memref<128x64xf32, #tpu.memory_space<vmem_shared>>
      %dma_wait3A_117 = arith.constant 0 : i32
      %dma_wait3A_118 = tpu.memref_slice %arg13[%add3A_92, %dma_wait3A_117] : memref<10240x64xf32, #tpu.memory_space<vmem_shared>> -> memref<128x64xf32, #tpu.memory_space<vmem_shared>>
      tpu.wait_dma2 semaphore(%run_scoped3A : memref<!tpu.dma_semaphore, #tpu.memory_space<semaphore_mem>>) src(%dma_wait3A_118 : memref<128x64xf32, #tpu.memory_space<vmem_shared>>) dst(%arg12 : memref<128x64xf32, #tpu.memory_space<vmem>>)
      tpu.yield
    }) : () -> ()
    %add3A_93 = arith.constant 0 : i32
    %add3A_94 = arith.addi %mul3A_5, %add3A_93 : i32
    "tpu.region"() ({
      %run_scoped3A = tpu.sem_alloc : memref<!tpu.dma_semaphore, #tpu.memory_space<semaphore_mem>>
      %dma_start3A_111 = arith.constant 0 : i32
      %dma_start3A_112 = tpu.memref_slice %arg5[%arg0, %add3A_94, %dma_start3A_111] : memref<2x10240x64xf32, #tpu.memory_space<hbm>> -> memref<1x128x64xf32, #tpu.memory_space<hbm>>
      %dma_start3A_113 = tpu.memref_squeeze %dma_start3A_112 : memref<1x128x64xf32, #tpu.memory_space<hbm>> -> memref<128x64xf32, #tpu.memory_space<hbm>>
      %dma_start3A_114 = arith.constant 0 : i32
      %dma_start3A_115 = tpu.memref_slice %arg5[%arg0, %add3A_94, %dma_start3A_114] : memref<2x10240x64xf32, #tpu.memory_space<hbm>> -> memref<1x128x64xf32, #tpu.memory_space<hbm>>
      %dma_start3A_116 = tpu.memref_squeeze %dma_start3A_115 : memref<1x128x64xf32, #tpu.memory_space<hbm>> -> memref<128x64xf32, #tpu.memory_space<hbm>>
      tpu.enqueue_dma source(%arg12 : memref<128x64xf32, #tpu.memory_space<vmem>>) target(%dma_start3A_116 : memref<128x64xf32, #tpu.memory_space<hbm>>) target_semaphore(%run_scoped3A : memref<!tpu.dma_semaphore, #tpu.memory_space<semaphore_mem>>)
      %dma_wait3A_117 = arith.constant 0 : i32
      %dma_wait3A_118 = tpu.memref_slice %arg5[%arg0, %add3A_94, %dma_wait3A_117] : memref<2x10240x64xf32, #tpu.memory_space<hbm>> -> memref<1x128x64xf32, #tpu.memory_space<hbm>>
      %dma_wait3A_119 = tpu.memref_squeeze %dma_wait3A_118 : memref<1x128x64xf32, #tpu.memory_space<hbm>> -> memref<128x64xf32, #tpu.memory_space<hbm>>
      %dma_wait3A_120 = arith.constant 0 : i32
      %dma_wait3A_121 = tpu.memref_slice %arg5[%arg0, %add3A_94, %dma_wait3A_120] : memref<2x10240x64xf32, #tpu.memory_space<hbm>> -> memref<1x128x64xf32, #tpu.memory_space<hbm>>
      %dma_wait3A_122 = tpu.memref_squeeze %dma_wait3A_121 : memref<1x128x64xf32, #tpu.memory_space<hbm>> -> memref<128x64xf32, #tpu.memory_space<hbm>>
      tpu.wait_dma2 semaphore(%run_scoped3A : memref<!tpu.dma_semaphore, #tpu.memory_space<semaphore_mem>>) src(%arg12 : memref<128x64xf32, #tpu.memory_space<vmem>>) dst(%dma_wait3A_122 : memref<128x64xf32, #tpu.memory_space<hbm>>)
      tpu.yield
    }) : () -> ()
    %add3A_95 = arith.constant 128 : i32
    %add3A_96 = arith.addi %mul3A_5, %add3A_95 : i32
    "tpu.region"() ({
      %run_scoped3A = tpu.sem_alloc : memref<!tpu.dma_semaphore, #tpu.memory_space<semaphore_mem>>
      %dma_start3A_111 = arith.constant 0 : i32
      %dma_start3A_112 = tpu.memref_slice %arg13[%add3A_96, %dma_start3A_111] : memref<10240x64xf32, #tpu.memory_space<vmem_shared>> -> memref<128x64xf32, #tpu.memory_space<vmem_shared>>
      %dma_start3A_113 = arith.constant 0 : i32
      %dma_start3A_114 = tpu.memref_slice %arg13[%add3A_96, %dma_start3A_113] : memref<10240x64xf32, #tpu.memory_space<vmem_shared>> -> memref<128x64xf32, #tpu.memory_space<vmem_shared>>
      tpu.enqueue_dma source(%dma_start3A_114 : memref<128x64xf32, #tpu.memory_space<vmem_shared>>) target(%arg12 : memref<128x64xf32, #tpu.memory_space<vmem>>) target_semaphore(%run_scoped3A : memref<!tpu.dma_semaphore, #tpu.memory_space<semaphore_mem>>)
      %dma_wait3A_115 = arith.constant 0 : i32
      %dma_wait3A_116 = tpu.memref_slice %arg13[%add3A_96, %dma_wait3A_115] : memref<10240x64xf32, #tpu.memory_space<vmem_shared>> -> memref<128x64xf32, #tpu.memory_space<vmem_shared>>
      %dma_wait3A_117 = arith.constant 0 : i32
      %dma_wait3A_118 = tpu.memref_slice %arg13[%add3A_96, %dma_wait3A_117] : memref<10240x64xf32, #tpu.memory_space<vmem_shared>> -> memref<128x64xf32, #tpu.memory_space<vmem_shared>>
      tpu.wait_dma2 semaphore(%run_scoped3A : memref<!tpu.dma_semaphore, #tpu.memory_space<semaphore_mem>>) src(%dma_wait3A_118 : memref<128x64xf32, #tpu.memory_space<vmem_shared>>) dst(%arg12 : memref<128x64xf32, #tpu.memory_space<vmem>>)
      tpu.yield
    }) : () -> ()
    %add3A_97 = arith.constant 128 : i32
    %add3A_98 = arith.addi %mul3A_5, %add3A_97 : i32
    "tpu.region"() ({
      %run_scoped3A = tpu.sem_alloc : memref<!tpu.dma_semaphore, #tpu.memory_space<semaphore_mem>>
      %dma_start3A_111 = arith.constant 0 : i32
      %dma_start3A_112 = tpu.memref_slice %arg5[%arg0, %add3A_98, %dma_start3A_111] : memref<2x10240x64xf32, #tpu.memory_space<hbm>> -> memref<1x128x64xf32, #tpu.memory_space<hbm>>
      %dma_start3A_113 = tpu.memref_squeeze %dma_start3A_112 : memref<1x128x64xf32, #tpu.memory_space<hbm>> -> memref<128x64xf32, #tpu.memory_space<hbm>>
      %dma_start3A_114 = arith.constant 0 : i32
      %dma_start3A_115 = tpu.memref_slice %arg5[%arg0, %add3A_98, %dma_start3A_114] : memref<2x10240x64xf32, #tpu.memory_space<hbm>> -> memref<1x128x64xf32, #tpu.memory_space<hbm>>
      %dma_start3A_116 = tpu.memref_squeeze %dma_start3A_115 : memref<1x128x64xf32, #tpu.memory_space<hbm>> -> memref<128x64xf32, #tpu.memory_space<hbm>>
      tpu.enqueue_dma source(%arg12 : memref<128x64xf32, #tpu.memory_space<vmem>>) target(%dma_start3A_116 : memref<128x64xf32, #tpu.memory_space<hbm>>) target_semaphore(%run_scoped3A : memref<!tpu.dma_semaphore, #tpu.memory_space<semaphore_mem>>)
      %dma_wait3A_117 = arith.constant 0 : i32
      %dma_wait3A_118 = tpu.memref_slice %arg5[%arg0, %add3A_98, %dma_wait3A_117] : memref<2x10240x64xf32, #tpu.memory_space<hbm>> -> memref<1x128x64xf32, #tpu.memory_space<hbm>>
      %dma_wait3A_119 = tpu.memref_squeeze %dma_wait3A_118 : memref<1x128x64xf32, #tpu.memory_space<hbm>> -> memref<128x64xf32, #tpu.memory_space<hbm>>
      %dma_wait3A_120 = arith.constant 0 : i32
      %dma_wait3A_121 = tpu.memref_slice %arg5[%arg0, %add3A_98, %dma_wait3A_120] : memref<2x10240x64xf32, #tpu.memory_space<hbm>> -> memref<1x128x64xf32, #tpu.memory_space<hbm>>
      %dma_wait3A_122 = tpu.memref_squeeze %dma_wait3A_121 : memref<1x128x64xf32, #tpu.memory_space<hbm>> -> memref<128x64xf32, #tpu.memory_space<hbm>>
      tpu.wait_dma2 semaphore(%run_scoped3A : memref<!tpu.dma_semaphore, #tpu.memory_space<semaphore_mem>>) src(%arg12 : memref<128x64xf32, #tpu.memory_space<vmem>>) dst(%dma_wait3A_122 : memref<128x64xf32, #tpu.memory_space<hbm>>)
      tpu.yield
    }) : () -> ()
    %add3A_99 = arith.constant 256 : i32
    %add3A_100 = arith.addi %mul3A_5, %add3A_99 : i32
    "tpu.region"() ({
      %run_scoped3A = tpu.sem_alloc : memref<!tpu.dma_semaphore, #tpu.memory_space<semaphore_mem>>
      %dma_start3A_111 = arith.constant 0 : i32
      %dma_start3A_112 = tpu.memref_slice %arg13[%add3A_100, %dma_start3A_111] : memref<10240x64xf32, #tpu.memory_space<vmem_shared>> -> memref<128x64xf32, #tpu.memory_space<vmem_shared>>
      %dma_start3A_113 = arith.constant 0 : i32
      %dma_start3A_114 = tpu.memref_slice %arg13[%add3A_100, %dma_start3A_113] : memref<10240x64xf32, #tpu.memory_space<vmem_shared>> -> memref<128x64xf32, #tpu.memory_space<vmem_shared>>
      tpu.enqueue_dma source(%dma_start3A_114 : memref<128x64xf32, #tpu.memory_space<vmem_shared>>) target(%arg12 : memref<128x64xf32, #tpu.memory_space<vmem>>) target_semaphore(%run_scoped3A : memref<!tpu.dma_semaphore, #tpu.memory_space<semaphore_mem>>)
      %dma_wait3A_115 = arith.constant 0 : i32
      %dma_wait3A_116 = tpu.memref_slice %arg13[%add3A_100, %dma_wait3A_115] : memref<10240x64xf32, #tpu.memory_space<vmem_shared>> -> memref<128x64xf32, #tpu.memory_space<vmem_shared>>
      %dma_wait3A_117 = arith.constant 0 : i32
      %dma_wait3A_118 = tpu.memref_slice %arg13[%add3A_100, %dma_wait3A_117] : memref<10240x64xf32, #tpu.memory_space<vmem_shared>> -> memref<128x64xf32, #tpu.memory_space<vmem_shared>>
      tpu.wait_dma2 semaphore(%run_scoped3A : memref<!tpu.dma_semaphore, #tpu.memory_space<semaphore_mem>>) src(%dma_wait3A_118 : memref<128x64xf32, #tpu.memory_space<vmem_shared>>) dst(%arg12 : memref<128x64xf32, #tpu.memory_space<vmem>>)
      tpu.yield
    }) : () -> ()
    %add3A_101 = arith.constant 256 : i32
    %add3A_102 = arith.addi %mul3A_5, %add3A_101 : i32
    "tpu.region"() ({
      %run_scoped3A = tpu.sem_alloc : memref<!tpu.dma_semaphore, #tpu.memory_space<semaphore_mem>>
      %dma_start3A_111 = arith.constant 0 : i32
      %dma_start3A_112 = tpu.memref_slice %arg5[%arg0, %add3A_102, %dma_start3A_111] : memref<2x10240x64xf32, #tpu.memory_space<hbm>> -> memref<1x128x64xf32, #tpu.memory_space<hbm>>
      %dma_start3A_113 = tpu.memref_squeeze %dma_start3A_112 : memref<1x128x64xf32, #tpu.memory_space<hbm>> -> memref<128x64xf32, #tpu.memory_space<hbm>>
      %dma_start3A_114 = arith.constant 0 : i32
      %dma_start3A_115 = tpu.memref_slice %arg5[%arg0, %add3A_102, %dma_start3A_114] : memref<2x10240x64xf32, #tpu.memory_space<hbm>> -> memref<1x128x64xf32, #tpu.memory_space<hbm>>
      %dma_start3A_116 = tpu.memref_squeeze %dma_start3A_115 : memref<1x128x64xf32, #tpu.memory_space<hbm>> -> memref<128x64xf32, #tpu.memory_space<hbm>>
      tpu.enqueue_dma source(%arg12 : memref<128x64xf32, #tpu.memory_space<vmem>>) target(%dma_start3A_116 : memref<128x64xf32, #tpu.memory_space<hbm>>) target_semaphore(%run_scoped3A : memref<!tpu.dma_semaphore, #tpu.memory_space<semaphore_mem>>)
      %dma_wait3A_117 = arith.constant 0 : i32
      %dma_wait3A_118 = tpu.memref_slice %arg5[%arg0, %add3A_102, %dma_wait3A_117] : memref<2x10240x64xf32, #tpu.memory_space<hbm>> -> memref<1x128x64xf32, #tpu.memory_space<hbm>>
      %dma_wait3A_119 = tpu.memref_squeeze %dma_wait3A_118 : memref<1x128x64xf32, #tpu.memory_space<hbm>> -> memref<128x64xf32, #tpu.memory_space<hbm>>
      %dma_wait3A_120 = arith.constant 0 : i32
      %dma_wait3A_121 = tpu.memref_slice %arg5[%arg0, %add3A_102, %dma_wait3A_120] : memref<2x10240x64xf32, #tpu.memory_space<hbm>> -> memref<1x128x64xf32, #tpu.memory_space<hbm>>
      %dma_wait3A_122 = tpu.memref_squeeze %dma_wait3A_121 : memref<1x128x64xf32, #tpu.memory_space<hbm>> -> memref<128x64xf32, #tpu.memory_space<hbm>>
      tpu.wait_dma2 semaphore(%run_scoped3A : memref<!tpu.dma_semaphore, #tpu.memory_space<semaphore_mem>>) src(%arg12 : memref<128x64xf32, #tpu.memory_space<vmem>>) dst(%dma_wait3A_122 : memref<128x64xf32, #tpu.memory_space<hbm>>)
      tpu.yield
    }) : () -> ()
    %add3A_103 = arith.constant 384 : i32
    %add3A_104 = arith.addi %mul3A_5, %add3A_103 : i32
    "tpu.region"() ({
      %run_scoped3A = tpu.sem_alloc : memref<!tpu.dma_semaphore, #tpu.memory_space<semaphore_mem>>
      %dma_start3A_111 = arith.constant 0 : i32
      %dma_start3A_112 = tpu.memref_slice %arg13[%add3A_104, %dma_start3A_111] : memref<10240x64xf32, #tpu.memory_space<vmem_shared>> -> memref<128x64xf32, #tpu.memory_space<vmem_shared>>
      %dma_start3A_113 = arith.constant 0 : i32
      %dma_start3A_114 = tpu.memref_slice %arg13[%add3A_104, %dma_start3A_113] : memref<10240x64xf32, #tpu.memory_space<vmem_shared>> -> memref<128x64xf32, #tpu.memory_space<vmem_shared>>
      tpu.enqueue_dma source(%dma_start3A_114 : memref<128x64xf32, #tpu.memory_space<vmem_shared>>) target(%arg12 : memref<128x64xf32, #tpu.memory_space<vmem>>) target_semaphore(%run_scoped3A : memref<!tpu.dma_semaphore, #tpu.memory_space<semaphore_mem>>)
      %dma_wait3A_115 = arith.constant 0 : i32
      %dma_wait3A_116 = tpu.memref_slice %arg13[%add3A_104, %dma_wait3A_115] : memref<10240x64xf32, #tpu.memory_space<vmem_shared>> -> memref<128x64xf32, #tpu.memory_space<vmem_shared>>
      %dma_wait3A_117 = arith.constant 0 : i32
      %dma_wait3A_118 = tpu.memref_slice %arg13[%add3A_104, %dma_wait3A_117] : memref<10240x64xf32, #tpu.memory_space<vmem_shared>> -> memref<128x64xf32, #tpu.memory_space<vmem_shared>>
      tpu.wait_dma2 semaphore(%run_scoped3A : memref<!tpu.dma_semaphore, #tpu.memory_space<semaphore_mem>>) src(%dma_wait3A_118 : memref<128x64xf32, #tpu.memory_space<vmem_shared>>) dst(%arg12 : memref<128x64xf32, #tpu.memory_space<vmem>>)
      tpu.yield
    }) : () -> ()
    %add3A_105 = arith.constant 384 : i32
    %add3A_106 = arith.addi %mul3A_5, %add3A_105 : i32
    "tpu.region"() ({
      %run_scoped3A = tpu.sem_alloc : memref<!tpu.dma_semaphore, #tpu.memory_space<semaphore_mem>>
      %dma_start3A_111 = arith.constant 0 : i32
      %dma_start3A_112 = tpu.memref_slice %arg5[%arg0, %add3A_106, %dma_start3A_111] : memref<2x10240x64xf32, #tpu.memory_space<hbm>> -> memref<1x128x64xf32, #tpu.memory_space<hbm>>
      %dma_start3A_113 = tpu.memref_squeeze %dma_start3A_112 : memref<1x128x64xf32, #tpu.memory_space<hbm>> -> memref<128x64xf32, #tpu.memory_space<hbm>>
      %dma_start3A_114 = arith.constant 0 : i32
      %dma_start3A_115 = tpu.memref_slice %arg5[%arg0, %add3A_106, %dma_start3A_114] : memref<2x10240x64xf32, #tpu.memory_space<hbm>> -> memref<1x128x64xf32, #tpu.memory_space<hbm>>
      %dma_start3A_116 = tpu.memref_squeeze %dma_start3A_115 : memref<1x128x64xf32, #tpu.memory_space<hbm>> -> memref<128x64xf32, #tpu.memory_space<hbm>>
      tpu.enqueue_dma source(%arg12 : memref<128x64xf32, #tpu.memory_space<vmem>>) target(%dma_start3A_116 : memref<128x64xf32, #tpu.memory_space<hbm>>) target_semaphore(%run_scoped3A : memref<!tpu.dma_semaphore, #tpu.memory_space<semaphore_mem>>)
      %dma_wait3A_117 = arith.constant 0 : i32
      %dma_wait3A_118 = tpu.memref_slice %arg5[%arg0, %add3A_106, %dma_wait3A_117] : memref<2x10240x64xf32, #tpu.memory_space<hbm>> -> memref<1x128x64xf32, #tpu.memory_space<hbm>>
      %dma_wait3A_119 = tpu.memref_squeeze %dma_wait3A_118 : memref<1x128x64xf32, #tpu.memory_space<hbm>> -> memref<128x64xf32, #tpu.memory_space<hbm>>
      %dma_wait3A_120 = arith.constant 0 : i32
      %dma_wait3A_121 = tpu.memref_slice %arg5[%arg0, %add3A_106, %dma_wait3A_120] : memref<2x10240x64xf32, #tpu.memory_space<hbm>> -> memref<1x128x64xf32, #tpu.memory_space<hbm>>
      %dma_wait3A_122 = tpu.memref_squeeze %dma_wait3A_121 : memref<1x128x64xf32, #tpu.memory_space<hbm>> -> memref<128x64xf32, #tpu.memory_space<hbm>>
      tpu.wait_dma2 semaphore(%run_scoped3A : memref<!tpu.dma_semaphore, #tpu.memory_space<semaphore_mem>>) src(%arg12 : memref<128x64xf32, #tpu.memory_space<vmem>>) dst(%dma_wait3A_122 : memref<128x64xf32, #tpu.memory_space<hbm>>)
      tpu.yield
    }) : () -> ()
    %add3A_107 = arith.constant 512 : i32
    %add3A_108 = arith.addi %mul3A_5, %add3A_107 : i32
    "tpu.region"() ({
      %run_scoped3A = tpu.sem_alloc : memref<!tpu.dma_semaphore, #tpu.memory_space<semaphore_mem>>
      %dma_start3A_111 = arith.constant 0 : i32
      %dma_start3A_112 = tpu.memref_slice %arg13[%add3A_108, %dma_start3A_111] : memref<10240x64xf32, #tpu.memory_space<vmem_shared>> -> memref<128x64xf32, #tpu.memory_space<vmem_shared>>
      %dma_start3A_113 = arith.constant 0 : i32
      %dma_start3A_114 = tpu.memref_slice %arg13[%add3A_108, %dma_start3A_113] : memref<10240x64xf32, #tpu.memory_space<vmem_shared>> -> memref<128x64xf32, #tpu.memory_space<vmem_shared>>
      tpu.enqueue_dma source(%dma_start3A_114 : memref<128x64xf32, #tpu.memory_space<vmem_shared>>) target(%arg12 : memref<128x64xf32, #tpu.memory_space<vmem>>) target_semaphore(%run_scoped3A : memref<!tpu.dma_semaphore, #tpu.memory_space<semaphore_mem>>)
      %dma_wait3A_115 = arith.constant 0 : i32
      %dma_wait3A_116 = tpu.memref_slice %arg13[%add3A_108, %dma_wait3A_115] : memref<10240x64xf32, #tpu.memory_space<vmem_shared>> -> memref<128x64xf32, #tpu.memory_space<vmem_shared>>
      %dma_wait3A_117 = arith.constant 0 : i32
      %dma_wait3A_118 = tpu.memref_slice %arg13[%add3A_108, %dma_wait3A_117] : memref<10240x64xf32, #tpu.memory_space<vmem_shared>> -> memref<128x64xf32, #tpu.memory_space<vmem_shared>>
      tpu.wait_dma2 semaphore(%run_scoped3A : memref<!tpu.dma_semaphore, #tpu.memory_space<semaphore_mem>>) src(%dma_wait3A_118 : memref<128x64xf32, #tpu.memory_space<vmem_shared>>) dst(%arg12 : memref<128x64xf32, #tpu.memory_space<vmem>>)
      tpu.yield
    }) : () -> ()
    %add3A_109 = arith.constant 512 : i32
    %add3A_110 = arith.addi %mul3A_5, %add3A_109 : i32
    "tpu.region"() ({
      %run_scoped3A = tpu.sem_alloc : memref<!tpu.dma_semaphore, #tpu.memory_space<semaphore_mem>>
      %dma_start3A_111 = arith.constant 0 : i32
      %dma_start3A_112 = tpu.memref_slice %arg5[%arg0, %add3A_110, %dma_start3A_111] : memref<2x10240x64xf32, #tpu.memory_space<hbm>> -> memref<1x128x64xf32, #tpu.memory_space<hbm>>
      %dma_start3A_113 = tpu.memref_squeeze %dma_start3A_112 : memref<1x128x64xf32, #tpu.memory_space<hbm>> -> memref<128x64xf32, #tpu.memory_space<hbm>>
      %dma_start3A_114 = arith.constant 0 : i32
      %dma_start3A_115 = tpu.memref_slice %arg5[%arg0, %add3A_110, %dma_start3A_114] : memref<2x10240x64xf32, #tpu.memory_space<hbm>> -> memref<1x128x64xf32, #tpu.memory_space<hbm>>
      %dma_start3A_116 = tpu.memref_squeeze %dma_start3A_115 : memref<1x128x64xf32, #tpu.memory_space<hbm>> -> memref<128x64xf32, #tpu.memory_space<hbm>>
      tpu.enqueue_dma source(%arg12 : memref<128x64xf32, #tpu.memory_space<vmem>>) target(%dma_start3A_116 : memref<128x64xf32, #tpu.memory_space<hbm>>) target_semaphore(%run_scoped3A : memref<!tpu.dma_semaphore, #tpu.memory_space<semaphore_mem>>)
      %dma_wait3A_117 = arith.constant 0 : i32
      %dma_wait3A_118 = tpu.memref_slice %arg5[%arg0, %add3A_110, %dma_wait3A_117] : memref<2x10240x64xf32, #tpu.memory_space<hbm>> -> memref<1x128x64xf32, #tpu.memory_space<hbm>>
      %dma_wait3A_119 = tpu.memref_squeeze %dma_wait3A_118 : memref<1x128x64xf32, #tpu.memory_space<hbm>> -> memref<128x64xf32, #tpu.memory_space<hbm>>
      %dma_wait3A_120 = arith.constant 0 : i32
      %dma_wait3A_121 = tpu.memref_slice %arg5[%arg0, %add3A_110, %dma_wait3A_120] : memref<2x10240x64xf32, #tpu.memory_space<hbm>> -> memref<1x128x64xf32, #tpu.memory_space<hbm>>
      %dma_wait3A_122 = tpu.memref_squeeze %dma_wait3A_121 : memref<1x128x64xf32, #tpu.memory_space<hbm>> -> memref<128x64xf32, #tpu.memory_space<hbm>>
      tpu.wait_dma2 semaphore(%run_scoped3A : memref<!tpu.dma_semaphore, #tpu.memory_space<semaphore_mem>>) src(%arg12 : memref<128x64xf32, #tpu.memory_space<vmem>>) dst(%dma_wait3A_122 : memref<128x64xf32, #tpu.memory_space<hbm>>)
      tpu.yield
    }) : () -> ()
    return
  }
}

module attributes {stable_mosaic.version = 14 : i64} {
  func.func @_enc_body(%arg0: i32, %arg1: memref<1280x128xf32, #tpu.memory_space<vmem>>, %arg2: memref<1280x8xf32, #tpu.memory_space<vmem>>, %arg3: memref<2x1280x1xf32, #tpu.memory_space<vmem>>, %arg4: memref<128x128xf32, #tpu.memory_space<vmem>>, %arg5: memref<8x128xf32, #tpu.memory_space<vmem>>, %arg6: memref<1x128xf32, #tpu.memory_space<vmem>>, %arg7: memref<128x128xf32, #tpu.memory_space<vmem>>, %arg8: memref<128x128xf32, #tpu.memory_space<vmem>>, %arg9: memref<1x128xf32, #tpu.memory_space<vmem>>, %arg10: memref<2x1280x64xf32, #tpu.memory_space<vmem>>, %arg11: memref<1280x128xf32, #tpu.memory_space<vmem>>, %arg12: memref<1280x1xf32, #tpu.memory_space<vmem>>) attributes {dimension_semantics = [#tpu.dimension_semantics<arbitrary>], iteration_bounds = array<i64: 8>, scalar_prefetch = 0 : i64, scratch_operands = 0 : i64, tpu.core_type = #tpu.core_type<tc>, window_params = [{transform_indices = @transform_0, window_bounds = array<i64: 1280, 128>}, {transform_indices = @transform_1, window_bounds = array<i64: 1280, 8>}, {transform_indices = @transform_2, window_bounds = array<i64: 2, 1280, 1>}, {pipeline_mode = #tpu.pipeline_mode<synchronous>, transform_indices = @transform_3, window_bounds = array<i64: 128, 128>}, {pipeline_mode = #tpu.pipeline_mode<synchronous>, transform_indices = @transform_4, window_bounds = array<i64: 8, 128>}, {pipeline_mode = #tpu.pipeline_mode<synchronous>, transform_indices = @transform_5, window_bounds = array<i64: 1, 128>}, {pipeline_mode = #tpu.pipeline_mode<synchronous>, transform_indices = @transform_6, window_bounds = array<i64: 128, 128>}, {pipeline_mode = #tpu.pipeline_mode<synchronous>, transform_indices = @transform_7, window_bounds = array<i64: 128, 128>}, {pipeline_mode = #tpu.pipeline_mode<synchronous>, transform_indices = @transform_8, window_bounds = array<i64: 1, 128>}, {transform_indices = @transform_9, window_bounds = array<i64: 2, 1280, 64>}, {transform_indices = @transform_10, window_bounds = array<i64: 1280, 128>}, {transform_indices = @transform_11, window_bounds = array<i64: 1280, 1>}]} {
    %get3A = arith.constant 0 : index
    %get3A_0 = arith.constant 0 : index
    %get3A_1 = arith.constant 0 : index
    %get3A_2 = vector.load %arg3[%get3A, %get3A_0, %get3A_1] : memref<2x1280x1xf32, #tpu.memory_space<vmem>>, vector<1x1280x1xf32>
    %get3A_3 = vector.shape_cast %get3A_2 : vector<1x1280x1xf32> to vector<1280x1xf32>
    %add3A = arith.constant 1.000000e+00 : f32
    %add3A_4 = vector.broadcast %add3A : f32 to vector<1280x1xf32>
    %add3A_5 = arith.addf %add3A_4, %get3A_3 : vector<1280x1xf32>
    %get3A_6 = arith.constant 1 : index
    %get3A_7 = arith.constant 0 : index
    %get3A_8 = arith.constant 0 : index
    %get3A_9 = vector.load %arg3[%get3A_6, %get3A_7, %get3A_8] : memref<2x1280x1xf32, #tpu.memory_space<vmem>>, vector<1x1280x1xf32>
    %get3A_10 = vector.shape_cast %get3A_9 : vector<1x1280x1xf32> to vector<1280x1xf32>
    %add3A_11 = arith.addf %add3A_5, %get3A_10 : vector<1280x1xf32>
    %sqrt3A = math.sqrt %add3A_11 : vector<1280x1xf32>
    %div3A = arith.constant 1.000000e+00 : f32
    %div3A_12 = vector.broadcast %div3A : f32 to vector<1280x1xf32>
    %div3A_13 = arith.divf %div3A_12, %sqrt3A : vector<1280x1xf32>
    %get3A_14 = arith.constant 0 : index
    %get3A_15 = arith.constant 0 : index
    %get3A_16 = vector.load %arg1[%get3A_14, %get3A_15] : memref<1280x128xf32, #tpu.memory_space<vmem>>, vector<1280x128xf32>
    %get3A_17 = arith.constant 0 : index
    %get3A_18 = arith.constant 0 : index
    %get3A_19 = vector.load %arg4[%get3A_17, %get3A_18] : memref<128x128xf32, #tpu.memory_space<vmem>>, vector<128x128xf32>
    %convert_element_type3A = arith.truncf %get3A_16 : vector<1280x128xf32> to vector<1280x128xbf16>
    %convert_element_type3A_20 = arith.truncf %get3A_19 : vector<128x128xf32> to vector<128x128xbf16>
    %dot_general3A = arith.constant dense<0.000000e+00> : vector<1280x128xf32>
    %dot_general3A_21 = tpu.matmul %convert_element_type3A, %convert_element_type3A_20, %dot_general3A {dimension_numbers = #tpu.dot_dimension_numbers<[1], [0], [0], [1], [0, 0, 1, 1], [], []>, transpose_lhs_hint = false} : vector<1280x128xbf16>, vector<128x128xbf16>, vector<1280x128xf32> -> vector<1280x128xf32>
    %get3A_22 = arith.constant 0 : index
    %get3A_23 = arith.constant 0 : index
    %get3A_24 = vector.load %arg2[%get3A_22, %get3A_23] : memref<1280x8xf32, #tpu.memory_space<vmem>>, vector<1280x8xf32>
    %get3A_25 = arith.constant 0 : index
    %get3A_26 = arith.constant 0 : index
    %get3A_27 = vector.load %arg5[%get3A_25, %get3A_26] : memref<8x128xf32, #tpu.memory_space<vmem>>, vector<8x128xf32>
    %convert_element_type3A_28 = arith.truncf %get3A_24 : vector<1280x8xf32> to vector<1280x8xbf16>
    %convert_element_type3A_29 = arith.truncf %get3A_27 : vector<8x128xf32> to vector<8x128xbf16>
    %dot_general3A_30 = arith.constant dense<0.000000e+00> : vector<1280x128xf32>
    %dot_general3A_31 = tpu.matmul %convert_element_type3A_28, %convert_element_type3A_29, %dot_general3A_30 {dimension_numbers = #tpu.dot_dimension_numbers<[1], [0], [0], [1], [0, 0, 1, 1], [], []>, transpose_lhs_hint = false} : vector<1280x8xbf16>, vector<8x128xbf16>, vector<1280x128xf32> -> vector<1280x128xf32>
    %add3A_32 = arith.addf %dot_general3A_21, %dot_general3A_31 : vector<1280x128xf32>
    %get3A_33 = arith.constant 0 : index
    %get3A_34 = arith.constant 0 : index
    %get3A_35 = vector.load %arg6[%get3A_33, %get3A_34] : memref<1x128xf32, #tpu.memory_space<vmem>>, vector<1x128xf32>
    %add3A_36 = vector.broadcast %get3A_35 : vector<1x128xf32> to vector<1280x128xf32>
    %add3A_37 = arith.addf %add3A_32, %add3A_36 : vector<1280x128xf32>
    %get3A_38 = arith.constant 0 : index
    %get3A_39 = arith.constant 0 : index
    %get3A_40 = vector.load %arg7[%get3A_38, %get3A_39] : memref<128x128xf32, #tpu.memory_space<vmem>>, vector<128x128xf32>
    %convert_element_type3A_41 = arith.truncf %add3A_37 : vector<1280x128xf32> to vector<1280x128xbf16>
    %convert_element_type3A_42 = arith.truncf %get3A_40 : vector<128x128xf32> to vector<128x128xbf16>
    %dot_general3A_43 = arith.constant dense<0.000000e+00> : vector<1280x128xf32>
    %dot_general3A_44 = tpu.matmul %convert_element_type3A_41, %convert_element_type3A_42, %dot_general3A_43 {dimension_numbers = #tpu.dot_dimension_numbers<[1], [0], [0], [1], [0, 0, 1, 1], [], []>, transpose_lhs_hint = false} : vector<1280x128xbf16>, vector<128x128xbf16>, vector<1280x128xf32> -> vector<1280x128xf32>
    %mul3A = vector.broadcast %div3A_13 : vector<1280x1xf32> to vector<1280x128xf32>
    %mul3A_45 = arith.mulf %mul3A, %dot_general3A_44 : vector<1280x128xf32>
    %slice3A = vector.extract_strided_slice %mul3A_45 {offsets = [0, 0], sizes = [1280, 64], strides = [1, 1]} : vector<1280x128xf32> to vector<1280x64xf32>
    %swap3A = arith.constant 0 : index
    %swap3A_46 = arith.constant 0 : index
    %swap3A_47 = arith.constant 0 : index
    %swap3A_48 = vector.load %arg10[%swap3A, %swap3A_46, %swap3A_47] : memref<2x1280x64xf32, #tpu.memory_space<vmem>>, vector<1x1280x64xf32>
    %swap3A_49 = vector.shape_cast %swap3A_48 : vector<1x1280x64xf32> to vector<1280x64xf32>
    %swap3A_50 = vector.shape_cast %slice3A : vector<1280x64xf32> to vector<1x1280x64xf32>
    tpu.vector_store %arg10[%swap3A, %swap3A_46, %swap3A_47], %swap3A_50 {strides = array<i32>} : memref<2x1280x64xf32, #tpu.memory_space<vmem>>, vector<1x1280x64xf32>,
    %slice3A_51 = vector.extract_strided_slice %mul3A_45 {offsets = [0, 64], sizes = [1280, 64], strides = [1, 1]} : vector<1280x128xf32> to vector<1280x64xf32>
    %swap3A_52 = arith.constant 1 : index
    %swap3A_53 = arith.constant 0 : index
    %swap3A_54 = arith.constant 0 : index
    %swap3A_55 = vector.load %arg10[%swap3A_52, %swap3A_53, %swap3A_54] : memref<2x1280x64xf32, #tpu.memory_space<vmem>>, vector<1x1280x64xf32>
    %swap3A_56 = vector.shape_cast %swap3A_55 : vector<1x1280x64xf32> to vector<1280x64xf32>
    %swap3A_57 = vector.shape_cast %slice3A_51 : vector<1280x64xf32> to vector<1x1280x64xf32>
    tpu.vector_store %arg10[%swap3A_52, %swap3A_53, %swap3A_54], %swap3A_57 {strides = array<i32>} : memref<2x1280x64xf32, #tpu.memory_space<vmem>>, vector<1x1280x64xf32>,
    %get3A_58 = arith.constant 0 : index
    %get3A_59 = arith.constant 0 : index
    %get3A_60 = vector.load %arg8[%get3A_58, %get3A_59] : memref<128x128xf32, #tpu.memory_space<vmem>>, vector<128x128xf32>
    %convert_element_type3A_61 = arith.truncf %add3A_37 : vector<1280x128xf32> to vector<1280x128xbf16>
    %convert_element_type3A_62 = arith.truncf %get3A_60 : vector<128x128xf32> to vector<128x128xbf16>
    %dot_general3A_63 = arith.constant dense<0.000000e+00> : vector<1280x128xf32>
    %dot_general3A_64 = tpu.matmul %convert_element_type3A_61, %convert_element_type3A_62, %dot_general3A_63 {dimension_numbers = #tpu.dot_dimension_numbers<[1], [0], [0], [1], [0, 0, 1, 1], [], []>, transpose_lhs_hint = false} : vector<1280x128xbf16>, vector<128x128xbf16>, vector<1280x128xf32> -> vector<1280x128xf32>
    %get3A_65 = arith.constant 0 : index
    %get3A_66 = arith.constant 0 : index
    %get3A_67 = vector.load %arg9[%get3A_65, %get3A_66] : memref<1x128xf32, #tpu.memory_space<vmem>>, vector<1x128xf32>
    %add3A_68 = vector.broadcast %get3A_67 : vector<1x128xf32> to vector<1280x128xf32>
    %add3A_69 = arith.addf %dot_general3A_64, %add3A_68 : vector<1280x128xf32>
    %swap3A_70 = arith.constant 0 : index
    %swap3A_71 = arith.constant 0 : index
    %swap3A_72 = vector.load %arg11[%swap3A_70, %swap3A_71] : memref<1280x128xf32, #tpu.memory_space<vmem>>, vector<1280x128xf32>
    tpu.vector_store %arg11[%swap3A_70, %swap3A_71], %add3A_69 {strides = array<i32>} : memref<1280x128xf32, #tpu.memory_space<vmem>>, vector<1280x128xf32>,
    %swap3A_73 = arith.constant 0 : index
    %swap3A_74 = arith.constant 0 : index
    %swap3A_75 = vector.load %arg12[%swap3A_73, %swap3A_74] : memref<1280x1xf32, #tpu.memory_space<vmem>>, vector<1280x1xf32>
    tpu.vector_store %arg12[%swap3A_73, %swap3A_74], %div3A_13 {strides = array<i32>} : memref<1280x1xf32, #tpu.memory_space<vmem>>, vector<1280x1xf32>,
    return
  }
  func.func @transform_0(%arg0: i32) -> (i32, i32) {
    %c0_i32 = arith.constant 0 : i32
    %c0_i32_0 = arith.constant 0 : i32
    return %arg0, %c0_i32 : i32, i32
  }
  func.func @transform_1(%arg0: i32) -> (i32, i32) {
    %c0_i32 = arith.constant 0 : i32
    %c0_i32_0 = arith.constant 0 : i32
    return %arg0, %c0_i32 : i32, i32
  }
  func.func @transform_2(%arg0: i32) -> (i32, i32, i32) {
    %c0_i32 = arith.constant 0 : i32
    %c0_i32_0 = arith.constant 0 : i32
    %c0_i32_1 = arith.constant 0 : i32
    return %c0_i32, %arg0, %c0_i32_0 : i32, i32, i32
  }
  func.func @transform_3(%arg0: i32) -> (i32, i32) {
    %c0_i32 = arith.constant 0 : i32
    %c0_i32_0 = arith.constant 0 : i32
    %c0_i32_1 = arith.constant 0 : i32
    return %c0_i32, %c0_i32_0 : i32, i32
  }
  func.func @transform_4(%arg0: i32) -> (i32, i32) {
    %c0_i32 = arith.constant 0 : i32
    %c0_i32_0 = arith.constant 0 : i32
    %c0_i32_1 = arith.constant 0 : i32
    return %c0_i32, %c0_i32_0 : i32, i32
  }
  func.func @transform_5(%arg0: i32) -> (i32, i32) {
    %c0_i32 = arith.constant 0 : i32
    %c0_i32_0 = arith.constant 0 : i32
    %c0_i32_1 = arith.constant 0 : i32
    return %c0_i32, %c0_i32_0 : i32, i32
  }
  func.func @transform_6(%arg0: i32) -> (i32, i32) {
    %c0_i32 = arith.constant 0 : i32
    %c0_i32_0 = arith.constant 0 : i32
    %c0_i32_1 = arith.constant 0 : i32
    return %c0_i32, %c0_i32_0 : i32, i32
  }
  func.func @transform_7(%arg0: i32) -> (i32, i32) {
    %c0_i32 = arith.constant 0 : i32
    %c0_i32_0 = arith.constant 0 : i32
    %c0_i32_1 = arith.constant 0 : i32
    return %c0_i32, %c0_i32_0 : i32, i32
  }
  func.func @transform_8(%arg0: i32) -> (i32, i32) {
    %c0_i32 = arith.constant 0 : i32
    %c0_i32_0 = arith.constant 0 : i32
    %c0_i32_1 = arith.constant 0 : i32
    return %c0_i32, %c0_i32_0 : i32, i32
  }
  func.func @transform_9(%arg0: i32) -> (i32, i32, i32) {
    %c0_i32 = arith.constant 0 : i32
    %c0_i32_0 = arith.constant 0 : i32
    %c0_i32_1 = arith.constant 0 : i32
    return %c0_i32, %arg0, %c0_i32_0 : i32, i32, i32
  }
  func.func @transform_10(%arg0: i32) -> (i32, i32) {
    %c0_i32 = arith.constant 0 : i32
    %c0_i32_0 = arith.constant 0 : i32
    return %arg0, %c0_i32 : i32, i32
  }
  func.func @transform_11(%arg0: i32) -> (i32, i32) {
    %c0_i32 = arith.constant 0 : i32
    %c0_i32_0 = arith.constant 0 : i32
    return %arg0, %c0_i32 : i32, i32
  }
}

module attributes {stable_mosaic.version = 14 : i64} {
  func.func @_layer_body(%arg0: i32, %arg1: memref<2x1280x64xf32, #tpu.memory_space<vmem>>, %arg2: memref<2x1280x64xf32, #tpu.memory_space<vmem>>, %arg3: memref<1280x128xf32, #tpu.memory_space<vmem>>, %arg4: memref<1280x1xf32, #tpu.memory_space<vmem>>, %arg5: memref<1x128xf32, #tpu.memory_space<vmem>>, %arg6: memref<128x128xf32, #tpu.memory_space<vmem>>, %arg7: memref<128x128xf32, #tpu.memory_space<vmem>>, %arg8: memref<1x128xf32, #tpu.memory_space<vmem>>, %arg9: memref<2x1280x64xf32, #tpu.memory_space<vmem>>, %arg10: memref<1280x128xf32, #tpu.memory_space<vmem>>) attributes {dimension_semantics = [#tpu.dimension_semantics<arbitrary>], iteration_bounds = array<i64: 8>, scalar_prefetch = 0 : i64, scratch_operands = 0 : i64, tpu.core_type = #tpu.core_type<tc>, window_params = [{transform_indices = @transform_0, window_bounds = array<i64: 2, 1280, 64>}, {transform_indices = @transform_1, window_bounds = array<i64: 2, 1280, 64>}, {transform_indices = @transform_2, window_bounds = array<i64: 1280, 128>}, {transform_indices = @transform_3, window_bounds = array<i64: 1280, 1>}, {pipeline_mode = #tpu.pipeline_mode<synchronous>, transform_indices = @transform_4, window_bounds = array<i64: 1, 128>}, {pipeline_mode = #tpu.pipeline_mode<synchronous>, transform_indices = @transform_5, window_bounds = array<i64: 128, 128>}, {pipeline_mode = #tpu.pipeline_mode<synchronous>, transform_indices = @transform_6, window_bounds = array<i64: 128, 128>}, {pipeline_mode = #tpu.pipeline_mode<synchronous>, transform_indices = @transform_7, window_bounds = array<i64: 1, 128>}, {transform_indices = @transform_8, window_bounds = array<i64: 2, 1280, 64>}, {transform_indices = @transform_9, window_bounds = array<i64: 1280, 128>}]} {
    %get3A = arith.constant 0 : index
    %get3A_0 = arith.constant 0 : index
    %get3A_1 = vector.load %arg4[%get3A, %get3A_0] : memref<1280x1xf32, #tpu.memory_space<vmem>>, vector<1280x1xf32>
    %get3A_2 = arith.constant 0 : index
    %get3A_3 = arith.constant 0 : index
    %get3A_4 = arith.constant 0 : index
    %get3A_5 = vector.load %arg1[%get3A_2, %get3A_3, %get3A_4] : memref<2x1280x64xf32, #tpu.memory_space<vmem>>, vector<1x1280x64xf32>
    %get3A_6 = vector.shape_cast %get3A_5 : vector<1x1280x64xf32> to vector<1280x64xf32>
    %get3A_7 = arith.constant 1 : index
    %get3A_8 = arith.constant 0 : index
    %get3A_9 = arith.constant 0 : index
    %get3A_10 = vector.load %arg1[%get3A_7, %get3A_8, %get3A_9] : memref<2x1280x64xf32, #tpu.memory_space<vmem>>, vector<1x1280x64xf32>
    %get3A_11 = vector.shape_cast %get3A_10 : vector<1x1280x64xf32> to vector<1280x64xf32>
    %concatenate3A = tpu.concatenate %get3A_6, %get3A_11 in 1 : vector<1280x64xf32>, vector<1280x64xf32> -> vector<1280x128xf32>
    %get3A_12 = arith.constant 0 : index
    %get3A_13 = arith.constant 0 : index
    %get3A_14 = arith.constant 0 : index
    %get3A_15 = vector.load %arg2[%get3A_12, %get3A_13, %get3A_14] : memref<2x1280x64xf32, #tpu.memory_space<vmem>>, vector<1x1280x64xf32>
    %get3A_16 = vector.shape_cast %get3A_15 : vector<1x1280x64xf32> to vector<1280x64xf32>
    %get3A_17 = arith.constant 1 : index
    %get3A_18 = arith.constant 0 : index
    %get3A_19 = arith.constant 0 : index
    %get3A_20 = vector.load %arg2[%get3A_17, %get3A_18, %get3A_19] : memref<2x1280x64xf32, #tpu.memory_space<vmem>>, vector<1x1280x64xf32>
    %get3A_21 = vector.shape_cast %get3A_20 : vector<1x1280x64xf32> to vector<1280x64xf32>
    %concatenate3A_22 = tpu.concatenate %get3A_16, %get3A_21 in 1 : vector<1280x64xf32>, vector<1280x64xf32> -> vector<1280x128xf32>
    %add3A = arith.addf %concatenate3A, %concatenate3A_22 : vector<1280x128xf32>
    %mul3A = vector.broadcast %get3A_1 : vector<1280x1xf32> to vector<1280x128xf32>
    %mul3A_23 = arith.mulf %mul3A, %add3A : vector<1280x128xf32>
    %get3A_24 = arith.constant 0 : index
    %get3A_25 = arith.constant 0 : index
    %get3A_26 = vector.load %arg5[%get3A_24, %get3A_25] : memref<1x128xf32, #tpu.memory_space<vmem>>, vector<1x128xf32>
    %add3A_27 = vector.broadcast %get3A_26 : vector<1x128xf32> to vector<1280x128xf32>
    %add3A_28 = arith.addf %mul3A_23, %add3A_27 : vector<1280x128xf32>
    %get3A_29 = arith.constant 0 : index
    %get3A_30 = arith.constant 0 : index
    %get3A_31 = vector.load %arg3[%get3A_29, %get3A_30] : memref<1280x128xf32, #tpu.memory_space<vmem>>, vector<1280x128xf32>
    %add3A_32 = arith.addf %add3A_28, %get3A_31 : vector<1280x128xf32>
    %max3A = arith.constant 0.000000e+00 : f32
    %max3A_33 = vector.broadcast %max3A : f32 to vector<1280x128xf32>
    %max3A_34 = arith.maximumf %add3A_32, %max3A_33 : vector<1280x128xf32>
    %get3A_35 = arith.constant 0 : index
    %get3A_36 = arith.constant 0 : index
    %get3A_37 = vector.load %arg6[%get3A_35, %get3A_36] : memref<128x128xf32, #tpu.memory_space<vmem>>, vector<128x128xf32>
    %convert_element_type3A = arith.truncf %max3A_34 : vector<1280x128xf32> to vector<1280x128xbf16>
    %convert_element_type3A_38 = arith.truncf %get3A_37 : vector<128x128xf32> to vector<128x128xbf16>
    %dot_general3A = arith.constant dense<0.000000e+00> : vector<1280x128xf32>
    %dot_general3A_39 = tpu.matmul %convert_element_type3A, %convert_element_type3A_38, %dot_general3A {dimension_numbers = #tpu.dot_dimension_numbers<[1], [0], [0], [1], [0, 0, 1, 1], [], []>, transpose_lhs_hint = false} : vector<1280x128xbf16>, vector<128x128xbf16>, vector<1280x128xf32> -> vector<1280x128xf32>
    %mul3A_40 = vector.broadcast %get3A_1 : vector<1280x1xf32> to vector<1280x128xf32>
    %mul3A_41 = arith.mulf %mul3A_40, %dot_general3A_39 : vector<1280x128xf32>
    %slice3A = vector.extract_strided_slice %mul3A_41 {offsets = [0, 0], sizes = [1280, 64], strides = [1, 1]} : vector<1280x128xf32> to vector<1280x64xf32>
    %swap3A = arith.constant 0 : index
    %swap3A_42 = arith.constant 0 : index
    %swap3A_43 = arith.constant 0 : index
    %swap3A_44 = vector.load %arg9[%swap3A, %swap3A_42, %swap3A_43] : memref<2x1280x64xf32, #tpu.memory_space<vmem>>, vector<1x1280x64xf32>
    %swap3A_45 = vector.shape_cast %swap3A_44 : vector<1x1280x64xf32> to vector<1280x64xf32>
    %swap3A_46 = vector.shape_cast %slice3A : vector<1280x64xf32> to vector<1x1280x64xf32>
    tpu.vector_store %arg9[%swap3A, %swap3A_42, %swap3A_43], %swap3A_46 {strides = array<i32>} : memref<2x1280x64xf32, #tpu.memory_space<vmem>>, vector<1x1280x64xf32>,
    %slice3A_47 = vector.extract_strided_slice %mul3A_41 {offsets = [0, 64], sizes = [1280, 64], strides = [1, 1]} : vector<1280x128xf32> to vector<1280x64xf32>
    %swap3A_48 = arith.constant 1 : index
    %swap3A_49 = arith.constant 0 : index
    %swap3A_50 = arith.constant 0 : index
    %swap3A_51 = vector.load %arg9[%swap3A_48, %swap3A_49, %swap3A_50] : memref<2x1280x64xf32, #tpu.memory_space<vmem>>, vector<1x1280x64xf32>
    %swap3A_52 = vector.shape_cast %swap3A_51 : vector<1x1280x64xf32> to vector<1280x64xf32>
    %swap3A_53 = vector.shape_cast %slice3A_47 : vector<1280x64xf32> to vector<1x1280x64xf32>
    tpu.vector_store %arg9[%swap3A_48, %swap3A_49, %swap3A_50], %swap3A_53 {strides = array<i32>} : memref<2x1280x64xf32, #tpu.memory_space<vmem>>, vector<1x1280x64xf32>,
    %get3A_54 = arith.constant 0 : index
    %get3A_55 = arith.constant 0 : index
    %get3A_56 = vector.load %arg7[%get3A_54, %get3A_55] : memref<128x128xf32, #tpu.memory_space<vmem>>, vector<128x128xf32>
    %convert_element_type3A_57 = arith.truncf %max3A_34 : vector<1280x128xf32> to vector<1280x128xbf16>
    %convert_element_type3A_58 = arith.truncf %get3A_56 : vector<128x128xf32> to vector<128x128xbf16>
    %dot_general3A_59 = arith.constant dense<0.000000e+00> : vector<1280x128xf32>
    %dot_general3A_60 = tpu.matmul %convert_element_type3A_57, %convert_element_type3A_58, %dot_general3A_59 {dimension_numbers = #tpu.dot_dimension_numbers<[1], [0], [0], [1], [0, 0, 1, 1], [], []>, transpose_lhs_hint = false} : vector<1280x128xbf16>, vector<128x128xbf16>, vector<1280x128xf32> -> vector<1280x128xf32>
    %get3A_61 = arith.constant 0 : index
    %get3A_62 = arith.constant 0 : index
    %get3A_63 = vector.load %arg8[%get3A_61, %get3A_62] : memref<1x128xf32, #tpu.memory_space<vmem>>, vector<1x128xf32>
    %add3A_64 = vector.broadcast %get3A_63 : vector<1x128xf32> to vector<1280x128xf32>
    %add3A_65 = arith.addf %dot_general3A_60, %add3A_64 : vector<1280x128xf32>
    %swap3A_66 = arith.constant 0 : index
    %swap3A_67 = arith.constant 0 : index
    %swap3A_68 = vector.load %arg10[%swap3A_66, %swap3A_67] : memref<1280x128xf32, #tpu.memory_space<vmem>>, vector<1280x128xf32>
    tpu.vector_store %arg10[%swap3A_66, %swap3A_67], %add3A_65 {strides = array<i32>} : memref<1280x128xf32, #tpu.memory_space<vmem>>, vector<1280x128xf32>,
    return
  }
  func.func @transform_0(%arg0: i32) -> (i32, i32, i32) {
    %c0_i32 = arith.constant 0 : i32
    %c0_i32_0 = arith.constant 0 : i32
    %c0_i32_1 = arith.constant 0 : i32
    return %c0_i32, %arg0, %c0_i32_0 : i32, i32, i32
  }
  func.func @transform_1(%arg0: i32) -> (i32, i32, i32) {
    %c0_i32 = arith.constant 0 : i32
    %c0_i32_0 = arith.constant 0 : i32
    %c0_i32_1 = arith.constant 0 : i32
    return %c0_i32, %arg0, %c0_i32_0 : i32, i32, i32
  }
  func.func @transform_2(%arg0: i32) -> (i32, i32) {
    %c0_i32 = arith.constant 0 : i32
    %c0_i32_0 = arith.constant 0 : i32
    return %arg0, %c0_i32 : i32, i32
  }
  func.func @transform_3(%arg0: i32) -> (i32, i32) {
    %c0_i32 = arith.constant 0 : i32
    %c0_i32_0 = arith.constant 0 : i32
    return %arg0, %c0_i32 : i32, i32
  }
  func.func @transform_4(%arg0: i32) -> (i32, i32) {
    %c0_i32 = arith.constant 0 : i32
    %c0_i32_0 = arith.constant 0 : i32
    %c0_i32_1 = arith.constant 0 : i32
    return %c0_i32, %c0_i32_0 : i32, i32
  }
  func.func @transform_5(%arg0: i32) -> (i32, i32) {
    %c0_i32 = arith.constant 0 : i32
    %c0_i32_0 = arith.constant 0 : i32
    %c0_i32_1 = arith.constant 0 : i32
    return %c0_i32, %c0_i32_0 : i32, i32
  }
  func.func @transform_6(%arg0: i32) -> (i32, i32) {
    %c0_i32 = arith.constant 0 : i32
    %c0_i32_0 = arith.constant 0 : i32
    %c0_i32_1 = arith.constant 0 : i32
    return %c0_i32, %c0_i32_0 : i32, i32
  }
  func.func @transform_7(%arg0: i32) -> (i32, i32) {
    %c0_i32 = arith.constant 0 : i32
    %c0_i32_0 = arith.constant 0 : i32
    %c0_i32_1 = arith.constant 0 : i32
    return %c0_i32, %c0_i32_0 : i32, i32
  }
  func.func @transform_8(%arg0: i32) -> (i32, i32, i32) {
    %c0_i32 = arith.constant 0 : i32
    %c0_i32_0 = arith.constant 0 : i32
    %c0_i32_1 = arith.constant 0 : i32
    return %c0_i32, %arg0, %c0_i32_0 : i32, i32, i32
  }
  func.func @transform_9(%arg0: i32) -> (i32, i32) {
    %c0_i32 = arith.constant 0 : i32
    %c0_i32_0 = arith.constant 0 : i32
    return %arg0, %c0_i32 : i32, i32
  }
}

module attributes {stable_mosaic.version = 14 : i64} {
  func.func @_final_body(%arg0: i32, %arg1: memref<2x1280x64xf32, #tpu.memory_space<vmem>>, %arg2: memref<2x1280x64xf32, #tpu.memory_space<vmem>>, %arg3: memref<1280x128xf32, #tpu.memory_space<vmem>>, %arg4: memref<1280x1xf32, #tpu.memory_space<vmem>>, %arg5: memref<1x128xf32, #tpu.memory_space<vmem>>, %arg6: memref<1x128xf32, #tpu.memory_space<vmem>>, %arg7: memref<1x1xf32, #tpu.memory_space<vmem>>, %arg8: memref<1x1280xi32, #tpu.memory_space<vmem>>, %arg9: memref<64x1xf32, #tpu.memory_space<vmem>>) attributes {dimension_semantics = [#tpu.dimension_semantics<arbitrary>], iteration_bounds = array<i64: 8>, scalar_prefetch = 0 : i64, scratch_operands = 0 : i64, tpu.core_type = #tpu.core_type<tc>, window_params = [{transform_indices = @transform_0, window_bounds = array<i64: 2, 1280, 64>}, {transform_indices = @transform_1, window_bounds = array<i64: 2, 1280, 64>}, {transform_indices = @transform_2, window_bounds = array<i64: 1280, 128>}, {transform_indices = @transform_3, window_bounds = array<i64: 1280, 1>}, {pipeline_mode = #tpu.pipeline_mode<synchronous>, transform_indices = @transform_4, window_bounds = array<i64: 1, 128>}, {pipeline_mode = #tpu.pipeline_mode<synchronous>, transform_indices = @transform_5, window_bounds = array<i64: 1, 128>}, {pipeline_mode = #tpu.pipeline_mode<synchronous>, transform_indices = @transform_6, window_bounds = array<i64: 1, 1>}, {transform_indices = @transform_7, window_bounds = array<i64: 1, 1280>}, {pipeline_mode = #tpu.pipeline_mode<synchronous>, transform_indices = @transform_8, window_bounds = array<i64: 64, 1>}]} {
    %get3A = arith.constant 0 : index
    %get3A_0 = arith.constant 0 : index
    %get3A_1 = vector.load %arg4[%get3A, %get3A_0] : memref<1280x1xf32, #tpu.memory_space<vmem>>, vector<1280x1xf32>
    %get3A_2 = arith.constant 0 : index
    %get3A_3 = arith.constant 0 : index
    %get3A_4 = arith.constant 0 : index
    %get3A_5 = vector.load %arg1[%get3A_2, %get3A_3, %get3A_4] : memref<2x1280x64xf32, #tpu.memory_space<vmem>>, vector<1x1280x64xf32>
    %get3A_6 = vector.shape_cast %get3A_5 : vector<1x1280x64xf32> to vector<1280x64xf32>
    %get3A_7 = arith.constant 1 : index
    %get3A_8 = arith.constant 0 : index
    %get3A_9 = arith.constant 0 : index
    %get3A_10 = vector.load %arg1[%get3A_7, %get3A_8, %get3A_9] : memref<2x1280x64xf32, #tpu.memory_space<vmem>>, vector<1x1280x64xf32>
    %get3A_11 = vector.shape_cast %get3A_10 : vector<1x1280x64xf32> to vector<1280x64xf32>
    %concatenate3A = tpu.concatenate %get3A_6, %get3A_11 in 1 : vector<1280x64xf32>, vector<1280x64xf32> -> vector<1280x128xf32>
    %get3A_12 = arith.constant 0 : index
    %get3A_13 = arith.constant 0 : index
    %get3A_14 = arith.constant 0 : index
    %get3A_15 = vector.load %arg2[%get3A_12, %get3A_13, %get3A_14] : memref<2x1280x64xf32, #tpu.memory_space<vmem>>, vector<1x1280x64xf32>
    %get3A_16 = vector.shape_cast %get3A_15 : vector<1x1280x64xf32> to vector<1280x64xf32>
    %get3A_17 = arith.constant 1 : index
    %get3A_18 = arith.constant 0 : index
    %get3A_19 = arith.constant 0 : index
    %get3A_20 = vector.load %arg2[%get3A_17, %get3A_18, %get3A_19] : memref<2x1280x64xf32, #tpu.memory_space<vmem>>, vector<1x1280x64xf32>
    %get3A_21 = vector.shape_cast %get3A_20 : vector<1x1280x64xf32> to vector<1280x64xf32>
    %concatenate3A_22 = tpu.concatenate %get3A_16, %get3A_21 in 1 : vector<1280x64xf32>, vector<1280x64xf32> -> vector<1280x128xf32>
    %add3A = arith.addf %concatenate3A, %concatenate3A_22 : vector<1280x128xf32>
    %mul3A = vector.broadcast %get3A_1 : vector<1280x1xf32> to vector<1280x128xf32>
    %mul3A_23 = arith.mulf %mul3A, %add3A : vector<1280x128xf32>
    %get3A_24 = arith.constant 0 : index
    %get3A_25 = arith.constant 0 : index
    %get3A_26 = vector.load %arg5[%get3A_24, %get3A_25] : memref<1x128xf32, #tpu.memory_space<vmem>>, vector<1x128xf32>
    %add3A_27 = vector.broadcast %get3A_26 : vector<1x128xf32> to vector<1280x128xf32>
    %add3A_28 = arith.addf %mul3A_23, %add3A_27 : vector<1280x128xf32>
    %get3A_29 = arith.constant 0 : index
    %get3A_30 = arith.constant 0 : index
    %get3A_31 = vector.load %arg3[%get3A_29, %get3A_30] : memref<1280x128xf32, #tpu.memory_space<vmem>>, vector<1280x128xf32>
    %add3A_32 = arith.addf %add3A_28, %get3A_31 : vector<1280x128xf32>
    %max3A = arith.constant 0.000000e+00 : f32
    %max3A_33 = vector.broadcast %max3A : f32 to vector<1280x128xf32>
    %max3A_34 = arith.maximumf %add3A_32, %max3A_33 : vector<1280x128xf32>
    %convert_element_type3A = arith.truncf %max3A_34 : vector<1280x128xf32> to vector<1280x128xbf16>
    %convert_element_type3A_35 = arith.extf %convert_element_type3A : vector<1280x128xbf16> to vector<1280x128xf32>
    %get3A_36 = arith.constant 0 : index
    %get3A_37 = arith.constant 0 : index
    %get3A_38 = vector.load %arg6[%get3A_36, %get3A_37] : memref<1x128xf32, #tpu.memory_space<vmem>>, vector<1x128xf32>
    %convert_element_type3A_39 = arith.truncf %get3A_38 : vector<1x128xf32> to vector<1x128xbf16>
    %convert_element_type3A_40 = arith.extf %convert_element_type3A_39 : vector<1x128xbf16> to vector<1x128xf32>
    %mul3A_41 = vector.broadcast %convert_element_type3A_40 : vector<1x128xf32> to vector<1280x128xf32>
    %mul3A_42 = arith.mulf %convert_element_type3A_35, %mul3A_41 : vector<1280x128xf32>
    %reduce_sum3A = arith.constant dense<0.000000e+00> : vector<1280xf32>
    %reduce_sum3A_43 = vector.multi_reduction <add>, %mul3A_42, %reduce_sum3A [1] : vector<1280x128xf32> to vector<1280xf32>
    %broadcast_in_dim3A = vector.shape_cast %reduce_sum3A_43 : vector<1280xf32> to vector<1280x1xf32>
    %get3A_44 = arith.constant 0 : index
    %get3A_45 = arith.constant 0 : index
    %get3A_46 = vector.load %arg7[%get3A_44, %get3A_45] : memref<1x1xf32, #tpu.memory_space<vmem>>, vector<1x1xf32>
    %add3A_47 = vector.broadcast %get3A_46 : vector<1x1xf32> to vector<1280x1xf32>
    %add3A_48 = arith.addf %broadcast_in_dim3A, %add3A_47 : vector<1280x1xf32>
    %iota3A = tpu.iota {dimensions = array<i32: 0>} : vector<64x1280xi32>
    %get3A_49 = arith.constant 0 : index
    %get3A_50 = arith.constant 0 : index
    %get3A_51 = vector.load %arg8[%get3A_49, %get3A_50] : memref<1x1280xi32, #tpu.memory_space<vmem>>, vector<1x1280xi32>
    %eq3A = vector.broadcast %get3A_51 : vector<1x1280xi32> to vector<64x1280xi32>
    %eq3A_52 = arith.cmpi eq, %iota3A, %eq3A : vector<64x1280xi32>
    %convert_element_type3A_53 = arith.extui %eq3A_52 : vector<64x1280xi1> to vector<64x1280xi32>
    %convert_element_type3A_54 = arith.sitofp %convert_element_type3A_53 : vector<64x1280xi32> to vector<64x1280xf32>
    %dot_general3A = arith.constant dense<0.000000e+00> : vector<64x1xf32>
    %dot_general3A_55 = tpu.matmul %convert_element_type3A_54, %add3A_48, %dot_general3A {dimension_numbers = #tpu.dot_dimension_numbers<[1], [0], [0], [1], [0, 0, 1, 1], [], []>, transpose_lhs_hint = false} : vector<64x1280xf32>, vector<1280x1xf32>, vector<64x1xf32> -> vector<64x1xf32>
    %eq3A_56 = arith.constant 0 : i32
    %eq3A_57 = arith.cmpi eq, %arg0, %eq3A_56 : i32
    %convert_element_type3A_58 = arith.extui %eq3A_57 : i1 to i32
    %cond3A = arith.constant 0 : i32
    %cond3A_59 = arith.cmpi ne, %convert_element_type3A_58, %cond3A : i32
    scf.if %cond3A_59 {
      %broadcast_in_dim3A_66 = arith.constant 0.000000e+00 : f32
      %broadcast_in_dim3A_67 = vector.broadcast %broadcast_in_dim3A_66 : f32 to vector<64x1xf32>
      %swap3A_68 = arith.constant 0 : index
      %swap3A_69 = arith.constant 0 : index
      %swap3A_70 = vector.load %arg9[%swap3A_68, %swap3A_69] : memref<64x1xf32, #tpu.memory_space<vmem>>, vector<64x1xf32>
      tpu.vector_store %arg9[%swap3A_68, %swap3A_69], %broadcast_in_dim3A_67 {strides = array<i32>} : memref<64x1xf32, #tpu.memory_space<vmem>>, vector<64x1xf32>,
    } else {
    }
    %get3A_60 = arith.constant 0 : index
    %get3A_61 = arith.constant 0 : index
    %get3A_62 = vector.load %arg9[%get3A_60, %get3A_61] : memref<64x1xf32, #tpu.memory_space<vmem>>, vector<64x1xf32>
    %add3A_63 = arith.addf %get3A_62, %dot_general3A_55 : vector<64x1xf32>
    %swap3A = arith.constant 0 : index
    %swap3A_64 = arith.constant 0 : index
    %swap3A_65 = vector.load %arg9[%swap3A, %swap3A_64] : memref<64x1xf32, #tpu.memory_space<vmem>>, vector<64x1xf32>
    tpu.vector_store %arg9[%swap3A, %swap3A_64], %add3A_63 {strides = array<i32>} : memref<64x1xf32, #tpu.memory_space<vmem>>, vector<64x1xf32>,
    return
  }
  func.func @transform_0(%arg0: i32) -> (i32, i32, i32) {
    %c0_i32 = arith.constant 0 : i32
    %c0_i32_0 = arith.constant 0 : i32
    %c0_i32_1 = arith.constant 0 : i32
    return %c0_i32, %arg0, %c0_i32_0 : i32, i32, i32
  }
  func.func @transform_1(%arg0: i32) -> (i32, i32, i32) {
    %c0_i32 = arith.constant 0 : i32
    %c0_i32_0 = arith.constant 0 : i32
    %c0_i32_1 = arith.constant 0 : i32
    return %c0_i32, %arg0, %c0_i32_0 : i32, i32, i32
  }
  func.func @transform_2(%arg0: i32) -> (i32, i32) {
    %c0_i32 = arith.constant 0 : i32
    %c0_i32_0 = arith.constant 0 : i32
    return %arg0, %c0_i32 : i32, i32
  }
  func.func @transform_3(%arg0: i32) -> (i32, i32) {
    %c0_i32 = arith.constant 0 : i32
    %c0_i32_0 = arith.constant 0 : i32
    return %arg0, %c0_i32 : i32, i32
  }
  func.func @transform_4(%arg0: i32) -> (i32, i32) {
    %c0_i32 = arith.constant 0 : i32
    %c0_i32_0 = arith.constant 0 : i32
    %c0_i32_1 = arith.constant 0 : i32
    return %c0_i32, %c0_i32_0 : i32, i32
  }
  func.func @transform_5(%arg0: i32) -> (i32, i32) {
    %c0_i32 = arith.constant 0 : i32
    %c0_i32_0 = arith.constant 0 : i32
    %c0_i32_1 = arith.constant 0 : i32
    return %c0_i32, %c0_i32_0 : i32, i32
  }
  func.func @transform_6(%arg0: i32) -> (i32, i32) {
    %c0_i32 = arith.constant 0 : i32
    %c0_i32_0 = arith.constant 0 : i32
    %c0_i32_1 = arith.constant 0 : i32
    return %c0_i32, %c0_i32_0 : i32, i32
  }
  func.func @transform_7(%arg0: i32) -> (i32, i32) {
    %c0_i32 = arith.constant 0 : i32
    %c0_i32_0 = arith.constant 0 : i32
    return %c0_i32, %arg0 : i32, i32
  }
  func.func @transform_8(%arg0: i32) -> (i32, i32) {
    %c0_i32 = arith.constant 0 : i32
    %c0_i32_0 = arith.constant 0 : i32
    %c0_i32_1 = arith.constant 0 : i32
    return %c0_i32, %c0_i32_0 : i32, i32
  }
}

</mosaic_0001>

<sc_bundles>
// kernel: kernel.11.cloned.1.call-start
scs
__scs_entry_jumppad:
0x0: {  	(pc) =	sbr.rel $0x88, $3  }
0x1: {  	(tag) =	ssettag $0x0;
	lr =	simm.s32 $0x1  }
0x2: {  	[smem:$0x3F95] =	sst lr;
	_ =	strace $0xD0000000  }
0x3: {  	_ = 	snop  }
0x4: {  	_ = 	snop  }
0x5: {  	_ = 	snop  }
0x6: {  	_ = 	snop  }
0x7: {  	_ = 	snop  }
__scs_overlays_trampoline_lowered:
0x8: {  	[smem:$0x3FA4] =	sst s0  }
0x9: {  	[smem:$0x3FA5] =	sst s1  }
0xa: {  	[smem:$0x3FA6] =	sst s2  }
0xb: {  	[smem:$0x3FA7] =	sst s3  }
0xc: {  	[smem:$0x3FA8] =	sst s4  }
0xd: {  	[smem:$0x3FA9] =	sst s5  }
0xe: {  	[smem:$0x3FAA] =	sst s6  }
0xf: {  	[smem:$0x3FAB] =	sst s7  }
0x10: {  	[smem:$0x3FAC] =	sst s8  }
0x11: {  	[smem:$0x3FAD] =	sst s9;
	s0 =	simm.s32 @!p0 $0x0  }
0x12: {  	s1 =	sld [smem:$0x3F93];
	s0 =	simm.s32 @p0 $0x1  }
0x13: {  	[smem:$0x3FAE] =	sst s0;
	s0 =	simm.s32 @!p1 $0x0  }
0x14: {  	s2 =	sld [smem:$0x3F92];
	s0 =	simm.s32 @p1 $0x1  }
0x15: {  	[smem:$0x3FAF] =	sst s0;
	s0 =	simm.s32 @!p2 $0x0  }
0x16: {  	s3 =	sld [smem:$0x3FDB];
	s0 =	simm.s32 @p2 $0x1  }
0x17: {  	s4 =	simm.s32 $0x1BF5;
	[smem:$0x3FB1] =	sst s0  }
0x18: {  	s0 =	sld [smem:$0x3F94];
	_ =	swait.ge [sflag:s4], $0x0  }
0x19: {  	s7 =	sld [smem:$0x3F95]  }
0x1a: {  	s8 =	sadd.s32 $0xFFFFE003, lr  }
0x1b: {  	s9 =	sadd.s32 $0xFFFFFEF7, lr;
	s5 =	simm.s32 $0xFFFFFFFF;
	p2 =	slt.u32 s8, $0xFFFFF086  }
0x1c: {  	p1 =	slt.u32 s9, $0xF7A;
	s5 =	simm.s32 @!p2 $0x0  }
0x1d: {  	s5 =	simm.s32 @p1 $0x1;
	p0 =	seq.s32 s7, s2  }
0x1e: {  	s7 =	smul.u32 @!p0 $0xF7A, s2;
	p2 =	seq.s32 @!p0 s5, $0x0  }
0x1f: {  	s9 =	smul.u32 $0xF7A, s1;
	s8 =	simm.s32 @!p0 $0x1BF5;
	p2 =	por !p2, p0  }
0x20: {  	[sflag:s8] =	ssyncset.s32 @!p0 $0xFFFFF086;
	s6 =	sadd.s32 @!p0 s3, s7;
	s7 =	simm.s32 @!p0 $0x108  }
0x21: {  	s3 =	sadd.s32 s3, s9;
	s6 =	sadd.s32 @!p0 $0x88, s6;
	s7 =	simm.s32 @p2 $0x1082  }
0x22: {  	[simem:s7], [sflag:s8] =	dma.local @!p0 [hbm:s6], $0xF7A  }
0x23: {  	s9 =	sor.u32 $0xD0000000, s2;
	s6 =	simm.s32 $0x108;
	_ =	swait.ge @!p0 [sflag:s8], $0x0  }
0x24: {  	s3 =	sadd.s32 $0x88, s3;
	s6 =	simm.s32 @!p1 $0x1082;
	[sflag:s4] =	ssyncset.s32 $0xFFFFF086  }
0x25: {  	[simem:s6], [sflag:s4] =	dma.local [hbm:s3], $0xF7A  }
0x26: {  	[smem:$0x3F95] =	sst s1;
	(tag) =	ssettag s2;
	_ =	strace s9  }
0x27: {  	s1 =	sld [smem:$0x3FA5]  }
0x28: {  	s2 =	sld [smem:$0x3FA6]  }
0x29: {  	s4 =	sld [smem:$0x3FA8]  }
0x2a: {  	p0 =	seq.s32 s5, $0x0;
	s5 =	sld [smem:$0x3FA9]  }
0x2b: {  	s6 =	sld [smem:$0x3FAA]  }
0x2c: {  	s7 =	sld [smem:$0x3FAB]  }
0x2d: {  	s3 =	simm.s32 $0x108;
	s8 =	sld [smem:$0x3FAC]  }
0x2e: {  	s3 =	simm.s32 @!p0 $0x1082;
	s9 =	sld [smem:$0x3FAD]  }
0x2f: {  	lr =	sadd.s32 s0, s3;
	s0 =	sld [smem:$0x3FA4]  }
0x30: {  	s3 =	sld [smem:$0x3FA7]  }
0x31: {  	[smem:$0x3FB0] =	sst s10  }
0x32: {  	s10 =	sld [smem:$0x3FAE];
	_ =	sdelay $0x3  }
0x33: {  	p0 =	seq.s32 s10, $0x1;
	s10 =	sld [smem:$0x3FB0];
	_ =	sdelay $0x3  }
0x34: {  	[smem:$0x3FB0] =	sst s10  }
0x35: {  	s10 =	sld [smem:$0x3FAF];
	_ =	sdelay $0x3  }
0x36: {  	p1 =	seq.s32 s10, $0x1;
	s10 =	sld [smem:$0x3FB0];
	_ =	sdelay $0x3  }
0x37: {  	[smem:$0x3FB0] =	sst s10  }
0x38: {  	s10 =	sld [smem:$0x3FB1]  }
0x39: {  	_ = 	snop;
	(pc) =	sbr.ind lr, $3  }
0x3a: {  	_ = 	snop  }
0x3b: {  	_ = 	snop  }
0x3c: {  	p2 =	seq.s32 s10, $0x1;
	s10 =	sld [smem:$0x3FB0]  }
0x3d: {  	_ =	shalt  }
0x3e: {  	_ =	shalt  }
0x3f: {  	_ =	shalt  }
0x40: {  	_ =	shalt  }
0x41: {  	_ =	shalt  }
0x42: {  	_ =	shalt  }
0x43: {  	_ =	shalt  }
0x44: {  	_ =	shalt  }
0x45: {  	_ =	shalt  }
0x46: {  	_ =	shalt  }
0x47: {  	_ =	shalt  }
0x48: {  	_ =	shalt  }
0x49: {  	_ =	shalt  }
0x4a: {  	_ =	shalt  }
0x4b: {  	_ =	shalt  }
0x4c: {  	_ =	shalt  }
0x4d: {  	_ =	shalt  }
0x4e: {  	_ =	shalt  }
0x4f: {  	_ =	shalt  }
0x50: {  	_ =	shalt  }
0x51: {  	_ =	shalt  }
0x52: {  	_ =	shalt  }
0x53: {  	_ =	shalt  }
0x54: {  	_ =	shalt  }
0x55: {  	_ =	shalt  }
0x56: {  	_ =	shalt  }
0x57: {  	_ =	shalt  }
0x58: {  	_ =	shalt  }
0x59: {  	_ =	shalt  }
0x5a: {  	_ =	shalt  }
0x5b: {  	_ =	shalt  }
0x5c: {  	_ =	shalt  }
0x5d: {  	_ =	shalt  }
0x5e: {  	_ =	shalt  }
0x5f: {  	_ =	shalt  }
0x60: {  	_ =	shalt  }
0x61: {  	_ =	shalt  }
0x62: {  	_ =	shalt  }
0x63: {  	_ =	shalt  }
0x64: {  	_ =	shalt  }
0x65: {  	_ =	shalt  }
0x66: {  	_ =	shalt  }
0x67: {  	_ =	shalt  }
0x68: {  	_ =	shalt  }
0x69: {  	_ =	shalt  }
0x6a: {  	_ =	shalt  }
0x6b: {  	_ =	shalt  }
0x6c: {  	_ =	shalt  }
0x6d: {  	_ =	shalt  }
0x6e: {  	_ =	shalt  }
0x6f: {  	_ =	shalt  }
0x70: {  	_ =	shalt  }
0x71: {  	_ =	shalt  }
0x72: {  	_ =	shalt  }
0x73: {  	_ =	shalt  }
0x74: {  	_ =	shalt  }
0x75: {  	_ =	shalt  }
0x76: {  	_ =	shalt  }
0x77: {  	_ =	shalt  }
0x78: {  	_ =	shalt  }
0x79: {  	_ =	shalt  }
0x7a: {  	_ =	shalt  }
0x7b: {  	_ =	shalt  }
0x7c: {  	_ =	shalt  }
0x7d: {  	_ =	shalt  }
0x7e: {  	_ =	shalt  }
0x7f: {  	_ =	shalt  }
0x80: {  	_ =	shalt  }
0x81: {  	_ =	shalt  }
0x82: {  	_ =	shalt  }
0x83: {  	_ =	shalt  }
0x84: {  	_ =	shalt  }
0x85: {  	_ =	shalt  }
0x86: {  	_ =	shalt  }
0x87: {  	_ =	shalt  }
.Lfunc_end0:
.L_simem_size_0:
called_computation_lowered:
.L_overlay_start_0:
0x88: {  	s2 =	sld [smem:$0x3FD9]  }
0x89: {  	s3 =	sld [smem:$0x3FFE];
	_ =	sdelay $0x1  }
0x8a: {  	s1 =	srdreg.scid  }
0x8b: {  	s0 =	sand.u32 $0x1, s1  }
0x8c: {  	s16 =	sshll.u32 s0, $0xA;
	s2 =	sadd.s32 s3, s2  }
0x8d: {  	s2 =	sadd.s32 s2, s16  }
0x8e: {  	[smem:$0x3FBC] =	sst s2  }
0x8f: {  	_ = 	snop  }
0x90: {  	(tm) =	ssettm $0x1  }
0x91: {  	s17 =	sld [smem:$0x3FFB];
	_ =	sdelay $0x3  }
0x92: {  	_ =	strace s17  }
0x93: {  	s2 =	sld [smem:$0x3FFC];
	_ =	sdelay $0x3  }
0x94: {  	_ =	strace s2  }
0x95: {  	s2 =	sld [smem:$0x3FFD];
	_ =	sdelay $0x3  }
0x96: {  	_ =	strace s2  }
0x97: {  	_ =	strace $0x8FFFFFFF  }
0x98: {  	s18 =	sld [smem:$0x3FDB];
	_ =	sdelay $0x1  }
0x99: {  	s19 =	simm.s32 $_scs_section_size  }
0x9a: {  	s4 =	simm.s32 $_size__tile_overlayer_lowered;
	s5 =	simm.s32 $_tile_overlayer_lowered  }
0x9b: {  	s22 =	simm.s32 $0x1BFF;
	s21 =	sshll.u32 s5, $0x1;
	s2 =	sadd.s32 s19, s18  }
0x9c: {  	s6 =	simm.s32 $0x0;
	s20 =	sshll.u32 s4, $0x1;
	s4 =	sadd.s32 s21, s2  }
0x9d: {  	[timem:s6], [sflag:s22] =	dma.local [hbm:s4], s20  }
0x9e: {  	_ =	swait.ge [sflag:s22], s20  }
0x9f: {  	s3 =	ssub.s32 $0x0, s20;
	[sflag:s22] =	ssyncset.done $0x0  }
0xa0: {  	[sflag:s22] =	ssyncadd.s32 s3;
	_ =	sdelay $0x1  }
0xa1: {  	s23 =	simm.s32 $0x1B8B  }
0xa2: {  	_ =	swait.ge [sflag:s23], $0x1  }
0xa3: {  	[sflag:s23] =	ssyncset.done $0x0  }
0xa4: {  	s25 =	simm.s32 $0x1B8E;
	s24 =	sld [smem:$0x3FFE];
	[sflag:s23] =	ssyncadd.s32 $0xFFFFFFFF  }
0xa5: {  	s26 =	simm.s32 $execute0_lowered;
	[smem:$0x3FD2] =	sst s25  }
0xa6: {  	s4 =	sshll.u32 s26, $0x1;
	_ =	strace $0x80000046;
	[dreg:$0x1] =	wrdreg $0xFFFFFFFF  }
0xa7: {  	s28 =	simm.s32 $_size_execute0_lowered;
	s2 =	sadd.s32 s2, s4;
	[dreg:$0x0] =	wrdreg $0x0  }
0xa8: {  	s4 =	sshll.u32 s28, $0x1;
	[dreg:$0x2] =	wrdreg s2  }
0xa9: {  	[dreg:$0x3] =	wrdreg s4  }
0xaa: {  	[dreg:$0x4] =	wrdreg $0xC0  }
0xab: {  	_ =	task [dreg:s6], $0x5FFFF  }
0xac: {  	[dreg:$0x1] =	wrdreg $0xFFFFFFFF  }
0xad: {  	[dreg:$0x0] =	wrdreg $0x60  }
0xae: {  	[dreg:$0x2] =	wrdreg s24  }
0xaf: {  	[dreg:$0x3] =	wrdreg $0x9  }
0xb0: {  	_ =	task.clear_ibuf [dreg:s6], $0x4FFFF;
	_ =	strace $0x90000046  }
0xb1: {  	s29 =	simm.s32 $0x9;
	_ =	strace $0x80000048  }
0xb2: {  	_ =	swait.ge [sflag:s29], $0x1  }
0xb3: {  	[sflag:s29] =	ssyncadd.s32 $0xFFFFFFFF  }
0xb4: {  	_ =	strace $0x90000048  }
0xb5: {  	_ =	sfence  }
0xb6: {  	s30 =	sld [smem:$0x0];
	_ =	sdelay $0x2  }
0xb7: {  	s31 =	sshll.u32 s1, $0xD;
	s1 =	sshrl.u32 s1, $0x2  }
0xb8: {  	s3 =	sand.u32 $0x4000, s31;
	s1 =	sadd.s32 s1, s30  }
0xb9: {  	s0 =	sor.u32 s3, s0;
	s1 =	sshll.u32 s1, $0x11  }
0xba: {  	s0 =	sor.u32 s1, s0  }
0xbb: {  	s0 =	sadd.s32 $0x8F2B, s0  }
0xbc: {  	[sflag:s0] =	ssyncadd.remote.s32 $0x1  }
0xbd: {  	_ =	sfence.sel $0xFFFF  }
0xbe: {  	[dreg:$0x0] =	wrdreg $0xFFFFFFFF;
	(pc) =	sbr.abs _section_cstart, $3  }
0xbf: {  	[dreg:$0x1] =	wrdreg $0xFFFFFFFF  }
0xc0: {  	_ =	task.clear_ibuf [dreg:s6], $0x2FFFF;
	_ =	strace $0x9FFFFFFF  }
0xc1: {  	(tm) =	ssettm $0x7FFFFFFF  }
tec
execute0_lowered:
.L_overlay_start_1:
0x0: {  	(tag) =	ssettag $0x1  }
0x1: {  	s3 =	rddreg [dreg:$0x0]  }
0x2: {  	s0 =	rddreg [dreg:$0x1];
	s1 =	stileid.u32  }
0x3: {  	s4 =	srdreg.scid;
	s2 =	simm.s32 $0x0;
	s7 =	simm.s32 $0x20E00  }
0x4: {  	s8 =	simm.s32 $0x5000;
	s9 =	simm.s32 $0xF000;
	s11 =	simm.s32 $0xA000  }
0x5: {  	s5 =	smul.u32 $0xA00, s1;
	s10 =	sand.u32 $0x1, s4;
	[smem:$0x7FF] =	sst s2  }
0x6: {  	s12 =	simm.s32 $0x0;
	s4 =	ssub.s32 $0x2, s10;
	_ =	strace $0x80000047  }
0x7: {  	p0 =	seq.s32 s10, $0x1;
	s6 =	sadd.s32 s5, s3;
	s30 =	sshrl.u32 s4, $0x1  }
0x8: {  	s7 =	simm.s32 @!p0 $0x16E00;
	p0 =	seq.s32 s10, $0x0;
	s10 =	simm.s32 $0x11800  }
0x9: {  	s31 =	ssub.s32 s4, s30;
	s3 =	sadd.s32 $0xCE00, s6;
	s4 =	sadd.s32 $0x2E00, s6  }
0xa: {  	v0 =	vimm.s32 $0x0;
	v1 =	vlaneseq.u32;
	v2 =	vimm.s32 $0x1;
	s6 =	sadd.s32 s7, s6;
	s7 =	simm.s32 $0x1;
	s5 =	smax.u32 s31, $0x1  }
.LBB2_1:
0xb: {  	[tilespmem:s2], [sflag:$0x1] =	stream.linear.gather [hbm4b:s3+s2], $0x5000, $0x38;
	[tilespmem:$0x14000] =	vst v63  }
0xc: {  	_ =	swait.ge [sflag:s7], $0x5000  }
0xd: {  	[sflag:s7] =	ssyncset.done $0x0  }
0xe: {  	[sflag:s7] =	ssyncadd.s32 $0xFFFFB000  }
0xf: {  	[tilespmem:s8], [sflag:$0x1] =	stream.linear.gather [hbm4b:s4+s2], $0x5000, $0x38;
	[tilespmem:$0x14000] =	vst v63  }
0x10: {  	_ =	swait.ge [sflag:s7], $0x5000  }
0x11: {  	[sflag:s7] =	ssyncset.done $0x0  }
0x12: {  	s13 =	simm.s32 $0x40;
	s14 =	simm.s32 $0x0;
	[sflag:s7] =	ssyncadd.s32 $0xFFFFB000  }
.LBB2_2:
0x13: {  	p1 =	sne.s32 s13, $0x9FC0;
	[tilespmem:s14+$0xF000] =	vst v0;
	s14 =	smov.u32 s13;
	s13 =	sadd.s32 $0x40, s13  }
.Ltmp0:
0x14: {  	(pc) =	sbr.rel @p1 .LBB2_2-.Ltmp0, $2  }
0x15: {  	_ =	sdelay $0x2  }
0x16: {  	s14 =	sshra.s32 s14, $0x2  }
0x17: {  	[tilespmem:s14+$0xF000] =	vst v0;
	s13 =	simm.s32 $0x0;
	s15 =	simm.s32 $0x0;
	s14 =	simm.s32 $0x40  }
.LBB2_4:
0x18: {  	p1 =	sne.s32 s14, $0x13FC0;
	v3 =	vld [tilespmem:s15+$0x0];
	_ =	sdelay $0x4  }
0x19: {  	v3 =	vand.u32 $0xFFFFFFF0, v3  }
0x1a: {  	v3 =	vor.u32 v1, v3  }
.Ltmp1:
0x1b: {  	(pc) =	sbr.rel @p1 .LBB2_4-.Ltmp1, $2  }
0x1c: {  	_ =	sdelay $0x2  }
0x1d: {  	s15 =	sshra.s32 s14, $0x2;
	s14 =	sadd.s32 $0x40, s14;
	[tilespmem:v3+s9+$0x0] =	vst.idx.add.s32.msk $0xffff, v2  }
0x1e: {  	v3 =	vld [tilespmem:s15+$0x0];
	_ =	sdelay $0x4  }
0x1f: {  	v3 =	vand.u32 $0xFFFFFFF0, v3  }
0x20: {  	v3 =	vor.u32 v1, v3;
	_ =	sdelay $0x4  }
0x21: {  	s16 =	simm.s32 $0x0;
	[tilespmem:v3+s9+$0x0] =	vst.idx.add.s32.msk $0xffff, v2  }
0x22: {  	s14 =	simm.s32 $0x10;
	v5 =	vld [tilespmem:s16+$0xF000]  }
0x23: {  	v3 =	vld [tilespmem:s14+$0xF000];
	_ =	sdelay $0x3  }
0x24: {  	(xrf0) =	vadd.scan.msk.s32 $0xffff, v5  }
0x25: {  	(xrf0) =	vadd.scan.msk.s32 $0xffff, v3;
	_ =	sdelay $0x4  }
0x26: {  	s15 =	simm.s32 $0x20;
	v8, _, _ =	vpop (xrf0)  }
0x27: {  	v6 =	vld [tilespmem:s15+$0xF000];
	(v2sf) =	vpush v8, $0xF;
	v7, _, _ =	vpop (xrf0)  }
0x28: {  	(v2sf) =	vpush v7, $0xF;
	_ =	sdelay $0x3  }
0x29: {  	s17 =	simm.s32 $0x30;
	(xrf0) =	vadd.scan.msk.s32 $0xffff, v6  }
0x2a: {  	v4 =	vld [tilespmem:s17+$0xF000];
	_ =	sdelay $0x3  }
0x2b: {  	s18 =	simm.s32 $0x100  }
.LBB2_6:
0x2c: {  	s19 =	sshra.s32 s18, $0x2;
	p1 =	sne.s32 s18, $0x9FC0;
	s18 =	sadd.s32 $0x40, s18;
	(xrf0) =	vadd.scan.msk.s32 $0xffff, v4;
	v9, _, _ =	vpop (xrf0);
	v10 =	vsub.s32 s13, v5;
	v5 =	vmov v3;
	v3 =	vmov v6  }
.Ltmp2:
0x2d: {  	v6 =	vmovc v4;
	(v2sf) =	vpush v9, $0xF;
	v10 =	vadd.s32 v8, v10;
	v8 =	vmovc v7;
	v7 =	vmov v9;
	v4 =	vld [tilespmem:s19+$0xF000];
	(pc) =	sbr.rel @p1 .LBB2_6-.Ltmp2, $4  }
0x2e: {  	[tilespmem:s16+$0x11800] =	vst v10;
	s16 =	smov.u32 s14;
	s14 =	smov.u32 s15;
	s15 =	smov.u32 s17  }
0x2f: {  	s17 =	smov.u32 s19  }
0x30: {  	s19 =	spop (v2sf)  }
0x31: {  	s13 =	sadd.s32 s13, s19  }
0x32: {  	v9, _, _ =	vpop (xrf0)  }
0x33: {  	(v2sf) =	vpush v9, $0xF;
	_ =	sdelay $0xa  }
0x34: {  	(xrf0) =	vadd.scan.msk.s32 $0xffff, v4;
	_ =	sdelay $0x1  }
0x35: {  	s18 =	spop (v2sf)  }
0x36: {  	v5 =	vsub.s32 s13, v5;
	s26 =	sadd.s32 s13, s18;
	s28 =	spop (v2sf)  }
0x37: {  	v5 =	vadd.s32 v8, v5;
	v3 =	vsub.s32 s26, v3;
	s13 =	sadd.s32 s26, s28;
	s29 =	spop (v2sf)  }
0x38: {  	[tilespmem:s16+$0x11800] =	vst v5;
	v3 =	vadd.s32 v7, v3;
	v5 =	vsub.s32 s13, v6;
	s13 =	sadd.s32 s13, s29  }
0x39: {  	[tilespmem:s14+$0x11800] =	vst v3;
	v6, _, _ =	vpop (xrf0);
	v3 =	vadd.s32 v9, v5;
	v4 =	vsub.s32 s13, v4  }
0x3a: {  	[tilespmem:s15+$0x11800] =	vst v3;
	v3 =	vadd.s32 v6, v4  }
0x3b: {  	s30 =	simm.s32 $0x0;
	[tilespmem:s17+$0x11800] =	vst v3  }
0x3c: {  	v4 =	vld [tilespmem:s30+$0x0];
	_ =	sdelay $0x4  }
0x3d: {  	v3 =	vand.u32 $0xFFFFFFF0, v4  }
0x3e: {  	v5 =	vor.u32 v1, v3;
	_ =	sdelay $0x1  }
0x3f: {  	(v2sf) =	vpush v6, $0xF;
	_ =	sdelay $0x2  }
0x40: {  	v3 =	vld.idx.msk [tilespmem:v5+s10+$0x0], $0xffff;
	_ =	sdelay $0x4  }
0x41: {  	v6 =	vadd.s32 $0x1, v3  }
0x42: {  	[tilespmem:v5+s10+$0x0] =	vst.idx.msk $0xffff, v6  }
0x43: {  	v5 =	vld [tilespmem:s30+$0x5000];
	_ =	sdelay $0x4  }
0x44: {  	s14 =	simm.s32 $0x80;
	s13 =	simm.s32 $0x40;
	s31 =	spop (v2sf);
	v4 =	vpsel p0, v4, v5  }
.LBB2_8:
0x45: {  	p1 =	sne.s32 s14, $0x13FC0  }
0x46: {  	s15 =	sshra.s32 s13, $0x2;
	[tilespmem:v3+s11+$0x0] =	vst.idx.msk $0xffff, v4;
	s13 =	smov.u32 s14;
	s14 =	sadd.s32 $0x40, s14  }
0x47: {  	v4 =	vld [tilespmem:s15+$0x0];
	_ =	sdelay $0x4  }
0x48: {  	v3 =	vand.u32 $0xFFFFFFF0, v4  }
0x49: {  	v5 =	vor.u32 v1, v3;
	_ =	sdelay $0x4  }
0x4a: {  	v3 =	vld.idx.msk [tilespmem:v5+s10+$0x0], $0xffff;
	_ =	sdelay $0x5  }
0x4b: {  	v6 =	vadd.s32 $0x1, v3  }
0x4c: {  	[tilespmem:v5+s10+$0x0] =	vst.idx.msk $0xffff, v6  }
0x4d: {  	v5 =	vld [tilespmem:s15+$0x5000]  }
.Ltmp3:
0x4e: {  	(pc) =	sbr.rel @p1 .LBB2_8-.Ltmp3, $2  }
0x4f: {  	_ =	sdelay $0x2  }
0x50: {  	v4 =	vpsel p0, v4, v5  }
0x51: {  	_ =	sdelay $0x3  }
0x52: {  	s13 =	sshra.s32 s13, $0x2;
	[tilespmem:v3+s11+$0x0] =	vst.idx.msk $0xffff, v4  }
0x53: {  	v3 =	vld [tilespmem:s13+$0x0];
	_ =	sdelay $0x4  }
0x54: {  	v63 =	vand.u32 $0xFFFFFFF0, v3  }
0x55: {  	v4 =	vor.u32 v1, v63;
	_ =	sdelay $0x4  }
0x56: {  	v5 =	vld.idx.msk [tilespmem:v4+s10+$0x0], $0xffff;
	_ =	sdelay $0x4  }
0x57: {  	v6 =	vadd.s32 $0x1, v5  }
0x58: {  	[tilespmem:v4+s10+$0x0] =	vst.idx.msk $0xffff, v6  }
0x59: {  	v4 =	vld [tilespmem:s13+$0x5000];
	_ =	sdelay $0x3  }
0x5a: {  	s12 =	sadd.s32 $0x1, s12  }
0x5b: {  	p1 =	sne.s32 s12, s5;
	v3 =	vpsel p0, v3, v4  }
.Ltmp4:
0x5c: {  	[tilespmem:v5+s11+$0x0] =	vst.idx.msk $0xffff, v3;
	(pc) =	sbr.rel @p1 .LBB2_1-.Ltmp4, $4  }
0x5d: {  	[hbm4b:s6+s2] =	stream.linear.scatter [tilespmem:s11], [sflag:$0x1], $0x5000, $0x38;
	[tilespmem:$0x14000] =	vst v63  }
0x5e: {  	_ =	swait.ge [sflag:s7], $0x5000  }
0x5f: {  	[sflag:s7] =	ssyncset.done $0x0  }
0x60: {  	[sflag:s7] =	ssyncadd.s32 $0xFFFFB000  }
0x61: {  	_ =	sfence.sel $0x180000  }
0x62: {  	[bflag:$0x0] =	sbarrier.arrive $0xFFFF  }
0x63: {  	p0 =	sne.s32 s1, $0x0;
	_ =	strace $0x90000047  }
0x64: {  	s0 =	sadd.s32 @!p0 $0x100000, s0;
	[bflag:$0x2] =	sbarrier.arrive $0xFFFF  }
0x65: {  	[sflag:s0] =	ssyncadd.tile.s32 @!p0 $0x1;
	_ =	shalt  }
.Lfunc_end2:
_tile_overlayer_lowered:
.L_overlay_start_2:
0x66: {  	(tag) =	ssettag $0x2  }
0x67: {  	s0 =	rddreg [dreg:$0x0];
	s2 =	stileid.u32  }
0x68: {  	s1 =	rddreg [dreg:$0x1];
	p0 =	sne.s32 s2, $0x0  }
0x69: {  	s3 =	rddreg [dreg:$0x2];
	[bflag:$0x3] =	sbarrier.arrive $0xFFFF;
	s2 =	simm.s32 @!p0 $0x1C01  }
0x6a: {  	[timem:s3], [sflag:s2] =	dma.local @!p0 [hbm:s0], s1  }
0x6b: {  	s0 =	simm.s32 @!p0 $0x1  }
0x6c: {  	_ =	swait.ge @!p0 [sflag:s0], s1  }
0x6d: {  	s1 =	ssub.s32 @!p0 $0x0, s1;
	[sflag:s0] =	ssyncset.done @!p0 $0x0  }
0x6e: {  	[sflag:s0] =	ssyncadd.s32 @!p0 s1  }
0x6f: {  	[bflag:$0x3] =	sbarrier.arrive $0xFFFF  }
0x70: {  	_ =	shalt  }

// kernel: kernel.14.cloned.1.call-start
scs
__scs_entry_jumppad:
0x0: {  	(pc) =	sbr.rel $0x88, $3  }
0x1: {  	(tag) =	ssettag $0x0;
	lr =	simm.s32 $0x1  }
0x2: {  	[smem:$0x3F95] =	sst lr;
	_ =	strace $0xD0000000  }
0x3: {  	_ = 	snop  }
0x4: {  	_ = 	snop  }
0x5: {  	_ = 	snop  }
0x6: {  	_ = 	snop  }
0x7: {  	_ = 	snop  }
__scs_overlays_trampoline_lowered:
0x8: {  	[smem:$0x3FA4] =	sst s0  }
0x9: {  	[smem:$0x3FA5] =	sst s1  }
0xa: {  	[smem:$0x3FA6] =	sst s2  }
0xb: {  	[smem:$0x3FA7] =	sst s3  }
0xc: {  	[smem:$0x3FA8] =	sst s4  }
0xd: {  	[smem:$0x3FA9] =	sst s5  }
0xe: {  	[smem:$0x3FAA] =	sst s6  }
0xf: {  	[smem:$0x3FAB] =	sst s7  }
0x10: {  	[smem:$0x3FAC] =	sst s8  }
0x11: {  	[smem:$0x3FAD] =	sst s9;
	s0 =	simm.s32 @!p0 $0x0  }
0x12: {  	s1 =	sld [smem:$0x3F93];
	s0 =	simm.s32 @p0 $0x1  }
0x13: {  	[smem:$0x3FAE] =	sst s0;
	s0 =	simm.s32 @!p1 $0x0  }
0x14: {  	s2 =	sld [smem:$0x3F92];
	s0 =	simm.s32 @p1 $0x1  }
0x15: {  	[smem:$0x3FAF] =	sst s0;
	s0 =	simm.s32 @!p2 $0x0  }
0x16: {  	s3 =	sld [smem:$0x3FDB];
	s0 =	simm.s32 @p2 $0x1  }
0x17: {  	s4 =	simm.s32 $0x1BF5;
	[smem:$0x3FB1] =	sst s0  }
0x18: {  	s0 =	sld [smem:$0x3F94];
	_ =	swait.ge [sflag:s4], $0x0  }
0x19: {  	s7 =	sld [smem:$0x3F95]  }
0x1a: {  	s8 =	sadd.s32 $0xFFFFE003, lr  }
0x1b: {  	s9 =	sadd.s32 $0xFFFFFEF7, lr;
	s5 =	simm.s32 $0xFFFFFFFF;
	p2 =	slt.u32 s8, $0xFFFFF086  }
0x1c: {  	p1 =	slt.u32 s9, $0xF7A;
	s5 =	simm.s32 @!p2 $0x0  }
0x1d: {  	s5 =	simm.s32 @p1 $0x1;
	p0 =	seq.s32 s7, s2  }
0x1e: {  	s7 =	smul.u32 @!p0 $0xF7A, s2;
	p2 =	seq.s32 @!p0 s5, $0x0  }
0x1f: {  	s9 =	smul.u32 $0xF7A, s1;
	s8 =	simm.s32 @!p0 $0x1BF5;
	p2 =	por !p2, p0  }
0x20: {  	[sflag:s8] =	ssyncset.s32 @!p0 $0xFFFFF086;
	s6 =	sadd.s32 @!p0 s3, s7;
	s7 =	simm.s32 @!p0 $0x108  }
0x21: {  	s3 =	sadd.s32 s3, s9;
	s6 =	sadd.s32 @!p0 $0x88, s6;
	s7 =	simm.s32 @p2 $0x1082  }
0x22: {  	[simem:s7], [sflag:s8] =	dma.local @!p0 [hbm:s6], $0xF7A  }
0x23: {  	s9 =	sor.u32 $0xD0000000, s2;
	s6 =	simm.s32 $0x108;
	_ =	swait.ge @!p0 [sflag:s8], $0x0  }
0x24: {  	s3 =	sadd.s32 $0x88, s3;
	s6 =	simm.s32 @!p1 $0x1082;
	[sflag:s4] =	ssyncset.s32 $0xFFFFF086  }
0x25: {  	[simem:s6], [sflag:s4] =	dma.local [hbm:s3], $0xF7A  }
0x26: {  	[smem:$0x3F95] =	sst s1;
	(tag) =	ssettag s2;
	_ =	strace s9  }
0x27: {  	s1 =	sld [smem:$0x3FA5]  }
0x28: {  	s2 =	sld [smem:$0x3FA6]  }
0x29: {  	s4 =	sld [smem:$0x3FA8]  }
0x2a: {  	p0 =	seq.s32 s5, $0x0;
	s5 =	sld [smem:$0x3FA9]  }
0x2b: {  	s6 =	sld [smem:$0x3FAA]  }
0x2c: {  	s7 =	sld [smem:$0x3FAB]  }
0x2d: {  	s3 =	simm.s32 $0x108;
	s8 =	sld [smem:$0x3FAC]  }
0x2e: {  	s3 =	simm.s32 @!p0 $0x1082;
	s9 =	sld [smem:$0x3FAD]  }
0x2f: {  	lr =	sadd.s32 s0, s3;
	s0 =	sld [smem:$0x3FA4]  }
0x30: {  	s3 =	sld [smem:$0x3FA7]  }
0x31: {  	[smem:$0x3FB0] =	sst s10  }
0x32: {  	s10 =	sld [smem:$0x3FAE];
	_ =	sdelay $0x3  }
0x33: {  	p0 =	seq.s32 s10, $0x1;
	s10 =	sld [smem:$0x3FB0];
	_ =	sdelay $0x3  }
0x34: {  	[smem:$0x3FB0] =	sst s10  }
0x35: {  	s10 =	sld [smem:$0x3FAF];
	_ =	sdelay $0x3  }
0x36: {  	p1 =	seq.s32 s10, $0x1;
	s10 =	sld [smem:$0x3FB0];
	_ =	sdelay $0x3  }
0x37: {  	[smem:$0x3FB0] =	sst s10  }
0x38: {  	s10 =	sld [smem:$0x3FB1]  }
0x39: {  	_ = 	snop;
	(pc) =	sbr.ind lr, $3  }
0x3a: {  	_ = 	snop  }
0x3b: {  	_ = 	snop  }
0x3c: {  	p2 =	seq.s32 s10, $0x1;
	s10 =	sld [smem:$0x3FB0]  }
0x3d: {  	_ =	shalt  }
0x3e: {  	_ =	shalt  }
0x3f: {  	_ =	shalt  }
0x40: {  	_ =	shalt  }
0x41: {  	_ =	shalt  }
0x42: {  	_ =	shalt  }
0x43: {  	_ =	shalt  }
0x44: {  	_ =	shalt  }
0x45: {  	_ =	shalt  }
0x46: {  	_ =	shalt  }
0x47: {  	_ =	shalt  }
0x48: {  	_ =	shalt  }
0x49: {  	_ =	shalt  }
0x4a: {  	_ =	shalt  }
0x4b: {  	_ =	shalt  }
0x4c: {  	_ =	shalt  }
0x4d: {  	_ =	shalt  }
0x4e: {  	_ =	shalt  }
0x4f: {  	_ =	shalt  }
0x50: {  	_ =	shalt  }
0x51: {  	_ =	shalt  }
0x52: {  	_ =	shalt  }
0x53: {  	_ =	shalt  }
0x54: {  	_ =	shalt  }
0x55: {  	_ =	shalt  }
0x56: {  	_ =	shalt  }
0x57: {  	_ =	shalt  }
0x58: {  	_ =	shalt  }
0x59: {  	_ =	shalt  }
0x5a: {  	_ =	shalt  }
0x5b: {  	_ =	shalt  }
0x5c: {  	_ =	shalt  }
0x5d: {  	_ =	shalt  }
0x5e: {  	_ =	shalt  }
0x5f: {  	_ =	shalt  }
0x60: {  	_ =	shalt  }
0x61: {  	_ =	shalt  }
0x62: {  	_ =	shalt  }
0x63: {  	_ =	shalt  }
0x64: {  	_ =	shalt  }
0x65: {  	_ =	shalt  }
0x66: {  	_ =	shalt  }
0x67: {  	_ =	shalt  }
0x68: {  	_ =	shalt  }
0x69: {  	_ =	shalt  }
0x6a: {  	_ =	shalt  }
0x6b: {  	_ =	shalt  }
0x6c: {  	_ =	shalt  }
0x6d: {  	_ =	shalt  }
0x6e: {  	_ =	shalt  }
0x6f: {  	_ =	shalt  }
0x70: {  	_ =	shalt  }
0x71: {  	_ =	shalt  }
0x72: {  	_ =	shalt  }
0x73: {  	_ =	shalt  }
0x74: {  	_ =	shalt  }
0x75: {  	_ =	shalt  }
0x76: {  	_ =	shalt  }
0x77: {  	_ =	shalt  }
0x78: {  	_ =	shalt  }
0x79: {  	_ =	shalt  }
0x7a: {  	_ =	shalt  }
0x7b: {  	_ =	shalt  }
0x7c: {  	_ =	shalt  }
0x7d: {  	_ =	shalt  }
0x7e: {  	_ =	shalt  }
0x7f: {  	_ =	shalt  }
0x80: {  	_ =	shalt  }
0x81: {  	_ =	shalt  }
0x82: {  	_ =	shalt  }
0x83: {  	_ =	shalt  }
0x84: {  	_ =	shalt  }
0x85: {  	_ =	shalt  }
0x86: {  	_ =	shalt  }
0x87: {  	_ =	shalt  }
.Lfunc_end0:
.L_simem_size_0:
called_computation.1_lowered:
.L_overlay_start_0:
0x88: {  	s2 =	sld [smem:$0x3FD9]  }
0x89: {  	s3 =	sld [smem:$0x3FFE];
	_ =	sdelay $0x1  }
0x8a: {  	s1 =	srdreg.scid  }
0x8b: {  	s0 =	sand.u32 $0x1, s1  }
0x8c: {  	s16 =	sshll.u32 s0, $0xA;
	s2 =	sadd.s32 s3, s2  }
0x8d: {  	s2 =	sadd.s32 s2, s16  }
0x8e: {  	[smem:$0x3FBC] =	sst s2  }
0x8f: {  	_ = 	snop  }
0x90: {  	(tm) =	ssettm $0x1  }
0x91: {  	s17 =	sld [smem:$0x3FFB];
	_ =	sdelay $0x3  }
0x92: {  	_ =	strace s17  }
0x93: {  	s2 =	sld [smem:$0x3FFC];
	_ =	sdelay $0x3  }
0x94: {  	_ =	strace s2  }
0x95: {  	s2 =	sld [smem:$0x3FFD];
	_ =	sdelay $0x3  }
0x96: {  	_ =	strace s2  }
0x97: {  	_ =	strace $0x8FFFFFFF  }
0x98: {  	s18 =	sld [smem:$0x3FDB];
	_ =	sdelay $0x1  }
0x99: {  	s19 =	simm.s32 $_scs_section_size  }
0x9a: {  	s4 =	simm.s32 $_size__tile_overlayer_lowered;
	s5 =	simm.s32 $_tile_overlayer_lowered  }
0x9b: {  	s22 =	simm.s32 $0x1BFF;
	s21 =	sshll.u32 s5, $0x1;
	s2 =	sadd.s32 s19, s18  }
0x9c: {  	s6 =	simm.s32 $0x0;
	s20 =	sshll.u32 s4, $0x1;
	s4 =	sadd.s32 s21, s2  }
0x9d: {  	[timem:s6], [sflag:s22] =	dma.local [hbm:s4], s20  }
0x9e: {  	_ =	swait.ge [sflag:s22], s20  }
0x9f: {  	s3 =	ssub.s32 $0x0, s20;
	[sflag:s22] =	ssyncset.done $0x0  }
0xa0: {  	[sflag:s22] =	ssyncadd.s32 s3;
	_ =	sdelay $0x1  }
0xa1: {  	s23 =	simm.s32 $0x1B8B  }
0xa2: {  	_ =	swait.ge [sflag:s23], $0x1  }
0xa3: {  	[sflag:s23] =	ssyncset.done $0x0  }
0xa4: {  	s25 =	simm.s32 $0x1B8E;
	s24 =	sld [smem:$0x3FFE];
	[sflag:s23] =	ssyncadd.s32 $0xFFFFFFFF  }
0xa5: {  	s26 =	simm.s32 $execute0_lowered;
	[smem:$0x3FD2] =	sst s25  }
0xa6: {  	s4 =	sshll.u32 s26, $0x1;
	_ =	strace $0x80000049;
	[dreg:$0x1] =	wrdreg $0xFFFFFFFF  }
0xa7: {  	s28 =	simm.s32 $_size_execute0_lowered;
	s2 =	sadd.s32 s2, s4;
	[dreg:$0x0] =	wrdreg $0x0  }
0xa8: {  	s4 =	sshll.u32 s28, $0x1;
	[dreg:$0x2] =	wrdreg s2  }
0xa9: {  	[dreg:$0x3] =	wrdreg s4  }
0xaa: {  	[dreg:$0x4] =	wrdreg $0xC0  }
0xab: {  	_ =	task [dreg:s6], $0x5FFFF  }
0xac: {  	[dreg:$0x1] =	wrdreg $0xFFFFFFFF  }
0xad: {  	[dreg:$0x0] =	wrdreg $0x60  }
0xae: {  	[dreg:$0x2] =	wrdreg s24  }
0xaf: {  	[dreg:$0x3] =	wrdreg $0x38000  }
0xb0: {  	[dreg:$0x4] =	wrdreg $0x9  }
0xb1: {  	_ =	task.clear_ibuf [dreg:s6], $0x5FFFF;
	_ =	strace $0x90000049  }
0xb2: {  	s29 =	simm.s32 $0x9;
	_ =	strace $0x8000004B  }
0xb3: {  	_ =	swait.ge [sflag:s29], $0x1  }
0xb4: {  	[sflag:s29] =	ssyncadd.s32 $0xFFFFFFFF  }
0xb5: {  	_ =	strace $0x9000004B  }
0xb6: {  	_ =	sfence  }
0xb7: {  	s30 =	sld [smem:$0x0];
	_ =	sdelay $0x2  }
0xb8: {  	s31 =	sshll.u32 s1, $0xD;
	s1 =	sshrl.u32 s1, $0x2  }
0xb9: {  	s3 =	sand.u32 $0x4000, s31;
	s1 =	sadd.s32 s1, s30  }
0xba: {  	s0 =	sor.u32 s3, s0;
	s1 =	sshll.u32 s1, $0x11  }
0xbb: {  	s0 =	sor.u32 s1, s0  }
0xbc: {  	s0 =	sadd.s32 $0x8F2B, s0  }
0xbd: {  	[sflag:s0] =	ssyncadd.remote.s32 $0x1  }
0xbe: {  	_ =	sfence.sel $0xFFFF  }
0xbf: {  	[dreg:$0x0] =	wrdreg $0xFFFFFFFF;
	(pc) =	sbr.abs _section_cstart, $3  }
0xc0: {  	[dreg:$0x1] =	wrdreg $0xFFFFFFFF  }
0xc1: {  	_ =	task.clear_ibuf [dreg:s6], $0x2FFFF;
	_ =	strace $0x9FFFFFFF  }
0xc2: {  	(tm) =	ssettm $0x7FFFFFFF  }
0xc3: {  	_ =	shalt  }
tec
execute0_lowered:
.L_overlay_start_1:
0x0: {  	(tag) =	ssettag $0x1  }
0x1: {  	s4 =	rddreg [dreg:$0x0];
	s1 =	srdreg.scid  }
0x2: {  	s0 =	stileid.u32;
	s2 =	rddreg [dreg:$0x1]  }
0x3: {  	s3 =	simm.s32 $0x0;
	s19 =	simm.s32 $0x2800;
	s20 =	simm.s32 $0x1  }
0x4: {  	s6 =	sand.u32 $0x1, s1;
	s5 =	smul.u32 $0x5000, s0;
	s1 =	rddreg [dreg:$0x2]  }
0x5: {  	s21 =	simm.s32 $0x0;
	[smem:$0x7FF] =	sst s3;
	s9 =	smul.u32 $0x2800, s0  }
0x6: {  	s14 =	sadd.s32 $0x2E00, s4;
	s7 =	smul.u32 $0x2800, s6;
	s31 =	ssub.s32 $0x2, s6  }
0x7: {  	_ =	strace $0x8000004A;
	s16 =	smul.u32 $0x28000, s6;
	s8 =	sshrl.u32 s31, $0x1  }
0x8: {  	s10 =	sadd.s32 $0x800, s9;
	s12 =	sadd.s32 $0x1000, s9;
	s13 =	sadd.s32 $0x1800, s9  }
0x9: {  	s17 =	sadd.s32 $0x2000, s9;
	s5 =	sadd.s32 s7, s5;
	s15 =	ssub.s32 s31, s8  }
0xa: {  	s6 =	sadd.s32 s10, s2;
	s7 =	sadd.s32 s12, s2;
	s8 =	sadd.s32 s13, s2  }
0xb: {  	s11 =	sadd.s32 s9, s16;
	s10 =	sadd.s32 s16, s10;
	s12 =	sadd.s32 s16, s12  }
0xc: {  	s13 =	sadd.s32 s16, s13;
	s16 =	sadd.s32 s16, s17;
	s5 =	sshrl.u32 s5, $0x3  }
0xd: {  	s11 =	sshrl.u32 s11, $0x3;
	s18 =	sshrl.u32 s10, $0x3;
	s12 =	sshrl.u32 s12, $0x3  }
0xe: {  	s13 =	sshrl.u32 s13, $0x3;
	s16 =	sshrl.u32 s16, $0x3;
	s15 =	smax.u32 s15, $0x1  }
0xf: {  	s5 =	sadd.s32 s5, s4;
	s10 =	sadd.s32 s14, s11;
	s11 =	sadd.s32 s14, s18  }
0x10: {  	s12 =	sadd.s32 s14, s12;
	s13 =	sadd.s32 s14, s13;
	s14 =	sadd.s32 s14, s16  }
0x11: {  	vm0 =	vcmask $0x300;
	v0 =	vimm.f32 $0.0e+00;
	s16 =	simm.s32 $0x2;
	s18 =	simm.s32 $0x80;
	s4 =	sadd.s32 $0x20E00, s5  }
0x12: {  	v1 =	vsel vm0, $0x3F800000, v0;
	s5 =	sadd.s32 s9, s2;
	s9 =	sadd.s32 s17, s2;
	s17 =	simm.s32 $0x3000  }
.LBB2_1:
0x13: {  	[tilespmem:s3], [sflag:$0x2] =	stream.linear.gather [hbm4b:s4+s3], $0x2800, $0x38;
	[tilespmem:$0x6000] =	vst v63  }
0x14: {  	_ =	swait.ge [sflag:s16], $0x2800  }
0x15: {  	[sflag:s16] =	ssyncset.done $0x0  }
0x16: {  	s22 =	simm.s32 $0x40;
	s23 =	simm.s32 $0x0;
	[sflag:s16] =	ssyncadd.s32 $0xFFFFD800  }
.LBB2_2:
0x17: {  	p0 =	sne.s32 s22, $0x1FC0;
	[tilespmem:s23+$0x2800] =	vst v1;
	s24 =	smov.u32 s22;
	s22 =	sadd.s32 $0x40, s22  }
.Ltmp0:
0x18: {  	[tilespmem:s23+$0x3000] =	vst v0;
	(pc) =	sbr.rel @p0 .LBB2_2-.Ltmp0, $2  }
0x19: {  	_ =	sdelay $0x2  }
0x1a: {  	s23 =	sshra.s32 s24, $0x2  }
0x1b: {  	[tilespmem:s23+$0x2800] =	vst v1  }
0x1c: {  	[tilespmem:s23+$0x3000] =	vst v0  }
0x1d: {  	[spmem:s5] =	stream.linear.scatter [tilespmem:s17], [sflag:$0x2], $0x800, $0x38;
	[tilespmem:$0x6000] =	vst v63  }
0x1e: {  	_ =	swait.ge [sflag:s16], $0x800  }
0x1f: {  	[sflag:s16] =	ssyncset.done $0x0  }
0x20: {  	[sflag:s16] =	ssyncadd.s32 $0xFFFFF800  }
0x21: {  	[spmem:s6] =	stream.linear.scatter [tilespmem:s17], [sflag:$0x2], $0x800, $0x38;
	[tilespmem:$0x6000] =	vst v63  }
0x22: {  	_ =	swait.ge [sflag:s16], $0x800  }
0x23: {  	[sflag:s16] =	ssyncset.done $0x0  }
0x24: {  	[sflag:s16] =	ssyncadd.s32 $0xFFFFF800  }
0x25: {  	[spmem:s7] =	stream.linear.scatter [tilespmem:s17], [sflag:$0x2], $0x800, $0x38;
	[tilespmem:$0x6000] =	vst v63  }
0x26: {  	_ =	swait.ge [sflag:s16], $0x800  }
0x27: {  	[sflag:s16] =	ssyncset.done $0x0  }
0x28: {  	[sflag:s16] =	ssyncadd.s32 $0xFFFFF800  }
0x29: {  	[spmem:s8] =	stream.linear.scatter [tilespmem:s17], [sflag:$0x2], $0x800, $0x38;
	[tilespmem:$0x6000] =	vst v63  }
0x2a: {  	_ =	swait.ge [sflag:s16], $0x800  }
0x2b: {  	[sflag:s16] =	ssyncset.done $0x0  }
0x2c: {  	[sflag:s16] =	ssyncadd.s32 $0xFFFFF800  }
0x2d: {  	[spmem:s9] =	stream.linear.scatter [tilespmem:s17], [sflag:$0x2], $0x800, $0x38;
	[tilespmem:$0x6000] =	vst v63  }
0x2e: {  	_ =	swait.ge [sflag:s16], $0x800  }
0x2f: {  	[sflag:s16] =	ssyncset.done $0x0  }
0x30: {  	[sflag:s16] =	ssyncadd.s32 $0xFFFFF800  }
0x31: {  	s22 =	simm.s32 $0x0;
	[bflag:$0x0] =	sbarrier.arrive $0xFFFF  }
0x32: {  	[spmem:s2] =	stream.indirect.scatter.add.f32 [tilespmem:s19], [sflag:$0x1], $0x10, s22, s18, $0xb8;
	[tilespmem:$0x6000] =	vst v63  }
0x33: {  	s24 =	simm.s32 $0x80  }
0x34: {  	[spmem:s2] =	stream.indirect.scatter.add.f32 [tilespmem:s19], [sflag:$0x1], $0x10, s24, s18, $0xb8;
	[tilespmem:$0x6000] =	vst v63  }
0x35: {  	s25 =	simm.s32 $0x100  }
0x36: {  	[spmem:s2] =	stream.indirect.scatter.add.f32 [tilespmem:s19], [sflag:$0x1], $0x10, s25, s18, $0xb8;
	[tilespmem:$0x6000] =	vst v63  }
0x37: {  	s26 =	simm.s32 $0x180  }
0x38: {  	[spmem:s2] =	stream.indirect.scatter.add.f32 [tilespmem:s19], [sflag:$0x1], $0x10, s26, s18, $0xb8;
	[tilespmem:$0x6000] =	vst v63  }
0x39: {  	s28 =	simm.s32 $0x200  }
0x3a: {  	[spmem:s2] =	stream.indirect.scatter.add.f32 [tilespmem:s19], [sflag:$0x1], $0x10, s28, s18, $0xb8;
	[tilespmem:$0x6000] =	vst v63  }
0x3b: {  	s29 =	simm.s32 $0x280  }
0x3c: {  	[spmem:s2] =	stream.indirect.scatter.add.f32 [tilespmem:s19], [sflag:$0x1], $0x10, s29, s18, $0xb8;
	[tilespmem:$0x6000] =	vst v63  }
0x3d: {  	s30 =	simm.s32 $0x300  }
0x3e: {  	[spmem:s2] =	stream.indirect.scatter.add.f32 [tilespmem:s19], [sflag:$0x1], $0x10, s30, s18, $0xb8;
	[tilespmem:$0x6000] =	vst v63  }
0x3f: {  	s31 =	simm.s32 $0x380  }
0x40: {  	[spmem:s2] =	stream.indirect.scatter.add.f32 [tilespmem:s19], [sflag:$0x1], $0x10, s31, s18, $0xb8;
	[tilespmem:$0x6000] =	vst v63  }
0x41: {  	_ =	swait.ge [sflag:s20], $0x800  }
0x42: {  	[sflag:s20] =	ssyncset.done $0x0  }
0x43: {  	[sflag:s20] =	ssyncadd.s32 $0xFFFFF800  }
0x44: {  	_ =	swait.ge [sflag:s20], $0x800  }
0x45: {  	[sflag:s20] =	ssyncset.done $0x0  }
0x46: {  	[sflag:s20] =	ssyncadd.s32 $0xFFFFF800  }
0x47: {  	_ =	swait.ge [sflag:s20], $0x800  }
0x48: {  	[sflag:s20] =	ssyncset.done $0x0  }
0x49: {  	[sflag:s20] =	ssyncadd.s32 $0xFFFFF800  }
0x4a: {  	_ =	swait.ge [sflag:s20], $0x800  }
0x4b: {  	[sflag:s20] =	ssyncset.done $0x0  }
0x4c: {  	[sflag:s20] =	ssyncadd.s32 $0xFFFFF800  }
0x4d: {  	_ =	swait.ge [sflag:s20], $0x800  }
0x4e: {  	[sflag:s20] =	ssyncset.done $0x0  }
0x4f: {  	[sflag:s20] =	ssyncadd.s32 $0xFFFFF800  }
0x50: {  	_ =	swait.ge [sflag:s20], $0x800  }
0x51: {  	[sflag:s20] =	ssyncset.done $0x0  }
0x52: {  	[sflag:s20] =	ssyncadd.s32 $0xFFFFF800  }
0x53: {  	_ =	swait.ge [sflag:s20], $0x800  }
0x54: {  	[sflag:s20] =	ssyncset.done $0x0  }
0x55: {  	[sflag:s20] =	ssyncadd.s32 $0xFFFFF800  }
0x56: {  	_ =	swait.ge [sflag:s20], $0x800  }
0x57: {  	s22 =	simm.s32 $0x1000;
	s24 =	simm.s32 $0x2000;
	[sflag:s20] =	ssyncset.done $0x0  }
.LBB2_4:
0x58: {  	s25 =	sshra.s32 s22, $0x2  }
0x59: {  	[sflag:s20] =	ssyncadd.s32 $0xFFFFF800;
	s22 =	smov.u32 s24;
	s23 =	sadd.s32 $0x1000, s24  }
0x5a: {  	[spmem:s2] =	stream.indirect.scatter.add.f32 [tilespmem:s19], [sflag:$0x1], $0x10, s25, s18, $0xb8;
	[tilespmem:$0x6000] =	vst v63  }
0x5b: {  	p0 =	sne.s32 s24, $0x9000;
	s24 =	sadd.s32 $0x80, s25  }
0x5c: {  	[spmem:s2] =	stream.indirect.scatter.add.f32 [tilespmem:s19], [sflag:$0x1], $0x10, s24, s18, $0xb8;
	[tilespmem:$0x6000] =	vst v63  }
0x5d: {  	s24 =	sadd.s32 $0x100, s25  }
0x5e: {  	[spmem:s2] =	stream.indirect.scatter.add.f32 [tilespmem:s19], [sflag:$0x1], $0x10, s24, s18, $0xb8;
	[tilespmem:$0x6000] =	vst v63  }
0x5f: {  	s24 =	sadd.s32 $0x180, s25  }
0x60: {  	[spmem:s2] =	stream.indirect.scatter.add.f32 [tilespmem:s19], [sflag:$0x1], $0x10, s24, s18, $0xb8;
	[tilespmem:$0x6000] =	vst v63  }
0x61: {  	s24 =	sadd.s32 $0x200, s25  }
0x62: {  	[spmem:s2] =	stream.indirect.scatter.add.f32 [tilespmem:s19], [sflag:$0x1], $0x10, s24, s18, $0xb8;
	[tilespmem:$0x6000] =	vst v63  }
0x63: {  	s24 =	sadd.s32 $0x280, s25  }
0x64: {  	[spmem:s2] =	stream.indirect.scatter.add.f32 [tilespmem:s19], [sflag:$0x1], $0x10, s24, s18, $0xb8;
	[tilespmem:$0x6000] =	vst v63  }
0x65: {  	s24 =	sadd.s32 $0x300, s25  }
0x66: {  	[spmem:s2] =	stream.indirect.scatter.add.f32 [tilespmem:s19], [sflag:$0x1], $0x10, s24, s18, $0xb8;
	[tilespmem:$0x6000] =	vst v63  }
0x67: {  	s24 =	sadd.s32 $0x380, s25  }
0x68: {  	[spmem:s2] =	stream.indirect.scatter.add.f32 [tilespmem:s19], [sflag:$0x1], $0x10, s24, s18, $0xb8;
	[tilespmem:$0x6000] =	vst v63  }
0x69: {  	_ =	swait.ge [sflag:s20], $0x800  }
0x6a: {  	[sflag:s20] =	ssyncset.done $0x0  }
0x6b: {  	[sflag:s20] =	ssyncadd.s32 $0xFFFFF800  }
0x6c: {  	_ =	swait.ge [sflag:s20], $0x800  }
0x6d: {  	[sflag:s20] =	ssyncset.done $0x0  }
0x6e: {  	[sflag:s20] =	ssyncadd.s32 $0xFFFFF800  }
0x6f: {  	_ =	swait.ge [sflag:s20], $0x800  }
0x70: {  	[sflag:s20] =	ssyncset.done $0x0  }
0x71: {  	[sflag:s20] =	ssyncadd.s32 $0xFFFFF800  }
0x72: {  	_ =	swait.ge [sflag:s20], $0x800  }
0x73: {  	[sflag:s20] =	ssyncset.done $0x0  }
0x74: {  	[sflag:s20] =	ssyncadd.s32 $0xFFFFF800  }
0x75: {  	_ =	swait.ge [sflag:s20], $0x800  }
0x76: {  	[sflag:s20] =	ssyncset.done $0x0  }
0x77: {  	[sflag:s20] =	ssyncadd.s32 $0xFFFFF800  }
0x78: {  	_ =	swait.ge [sflag:s20], $0x800  }
0x79: {  	[sflag:s20] =	ssyncset.done $0x0  }
0x7a: {  	[sflag:s20] =	ssyncadd.s32 $0xFFFFF800  }
.Ltmp1:
0x7b: {  	_ =	swait.ge [sflag:s20], $0x800;
	(pc) =	sbr.rel @p0 .LBB2_4-.Ltmp1, $4  }
0x7c: {  	[sflag:s20] =	ssyncset.done $0x0  }
0x7d: {  	[sflag:s20] =	ssyncadd.s32 $0xFFFFF800  }
0x7e: {  	_ =	swait.ge [sflag:s20], $0x800  }
0x7f: {  	s24 =	smov.u32 s23;
	[sflag:s20] =	ssyncset.done $0x0  }
0x80: {  	s22 =	sshra.s32 s22, $0x2;
	[sflag:s20] =	ssyncadd.s32 $0xFFFFF800  }
0x81: {  	[spmem:s2] =	stream.indirect.scatter.add.f32 [tilespmem:s19], [sflag:$0x1], $0x10, s22, s18, $0xb8;
	[tilespmem:$0x6000] =	vst v63  }
0x82: {  	s23 =	sadd.s32 $0x80, s22  }
0x83: {  	[spmem:s2] =	stream.indirect.scatter.add.f32 [tilespmem:s19], [sflag:$0x1], $0x10, s23, s18, $0xb8;
	[tilespmem:$0x6000] =	vst v63  }
0x84: {  	s26 =	sadd.s32 $0x100, s22  }
0x85: {  	[spmem:s2] =	stream.indirect.scatter.add.f32 [tilespmem:s19], [sflag:$0x1], $0x10, s26, s18, $0xb8;
	[tilespmem:$0x6000] =	vst v63  }
0x86: {  	s28 =	sadd.s32 $0x180, s22  }
0x87: {  	[spmem:s2] =	stream.indirect.scatter.add.f32 [tilespmem:s19], [sflag:$0x1], $0x10, s28, s18, $0xb8;
	[tilespmem:$0x6000] =	vst v63  }
0x88: {  	s29 =	sadd.s32 $0x200, s22  }
0x89: {  	[spmem:s2] =	stream.indirect.scatter.add.f32 [tilespmem:s19], [sflag:$0x1], $0x10, s29, s18, $0xb8;
	[tilespmem:$0x6000] =	vst v63  }
0x8a: {  	s30 =	sadd.s32 $0x280, s22  }
0x8b: {  	[spmem:s2] =	stream.indirect.scatter.add.f32 [tilespmem:s19], [sflag:$0x1], $0x10, s30, s18, $0xb8;
	[tilespmem:$0x6000] =	vst v63  }
0x8c: {  	s31 =	sadd.s32 $0x300, s22  }
0x8d: {  	[spmem:s2] =	stream.indirect.scatter.add.f32 [tilespmem:s19], [sflag:$0x1], $0x10, s31, s18, $0xb8;
	[tilespmem:$0x6000] =	vst v63  }
0x8e: {  	s22 =	sadd.s32 $0x380, s22  }
0x8f: {  	[spmem:s2] =	stream.indirect.scatter.add.f32 [tilespmem:s19], [sflag:$0x1], $0x10, s22, s18, $0xb8;
	[tilespmem:$0x6000] =	vst v63  }
0x90: {  	_ =	swait.ge [sflag:s20], $0x800  }
0x91: {  	[sflag:s20] =	ssyncset.done $0x0  }
0x92: {  	[sflag:s20] =	ssyncadd.s32 $0xFFFFF800  }
0x93: {  	_ =	swait.ge [sflag:s20], $0x800  }
0x94: {  	[sflag:s20] =	ssyncset.done $0x0  }
0x95: {  	[sflag:s20] =	ssyncadd.s32 $0xFFFFF800  }
0x96: {  	_ =	swait.ge [sflag:s20], $0x800  }
0x97: {  	[sflag:s20] =	ssyncset.done $0x0  }
0x98: {  	[sflag:s20] =	ssyncadd.s32 $0xFFFFF800  }
0x99: {  	_ =	swait.ge [sflag:s20], $0x800  }
0x9a: {  	[sflag:s20] =	ssyncset.done $0x0  }
0x9b: {  	[sflag:s20] =	ssyncadd.s32 $0xFFFFF800  }
0x9c: {  	_ =	swait.ge [sflag:s20], $0x800  }
0x9d: {  	[sflag:s20] =	ssyncset.done $0x0  }
0x9e: {  	[sflag:s20] =	ssyncadd.s32 $0xFFFFF800  }
0x9f: {  	_ =	swait.ge [sflag:s20], $0x800  }
0xa0: {  	[sflag:s20] =	ssyncset.done $0x0  }
0xa1: {  	[sflag:s20] =	ssyncadd.s32 $0xFFFFF800  }
0xa2: {  	_ =	swait.ge [sflag:s20], $0x800  }
0xa3: {  	[sflag:s20] =	ssyncset.done $0x0  }
0xa4: {  	[sflag:s20] =	ssyncadd.s32 $0xFFFFF800  }
0xa5: {  	_ =	swait.ge [sflag:s20], $0x800  }
0xa6: {  	[sflag:s20] =	ssyncset.done $0x0  }
0xa7: {  	[sflag:s20] =	ssyncadd.s32 $0xFFFFF800  }
0xa8: {  	[bflag:$0x0] =	sbarrier.arrive $0xFFFF  }
0xa9: {  	[tilespmem:s17], [sflag:$0x2] =	stream.linear.gather [spmem:s5], $0x800, $0x38;
	[tilespmem:$0x6000] =	vst v63  }
0xaa: {  	_ =	swait.ge [sflag:s16], $0x800  }
0xab: {  	[sflag:s16] =	ssyncset.done $0x0  }
0xac: {  	[sflag:s16] =	ssyncadd.s32 $0xFFFFF800  }
0xad: {  	[hbm4b:s10+s3] =	stream.linear.scatter [tilespmem:s17], [sflag:$0x2], $0x800, $0x38;
	[tilespmem:$0x6000] =	vst v63  }
0xae: {  	_ =	swait.ge [sflag:s16], $0x800  }
0xaf: {  	[sflag:s16] =	ssyncset.done $0x0  }
0xb0: {  	[sflag:s16] =	ssyncadd.s32 $0xFFFFF800  }
0xb1: {  	[tilespmem:s17], [sflag:$0x2] =	stream.linear.gather [spmem:s6], $0x800, $0x38;
	[tilespmem:$0x6000] =	vst v63  }
0xb2: {  	_ =	swait.ge [sflag:s16], $0x800  }
0xb3: {  	[sflag:s16] =	ssyncset.done $0x0  }
0xb4: {  	[sflag:s16] =	ssyncadd.s32 $0xFFFFF800  }
0xb5: {  	[hbm4b:s11+s3] =	stream.linear.scatter [tilespmem:s17], [sflag:$0x2], $0x800, $0x38;
	[tilespmem:$0x6000] =	vst v63  }
0xb6: {  	_ =	swait.ge [sflag:s16], $0x800  }
0xb7: {  	[sflag:s16] =	ssyncset.done $0x0  }
0xb8: {  	[sflag:s16] =	ssyncadd.s32 $0xFFFFF800  }
0xb9: {  	[tilespmem:s17], [sflag:$0x2] =	stream.linear.gather [spmem:s7], $0x800, $0x38;
	[tilespmem:$0x6000] =	vst v63  }
0xba: {  	_ =	swait.ge [sflag:s16], $0x800  }
0xbb: {  	[sflag:s16] =	ssyncset.done $0x0  }
0xbc: {  	[sflag:s16] =	ssyncadd.s32 $0xFFFFF800  }
0xbd: {  	[hbm4b:s12+s3] =	stream.linear.scatter [tilespmem:s17], [sflag:$0x2], $0x800, $0x38;
	[tilespmem:$0x6000] =	vst v63  }
0xbe: {  	_ =	swait.ge [sflag:s16], $0x800  }
0xbf: {  	[sflag:s16] =	ssyncset.done $0x0  }
0xc0: {  	[sflag:s16] =	ssyncadd.s32 $0xFFFFF800  }
0xc1: {  	[tilespmem:s17], [sflag:$0x2] =	stream.linear.gather [spmem:s8], $0x800, $0x38;
	[tilespmem:$0x6000] =	vst v63  }
0xc2: {  	_ =	swait.ge [sflag:s16], $0x800  }
0xc3: {  	[sflag:s16] =	ssyncset.done $0x0  }
0xc4: {  	[sflag:s16] =	ssyncadd.s32 $0xFFFFF800  }
0xc5: {  	[hbm4b:s13+s3] =	stream.linear.scatter [tilespmem:s17], [sflag:$0x2], $0x800, $0x38;
	[tilespmem:$0x6000] =	vst v63  }
0xc6: {  	_ =	swait.ge [sflag:s16], $0x800  }
0xc7: {  	[sflag:s16] =	ssyncset.done $0x0  }
0xc8: {  	[sflag:s16] =	ssyncadd.s32 $0xFFFFF800  }
0xc9: {  	[tilespmem:s17], [sflag:$0x2] =	stream.linear.gather [spmem:s9], $0x800, $0x38;
	[tilespmem:$0x6000] =	vst v63  }
0xca: {  	s21 =	sadd.s32 $0x1, s21;
	_ =	swait.ge [sflag:s16], $0x800  }
0xcb: {  	p0 =	sne.s32 s21, s15;
	[sflag:s16] =	ssyncset.done $0x0  }
.Ltmp2:
0xcc: {  	[sflag:s16] =	ssyncadd.s32 $0xFFFFF800;
	(pc) =	sbr.rel @p0 .LBB2_1-.Ltmp2, $4  }
0xcd: {  	[hbm4b:s14+s3] =	stream.linear.scatter [tilespmem:s17], [sflag:$0x2], $0x800, $0x38;
	[tilespmem:$0x6000] =	vst v63  }
0xce: {  	_ =	swait.ge [sflag:s16], $0x800  }
0xcf: {  	[sflag:s16] =	ssyncset.done $0x0  }
0xd0: {  	[sflag:s16] =	ssyncadd.s32 $0xFFFFF800  }
0xd1: {  	_ =	sfence.sel $0x180000  }
0xd2: {  	[bflag:$0x0] =	sbarrier.arrive $0xFFFF  }
0xd3: {  	p0 =	sne.s32 s0, $0x0;
	_ =	strace $0x9000004A  }
0xd4: {  	s0 =	sadd.s32 @!p0 $0x100000, s1;
	[bflag:$0x2] =	sbarrier.arrive $0xFFFF  }
0xd5: {  	[sflag:s0] =	ssyncadd.tile.s32 @!p0 $0x1;
	_ =	shalt  }
.Lfunc_end2:
_tile_overlayer_lowered:
.L_overlay_start_2:
0xd6: {  	(tag) =	ssettag $0x2  }
0xd7: {  	s0 =	rddreg [dreg:$0x0];
	s2 =	stileid.u32  }
0xd8: {  	s1 =	rddreg [dreg:$0x1];
	p0 =	sne.s32 s2, $0x0  }
0xd9: {  	s3 =	rddreg [dreg:$0x2];
	[bflag:$0x3] =	sbarrier.arrive $0xFFFF;
	s2 =	simm.s32 @!p0 $0x1C02  }
0xda: {  	[timem:s3], [sflag:s2] =	dma.local @!p0 [hbm:s0], s1  }
0xdb: {  	s0 =	simm.s32 @!p0 $0x2  }
0xdc: {  	_ =	swait.ge @!p0 [sflag:s0], s1  }
0xdd: {  	s1 =	ssub.s32 @!p0 $0x0, s1;
	[sflag:s0] =	ssyncset.done @!p0 $0x0  }
0xde: {  	[sflag:s0] =	ssyncadd.s32 @!p0 s1  }
0xdf: {  	[bflag:$0x3] =	sbarrier.arrive $0xFFFF  }
0xe0: {  	_ =	shalt  }

// kernel: kernel.17.cloned.1.call-start
scs
__scs_entry_jumppad:
0x0: {  	(pc) =	sbr.rel $0x88, $3  }
0x1: {  	(tag) =	ssettag $0x0;
	lr =	simm.s32 $0x1  }
0x2: {  	[smem:$0x3F95] =	sst lr;
	_ =	strace $0xD0000000  }
0x3: {  	_ = 	snop  }
0x4: {  	_ = 	snop  }
0x5: {  	_ = 	snop  }
0x6: {  	_ = 	snop  }
0x7: {  	_ = 	snop  }
__scs_overlays_trampoline_lowered:
0x8: {  	[smem:$0x3FA4] =	sst s0  }
0x9: {  	[smem:$0x3FA5] =	sst s1  }
0xa: {  	[smem:$0x3FA6] =	sst s2  }
0xb: {  	[smem:$0x3FA7] =	sst s3  }
0xc: {  	[smem:$0x3FA8] =	sst s4  }
0xd: {  	[smem:$0x3FA9] =	sst s5  }
0xe: {  	[smem:$0x3FAA] =	sst s6  }
0xf: {  	[smem:$0x3FAB] =	sst s7  }
0x10: {  	[smem:$0x3FAC] =	sst s8  }
0x11: {  	[smem:$0x3FAD] =	sst s9;
	s0 =	simm.s32 @!p0 $0x0  }
0x12: {  	s1 =	sld [smem:$0x3F93];
	s0 =	simm.s32 @p0 $0x1  }
0x13: {  	[smem:$0x3FAE] =	sst s0;
	s0 =	simm.s32 @!p1 $0x0  }
0x14: {  	s2 =	sld [smem:$0x3F92];
	s0 =	simm.s32 @p1 $0x1  }
0x15: {  	[smem:$0x3FAF] =	sst s0;
	s0 =	simm.s32 @!p2 $0x0  }
0x16: {  	s3 =	sld [smem:$0x3FDB];
	s0 =	simm.s32 @p2 $0x1  }
0x17: {  	s4 =	simm.s32 $0x1BF5;
	[smem:$0x3FB1] =	sst s0  }
0x18: {  	s0 =	sld [smem:$0x3F94];
	_ =	swait.ge [sflag:s4], $0x0  }
0x19: {  	s7 =	sld [smem:$0x3F95]  }
0x1a: {  	s8 =	sadd.s32 $0xFFFFE003, lr  }
0x1b: {  	s9 =	sadd.s32 $0xFFFFFEF7, lr;
	s5 =	simm.s32 $0xFFFFFFFF;
	p2 =	slt.u32 s8, $0xFFFFF086  }
0x1c: {  	p1 =	slt.u32 s9, $0xF7A;
	s5 =	simm.s32 @!p2 $0x0  }
0x1d: {  	s5 =	simm.s32 @p1 $0x1;
	p0 =	seq.s32 s7, s2  }
0x1e: {  	s7 =	smul.u32 @!p0 $0xF7A, s2;
	p2 =	seq.s32 @!p0 s5, $0x0  }
0x1f: {  	s9 =	smul.u32 $0xF7A, s1;
	s8 =	simm.s32 @!p0 $0x1BF5;
	p2 =	por !p2, p0  }
0x20: {  	[sflag:s8] =	ssyncset.s32 @!p0 $0xFFFFF086;
	s6 =	sadd.s32 @!p0 s3, s7;
	s7 =	simm.s32 @!p0 $0x108  }
0x21: {  	s3 =	sadd.s32 s3, s9;
	s6 =	sadd.s32 @!p0 $0x88, s6;
	s7 =	simm.s32 @p2 $0x1082  }
0x22: {  	[simem:s7], [sflag:s8] =	dma.local @!p0 [hbm:s6], $0xF7A  }
0x23: {  	s9 =	sor.u32 $0xD0000000, s2;
	s6 =	simm.s32 $0x108;
	_ =	swait.ge @!p0 [sflag:s8], $0x0  }
0x24: {  	s3 =	sadd.s32 $0x88, s3;
	s6 =	simm.s32 @!p1 $0x1082;
	[sflag:s4] =	ssyncset.s32 $0xFFFFF086  }
0x25: {  	[simem:s6], [sflag:s4] =	dma.local [hbm:s3], $0xF7A  }
0x26: {  	[smem:$0x3F95] =	sst s1;
	(tag) =	ssettag s2;
	_ =	strace s9  }
0x27: {  	s1 =	sld [smem:$0x3FA5]  }
0x28: {  	s2 =	sld [smem:$0x3FA6]  }
0x29: {  	s4 =	sld [smem:$0x3FA8]  }
0x2a: {  	p0 =	seq.s32 s5, $0x0;
	s5 =	sld [smem:$0x3FA9]  }
0x2b: {  	s6 =	sld [smem:$0x3FAA]  }
0x2c: {  	s7 =	sld [smem:$0x3FAB]  }
0x2d: {  	s3 =	simm.s32 $0x108;
	s8 =	sld [smem:$0x3FAC]  }
0x2e: {  	s3 =	simm.s32 @!p0 $0x1082;
	s9 =	sld [smem:$0x3FAD]  }
0x2f: {  	lr =	sadd.s32 s0, s3;
	s0 =	sld [smem:$0x3FA4]  }
0x30: {  	s3 =	sld [smem:$0x3FA7]  }
0x31: {  	[smem:$0x3FB0] =	sst s10  }
0x32: {  	s10 =	sld [smem:$0x3FAE];
	_ =	sdelay $0x3  }
0x33: {  	p0 =	seq.s32 s10, $0x1;
	s10 =	sld [smem:$0x3FB0];
	_ =	sdelay $0x3  }
0x34: {  	[smem:$0x3FB0] =	sst s10  }
0x35: {  	s10 =	sld [smem:$0x3FAF];
	_ =	sdelay $0x3  }
0x36: {  	p1 =	seq.s32 s10, $0x1;
	s10 =	sld [smem:$0x3FB0];
	_ =	sdelay $0x3  }
0x37: {  	[smem:$0x3FB0] =	sst s10  }
0x38: {  	s10 =	sld [smem:$0x3FB1]  }
0x39: {  	_ = 	snop;
	(pc) =	sbr.ind lr, $3  }
0x3a: {  	_ = 	snop  }
0x3b: {  	_ = 	snop  }
0x3c: {  	p2 =	seq.s32 s10, $0x1;
	s10 =	sld [smem:$0x3FB0]  }
0x3d: {  	_ =	shalt  }
0x3e: {  	_ =	shalt  }
0x3f: {  	_ =	shalt  }
0x40: {  	_ =	shalt  }
0x41: {  	_ =	shalt  }
0x42: {  	_ =	shalt  }
0x43: {  	_ =	shalt  }
0x44: {  	_ =	shalt  }
0x45: {  	_ =	shalt  }
0x46: {  	_ =	shalt  }
0x47: {  	_ =	shalt  }
0x48: {  	_ =	shalt  }
0x49: {  	_ =	shalt  }
0x4a: {  	_ =	shalt  }
0x4b: {  	_ =	shalt  }
0x4c: {  	_ =	shalt  }
0x4d: {  	_ =	shalt  }
0x4e: {  	_ =	shalt  }
0x4f: {  	_ =	shalt  }
0x50: {  	_ =	shalt  }
0x51: {  	_ =	shalt  }
0x52: {  	_ =	shalt  }
0x53: {  	_ =	shalt  }
0x54: {  	_ =	shalt  }
0x55: {  	_ =	shalt  }
0x56: {  	_ =	shalt  }
0x57: {  	_ =	shalt  }
0x58: {  	_ =	shalt  }
0x59: {  	_ =	shalt  }
0x5a: {  	_ =	shalt  }
0x5b: {  	_ =	shalt  }
0x5c: {  	_ =	shalt  }
0x5d: {  	_ =	shalt  }
0x5e: {  	_ =	shalt  }
0x5f: {  	_ =	shalt  }
0x60: {  	_ =	shalt  }
0x61: {  	_ =	shalt  }
0x62: {  	_ =	shalt  }
0x63: {  	_ =	shalt  }
0x64: {  	_ =	shalt  }
0x65: {  	_ =	shalt  }
0x66: {  	_ =	shalt  }
0x67: {  	_ =	shalt  }
0x68: {  	_ =	shalt  }
0x69: {  	_ =	shalt  }
0x6a: {  	_ =	shalt  }
0x6b: {  	_ =	shalt  }
0x6c: {  	_ =	shalt  }
0x6d: {  	_ =	shalt  }
0x6e: {  	_ =	shalt  }
0x6f: {  	_ =	shalt  }
0x70: {  	_ =	shalt  }
0x71: {  	_ =	shalt  }
0x72: {  	_ =	shalt  }
0x73: {  	_ =	shalt  }
0x74: {  	_ =	shalt  }
0x75: {  	_ =	shalt  }
0x76: {  	_ =	shalt  }
0x77: {  	_ =	shalt  }
0x78: {  	_ =	shalt  }
0x79: {  	_ =	shalt  }
0x7a: {  	_ =	shalt  }
0x7b: {  	_ =	shalt  }
0x7c: {  	_ =	shalt  }
0x7d: {  	_ =	shalt  }
0x7e: {  	_ =	shalt  }
0x7f: {  	_ =	shalt  }
0x80: {  	_ =	shalt  }
0x81: {  	_ =	shalt  }
0x82: {  	_ =	shalt  }
0x83: {  	_ =	shalt  }
0x84: {  	_ =	shalt  }
0x85: {  	_ =	shalt  }
0x86: {  	_ =	shalt  }
0x87: {  	_ =	shalt  }
.Lfunc_end0:
.L_simem_size_0:
called_computation.2_lowered:
.L_overlay_start_0:
0x88: {  	s2 =	sld [smem:$0x3FD9]  }
0x89: {  	s3 =	sld [smem:$0x3FFE];
	_ =	sdelay $0x1  }
0x8a: {  	s1 =	srdreg.scid  }
0x8b: {  	s0 =	sand.u32 $0x1, s1  }
0x8c: {  	s16 =	sshll.u32 s0, $0xA;
	s2 =	sadd.s32 s3, s2  }
0x8d: {  	s2 =	sadd.s32 s2, s16  }
0x8e: {  	[smem:$0x3FBC] =	sst s2  }
0x8f: {  	_ = 	snop  }
0x90: {  	(tm) =	ssettm $0x1  }
0x91: {  	s17 =	sld [smem:$0x3FFB];
	_ =	sdelay $0x3  }
0x92: {  	_ =	strace s17  }
0x93: {  	s2 =	sld [smem:$0x3FFC];
	_ =	sdelay $0x3  }
0x94: {  	_ =	strace s2  }
0x95: {  	s2 =	sld [smem:$0x3FFD];
	_ =	sdelay $0x3  }
0x96: {  	_ =	strace s2  }
0x97: {  	_ =	strace $0x8FFFFFFF  }
0x98: {  	s18 =	sld [smem:$0x3FDB];
	_ =	sdelay $0x1  }
0x99: {  	s19 =	simm.s32 $_scs_section_size  }
0x9a: {  	s4 =	simm.s32 $_size__tile_overlayer_lowered;
	s5 =	simm.s32 $_tile_overlayer_lowered  }
0x9b: {  	s22 =	simm.s32 $0x1BFF;
	s21 =	sshll.u32 s5, $0x1;
	s2 =	sadd.s32 s19, s18  }
0x9c: {  	s6 =	simm.s32 $0x0;
	s20 =	sshll.u32 s4, $0x1;
	s4 =	sadd.s32 s21, s2  }
0x9d: {  	[timem:s6], [sflag:s22] =	dma.local [hbm:s4], s20  }
0x9e: {  	_ =	swait.ge [sflag:s22], s20  }
0x9f: {  	s3 =	ssub.s32 $0x0, s20;
	[sflag:s22] =	ssyncset.done $0x0  }
0xa0: {  	[sflag:s22] =	ssyncadd.s32 s3;
	_ =	sdelay $0x1  }
0xa1: {  	s23 =	simm.s32 $0x1B8B  }
0xa2: {  	_ =	swait.ge [sflag:s23], $0x1  }
0xa3: {  	[sflag:s23] =	ssyncset.done $0x0  }
0xa4: {  	s25 =	simm.s32 $0x1B8E;
	s24 =	sld [smem:$0x3FFE];
	[sflag:s23] =	ssyncadd.s32 $0xFFFFFFFF  }
0xa5: {  	s26 =	simm.s32 $execute0_lowered;
	[smem:$0x3FD2] =	sst s25  }
0xa6: {  	s4 =	sshll.u32 s26, $0x1;
	_ =	strace $0x8000004C;
	[dreg:$0x1] =	wrdreg $0xFFFFFFFF  }
0xa7: {  	s28 =	simm.s32 $_size_execute0_lowered;
	s2 =	sadd.s32 s2, s4;
	[dreg:$0x0] =	wrdreg $0x0  }
0xa8: {  	s4 =	sshll.u32 s28, $0x1;
	[dreg:$0x2] =	wrdreg s2  }
0xa9: {  	[dreg:$0x3] =	wrdreg s4  }
0xaa: {  	[dreg:$0x4] =	wrdreg $0xC0  }
0xab: {  	_ =	task [dreg:s6], $0x5FFFF  }
0xac: {  	[dreg:$0x1] =	wrdreg $0xFFFFFFFF  }
0xad: {  	[dreg:$0x0] =	wrdreg $0x60  }
0xae: {  	[dreg:$0x2] =	wrdreg s24  }
0xaf: {  	[dreg:$0x3] =	wrdreg $0x140000  }
0xb0: {  	[dreg:$0x4] =	wrdreg $0x9  }
0xb1: {  	_ =	task.clear_ibuf [dreg:s6], $0x5FFFF;
	_ =	strace $0x9000004C  }
0xb2: {  	s29 =	simm.s32 $0x9;
	_ =	strace $0x8000004E  }
0xb3: {  	_ =	swait.ge [sflag:s29], $0x1  }
0xb4: {  	[sflag:s29] =	ssyncadd.s32 $0xFFFFFFFF  }
0xb5: {  	_ =	strace $0x9000004E  }
0xb6: {  	_ =	sfence  }
0xb7: {  	s30 =	sld [smem:$0x0];
	_ =	sdelay $0x2  }
0xb8: {  	s31 =	sshll.u32 s1, $0xD;
	s1 =	sshrl.u32 s1, $0x2  }
0xb9: {  	s3 =	sand.u32 $0x4000, s31;
	s1 =	sadd.s32 s1, s30  }
0xba: {  	s0 =	sor.u32 s3, s0;
	s1 =	sshll.u32 s1, $0x11  }
0xbb: {  	s0 =	sor.u32 s1, s0  }
0xbc: {  	s0 =	sadd.s32 $0x8F2B, s0  }
0xbd: {  	[sflag:s0] =	ssyncadd.remote.s32 $0x1  }
0xbe: {  	_ =	sfence.sel $0xFFFF  }
0xbf: {  	[dreg:$0x0] =	wrdreg $0xFFFFFFFF;
	(pc) =	sbr.abs _section_cstart, $3  }
0xc0: {  	[dreg:$0x1] =	wrdreg $0xFFFFFFFF  }
0xc1: {  	_ =	task.clear_ibuf [dreg:s6], $0x2FFFF;
	_ =	strace $0x9FFFFFFF  }
0xc2: {  	(tm) =	ssettm $0x7FFFFFFF  }
0xc3: {  	_ =	shalt  }
tec
execute0_lowered:
.L_overlay_start_1:
0x0: {  	(tag) =	ssettag $0x1  }
0x1: {  	s0 =	rddreg [dreg:$0x0]  }
0x2: {  	s1 =	rddreg [dreg:$0x1];
	s3 =	srdreg.scid  }
0x3: {  	s2 =	simm.s32 $0x0;
	s8 =	stileid.u32;
	s18 =	simm.s32 $0x9  }
0x4: {  	s20 =	simm.s32 $0x12000;
	s21 =	simm.s32 $0x80;
	s28 =	simm.s32 $0x10000  }
0x5: {  	s29 =	simm.s32 $0x1;
	s30 =	simm.s32 $0x2;
	s6 =	smul.u32 $0xA00, s8  }
0x6: {  	s31 =	simm.s32 $0x3;
	s3 =	sand.u32 $0x1, s3;
	s10 =	smul.u32 $0xA000, s8  }
0x7: {  	[smem:$0x7FF] =	sst s2;
	s4 =	smul.u32 $0xA0000, s3;
	s3 =	ssub.s32 $0x2, s3  }
0x8: {  	s19 =	simm.s32 $0x6;
	_ =	strace $0x8000004D;
	s7 =	sshrl.u32 s3, $0x1  }
0x9: {  	s6 =	sadd.s32 s6, s0;
	s11 =	sadd.s32 $0x2000, s10;
	s12 =	sadd.s32 $0x4000, s10  }
0xa: {  	s14 =	sadd.s32 $0x6000, s10;
	s15 =	sadd.s32 $0x8000, s10;
	s5 =	sshrl.u32 s4, $0x3  }
0xb: {  	s3 =	ssub.s32 s3, s7;
	s22 =	sadd.s32 $0x16E00, s6;
	s6 =	sadd.s32 $0x20E00, s6  }
0xc: {  	s7 =	sadd.s32 s11, s1;
	s8 =	sadd.s32 s12, s1;
	s9 =	sadd.s32 s14, s1  }
0xd: {  	s13 =	sadd.s32 s10, s4;
	s11 =	sadd.s32 s4, s11;
	s25 =	sadd.s32 s4, s12  }
0xe: {  	s26 =	sadd.s32 s4, s14;
	s4 =	sadd.s32 s4, s15;
	[dreg:$0x3] =	wrdreg s22  }
0xf: {  	s5 =	sadd.s32 s5, s0;
	s0 =	sadd.s32 $0x52E00, s0;
	[dreg:$0x4] =	wrdreg s6  }
0x10: {  	s6 =	sadd.s32 s10, s1;
	s10 =	sadd.s32 s15, s1;
	s13 =	sshrl.u32 s13, $0x3  }
0x11: {  	s16 =	sshrl.u32 s11, $0x3;
	s12 =	sshrl.u32 s26, $0x3;
	s4 =	sshrl.u32 s4, $0x3  }
0x12: {  	s17 =	smax.u32 s3, $0x1;
	s22 =	simm.s32 $0xA000;
	s3 =	simm.s32 $0x5  }
0x13: {  	s26 =	simm.s32 $0x8;
	s11 =	sadd.s32 $0x2AE00, s5;
	s23 =	sadd.s32 s0, s13  }
0x14: {  	s24 =	sadd.s32 s0, s16;
	s5 =	sshrl.u32 s25, $0x3;
	s15 =	sadd.s32 s0, s12  }
0x15: {  	s16 =	sadd.s32 s0, s4;
	s25 =	simm.s32 $0xE000;
	[dreg:$0x5] =	wrdreg s23  }
0x16: {  	s4 =	simm.s32 $0x0;
	[dreg:$0x6] =	wrdreg s24;
	s14 =	sadd.s32 s0, s5  }
0x17: {  	v0 =	vimm.f32 $0.0e+00;
	s23 =	simm.s32 $0xC000;
	s0 =	simm.s32 $0x4;
	s24 =	simm.s32 $0x7  }
.LBB2_1:
0x18: {  	s5 =	rddreg [dreg:$0x3]  }
0x19: {  	[tilespmem:s2], [sflag:$0x9] =	stream.linear.gather [hbm4b:s5+s2], $0x5000, $0x38;
	[tilespmem:$0x1E000] =	vst v63  }
0x1a: {  	_ =	swait.ge [sflag:s18], $0x5000  }
0x1b: {  	[sflag:s18] =	ssyncset.done $0x0  }
0x1c: {  	s12 =	simm.s32 $0x5000;
	s13 =	rddreg [dreg:$0x4];
	[sflag:s18] =	ssyncadd.s32 $0xFFFFB000  }
0x1d: {  	[tilespmem:s12], [sflag:$0x9] =	stream.linear.gather [hbm4b:s13+s2], $0x5000, $0x38;
	[tilespmem:$0x1E000] =	vst v63  }
0x1e: {  	_ =	swait.ge [sflag:s18], $0x5000  }
0x1f: {  	[sflag:s18] =	ssyncset.done $0x0  }
0x20: {  	s5 =	simm.s32 $0x0;
	s12 =	simm.s32 $0x100;
	[sflag:s18] =	ssyncadd.s32 $0xFFFFB000  }
.LBB2_2:
0x21: {  	p0 =	sne.s32 s12, $0x7F00;
	[tilespmem:s5+$0x12030] =	vst v0;
	s13 =	smov.u32 s12;
	s12 =	sadd.s32 $0x100, s12  }
.Ltmp0:
0x22: {  	[tilespmem:s5+$0x12020] =	vst v0;
	(pc) =	sbr.rel @p0 .LBB2_2-.Ltmp0, $3  }
0x23: {  	[tilespmem:s5+$0x12000] =	vst v0  }
0x24: {  	[tilespmem:s5+$0x12010] =	vst v0;
	_ =	sdelay $0x1  }
0x25: {  	s5 =	sshra.s32 s13, $0x2  }
0x26: {  	[tilespmem:s5+$0x12030] =	vst v0  }
0x27: {  	[tilespmem:s5+$0x12020] =	vst v0  }
0x28: {  	[tilespmem:s5+$0x12000] =	vst v0  }
0x29: {  	[tilespmem:s5+$0x12010] =	vst v0  }
0x2a: {  	[spmem:s6] =	stream.linear.scatter [tilespmem:s20], [sflag:$0x9], $0x2000, $0x38;
	[tilespmem:$0x1E000] =	vst v63  }
0x2b: {  	_ =	swait.ge [sflag:s18], $0x2000  }
0x2c: {  	[sflag:s18] =	ssyncset.done $0x0  }
0x2d: {  	[sflag:s18] =	ssyncadd.s32 $0xFFFFE000  }
0x2e: {  	[spmem:s7] =	stream.linear.scatter [tilespmem:s20], [sflag:$0x9], $0x2000, $0x38;
	[tilespmem:$0x1E000] =	vst v63  }
0x2f: {  	_ =	swait.ge [sflag:s18], $0x2000  }
0x30: {  	[sflag:s18] =	ssyncset.done $0x0  }
0x31: {  	[sflag:s18] =	ssyncadd.s32 $0xFFFFE000  }
0x32: {  	[spmem:s8] =	stream.linear.scatter [tilespmem:s20], [sflag:$0x9], $0x2000, $0x38;
	[tilespmem:$0x1E000] =	vst v63  }
0x33: {  	_ =	swait.ge [sflag:s18], $0x2000  }
0x34: {  	[sflag:s18] =	ssyncset.done $0x0  }
0x35: {  	[sflag:s18] =	ssyncadd.s32 $0xFFFFE000  }
0x36: {  	[spmem:s9] =	stream.linear.scatter [tilespmem:s20], [sflag:$0x9], $0x2000, $0x38;
	[tilespmem:$0x1E000] =	vst v63  }
0x37: {  	_ =	swait.ge [sflag:s18], $0x2000  }
0x38: {  	[sflag:s18] =	ssyncset.done $0x0  }
0x39: {  	[sflag:s18] =	ssyncadd.s32 $0xFFFFE000  }
0x3a: {  	[spmem:s10] =	stream.linear.scatter [tilespmem:s20], [sflag:$0x9], $0x2000, $0x38;
	[tilespmem:$0x1E000] =	vst v63  }
0x3b: {  	_ =	swait.ge [sflag:s18], $0x2000  }
0x3c: {  	[sflag:s18] =	ssyncset.done $0x0  }
0x3d: {  	[sflag:s18] =	ssyncadd.s32 $0xFFFFE000  }
0x3e: {  	s12 =	simm.s32 $0x0;
	[bflag:$0x0] =	sbarrier.arrive $0xFFFF  }
0x3f: {  	[tilespmem:s22], [sflag:$0x1] =	stream.indirect.gather [hbm4b:s11+s21], $0x40, s12, s21, $0xb8;
	[tilespmem:$0x1E000] =	vst v63  }
0x40: {  	_ = 	snop  }
0x41: {  	[tilespmem:s23], [sflag:$0x2] =	stream.indirect.gather [hbm4b:s11+s21], $0x40, s21, s21, $0xb8;
	[tilespmem:$0x1E000] =	vst v63  }
0x42: {  	s13 =	simm.s32 $0x100  }
0x43: {  	[tilespmem:s25], [sflag:$0x3] =	stream.indirect.gather [hbm4b:s11+s21], $0x40, s13, s21, $0xb8;
	[tilespmem:$0x1E000] =	vst v63  }
0x44: {  	s12 =	simm.s32 $0x180  }
0x45: {  	[tilespmem:s28], [sflag:$0x4] =	stream.indirect.gather [hbm4b:s11+s21], $0x40, s12, s21, $0xb8;
	[tilespmem:$0x1E000] =	vst v63  }
0x46: {  	_ =	swait.ge [sflag:s29], $0x2000  }
0x47: {  	[sflag:s29] =	ssyncset.done $0x0  }
0x48: {  	s13 =	simm.s32 $0x5000;
	[sflag:s29] =	ssyncadd.s32 $0xFFFFE000  }
0x49: {  	[spmem:s1] =	stream.indirect.scatter.add.f32 [tilespmem:s22], [sflag:$0x5], $0x40, s13, s21, $0xb8;
	[tilespmem:$0x1E000] =	vst v63  }
0x4a: {  	_ =	swait.ge [sflag:s30], $0x2000  }
0x4b: {  	[sflag:s30] =	ssyncset.done $0x0  }
0x4c: {  	s12 =	simm.s32 $0x5080;
	[sflag:s30] =	ssyncadd.s32 $0xFFFFE000  }
0x4d: {  	[spmem:s1] =	stream.indirect.scatter.add.f32 [tilespmem:s23], [sflag:$0x6], $0x40, s12, s21, $0xb8;
	[tilespmem:$0x1E000] =	vst v63  }
0x4e: {  	_ =	swait.ge [sflag:s31], $0x2000  }
0x4f: {  	[sflag:s31] =	ssyncset.done $0x0  }
0x50: {  	s13 =	simm.s32 $0x5100;
	[sflag:s31] =	ssyncadd.s32 $0xFFFFE000  }
0x51: {  	[spmem:s1] =	stream.indirect.scatter.add.f32 [tilespmem:s25], [sflag:$0x7], $0x40, s13, s21, $0xb8;
	[tilespmem:$0x1E000] =	vst v63  }
0x52: {  	_ =	swait.ge [sflag:s0], $0x2000  }
0x53: {  	[sflag:s0] =	ssyncset.done $0x0  }
0x54: {  	s12 =	simm.s32 $0x5180;
	[sflag:s0] =	ssyncadd.s32 $0xFFFFE000  }
0x55: {  	[spmem:s1] =	stream.indirect.scatter.add.f32 [tilespmem:s28], [sflag:$0x8], $0x40, s12, s21, $0xb8;
	[tilespmem:$0x1E000] =	vst v63  }
0x56: {  	_ =	swait.ge [sflag:s3], $0x2000  }
0x57: {  	[sflag:s3] =	ssyncset.done $0x0  }
0x58: {  	s13 =	simm.s32 $0x200;
	[sflag:s3] =	ssyncadd.s32 $0xFFFFE000  }
0x59: {  	[tilespmem:s22], [sflag:$0x1] =	stream.indirect.gather [hbm4b:s11+s21], $0x40, s13, s21, $0xb8;
	[tilespmem:$0x1E000] =	vst v63  }
0x5a: {  	_ =	swait.ge [sflag:s19], $0x2000  }
0x5b: {  	[sflag:s19] =	ssyncset.done $0x0  }
0x5c: {  	s12 =	simm.s32 $0x280;
	[sflag:s19] =	ssyncadd.s32 $0xFFFFE000  }
0x5d: {  	[tilespmem:s23], [sflag:$0x2] =	stream.indirect.gather [hbm4b:s11+s21], $0x40, s12, s21, $0xb8;
	[tilespmem:$0x1E000] =	vst v63  }
0x5e: {  	_ =	swait.ge [sflag:s24], $0x2000  }
0x5f: {  	[sflag:s24] =	ssyncset.done $0x0  }
0x60: {  	s13 =	simm.s32 $0x300;
	[sflag:s24] =	ssyncadd.s32 $0xFFFFE000  }
0x61: {  	[tilespmem:s25], [sflag:$0x3] =	stream.indirect.gather [hbm4b:s11+s21], $0x40, s13, s21, $0xb8;
	[tilespmem:$0x1E000] =	vst v63  }
0x62: {  	_ =	swait.ge [sflag:s26], $0x2000  }
0x63: {  	[sflag:s26] =	ssyncset.done $0x0  }
0x64: {  	s5 =	simm.s32 $0x800;
	s12 =	simm.s32 $0x380;
	[sflag:s26] =	ssyncadd.s32 $0xFFFFE000  }
.LBB2_4:
0x65: {  	[tilespmem:s28], [sflag:$0x4] =	stream.indirect.gather [hbm4b:s11+s21], $0x40, s12, s21, $0xb8;
	[tilespmem:$0x1E000] =	vst v63  }
0x66: {  	s12 =	smov.u32 s5  }
0x67: {  	p0 =	sne.s32 s5, $0x13000;
	s5 =	sadd.s32 $0x800, s5;
	_ =	swait.ge [sflag:s29], $0x2000  }
0x68: {  	s12 =	sshra.s32 s12, $0x2;
	[sflag:s29] =	ssyncset.done $0x0  }
0x69: {  	s13 =	sadd.s32 $0x5000, s12;
	[sflag:s29] =	ssyncadd.s32 $0xFFFFE000  }
0x6a: {  	[spmem:s1] =	stream.indirect.scatter.add.f32 [tilespmem:s22], [sflag:$0x5], $0x40, s13, s21, $0xb8;
	[tilespmem:$0x1E000] =	vst v63  }
0x6b: {  	_ =	swait.ge [sflag:s30], $0x2000  }
0x6c: {  	[sflag:s30] =	ssyncset.done $0x0  }
0x6d: {  	s13 =	sadd.s32 $0x5080, s12;
	[sflag:s30] =	ssyncadd.s32 $0xFFFFE000  }
0x6e: {  	[spmem:s1] =	stream.indirect.scatter.add.f32 [tilespmem:s23], [sflag:$0x6], $0x40, s13, s21, $0xb8;
	[tilespmem:$0x1E000] =	vst v63  }
0x6f: {  	_ =	swait.ge [sflag:s31], $0x2000  }
0x70: {  	[sflag:s31] =	ssyncset.done $0x0  }
0x71: {  	s13 =	sadd.s32 $0x5100, s12;
	[sflag:s31] =	ssyncadd.s32 $0xFFFFE000  }
0x72: {  	[spmem:s1] =	stream.indirect.scatter.add.f32 [tilespmem:s25], [sflag:$0x7], $0x40, s13, s21, $0xb8;
	[tilespmem:$0x1E000] =	vst v63  }
0x73: {  	_ =	swait.ge [sflag:s0], $0x2000  }
0x74: {  	[sflag:s0] =	ssyncset.done $0x0  }
0x75: {  	s13 =	sadd.s32 $0x5180, s12;
	[sflag:s0] =	ssyncadd.s32 $0xFFFFE000  }
0x76: {  	[spmem:s1] =	stream.indirect.scatter.add.f32 [tilespmem:s28], [sflag:$0x8], $0x40, s13, s21, $0xb8;
	[tilespmem:$0x1E000] =	vst v63  }
0x77: {  	_ =	swait.ge [sflag:s3], $0x2000  }
0x78: {  	[sflag:s3] =	ssyncset.done $0x0  }
0x79: {  	s13 =	sadd.s32 $0x200, s12;
	[sflag:s3] =	ssyncadd.s32 $0xFFFFE000  }
0x7a: {  	[tilespmem:s22], [sflag:$0x1] =	stream.indirect.gather [hbm4b:s11+s21], $0x40, s13, s21, $0xb8;
	[tilespmem:$0x1E000] =	vst v63  }
0x7b: {  	_ =	swait.ge [sflag:s19], $0x2000  }
0x7c: {  	[sflag:s19] =	ssyncset.done $0x0  }
0x7d: {  	s13 =	sadd.s32 $0x280, s12;
	[sflag:s19] =	ssyncadd.s32 $0xFFFFE000  }
0x7e: {  	[tilespmem:s23], [sflag:$0x2] =	stream.indirect.gather [hbm4b:s11+s21], $0x40, s13, s21, $0xb8;
	[tilespmem:$0x1E000] =	vst v63  }
0x7f: {  	_ =	swait.ge [sflag:s24], $0x2000  }
0x80: {  	[sflag:s24] =	ssyncset.done $0x0  }
.Ltmp1:
0x81: {  	s13 =	sadd.s32 $0x300, s12;
	[sflag:s24] =	ssyncadd.s32 $0xFFFFE000;
	(pc) =	sbr.rel @p0 .LBB2_4-.Ltmp1, $4  }
0x82: {  	[tilespmem:s25], [sflag:$0x3] =	stream.indirect.gather [hbm4b:s11+s21], $0x40, s13, s21, $0xb8;
	[tilespmem:$0x1E000] =	vst v63  }
0x83: {  	_ =	swait.ge [sflag:s26], $0x2000  }
0x84: {  	[sflag:s26] =	ssyncset.done $0x0  }
0x85: {  	s12 =	sadd.s32 $0x380, s12;
	[sflag:s26] =	ssyncadd.s32 $0xFFFFE000  }
0x86: {  	[tilespmem:s28], [sflag:$0x4] =	stream.indirect.gather [hbm4b:s11+s21], $0x40, s12, s21, $0xb8;
	[tilespmem:$0x1E000] =	vst v63  }
0x87: {  	_ =	swait.ge [sflag:s29], $0x2000  }
0x88: {  	[sflag:s29] =	ssyncset.done $0x0  }
0x89: {  	s5 =	simm.s32 $0x9E00;
	[sflag:s29] =	ssyncadd.s32 $0xFFFFE000  }
0x8a: {  	[spmem:s1] =	stream.indirect.scatter.add.f32 [tilespmem:s22], [sflag:$0x5], $0x40, s5, s21, $0xb8;
	[tilespmem:$0x1E000] =	vst v63  }
0x8b: {  	_ =	swait.ge [sflag:s30], $0x2000  }
0x8c: {  	[sflag:s30] =	ssyncset.done $0x0  }
0x8d: {  	s13 =	simm.s32 $0x9E80;
	[sflag:s30] =	ssyncadd.s32 $0xFFFFE000  }
0x8e: {  	[spmem:s1] =	stream.indirect.scatter.add.f32 [tilespmem:s23], [sflag:$0x6], $0x40, s13, s21, $0xb8;
	[tilespmem:$0x1E000] =	vst v63  }
0x8f: {  	_ =	swait.ge [sflag:s31], $0x2000  }
0x90: {  	[sflag:s31] =	ssyncset.done $0x0  }
0x91: {  	s12 =	simm.s32 $0x9F00;
	[sflag:s31] =	ssyncadd.s32 $0xFFFFE000  }
0x92: {  	[spmem:s1] =	stream.indirect.scatter.add.f32 [tilespmem:s25], [sflag:$0x7], $0x40, s12, s21, $0xb8;
	[tilespmem:$0x1E000] =	vst v63  }
0x93: {  	_ =	swait.ge [sflag:s0], $0x2000  }
0x94: {  	[sflag:s0] =	ssyncset.done $0x0  }
0x95: {  	s13 =	simm.s32 $0x9F80;
	[sflag:s0] =	ssyncadd.s32 $0xFFFFE000  }
0x96: {  	[spmem:s1] =	stream.indirect.scatter.add.f32 [tilespmem:s28], [sflag:$0x8], $0x40, s13, s21, $0xb8;
	[tilespmem:$0x1E000] =	vst v63  }
0x97: {  	_ =	swait.ge [sflag:s3], $0x2000  }
0x98: {  	[sflag:s3] =	ssyncset.done $0x0  }
0x99: {  	[sflag:s3] =	ssyncadd.s32 $0xFFFFE000  }
0x9a: {  	_ =	swait.ge [sflag:s19], $0x2000  }
0x9b: {  	[sflag:s19] =	ssyncset.done $0x0  }
0x9c: {  	[sflag:s19] =	ssyncadd.s32 $0xFFFFE000  }
0x9d: {  	_ =	swait.ge [sflag:s24], $0x2000  }
0x9e: {  	[sflag:s24] =	ssyncset.done $0x0  }
0x9f: {  	[sflag:s24] =	ssyncadd.s32 $0xFFFFE000  }
0xa0: {  	_ =	swait.ge [sflag:s26], $0x2000  }
0xa1: {  	[sflag:s26] =	ssyncset.done $0x0  }
0xa2: {  	[sflag:s26] =	ssyncadd.s32 $0xFFFFE000  }
0xa3: {  	[bflag:$0x0] =	sbarrier.arrive $0xFFFF  }
0xa4: {  	[tilespmem:s20], [sflag:$0x9] =	stream.linear.gather [spmem:s6], $0x2000, $0x38;
	[tilespmem:$0x1E000] =	vst v63  }
0xa5: {  	_ =	swait.ge [sflag:s18], $0x2000  }
0xa6: {  	[sflag:s18] =	ssyncset.done $0x0  }
0xa7: {  	s12 =	rddreg [dreg:$0x5];
	[sflag:s18] =	ssyncadd.s32 $0xFFFFE000  }
0xa8: {  	[hbm4b:s12+s2] =	stream.linear.scatter [tilespmem:s20], [sflag:$0x9], $0x2000, $0x38;
	[tilespmem:$0x1E000] =	vst v63  }
0xa9: {  	_ =	swait.ge [sflag:s18], $0x2000  }
0xaa: {  	[sflag:s18] =	ssyncset.done $0x0  }
0xab: {  	[sflag:s18] =	ssyncadd.s32 $0xFFFFE000  }
0xac: {  	[tilespmem:s20], [sflag:$0x9] =	stream.linear.gather [spmem:s7], $0x2000, $0x38;
	[tilespmem:$0x1E000] =	vst v63  }
0xad: {  	_ =	swait.ge [sflag:s18], $0x2000  }
0xae: {  	[sflag:s18] =	ssyncset.done $0x0  }
0xaf: {  	s13 =	rddreg [dreg:$0x6];
	[sflag:s18] =	ssyncadd.s32 $0xFFFFE000  }
0xb0: {  	[hbm4b:s13+s2] =	stream.linear.scatter [tilespmem:s20], [sflag:$0x9], $0x2000, $0x38;
	[tilespmem:$0x1E000] =	vst v63  }
0xb1: {  	_ =	swait.ge [sflag:s18], $0x2000  }
0xb2: {  	[sflag:s18] =	ssyncset.done $0x0  }
0xb3: {  	[sflag:s18] =	ssyncadd.s32 $0xFFFFE000  }
0xb4: {  	[tilespmem:s20], [sflag:$0x9] =	stream.linear.gather [spmem:s8], $0x2000, $0x38;
	[tilespmem:$0x1E000] =	vst v63  }
0xb5: {  	_ =	swait.ge [sflag:s18], $0x2000  }
0xb6: {  	[sflag:s18] =	ssyncset.done $0x0  }
0xb7: {  	[sflag:s18] =	ssyncadd.s32 $0xFFFFE000  }
0xb8: {  	[hbm4b:s14+s2] =	stream.linear.scatter [tilespmem:s20], [sflag:$0x9], $0x2000, $0x38;
	[tilespmem:$0x1E000] =	vst v63  }
0xb9: {  	_ =	swait.ge [sflag:s18], $0x2000  }
0xba: {  	[sflag:s18] =	ssyncset.done $0x0  }
0xbb: {  	[sflag:s18] =	ssyncadd.s32 $0xFFFFE000  }
0xbc: {  	[tilespmem:s20], [sflag:$0x9] =	stream.linear.gather [spmem:s9], $0x2000, $0x38;
	[tilespmem:$0x1E000] =	vst v63  }
0xbd: {  	_ =	swait.ge [sflag:s18], $0x2000  }
0xbe: {  	[sflag:s18] =	ssyncset.done $0x0  }
0xbf: {  	[sflag:s18] =	ssyncadd.s32 $0xFFFFE000  }
0xc0: {  	[hbm4b:s15+s2] =	stream.linear.scatter [tilespmem:s20], [sflag:$0x9], $0x2000, $0x38;
	[tilespmem:$0x1E000] =	vst v63  }
0xc1: {  	_ =	swait.ge [sflag:s18], $0x2000  }
0xc2: {  	[sflag:s18] =	ssyncset.done $0x0  }
0xc3: {  	[sflag:s18] =	ssyncadd.s32 $0xFFFFE000  }
0xc4: {  	[tilespmem:s20], [sflag:$0x9] =	stream.linear.gather [spmem:s10], $0x2000, $0x38;
	[tilespmem:$0x1E000] =	vst v63  }
0xc5: {  	s4 =	sadd.s32 $0x1, s4;
	_ =	swait.ge [sflag:s18], $0x2000  }
0xc6: {  	p0 =	sne.s32 s4, s17;
	[sflag:s18] =	ssyncset.done $0x0  }
.Ltmp2:
0xc7: {  	[sflag:s18] =	ssyncadd.s32 $0xFFFFE000;
	(pc) =	sbr.rel @p0 .LBB2_1-.Ltmp2, $4  }
0xc8: {  	[hbm4b:s16+s2] =	stream.linear.scatter [tilespmem:s20], [sflag:$0x9], $0x2000, $0x38;
	[tilespmem:$0x1E000] =	vst v63  }
0xc9: {  	_ =	swait.ge [sflag:s18], $0x2000  }
0xca: {  	[sflag:s18] =	ssyncset.done $0x0  }
0xcb: {  	[sflag:s18] =	ssyncadd.s32 $0xFFFFE000  }
0xcc: {  	_ =	sfence.sel $0x180000  }
0xcd: {  	[bflag:$0x0] =	sbarrier.arrive $0xFFFF  }
0xce: {  	_ =	strace $0x9000004D  }
0xcf: {  	s0 =	stileid.u32;
	[bflag:$0x2] =	sbarrier.arrive $0xFFFF  }
0xd0: {  	p0 =	sne.s32 s0, $0x0;
	s0 =	rddreg [dreg:$0x2]  }
0xd1: {  	s0 =	sadd.s32 @!p0 $0x100000, s0  }
0xd2: {  	[sflag:s0] =	ssyncadd.tile.s32 @!p0 $0x1;
	_ =	shalt  }
.Lfunc_end2:
_tile_overlayer_lowered:
.L_overlay_start_2:
0xd3: {  	(tag) =	ssettag $0x2  }
0xd4: {  	s0 =	rddreg [dreg:$0x0];
	s2 =	stileid.u32  }
0xd5: {  	s1 =	rddreg [dreg:$0x1];
	p0 =	sne.s32 s2, $0x0  }
0xd6: {  	s3 =	rddreg [dreg:$0x2];
	[bflag:$0x3] =	sbarrier.arrive $0xFFFF;
	s2 =	simm.s32 @!p0 $0x1C09  }
0xd7: {  	[timem:s3], [sflag:s2] =	dma.local @!p0 [hbm:s0], s1  }
0xd8: {  	s0 =	simm.s32 @!p0 $0x9  }
0xd9: {  	_ =	swait.ge @!p0 [sflag:s0], s1  }
0xda: {  	s1 =	ssub.s32 @!p0 $0x0, s1;
	[sflag:s0] =	ssyncset.done @!p0 $0x0  }
0xdb: {  	[sflag:s0] =	ssyncadd.s32 @!p0 s1  }
0xdc: {  	[bflag:$0x3] =	sbarrier.arrive $0xFFFF  }
0xdd: {  	_ =	shalt  }

// kernel: kernel.20.cloned.1.call-start
scs
__scs_entry_jumppad:
0x0: {  	(pc) =	sbr.rel $0x88, $3  }
0x1: {  	(tag) =	ssettag $0x0;
	lr =	simm.s32 $0x1  }
0x2: {  	[smem:$0x3F95] =	sst lr;
	_ =	strace $0xD0000000  }
0x3: {  	_ = 	snop  }
0x4: {  	_ = 	snop  }
0x5: {  	_ = 	snop  }
0x6: {  	_ = 	snop  }
0x7: {  	_ = 	snop  }
__scs_overlays_trampoline_lowered:
0x8: {  	[smem:$0x3FA4] =	sst s0  }
0x9: {  	[smem:$0x3FA5] =	sst s1  }
0xa: {  	[smem:$0x3FA6] =	sst s2  }
0xb: {  	[smem:$0x3FA7] =	sst s3  }
0xc: {  	[smem:$0x3FA8] =	sst s4  }
0xd: {  	[smem:$0x3FA9] =	sst s5  }
0xe: {  	[smem:$0x3FAA] =	sst s6  }
0xf: {  	[smem:$0x3FAB] =	sst s7  }
0x10: {  	[smem:$0x3FAC] =	sst s8  }
0x11: {  	[smem:$0x3FAD] =	sst s9;
	s0 =	simm.s32 @!p0 $0x0  }
0x12: {  	s1 =	sld [smem:$0x3F93];
	s0 =	simm.s32 @p0 $0x1  }
0x13: {  	[smem:$0x3FAE] =	sst s0;
	s0 =	simm.s32 @!p1 $0x0  }
0x14: {  	s2 =	sld [smem:$0x3F92];
	s0 =	simm.s32 @p1 $0x1  }
0x15: {  	[smem:$0x3FAF] =	sst s0;
	s0 =	simm.s32 @!p2 $0x0  }
0x16: {  	s3 =	sld [smem:$0x3FDB];
	s0 =	simm.s32 @p2 $0x1  }
0x17: {  	s4 =	simm.s32 $0x1BF5;
	[smem:$0x3FB1] =	sst s0  }
0x18: {  	s0 =	sld [smem:$0x3F94];
	_ =	swait.ge [sflag:s4], $0x0  }
0x19: {  	s7 =	sld [smem:$0x3F95]  }
0x1a: {  	s8 =	sadd.s32 $0xFFFFE003, lr  }
0x1b: {  	s9 =	sadd.s32 $0xFFFFFEF7, lr;
	s5 =	simm.s32 $0xFFFFFFFF;
	p2 =	slt.u32 s8, $0xFFFFF086  }
0x1c: {  	p1 =	slt.u32 s9, $0xF7A;
	s5 =	simm.s32 @!p2 $0x0  }
0x1d: {  	s5 =	simm.s32 @p1 $0x1;
	p0 =	seq.s32 s7, s2  }
0x1e: {  	s7 =	smul.u32 @!p0 $0xF7A, s2;
	p2 =	seq.s32 @!p0 s5, $0x0  }
0x1f: {  	s9 =	smul.u32 $0xF7A, s1;
	s8 =	simm.s32 @!p0 $0x1BF5;
	p2 =	por !p2, p0  }
0x20: {  	[sflag:s8] =	ssyncset.s32 @!p0 $0xFFFFF086;
	s6 =	sadd.s32 @!p0 s3, s7;
	s7 =	simm.s32 @!p0 $0x108  }
0x21: {  	s3 =	sadd.s32 s3, s9;
	s6 =	sadd.s32 @!p0 $0x88, s6;
	s7 =	simm.s32 @p2 $0x1082  }
0x22: {  	[simem:s7], [sflag:s8] =	dma.local @!p0 [hbm:s6], $0xF7A  }
0x23: {  	s9 =	sor.u32 $0xD0000000, s2;
	s6 =	simm.s32 $0x108;
	_ =	swait.ge @!p0 [sflag:s8], $0x0  }
0x24: {  	s3 =	sadd.s32 $0x88, s3;
	s6 =	simm.s32 @!p1 $0x1082;
	[sflag:s4] =	ssyncset.s32 $0xFFFFF086  }
0x25: {  	[simem:s6], [sflag:s4] =	dma.local [hbm:s3], $0xF7A  }
0x26: {  	[smem:$0x3F95] =	sst s1;
	(tag) =	ssettag s2;
	_ =	strace s9  }
0x27: {  	s1 =	sld [smem:$0x3FA5]  }
0x28: {  	s2 =	sld [smem:$0x3FA6]  }
0x29: {  	s4 =	sld [smem:$0x3FA8]  }
0x2a: {  	p0 =	seq.s32 s5, $0x0;
	s5 =	sld [smem:$0x3FA9]  }
0x2b: {  	s6 =	sld [smem:$0x3FAA]  }
0x2c: {  	s7 =	sld [smem:$0x3FAB]  }
0x2d: {  	s3 =	simm.s32 $0x108;
	s8 =	sld [smem:$0x3FAC]  }
0x2e: {  	s3 =	simm.s32 @!p0 $0x1082;
	s9 =	sld [smem:$0x3FAD]  }
0x2f: {  	lr =	sadd.s32 s0, s3;
	s0 =	sld [smem:$0x3FA4]  }
0x30: {  	s3 =	sld [smem:$0x3FA7]  }
0x31: {  	[smem:$0x3FB0] =	sst s10  }
0x32: {  	s10 =	sld [smem:$0x3FAE];
	_ =	sdelay $0x3  }
0x33: {  	p0 =	seq.s32 s10, $0x1;
	s10 =	sld [smem:$0x3FB0];
	_ =	sdelay $0x3  }
0x34: {  	[smem:$0x3FB0] =	sst s10  }
0x35: {  	s10 =	sld [smem:$0x3FAF];
	_ =	sdelay $0x3  }
0x36: {  	p1 =	seq.s32 s10, $0x1;
	s10 =	sld [smem:$0x3FB0];
	_ =	sdelay $0x3  }
0x37: {  	[smem:$0x3FB0] =	sst s10  }
0x38: {  	s10 =	sld [smem:$0x3FB1]  }
0x39: {  	_ = 	snop;
	(pc) =	sbr.ind lr, $3  }
0x3a: {  	_ = 	snop  }
0x3b: {  	_ = 	snop  }
0x3c: {  	p2 =	seq.s32 s10, $0x1;
	s10 =	sld [smem:$0x3FB0]  }
0x3d: {  	_ =	shalt  }
0x3e: {  	_ =	shalt  }
0x3f: {  	_ =	shalt  }
0x40: {  	_ =	shalt  }
0x41: {  	_ =	shalt  }
0x42: {  	_ =	shalt  }
0x43: {  	_ =	shalt  }
0x44: {  	_ =	shalt  }
0x45: {  	_ =	shalt  }
0x46: {  	_ =	shalt  }
0x47: {  	_ =	shalt  }
0x48: {  	_ =	shalt  }
0x49: {  	_ =	shalt  }
0x4a: {  	_ =	shalt  }
0x4b: {  	_ =	shalt  }
0x4c: {  	_ =	shalt  }
0x4d: {  	_ =	shalt  }
0x4e: {  	_ =	shalt  }
0x4f: {  	_ =	shalt  }
0x50: {  	_ =	shalt  }
0x51: {  	_ =	shalt  }
0x52: {  	_ =	shalt  }
0x53: {  	_ =	shalt  }
0x54: {  	_ =	shalt  }
0x55: {  	_ =	shalt  }
0x56: {  	_ =	shalt  }
0x57: {  	_ =	shalt  }
0x58: {  	_ =	shalt  }
0x59: {  	_ =	shalt  }
0x5a: {  	_ =	shalt  }
0x5b: {  	_ =	shalt  }
0x5c: {  	_ =	shalt  }
0x5d: {  	_ =	shalt  }
0x5e: {  	_ =	shalt  }
0x5f: {  	_ =	shalt  }
0x60: {  	_ =	shalt  }
0x61: {  	_ =	shalt  }
0x62: {  	_ =	shalt  }
0x63: {  	_ =	shalt  }
0x64: {  	_ =	shalt  }
0x65: {  	_ =	shalt  }
0x66: {  	_ =	shalt  }
0x67: {  	_ =	shalt  }
0x68: {  	_ =	shalt  }
0x69: {  	_ =	shalt  }
0x6a: {  	_ =	shalt  }
0x6b: {  	_ =	shalt  }
0x6c: {  	_ =	shalt  }
0x6d: {  	_ =	shalt  }
0x6e: {  	_ =	shalt  }
0x6f: {  	_ =	shalt  }
0x70: {  	_ =	shalt  }
0x71: {  	_ =	shalt  }
0x72: {  	_ =	shalt  }
0x73: {  	_ =	shalt  }
0x74: {  	_ =	shalt  }
0x75: {  	_ =	shalt  }
0x76: {  	_ =	shalt  }
0x77: {  	_ =	shalt  }
0x78: {  	_ =	shalt  }
0x79: {  	_ =	shalt  }
0x7a: {  	_ =	shalt  }
0x7b: {  	_ =	shalt  }
0x7c: {  	_ =	shalt  }
0x7d: {  	_ =	shalt  }
0x7e: {  	_ =	shalt  }
0x7f: {  	_ =	shalt  }
0x80: {  	_ =	shalt  }
0x81: {  	_ =	shalt  }
0x82: {  	_ =	shalt  }
0x83: {  	_ =	shalt  }
0x84: {  	_ =	shalt  }
0x85: {  	_ =	shalt  }
0x86: {  	_ =	shalt  }
0x87: {  	_ =	shalt  }
.Lfunc_end0:
.L_simem_size_0:
called_computation.3_lowered:
.L_overlay_start_0:
0x88: {  	s2 =	sld [smem:$0x3FD9]  }
0x89: {  	s3 =	sld [smem:$0x3FFE];
	_ =	sdelay $0x1  }
0x8a: {  	s1 =	srdreg.scid  }
0x8b: {  	s0 =	sand.u32 $0x1, s1  }
0x8c: {  	s16 =	sshll.u32 s0, $0xA;
	s2 =	sadd.s32 s3, s2  }
0x8d: {  	s2 =	sadd.s32 s2, s16  }
0x8e: {  	[smem:$0x3FBC] =	sst s2  }
0x8f: {  	_ = 	snop  }
0x90: {  	(tm) =	ssettm $0x1  }
0x91: {  	s17 =	sld [smem:$0x3FFB];
	_ =	sdelay $0x3  }
0x92: {  	_ =	strace s17  }
0x93: {  	s2 =	sld [smem:$0x3FFC];
	_ =	sdelay $0x3  }
0x94: {  	_ =	strace s2  }
0x95: {  	s2 =	sld [smem:$0x3FFD];
	_ =	sdelay $0x3  }
0x96: {  	_ =	strace s2  }
0x97: {  	_ =	strace $0x8FFFFFFF  }
0x98: {  	s18 =	sld [smem:$0x3FDB];
	_ =	sdelay $0x1  }
0x99: {  	s19 =	simm.s32 $_scs_section_size  }
0x9a: {  	s4 =	simm.s32 $_size__tile_overlayer_lowered;
	s5 =	simm.s32 $_tile_overlayer_lowered  }
0x9b: {  	s22 =	simm.s32 $0x1BFF;
	s21 =	sshll.u32 s5, $0x1;
	s2 =	sadd.s32 s19, s18  }
0x9c: {  	s6 =	simm.s32 $0x0;
	s20 =	sshll.u32 s4, $0x1;
	s4 =	sadd.s32 s21, s2  }
0x9d: {  	[timem:s6], [sflag:s22] =	dma.local [hbm:s4], s20  }
0x9e: {  	_ =	swait.ge [sflag:s22], s20  }
0x9f: {  	s3 =	ssub.s32 $0x0, s20;
	[sflag:s22] =	ssyncset.done $0x0  }
0xa0: {  	[sflag:s22] =	ssyncadd.s32 s3;
	_ =	sdelay $0x1  }
0xa1: {  	s23 =	simm.s32 $0x1B8B  }
0xa2: {  	_ =	swait.ge [sflag:s23], $0x1  }
0xa3: {  	[sflag:s23] =	ssyncset.done $0x0  }
0xa4: {  	s25 =	simm.s32 $0x1B8E;
	s24 =	sld [smem:$0x3FFE];
	[sflag:s23] =	ssyncadd.s32 $0xFFFFFFFF  }
0xa5: {  	s26 =	simm.s32 $execute0_lowered;
	[smem:$0x3FD2] =	sst s25  }
0xa6: {  	s4 =	sshll.u32 s26, $0x1;
	_ =	strace $0x8000004F;
	[dreg:$0x1] =	wrdreg $0xFFFFFFFF  }
0xa7: {  	s28 =	simm.s32 $_size_execute0_lowered;
	s2 =	sadd.s32 s2, s4;
	[dreg:$0x0] =	wrdreg $0x0  }
0xa8: {  	s4 =	sshll.u32 s28, $0x1;
	[dreg:$0x2] =	wrdreg s2  }
0xa9: {  	[dreg:$0x3] =	wrdreg s4  }
0xaa: {  	[dreg:$0x4] =	wrdreg $0xC0  }
0xab: {  	_ =	task [dreg:s6], $0x5FFFF  }
0xac: {  	[dreg:$0x1] =	wrdreg $0xFFFFFFFF  }
0xad: {  	[dreg:$0x0] =	wrdreg $0x60  }
0xae: {  	[dreg:$0x2] =	wrdreg s24  }
0xaf: {  	[dreg:$0x3] =	wrdreg $0x140000  }
0xb0: {  	[dreg:$0x4] =	wrdreg $0x9  }
0xb1: {  	_ =	task.clear_ibuf [dreg:s6], $0x5FFFF;
	_ =	strace $0x9000004F  }
0xb2: {  	s29 =	simm.s32 $0x9;
	_ =	strace $0x80000051  }
0xb3: {  	_ =	swait.ge [sflag:s29], $0x1  }
0xb4: {  	[sflag:s29] =	ssyncadd.s32 $0xFFFFFFFF  }
0xb5: {  	_ =	strace $0x90000051  }
0xb6: {  	_ =	sfence  }
0xb7: {  	s30 =	sld [smem:$0x0];
	_ =	sdelay $0x2  }
0xb8: {  	s31 =	sshll.u32 s1, $0xD;
	s1 =	sshrl.u32 s1, $0x2  }
0xb9: {  	s3 =	sand.u32 $0x4000, s31;
	s1 =	sadd.s32 s1, s30  }
0xba: {  	s0 =	sor.u32 s3, s0;
	s1 =	sshll.u32 s1, $0x11  }
0xbb: {  	s0 =	sor.u32 s1, s0  }
0xbc: {  	s0 =	sadd.s32 $0x8F2B, s0  }
0xbd: {  	[sflag:s0] =	ssyncadd.remote.s32 $0x1  }
0xbe: {  	_ =	sfence.sel $0xFFFF  }
0xbf: {  	[dreg:$0x0] =	wrdreg $0xFFFFFFFF;
	(pc) =	sbr.abs _section_cstart, $3  }
0xc0: {  	[dreg:$0x1] =	wrdreg $0xFFFFFFFF  }
0xc1: {  	_ =	task.clear_ibuf [dreg:s6], $0x2FFFF;
	_ =	strace $0x9FFFFFFF  }
0xc2: {  	(tm) =	ssettm $0x7FFFFFFF  }
0xc3: {  	_ =	shalt  }
tec
execute0_lowered:
.L_overlay_start_1:
0x0: {  	(tag) =	ssettag $0x1  }
0x1: {  	s0 =	rddreg [dreg:$0x0]  }
0x2: {  	s1 =	rddreg [dreg:$0x1];
	s3 =	srdreg.scid  }
0x3: {  	s2 =	simm.s32 $0x0;
	s8 =	stileid.u32;
	s18 =	simm.s32 $0x9  }
0x4: {  	s20 =	simm.s32 $0x12000;
	s21 =	simm.s32 $0x80;
	s28 =	simm.s32 $0x10000  }
0x5: {  	s29 =	simm.s32 $0x1;
	s30 =	simm.s32 $0x2;
	s6 =	smul.u32 $0xA00, s8  }
0x6: {  	s31 =	simm.s32 $0x3;
	s3 =	sand.u32 $0x1, s3;
	s10 =	smul.u32 $0xA000, s8  }
0x7: {  	[smem:$0x7FF] =	sst s2;
	s4 =	smul.u32 $0xA0000, s3;
	s3 =	ssub.s32 $0x2, s3  }
0x8: {  	s19 =	simm.s32 $0x6;
	_ =	strace $0x80000050;
	s7 =	sshrl.u32 s3, $0x1  }
0x9: {  	s6 =	sadd.s32 s6, s0;
	s11 =	sadd.s32 $0x2000, s10;
	s12 =	sadd.s32 $0x4000, s10  }
0xa: {  	s14 =	sadd.s32 $0x6000, s10;
	s15 =	sadd.s32 $0x8000, s10;
	s5 =	sshrl.u32 s4, $0x3  }
0xb: {  	s3 =	ssub.s32 s3, s7;
	s22 =	sadd.s32 $0x16E00, s6;
	s6 =	sadd.s32 $0x20E00, s6  }
0xc: {  	s7 =	sadd.s32 s11, s1;
	s8 =	sadd.s32 s12, s1;
	s9 =	sadd.s32 s14, s1  }
0xd: {  	s13 =	sadd.s32 s10, s4;
	s11 =	sadd.s32 s4, s11;
	s25 =	sadd.s32 s4, s12  }
0xe: {  	s26 =	sadd.s32 s4, s14;
	s4 =	sadd.s32 s4, s15;
	[dreg:$0x3] =	wrdreg s22  }
0xf: {  	s5 =	sadd.s32 s5, s0;
	s0 =	sadd.s32 $0xA2E00, s0;
	[dreg:$0x4] =	wrdreg s6  }
0x10: {  	s6 =	sadd.s32 s10, s1;
	s10 =	sadd.s32 s15, s1;
	s13 =	sshrl.u32 s13, $0x3  }
0x11: {  	s16 =	sshrl.u32 s11, $0x3;
	s12 =	sshrl.u32 s26, $0x3;
	s4 =	sshrl.u32 s4, $0x3  }
0x12: {  	s17 =	smax.u32 s3, $0x1;
	s22 =	simm.s32 $0xA000;
	s3 =	simm.s32 $0x5  }
0x13: {  	s26 =	simm.s32 $0x8;
	s11 =	sadd.s32 $0x7AE00, s5;
	s23 =	sadd.s32 s0, s13  }
0x14: {  	s24 =	sadd.s32 s0, s16;
	s5 =	sshrl.u32 s25, $0x3;
	s15 =	sadd.s32 s0, s12  }
0x15: {  	s16 =	sadd.s32 s0, s4;
	s25 =	simm.s32 $0xE000;
	[dreg:$0x5] =	wrdreg s23  }
0x16: {  	s4 =	simm.s32 $0x0;
	[dreg:$0x6] =	wrdreg s24;
	s14 =	sadd.s32 s0, s5  }
0x17: {  	v0 =	vimm.f32 $0.0e+00;
	s23 =	simm.s32 $0xC000;
	s0 =	simm.s32 $0x4;
	s24 =	simm.s32 $0x7  }
.LBB2_1:
0x18: {  	s5 =	rddreg [dreg:$0x3]  }
0x19: {  	[tilespmem:s2], [sflag:$0x9] =	stream.linear.gather [hbm4b:s5+s2], $0x5000, $0x38;
	[tilespmem:$0x1E000] =	vst v63  }
0x1a: {  	_ =	swait.ge [sflag:s18], $0x5000  }
0x1b: {  	[sflag:s18] =	ssyncset.done $0x0  }
0x1c: {  	s12 =	simm.s32 $0x5000;
	s13 =	rddreg [dreg:$0x4];
	[sflag:s18] =	ssyncadd.s32 $0xFFFFB000  }
0x1d: {  	[tilespmem:s12], [sflag:$0x9] =	stream.linear.gather [hbm4b:s13+s2], $0x5000, $0x38;
	[tilespmem:$0x1E000] =	vst v63  }
0x1e: {  	_ =	swait.ge [sflag:s18], $0x5000  }
0x1f: {  	[sflag:s18] =	ssyncset.done $0x0  }
0x20: {  	s5 =	simm.s32 $0x0;
	s12 =	simm.s32 $0x100;
	[sflag:s18] =	ssyncadd.s32 $0xFFFFB000  }
.LBB2_2:
0x21: {  	p0 =	sne.s32 s12, $0x7F00;
	[tilespmem:s5+$0x12030] =	vst v0;
	s13 =	smov.u32 s12;
	s12 =	sadd.s32 $0x100, s12  }
.Ltmp0:
0x22: {  	[tilespmem:s5+$0x12020] =	vst v0;
	(pc) =	sbr.rel @p0 .LBB2_2-.Ltmp0, $3  }
0x23: {  	[tilespmem:s5+$0x12000] =	vst v0  }
0x24: {  	[tilespmem:s5+$0x12010] =	vst v0;
	_ =	sdelay $0x1  }
0x25: {  	s5 =	sshra.s32 s13, $0x2  }
0x26: {  	[tilespmem:s5+$0x12030] =	vst v0  }
0x27: {  	[tilespmem:s5+$0x12020] =	vst v0  }
0x28: {  	[tilespmem:s5+$0x12000] =	vst v0  }
0x29: {  	[tilespmem:s5+$0x12010] =	vst v0  }
0x2a: {  	[spmem:s6] =	stream.linear.scatter [tilespmem:s20], [sflag:$0x9], $0x2000, $0x38;
	[tilespmem:$0x1E000] =	vst v63  }
0x2b: {  	_ =	swait.ge [sflag:s18], $0x2000  }
0x2c: {  	[sflag:s18] =	ssyncset.done $0x0  }
0x2d: {  	[sflag:s18] =	ssyncadd.s32 $0xFFFFE000  }
0x2e: {  	[spmem:s7] =	stream.linear.scatter [tilespmem:s20], [sflag:$0x9], $0x2000, $0x38;
	[tilespmem:$0x1E000] =	vst v63  }
0x2f: {  	_ =	swait.ge [sflag:s18], $0x2000  }
0x30: {  	[sflag:s18] =	ssyncset.done $0x0  }
0x31: {  	[sflag:s18] =	ssyncadd.s32 $0xFFFFE000  }
0x32: {  	[spmem:s8] =	stream.linear.scatter [tilespmem:s20], [sflag:$0x9], $0x2000, $0x38;
	[tilespmem:$0x1E000] =	vst v63  }
0x33: {  	_ =	swait.ge [sflag:s18], $0x2000  }
0x34: {  	[sflag:s18] =	ssyncset.done $0x0  }
0x35: {  	[sflag:s18] =	ssyncadd.s32 $0xFFFFE000  }
0x36: {  	[spmem:s9] =	stream.linear.scatter [tilespmem:s20], [sflag:$0x9], $0x2000, $0x38;
	[tilespmem:$0x1E000] =	vst v63  }
0x37: {  	_ =	swait.ge [sflag:s18], $0x2000  }
0x38: {  	[sflag:s18] =	ssyncset.done $0x0  }
0x39: {  	[sflag:s18] =	ssyncadd.s32 $0xFFFFE000  }
0x3a: {  	[spmem:s10] =	stream.linear.scatter [tilespmem:s20], [sflag:$0x9], $0x2000, $0x38;
	[tilespmem:$0x1E000] =	vst v63  }
0x3b: {  	_ =	swait.ge [sflag:s18], $0x2000  }
0x3c: {  	[sflag:s18] =	ssyncset.done $0x0  }
0x3d: {  	[sflag:s18] =	ssyncadd.s32 $0xFFFFE000  }
0x3e: {  	s12 =	simm.s32 $0x0;
	[bflag:$0x0] =	sbarrier.arrive $0xFFFF  }
0x3f: {  	[tilespmem:s22], [sflag:$0x1] =	stream.indirect.gather [hbm4b:s11+s21], $0x40, s12, s21, $0xb8;
	[tilespmem:$0x1E000] =	vst v63  }
0x40: {  	_ = 	snop  }
0x41: {  	[tilespmem:s23], [sflag:$0x2] =	stream.indirect.gather [hbm4b:s11+s21], $0x40, s21, s21, $0xb8;
	[tilespmem:$0x1E000] =	vst v63  }
0x42: {  	s13 =	simm.s32 $0x100  }
0x43: {  	[tilespmem:s25], [sflag:$0x3] =	stream.indirect.gather [hbm4b:s11+s21], $0x40, s13, s21, $0xb8;
	[tilespmem:$0x1E000] =	vst v63  }
0x44: {  	s12 =	simm.s32 $0x180  }
0x45: {  	[tilespmem:s28], [sflag:$0x4] =	stream.indirect.gather [hbm4b:s11+s21], $0x40, s12, s21, $0xb8;
	[tilespmem:$0x1E000] =	vst v63  }
0x46: {  	_ =	swait.ge [sflag:s29], $0x2000  }
0x47: {  	[sflag:s29] =	ssyncset.done $0x0  }
0x48: {  	s13 =	simm.s32 $0x5000;
	[sflag:s29] =	ssyncadd.s32 $0xFFFFE000  }
0x49: {  	[spmem:s1] =	stream.indirect.scatter.add.f32 [tilespmem:s22], [sflag:$0x5], $0x40, s13, s21, $0xb8;
	[tilespmem:$0x1E000] =	vst v63  }
0x4a: {  	_ =	swait.ge [sflag:s30], $0x2000  }
0x4b: {  	[sflag:s30] =	ssyncset.done $0x0  }
0x4c: {  	s12 =	simm.s32 $0x5080;
	[sflag:s30] =	ssyncadd.s32 $0xFFFFE000  }
0x4d: {  	[spmem:s1] =	stream.indirect.scatter.add.f32 [tilespmem:s23], [sflag:$0x6], $0x40, s12, s21, $0xb8;
	[tilespmem:$0x1E000] =	vst v63  }
0x4e: {  	_ =	swait.ge [sflag:s31], $0x2000  }
0x4f: {  	[sflag:s31] =	ssyncset.done $0x0  }
0x50: {  	s13 =	simm.s32 $0x5100;
	[sflag:s31] =	ssyncadd.s32 $0xFFFFE000  }
0x51: {  	[spmem:s1] =	stream.indirect.scatter.add.f32 [tilespmem:s25], [sflag:$0x7], $0x40, s13, s21, $0xb8;
	[tilespmem:$0x1E000] =	vst v63  }
0x52: {  	_ =	swait.ge [sflag:s0], $0x2000  }
0x53: {  	[sflag:s0] =	ssyncset.done $0x0  }
0x54: {  	s12 =	simm.s32 $0x5180;
	[sflag:s0] =	ssyncadd.s32 $0xFFFFE000  }
0x55: {  	[spmem:s1] =	stream.indirect.scatter.add.f32 [tilespmem:s28], [sflag:$0x8], $0x40, s12, s21, $0xb8;
	[tilespmem:$0x1E000] =	vst v63  }
0x56: {  	_ =	swait.ge [sflag:s3], $0x2000  }
0x57: {  	[sflag:s3] =	ssyncset.done $0x0  }
0x58: {  	s13 =	simm.s32 $0x200;
	[sflag:s3] =	ssyncadd.s32 $0xFFFFE000  }
0x59: {  	[tilespmem:s22], [sflag:$0x1] =	stream.indirect.gather [hbm4b:s11+s21], $0x40, s13, s21, $0xb8;
	[tilespmem:$0x1E000] =	vst v63  }
0x5a: {  	_ =	swait.ge [sflag:s19], $0x2000  }
0x5b: {  	[sflag:s19] =	ssyncset.done $0x0  }
0x5c: {  	s12 =	simm.s32 $0x280;
	[sflag:s19] =	ssyncadd.s32 $0xFFFFE000  }
0x5d: {  	[tilespmem:s23], [sflag:$0x2] =	stream.indirect.gather [hbm4b:s11+s21], $0x40, s12, s21, $0xb8;
	[tilespmem:$0x1E000] =	vst v63  }
0x5e: {  	_ =	swait.ge [sflag:s24], $0x2000  }
0x5f: {  	[sflag:s24] =	ssyncset.done $0x0  }
0x60: {  	s13 =	simm.s32 $0x300;
	[sflag:s24] =	ssyncadd.s32 $0xFFFFE000  }
0x61: {  	[tilespmem:s25], [sflag:$0x3] =	stream.indirect.gather [hbm4b:s11+s21], $0x40, s13, s21, $0xb8;
	[tilespmem:$0x1E000] =	vst v63  }
0x62: {  	_ =	swait.ge [sflag:s26], $0x2000  }
0x63: {  	[sflag:s26] =	ssyncset.done $0x0  }
0x64: {  	s5 =	simm.s32 $0x800;
	s12 =	simm.s32 $0x380;
	[sflag:s26] =	ssyncadd.s32 $0xFFFFE000  }
.LBB2_4:
0x65: {  	[tilespmem:s28], [sflag:$0x4] =	stream.indirect.gather [hbm4b:s11+s21], $0x40, s12, s21, $0xb8;
	[tilespmem:$0x1E000] =	vst v63  }
0x66: {  	s12 =	smov.u32 s5  }
0x67: {  	p0 =	sne.s32 s5, $0x13000;
	s5 =	sadd.s32 $0x800, s5;
	_ =	swait.ge [sflag:s29], $0x2000  }
0x68: {  	s12 =	sshra.s32 s12, $0x2;
	[sflag:s29] =	ssyncset.done $0x0  }
0x69: {  	s13 =	sadd.s32 $0x5000, s12;
	[sflag:s29] =	ssyncadd.s32 $0xFFFFE000  }
0x6a: {  	[spmem:s1] =	stream.indirect.scatter.add.f32 [tilespmem:s22], [sflag:$0x5], $0x40, s13, s21, $0xb8;
	[tilespmem:$0x1E000] =	vst v63  }
0x6b: {  	_ =	swait.ge [sflag:s30], $0x2000  }
0x6c: {  	[sflag:s30] =	ssyncset.done $0x0  }
0x6d: {  	s13 =	sadd.s32 $0x5080, s12;
	[sflag:s30] =	ssyncadd.s32 $0xFFFFE000  }
0x6e: {  	[spmem:s1] =	stream.indirect.scatter.add.f32 [tilespmem:s23], [sflag:$0x6], $0x40, s13, s21, $0xb8;
	[tilespmem:$0x1E000] =	vst v63  }
0x6f: {  	_ =	swait.ge [sflag:s31], $0x2000  }
0x70: {  	[sflag:s31] =	ssyncset.done $0x0  }
0x71: {  	s13 =	sadd.s32 $0x5100, s12;
	[sflag:s31] =	ssyncadd.s32 $0xFFFFE000  }
0x72: {  	[spmem:s1] =	stream.indirect.scatter.add.f32 [tilespmem:s25], [sflag:$0x7], $0x40, s13, s21, $0xb8;
	[tilespmem:$0x1E000] =	vst v63  }
0x73: {  	_ =	swait.ge [sflag:s0], $0x2000  }
0x74: {  	[sflag:s0] =	ssyncset.done $0x0  }
0x75: {  	s13 =	sadd.s32 $0x5180, s12;
	[sflag:s0] =	ssyncadd.s32 $0xFFFFE000  }
0x76: {  	[spmem:s1] =	stream.indirect.scatter.add.f32 [tilespmem:s28], [sflag:$0x8], $0x40, s13, s21, $0xb8;
	[tilespmem:$0x1E000] =	vst v63  }
0x77: {  	_ =	swait.ge [sflag:s3], $0x2000  }
0x78: {  	[sflag:s3] =	ssyncset.done $0x0  }
0x79: {  	s13 =	sadd.s32 $0x200, s12;
	[sflag:s3] =	ssyncadd.s32 $0xFFFFE000  }
0x7a: {  	[tilespmem:s22], [sflag:$0x1] =	stream.indirect.gather [hbm4b:s11+s21], $0x40, s13, s21, $0xb8;
	[tilespmem:$0x1E000] =	vst v63  }
0x7b: {  	_ =	swait.ge [sflag:s19], $0x2000  }
0x7c: {  	[sflag:s19] =	ssyncset.done $0x0  }
0x7d: {  	s13 =	sadd.s32 $0x280, s12;
	[sflag:s19] =	ssyncadd.s32 $0xFFFFE000  }
0x7e: {  	[tilespmem:s23], [sflag:$0x2] =	stream.indirect.gather [hbm4b:s11+s21], $0x40, s13, s21, $0xb8;
	[tilespmem:$0x1E000] =	vst v63  }
0x7f: {  	_ =	swait.ge [sflag:s24], $0x2000  }
0x80: {  	[sflag:s24] =	ssyncset.done $0x0  }
.Ltmp1:
0x81: {  	s13 =	sadd.s32 $0x300, s12;
	[sflag:s24] =	ssyncadd.s32 $0xFFFFE000;
	(pc) =	sbr.rel @p0 .LBB2_4-.Ltmp1, $4  }
0x82: {  	[tilespmem:s25], [sflag:$0x3] =	stream.indirect.gather [hbm4b:s11+s21], $0x40, s13, s21, $0xb8;
	[tilespmem:$0x1E000] =	vst v63  }
0x83: {  	_ =	swait.ge [sflag:s26], $0x2000  }
0x84: {  	[sflag:s26] =	ssyncset.done $0x0  }
0x85: {  	s12 =	sadd.s32 $0x380, s12;
	[sflag:s26] =	ssyncadd.s32 $0xFFFFE000  }
0x86: {  	[tilespmem:s28], [sflag:$0x4] =	stream.indirect.gather [hbm4b:s11+s21], $0x40, s12, s21, $0xb8;
	[tilespmem:$0x1E000] =	vst v63  }
0x87: {  	_ =	swait.ge [sflag:s29], $0x2000  }
0x88: {  	[sflag:s29] =	ssyncset.done $0x0  }
0x89: {  	s5 =	simm.s32 $0x9E00;
	[sflag:s29] =	ssyncadd.s32 $0xFFFFE000  }
0x8a: {  	[spmem:s1] =	stream.indirect.scatter.add.f32 [tilespmem:s22], [sflag:$0x5], $0x40, s5, s21, $0xb8;
	[tilespmem:$0x1E000] =	vst v63  }
0x8b: {  	_ =	swait.ge [sflag:s30], $0x2000  }
0x8c: {  	[sflag:s30] =	ssyncset.done $0x0  }
0x8d: {  	s13 =	simm.s32 $0x9E80;
	[sflag:s30] =	ssyncadd.s32 $0xFFFFE000  }
0x8e: {  	[spmem:s1] =	stream.indirect.scatter.add.f32 [tilespmem:s23], [sflag:$0x6], $0x40, s13, s21, $0xb8;
	[tilespmem:$0x1E000] =	vst v63  }
0x8f: {  	_ =	swait.ge [sflag:s31], $0x2000  }
0x90: {  	[sflag:s31] =	ssyncset.done $0x0  }
0x91: {  	s12 =	simm.s32 $0x9F00;
	[sflag:s31] =	ssyncadd.s32 $0xFFFFE000  }
0x92: {  	[spmem:s1] =	stream.indirect.scatter.add.f32 [tilespmem:s25], [sflag:$0x7], $0x40, s12, s21, $0xb8;
	[tilespmem:$0x1E000] =	vst v63  }
0x93: {  	_ =	swait.ge [sflag:s0], $0x2000  }
0x94: {  	[sflag:s0] =	ssyncset.done $0x0  }
0x95: {  	s13 =	simm.s32 $0x9F80;
	[sflag:s0] =	ssyncadd.s32 $0xFFFFE000  }
0x96: {  	[spmem:s1] =	stream.indirect.scatter.add.f32 [tilespmem:s28], [sflag:$0x8], $0x40, s13, s21, $0xb8;
	[tilespmem:$0x1E000] =	vst v63  }
0x97: {  	_ =	swait.ge [sflag:s3], $0x2000  }
0x98: {  	[sflag:s3] =	ssyncset.done $0x0  }
0x99: {  	[sflag:s3] =	ssyncadd.s32 $0xFFFFE000  }
0x9a: {  	_ =	swait.ge [sflag:s19], $0x2000  }
0x9b: {  	[sflag:s19] =	ssyncset.done $0x0  }
0x9c: {  	[sflag:s19] =	ssyncadd.s32 $0xFFFFE000  }
0x9d: {  	_ =	swait.ge [sflag:s24], $0x2000  }
0x9e: {  	[sflag:s24] =	ssyncset.done $0x0  }
0x9f: {  	[sflag:s24] =	ssyncadd.s32 $0xFFFFE000  }
0xa0: {  	_ =	swait.ge [sflag:s26], $0x2000  }
0xa1: {  	[sflag:s26] =	ssyncset.done $0x0  }
0xa2: {  	[sflag:s26] =	ssyncadd.s32 $0xFFFFE000  }
0xa3: {  	[bflag:$0x0] =	sbarrier.arrive $0xFFFF  }
0xa4: {  	[tilespmem:s20], [sflag:$0x9] =	stream.linear.gather [spmem:s6], $0x2000, $0x38;
	[tilespmem:$0x1E000] =	vst v63  }
0xa5: {  	_ =	swait.ge [sflag:s18], $0x2000  }
0xa6: {  	[sflag:s18] =	ssyncset.done $0x0  }
0xa7: {  	s12 =	rddreg [dreg:$0x5];
	[sflag:s18] =	ssyncadd.s32 $0xFFFFE000  }
0xa8: {  	[hbm4b:s12+s2] =	stream.linear.scatter [tilespmem:s20], [sflag:$0x9], $0x2000, $0x38;
	[tilespmem:$0x1E000] =	vst v63  }
0xa9: {  	_ =	swait.ge [sflag:s18], $0x2000  }
0xaa: {  	[sflag:s18] =	ssyncset.done $0x0  }
0xab: {  	[sflag:s18] =	ssyncadd.s32 $0xFFFFE000  }
0xac: {  	[tilespmem:s20], [sflag:$0x9] =	stream.linear.gather [spmem:s7], $0x2000, $0x38;
	[tilespmem:$0x1E000] =	vst v63  }
0xad: {  	_ =	swait.ge [sflag:s18], $0x2000  }
0xae: {  	[sflag:s18] =	ssyncset.done $0x0  }
0xaf: {  	s13 =	rddreg [dreg:$0x6];
	[sflag:s18] =	ssyncadd.s32 $0xFFFFE000  }
0xb0: {  	[hbm4b:s13+s2] =	stream.linear.scatter [tilespmem:s20], [sflag:$0x9], $0x2000, $0x38;
	[tilespmem:$0x1E000] =	vst v63  }
0xb1: {  	_ =	swait.ge [sflag:s18], $0x2000  }
0xb2: {  	[sflag:s18] =	ssyncset.done $0x0  }
0xb3: {  	[sflag:s18] =	ssyncadd.s32 $0xFFFFE000  }
0xb4: {  	[tilespmem:s20], [sflag:$0x9] =	stream.linear.gather [spmem:s8], $0x2000, $0x38;
	[tilespmem:$0x1E000] =	vst v63  }
0xb5: {  	_ =	swait.ge [sflag:s18], $0x2000  }
0xb6: {  	[sflag:s18] =	ssyncset.done $0x0  }
0xb7: {  	[sflag:s18] =	ssyncadd.s32 $0xFFFFE000  }
0xb8: {  	[hbm4b:s14+s2] =	stream.linear.scatter [tilespmem:s20], [sflag:$0x9], $0x2000, $0x38;
	[tilespmem:$0x1E000] =	vst v63  }
0xb9: {  	_ =	swait.ge [sflag:s18], $0x2000  }
0xba: {  	[sflag:s18] =	ssyncset.done $0x0  }
0xbb: {  	[sflag:s18] =	ssyncadd.s32 $0xFFFFE000  }
0xbc: {  	[tilespmem:s20], [sflag:$0x9] =	stream.linear.gather [spmem:s9], $0x2000, $0x38;
	[tilespmem:$0x1E000] =	vst v63  }
0xbd: {  	_ =	swait.ge [sflag:s18], $0x2000  }
0xbe: {  	[sflag:s18] =	ssyncset.done $0x0  }
0xbf: {  	[sflag:s18] =	ssyncadd.s32 $0xFFFFE000  }
0xc0: {  	[hbm4b:s15+s2] =	stream.linear.scatter [tilespmem:s20], [sflag:$0x9], $0x2000, $0x38;
	[tilespmem:$0x1E000] =	vst v63  }
0xc1: {  	_ =	swait.ge [sflag:s18], $0x2000  }
0xc2: {  	[sflag:s18] =	ssyncset.done $0x0  }
0xc3: {  	[sflag:s18] =	ssyncadd.s32 $0xFFFFE000  }
0xc4: {  	[tilespmem:s20], [sflag:$0x9] =	stream.linear.gather [spmem:s10], $0x2000, $0x38;
	[tilespmem:$0x1E000] =	vst v63  }
0xc5: {  	s4 =	sadd.s32 $0x1, s4;
	_ =	swait.ge [sflag:s18], $0x2000  }
0xc6: {  	p0 =	sne.s32 s4, s17;
	[sflag:s18] =	ssyncset.done $0x0  }
.Ltmp2:
0xc7: {  	[sflag:s18] =	ssyncadd.s32 $0xFFFFE000;
	(pc) =	sbr.rel @p0 .LBB2_1-.Ltmp2, $4  }
0xc8: {  	[hbm4b:s16+s2] =	stream.linear.scatter [tilespmem:s20], [sflag:$0x9], $0x2000, $0x38;
	[tilespmem:$0x1E000] =	vst v63  }
0xc9: {  	_ =	swait.ge [sflag:s18], $0x2000  }
0xca: {  	[sflag:s18] =	ssyncset.done $0x0  }
0xcb: {  	[sflag:s18] =	ssyncadd.s32 $0xFFFFE000  }
0xcc: {  	_ =	sfence.sel $0x180000  }
0xcd: {  	[bflag:$0x0] =	sbarrier.arrive $0xFFFF  }
0xce: {  	_ =	strace $0x90000050  }
0xcf: {  	s0 =	stileid.u32;
	[bflag:$0x2] =	sbarrier.arrive $0xFFFF  }
0xd0: {  	p0 =	sne.s32 s0, $0x0;
	s0 =	rddreg [dreg:$0x2]  }
0xd1: {  	s0 =	sadd.s32 @!p0 $0x100000, s0  }
0xd2: {  	[sflag:s0] =	ssyncadd.tile.s32 @!p0 $0x1;
	_ =	shalt  }
.Lfunc_end2:
_tile_overlayer_lowered:
.L_overlay_start_2:
0xd3: {  	(tag) =	ssettag $0x2  }
0xd4: {  	s0 =	rddreg [dreg:$0x0];
	s2 =	stileid.u32  }
0xd5: {  	s1 =	rddreg [dreg:$0x1];
	p0 =	sne.s32 s2, $0x0  }
0xd6: {  	s3 =	rddreg [dreg:$0x2];
	[bflag:$0x3] =	sbarrier.arrive $0xFFFF;
	s2 =	simm.s32 @!p0 $0x1C09  }
0xd7: {  	[timem:s3], [sflag:s2] =	dma.local @!p0 [hbm:s0], s1  }
0xd8: {  	s0 =	simm.s32 @!p0 $0x9  }
0xd9: {  	_ =	swait.ge @!p0 [sflag:s0], s1  }
0xda: {  	s1 =	ssub.s32 @!p0 $0x0, s1;
	[sflag:s0] =	ssyncset.done @!p0 $0x0  }
0xdb: {  	[sflag:s0] =	ssyncadd.s32 @!p0 s1  }
0xdc: {  	[bflag:$0x3] =	sbarrier.arrive $0xFFFF  }
0xdd: {  	_ =	shalt  }

// kernel: kernel.23.cloned.1.call-start
scs
__scs_entry_jumppad:
0x0: {  	(pc) =	sbr.rel $0x88, $3  }
0x1: {  	(tag) =	ssettag $0x0;
	lr =	simm.s32 $0x1  }
0x2: {  	[smem:$0x3F95] =	sst lr;
	_ =	strace $0xD0000000  }
0x3: {  	_ = 	snop  }
0x4: {  	_ = 	snop  }
0x5: {  	_ = 	snop  }
0x6: {  	_ = 	snop  }
0x7: {  	_ = 	snop  }
__scs_overlays_trampoline_lowered:
0x8: {  	[smem:$0x3FA4] =	sst s0  }
0x9: {  	[smem:$0x3FA5] =	sst s1  }
0xa: {  	[smem:$0x3FA6] =	sst s2  }
0xb: {  	[smem:$0x3FA7] =	sst s3  }
0xc: {  	[smem:$0x3FA8] =	sst s4  }
0xd: {  	[smem:$0x3FA9] =	sst s5  }
0xe: {  	[smem:$0x3FAA] =	sst s6  }
0xf: {  	[smem:$0x3FAB] =	sst s7  }
0x10: {  	[smem:$0x3FAC] =	sst s8  }
0x11: {  	[smem:$0x3FAD] =	sst s9;
	s0 =	simm.s32 @!p0 $0x0  }
0x12: {  	s1 =	sld [smem:$0x3F93];
	s0 =	simm.s32 @p0 $0x1  }
0x13: {  	[smem:$0x3FAE] =	sst s0;
	s0 =	simm.s32 @!p1 $0x0  }
0x14: {  	s2 =	sld [smem:$0x3F92];
	s0 =	simm.s32 @p1 $0x1  }
0x15: {  	[smem:$0x3FAF] =	sst s0;
	s0 =	simm.s32 @!p2 $0x0  }
0x16: {  	s3 =	sld [smem:$0x3FDB];
	s0 =	simm.s32 @p2 $0x1  }
0x17: {  	s4 =	simm.s32 $0x1BF5;
	[smem:$0x3FB1] =	sst s0  }
0x18: {  	s0 =	sld [smem:$0x3F94];
	_ =	swait.ge [sflag:s4], $0x0  }
0x19: {  	s7 =	sld [smem:$0x3F95]  }
0x1a: {  	s8 =	sadd.s32 $0xFFFFE003, lr  }
0x1b: {  	s9 =	sadd.s32 $0xFFFFFEF7, lr;
	s5 =	simm.s32 $0xFFFFFFFF;
	p2 =	slt.u32 s8, $0xFFFFF086  }
0x1c: {  	p1 =	slt.u32 s9, $0xF7A;
	s5 =	simm.s32 @!p2 $0x0  }
0x1d: {  	s5 =	simm.s32 @p1 $0x1;
	p0 =	seq.s32 s7, s2  }
0x1e: {  	s7 =	smul.u32 @!p0 $0xF7A, s2;
	p2 =	seq.s32 @!p0 s5, $0x0  }
0x1f: {  	s9 =	smul.u32 $0xF7A, s1;
	s8 =	simm.s32 @!p0 $0x1BF5;
	p2 =	por !p2, p0  }
0x20: {  	[sflag:s8] =	ssyncset.s32 @!p0 $0xFFFFF086;
	s6 =	sadd.s32 @!p0 s3, s7;
	s7 =	simm.s32 @!p0 $0x108  }
0x21: {  	s3 =	sadd.s32 s3, s9;
	s6 =	sadd.s32 @!p0 $0x88, s6;
	s7 =	simm.s32 @p2 $0x1082  }
0x22: {  	[simem:s7], [sflag:s8] =	dma.local @!p0 [hbm:s6], $0xF7A  }
0x23: {  	s9 =	sor.u32 $0xD0000000, s2;
	s6 =	simm.s32 $0x108;
	_ =	swait.ge @!p0 [sflag:s8], $0x0  }
0x24: {  	s3 =	sadd.s32 $0x88, s3;
	s6 =	simm.s32 @!p1 $0x1082;
	[sflag:s4] =	ssyncset.s32 $0xFFFFF086  }
0x25: {  	[simem:s6], [sflag:s4] =	dma.local [hbm:s3], $0xF7A  }
0x26: {  	[smem:$0x3F95] =	sst s1;
	(tag) =	ssettag s2;
	_ =	strace s9  }
0x27: {  	s1 =	sld [smem:$0x3FA5]  }
0x28: {  	s2 =	sld [smem:$0x3FA6]  }
0x29: {  	s4 =	sld [smem:$0x3FA8]  }
0x2a: {  	p0 =	seq.s32 s5, $0x0;
	s5 =	sld [smem:$0x3FA9]  }
0x2b: {  	s6 =	sld [smem:$0x3FAA]  }
0x2c: {  	s7 =	sld [smem:$0x3FAB]  }
0x2d: {  	s3 =	simm.s32 $0x108;
	s8 =	sld [smem:$0x3FAC]  }
0x2e: {  	s3 =	simm.s32 @!p0 $0x1082;
	s9 =	sld [smem:$0x3FAD]  }
0x2f: {  	lr =	sadd.s32 s0, s3;
	s0 =	sld [smem:$0x3FA4]  }
0x30: {  	s3 =	sld [smem:$0x3FA7]  }
0x31: {  	[smem:$0x3FB0] =	sst s10  }
0x32: {  	s10 =	sld [smem:$0x3FAE];
	_ =	sdelay $0x3  }
0x33: {  	p0 =	seq.s32 s10, $0x1;
	s10 =	sld [smem:$0x3FB0];
	_ =	sdelay $0x3  }
0x34: {  	[smem:$0x3FB0] =	sst s10  }
0x35: {  	s10 =	sld [smem:$0x3FAF];
	_ =	sdelay $0x3  }
0x36: {  	p1 =	seq.s32 s10, $0x1;
	s10 =	sld [smem:$0x3FB0];
	_ =	sdelay $0x3  }
0x37: {  	[smem:$0x3FB0] =	sst s10  }
0x38: {  	s10 =	sld [smem:$0x3FB1]  }
0x39: {  	_ = 	snop;
	(pc) =	sbr.ind lr, $3  }
0x3a: {  	_ = 	snop  }
0x3b: {  	_ = 	snop  }
0x3c: {  	p2 =	seq.s32 s10, $0x1;
	s10 =	sld [smem:$0x3FB0]  }
0x3d: {  	_ =	shalt  }
0x3e: {  	_ =	shalt  }
0x3f: {  	_ =	shalt  }
0x40: {  	_ =	shalt  }
0x41: {  	_ =	shalt  }
0x42: {  	_ =	shalt  }
0x43: {  	_ =	shalt  }
0x44: {  	_ =	shalt  }
0x45: {  	_ =	shalt  }
0x46: {  	_ =	shalt  }
0x47: {  	_ =	shalt  }
0x48: {  	_ =	shalt  }
0x49: {  	_ =	shalt  }
0x4a: {  	_ =	shalt  }
0x4b: {  	_ =	shalt  }
0x4c: {  	_ =	shalt  }
0x4d: {  	_ =	shalt  }
0x4e: {  	_ =	shalt  }
0x4f: {  	_ =	shalt  }
0x50: {  	_ =	shalt  }
0x51: {  	_ =	shalt  }
0x52: {  	_ =	shalt  }
0x53: {  	_ =	shalt  }
0x54: {  	_ =	shalt  }
0x55: {  	_ =	shalt  }
0x56: {  	_ =	shalt  }
0x57: {  	_ =	shalt  }
0x58: {  	_ =	shalt  }
0x59: {  	_ =	shalt  }
0x5a: {  	_ =	shalt  }
0x5b: {  	_ =	shalt  }
0x5c: {  	_ =	shalt  }
0x5d: {  	_ =	shalt  }
0x5e: {  	_ =	shalt  }
0x5f: {  	_ =	shalt  }
0x60: {  	_ =	shalt  }
0x61: {  	_ =	shalt  }
0x62: {  	_ =	shalt  }
0x63: {  	_ =	shalt  }
0x64: {  	_ =	shalt  }
0x65: {  	_ =	shalt  }
0x66: {  	_ =	shalt  }
0x67: {  	_ =	shalt  }
0x68: {  	_ =	shalt  }
0x69: {  	_ =	shalt  }
0x6a: {  	_ =	shalt  }
0x6b: {  	_ =	shalt  }
0x6c: {  	_ =	shalt  }
0x6d: {  	_ =	shalt  }
0x6e: {  	_ =	shalt  }
0x6f: {  	_ =	shalt  }
0x70: {  	_ =	shalt  }
0x71: {  	_ =	shalt  }
0x72: {  	_ =	shalt  }
0x73: {  	_ =	shalt  }
0x74: {  	_ =	shalt  }
0x75: {  	_ =	shalt  }
0x76: {  	_ =	shalt  }
0x77: {  	_ =	shalt  }
0x78: {  	_ =	shalt  }
0x79: {  	_ =	shalt  }
0x7a: {  	_ =	shalt  }
0x7b: {  	_ =	shalt  }
0x7c: {  	_ =	shalt  }
0x7d: {  	_ =	shalt  }
0x7e: {  	_ =	shalt  }
0x7f: {  	_ =	shalt  }
0x80: {  	_ =	shalt  }
0x81: {  	_ =	shalt  }
0x82: {  	_ =	shalt  }
0x83: {  	_ =	shalt  }
0x84: {  	_ =	shalt  }
0x85: {  	_ =	shalt  }
0x86: {  	_ =	shalt  }
0x87: {  	_ =	shalt  }
.Lfunc_end0:
.L_simem_size_0:
called_computation.4_lowered:
.L_overlay_start_0:
0x88: {  	s2 =	sld [smem:$0x3FD9]  }
0x89: {  	s3 =	sld [smem:$0x3FFE];
	_ =	sdelay $0x1  }
0x8a: {  	s1 =	srdreg.scid  }
0x8b: {  	s0 =	sand.u32 $0x1, s1  }
0x8c: {  	s16 =	sshll.u32 s0, $0xA;
	s2 =	sadd.s32 s3, s2  }
0x8d: {  	s2 =	sadd.s32 s2, s16  }
0x8e: {  	[smem:$0x3FBC] =	sst s2  }
0x8f: {  	_ = 	snop  }
0x90: {  	(tm) =	ssettm $0x1  }
0x91: {  	s17 =	sld [smem:$0x3FFB];
	_ =	sdelay $0x3  }
0x92: {  	_ =	strace s17  }
0x93: {  	s2 =	sld [smem:$0x3FFC];
	_ =	sdelay $0x3  }
0x94: {  	_ =	strace s2  }
0x95: {  	s2 =	sld [smem:$0x3FFD];
	_ =	sdelay $0x3  }
0x96: {  	_ =	strace s2  }
0x97: {  	_ =	strace $0x8FFFFFFF  }
0x98: {  	s18 =	sld [smem:$0x3FDB];
	_ =	sdelay $0x1  }
0x99: {  	s19 =	simm.s32 $_scs_section_size  }
0x9a: {  	s4 =	simm.s32 $_size__tile_overlayer_lowered;
	s5 =	simm.s32 $_tile_overlayer_lowered  }
0x9b: {  	s22 =	simm.s32 $0x1BFF;
	s21 =	sshll.u32 s5, $0x1;
	s2 =	sadd.s32 s19, s18  }
0x9c: {  	s6 =	simm.s32 $0x0;
	s20 =	sshll.u32 s4, $0x1;
	s4 =	sadd.s32 s21, s2  }
0x9d: {  	[timem:s6], [sflag:s22] =	dma.local [hbm:s4], s20  }
0x9e: {  	_ =	swait.ge [sflag:s22], s20  }
0x9f: {  	s3 =	ssub.s32 $0x0, s20;
	[sflag:s22] =	ssyncset.done $0x0  }
0xa0: {  	[sflag:s22] =	ssyncadd.s32 s3;
	_ =	sdelay $0x1  }
0xa1: {  	s23 =	simm.s32 $0x1B8B  }
0xa2: {  	_ =	swait.ge [sflag:s23], $0x1  }
0xa3: {  	[sflag:s23] =	ssyncset.done $0x0  }
0xa4: {  	s25 =	simm.s32 $0x1B8E;
	s24 =	sld [smem:$0x3FFE];
	[sflag:s23] =	ssyncadd.s32 $0xFFFFFFFF  }
0xa5: {  	s26 =	simm.s32 $execute0_lowered;
	[smem:$0x3FD2] =	sst s25  }
0xa6: {  	s4 =	sshll.u32 s26, $0x1;
	_ =	strace $0x80000052;
	[dreg:$0x1] =	wrdreg $0xFFFFFFFF  }
0xa7: {  	s28 =	simm.s32 $_size_execute0_lowered;
	s2 =	sadd.s32 s2, s4;
	[dreg:$0x0] =	wrdreg $0x0  }
0xa8: {  	s4 =	sshll.u32 s28, $0x1;
	[dreg:$0x2] =	wrdreg s2  }
0xa9: {  	[dreg:$0x3] =	wrdreg s4  }
0xaa: {  	[dreg:$0x4] =	wrdreg $0xC0  }
0xab: {  	_ =	task [dreg:s6], $0x5FFFF  }
0xac: {  	[dreg:$0x1] =	wrdreg $0xFFFFFFFF  }
0xad: {  	[dreg:$0x0] =	wrdreg $0x60  }
0xae: {  	[dreg:$0x2] =	wrdreg s24  }
0xaf: {  	[dreg:$0x3] =	wrdreg $0x140000  }
0xb0: {  	[dreg:$0x4] =	wrdreg $0x9  }
0xb1: {  	_ =	task.clear_ibuf [dreg:s6], $0x5FFFF;
	_ =	strace $0x90000052  }
0xb2: {  	s29 =	simm.s32 $0x9;
	_ =	strace $0x80000054  }
0xb3: {  	_ =	swait.ge [sflag:s29], $0x1  }
0xb4: {  	[sflag:s29] =	ssyncadd.s32 $0xFFFFFFFF  }
0xb5: {  	_ =	strace $0x90000054  }
0xb6: {  	_ =	sfence  }
0xb7: {  	s30 =	sld [smem:$0x0];
	_ =	sdelay $0x2  }
0xb8: {  	s31 =	sshll.u32 s1, $0xD;
	s1 =	sshrl.u32 s1, $0x2  }
0xb9: {  	s3 =	sand.u32 $0x4000, s31;
	s1 =	sadd.s32 s1, s30  }
0xba: {  	s0 =	sor.u32 s3, s0;
	s1 =	sshll.u32 s1, $0x11  }
0xbb: {  	s0 =	sor.u32 s1, s0  }
0xbc: {  	s0 =	sadd.s32 $0x8F2B, s0  }
0xbd: {  	[sflag:s0] =	ssyncadd.remote.s32 $0x1  }
0xbe: {  	_ =	sfence.sel $0xFFFF  }
0xbf: {  	[dreg:$0x0] =	wrdreg $0xFFFFFFFF;
	(pc) =	sbr.abs _section_cstart, $3  }
0xc0: {  	[dreg:$0x1] =	wrdreg $0xFFFFFFFF  }
0xc1: {  	_ =	task.clear_ibuf [dreg:s6], $0x2FFFF;
	_ =	strace $0x9FFFFFFF  }
0xc2: {  	(tm) =	ssettm $0x7FFFFFFF  }
0xc3: {  	_ =	shalt  }
tec
execute0_lowered:
.L_overlay_start_1:
0x0: {  	(tag) =	ssettag $0x1  }
0x1: {  	s0 =	rddreg [dreg:$0x0]  }
0x2: {  	s1 =	rddreg [dreg:$0x1];
	s3 =	srdreg.scid  }
0x3: {  	s2 =	simm.s32 $0x0;
	s8 =	stileid.u32;
	s18 =	simm.s32 $0x9  }
0x4: {  	s20 =	simm.s32 $0x12000;
	s21 =	simm.s32 $0x80;
	s28 =	simm.s32 $0x10000  }
0x5: {  	s29 =	simm.s32 $0x1;
	s30 =	simm.s32 $0x2;
	s6 =	smul.u32 $0xA00, s8  }
0x6: {  	s31 =	simm.s32 $0x3;
	s3 =	sand.u32 $0x1, s3;
	s10 =	smul.u32 $0xA000, s8  }
0x7: {  	[smem:$0x7FF] =	sst s2;
	s4 =	smul.u32 $0xA0000, s3;
	s3 =	ssub.s32 $0x2, s3  }
0x8: {  	s19 =	simm.s32 $0x6;
	_ =	strace $0x80000053;
	s7 =	sshrl.u32 s3, $0x1  }
0x9: {  	s6 =	sadd.s32 s6, s0;
	s11 =	sadd.s32 $0x2000, s10;
	s12 =	sadd.s32 $0x4000, s10  }
0xa: {  	s14 =	sadd.s32 $0x6000, s10;
	s15 =	sadd.s32 $0x8000, s10;
	s5 =	sshrl.u32 s4, $0x3  }
0xb: {  	s3 =	ssub.s32 s3, s7;
	s22 =	sadd.s32 $0x16E00, s6;
	s6 =	sadd.s32 $0x20E00, s6  }
0xc: {  	s7 =	sadd.s32 s11, s1;
	s8 =	sadd.s32 s12, s1;
	s9 =	sadd.s32 s14, s1  }
0xd: {  	s13 =	sadd.s32 s10, s4;
	s11 =	sadd.s32 s4, s11;
	s25 =	sadd.s32 s4, s12  }
0xe: {  	s26 =	sadd.s32 s4, s14;
	s4 =	sadd.s32 s4, s15;
	[dreg:$0x3] =	wrdreg s22  }
0xf: {  	s5 =	sadd.s32 s5, s0;
	s0 =	sadd.s32 $0x52E00, s0;
	[dreg:$0x4] =	wrdreg s6  }
0x10: {  	s6 =	sadd.s32 s10, s1;
	s10 =	sadd.s32 s15, s1;
	s13 =	sshrl.u32 s13, $0x3  }
0x11: {  	s16 =	sshrl.u32 s11, $0x3;
	s12 =	sshrl.u32 s26, $0x3;
	s4 =	sshrl.u32 s4, $0x3  }
0x12: {  	s17 =	smax.u32 s3, $0x1;
	s22 =	simm.s32 $0xA000;
	s3 =	simm.s32 $0x5  }
0x13: {  	s26 =	simm.s32 $0x8;
	s11 =	sadd.s32 $0x2AE00, s5;
	s23 =	sadd.s32 s0, s13  }
0x14: {  	s24 =	sadd.s32 s0, s16;
	s5 =	sshrl.u32 s25, $0x3;
	s15 =	sadd.s32 s0, s12  }
0x15: {  	s16 =	sadd.s32 s0, s4;
	s25 =	simm.s32 $0xE000;
	[dreg:$0x5] =	wrdreg s23  }
0x16: {  	s4 =	simm.s32 $0x0;
	[dreg:$0x6] =	wrdreg s24;
	s14 =	sadd.s32 s0, s5  }
0x17: {  	v0 =	vimm.f32 $0.0e+00;
	s23 =	simm.s32 $0xC000;
	s0 =	simm.s32 $0x4;
	s24 =	simm.s32 $0x7  }
.LBB2_1:
0x18: {  	s5 =	rddreg [dreg:$0x3]  }
0x19: {  	[tilespmem:s2], [sflag:$0x9] =	stream.linear.gather [hbm4b:s5+s2], $0x5000, $0x38;
	[tilespmem:$0x1E000] =	vst v63  }
0x1a: {  	_ =	swait.ge [sflag:s18], $0x5000  }
0x1b: {  	[sflag:s18] =	ssyncset.done $0x0  }
0x1c: {  	s12 =	simm.s32 $0x5000;
	s13 =	rddreg [dreg:$0x4];
	[sflag:s18] =	ssyncadd.s32 $0xFFFFB000  }
0x1d: {  	[tilespmem:s12], [sflag:$0x9] =	stream.linear.gather [hbm4b:s13+s2], $0x5000, $0x38;
	[tilespmem:$0x1E000] =	vst v63  }
0x1e: {  	_ =	swait.ge [sflag:s18], $0x5000  }
0x1f: {  	[sflag:s18] =	ssyncset.done $0x0  }
0x20: {  	s5 =	simm.s32 $0x0;
	s12 =	simm.s32 $0x100;
	[sflag:s18] =	ssyncadd.s32 $0xFFFFB000  }
.LBB2_2:
0x21: {  	p0 =	sne.s32 s12, $0x7F00;
	[tilespmem:s5+$0x12030] =	vst v0;
	s13 =	smov.u32 s12;
	s12 =	sadd.s32 $0x100, s12  }
.Ltmp0:
0x22: {  	[tilespmem:s5+$0x12020] =	vst v0;
	(pc) =	sbr.rel @p0 .LBB2_2-.Ltmp0, $3  }
0x23: {  	[tilespmem:s5+$0x12000] =	vst v0  }
0x24: {  	[tilespmem:s5+$0x12010] =	vst v0;
	_ =	sdelay $0x1  }
0x25: {  	s5 =	sshra.s32 s13, $0x2  }
0x26: {  	[tilespmem:s5+$0x12030] =	vst v0  }
0x27: {  	[tilespmem:s5+$0x12020] =	vst v0  }
0x28: {  	[tilespmem:s5+$0x12000] =	vst v0  }
0x29: {  	[tilespmem:s5+$0x12010] =	vst v0  }
0x2a: {  	[spmem:s6] =	stream.linear.scatter [tilespmem:s20], [sflag:$0x9], $0x2000, $0x38;
	[tilespmem:$0x1E000] =	vst v63  }
0x2b: {  	_ =	swait.ge [sflag:s18], $0x2000  }
0x2c: {  	[sflag:s18] =	ssyncset.done $0x0  }
0x2d: {  	[sflag:s18] =	ssyncadd.s32 $0xFFFFE000  }
0x2e: {  	[spmem:s7] =	stream.linear.scatter [tilespmem:s20], [sflag:$0x9], $0x2000, $0x38;
	[tilespmem:$0x1E000] =	vst v63  }
0x2f: {  	_ =	swait.ge [sflag:s18], $0x2000  }
0x30: {  	[sflag:s18] =	ssyncset.done $0x0  }
0x31: {  	[sflag:s18] =	ssyncadd.s32 $0xFFFFE000  }
0x32: {  	[spmem:s8] =	stream.linear.scatter [tilespmem:s20], [sflag:$0x9], $0x2000, $0x38;
	[tilespmem:$0x1E000] =	vst v63  }
0x33: {  	_ =	swait.ge [sflag:s18], $0x2000  }
0x34: {  	[sflag:s18] =	ssyncset.done $0x0  }
0x35: {  	[sflag:s18] =	ssyncadd.s32 $0xFFFFE000  }
0x36: {  	[spmem:s9] =	stream.linear.scatter [tilespmem:s20], [sflag:$0x9], $0x2000, $0x38;
	[tilespmem:$0x1E000] =	vst v63  }
0x37: {  	_ =	swait.ge [sflag:s18], $0x2000  }
0x38: {  	[sflag:s18] =	ssyncset.done $0x0  }
0x39: {  	[sflag:s18] =	ssyncadd.s32 $0xFFFFE000  }
0x3a: {  	[spmem:s10] =	stream.linear.scatter [tilespmem:s20], [sflag:$0x9], $0x2000, $0x38;
	[tilespmem:$0x1E000] =	vst v63  }
0x3b: {  	_ =	swait.ge [sflag:s18], $0x2000  }
0x3c: {  	[sflag:s18] =	ssyncset.done $0x0  }
0x3d: {  	[sflag:s18] =	ssyncadd.s32 $0xFFFFE000  }
0x3e: {  	s12 =	simm.s32 $0x0;
	[bflag:$0x0] =	sbarrier.arrive $0xFFFF  }
0x3f: {  	[tilespmem:s22], [sflag:$0x1] =	stream.indirect.gather [hbm4b:s11+s21], $0x40, s12, s21, $0xb8;
	[tilespmem:$0x1E000] =	vst v63  }
0x40: {  	_ = 	snop  }
0x41: {  	[tilespmem:s23], [sflag:$0x2] =	stream.indirect.gather [hbm4b:s11+s21], $0x40, s21, s21, $0xb8;
	[tilespmem:$0x1E000] =	vst v63  }
0x42: {  	s13 =	simm.s32 $0x100  }
0x43: {  	[tilespmem:s25], [sflag:$0x3] =	stream.indirect.gather [hbm4b:s11+s21], $0x40, s13, s21, $0xb8;
	[tilespmem:$0x1E000] =	vst v63  }
0x44: {  	s12 =	simm.s32 $0x180  }
0x45: {  	[tilespmem:s28], [sflag:$0x4] =	stream.indirect.gather [hbm4b:s11+s21], $0x40, s12, s21, $0xb8;
	[tilespmem:$0x1E000] =	vst v63  }
0x46: {  	_ =	swait.ge [sflag:s29], $0x2000  }
0x47: {  	[sflag:s29] =	ssyncset.done $0x0  }
0x48: {  	s13 =	simm.s32 $0x5000;
	[sflag:s29] =	ssyncadd.s32 $0xFFFFE000  }
0x49: {  	[spmem:s1] =	stream.indirect.scatter.add.f32 [tilespmem:s22], [sflag:$0x5], $0x40, s13, s21, $0xb8;
	[tilespmem:$0x1E000] =	vst v63  }
0x4a: {  	_ =	swait.ge [sflag:s30], $0x2000  }
0x4b: {  	[sflag:s30] =	ssyncset.done $0x0  }
0x4c: {  	s12 =	simm.s32 $0x5080;
	[sflag:s30] =	ssyncadd.s32 $0xFFFFE000  }
0x4d: {  	[spmem:s1] =	stream.indirect.scatter.add.f32 [tilespmem:s23], [sflag:$0x6], $0x40, s12, s21, $0xb8;
	[tilespmem:$0x1E000] =	vst v63  }
0x4e: {  	_ =	swait.ge [sflag:s31], $0x2000  }
0x4f: {  	[sflag:s31] =	ssyncset.done $0x0  }
0x50: {  	s13 =	simm.s32 $0x5100;
	[sflag:s31] =	ssyncadd.s32 $0xFFFFE000  }
0x51: {  	[spmem:s1] =	stream.indirect.scatter.add.f32 [tilespmem:s25], [sflag:$0x7], $0x40, s13, s21, $0xb8;
	[tilespmem:$0x1E000] =	vst v63  }
0x52: {  	_ =	swait.ge [sflag:s0], $0x2000  }
0x53: {  	[sflag:s0] =	ssyncset.done $0x0  }
0x54: {  	s12 =	simm.s32 $0x5180;
	[sflag:s0] =	ssyncadd.s32 $0xFFFFE000  }
0x55: {  	[spmem:s1] =	stream.indirect.scatter.add.f32 [tilespmem:s28], [sflag:$0x8], $0x40, s12, s21, $0xb8;
	[tilespmem:$0x1E000] =	vst v63  }
0x56: {  	_ =	swait.ge [sflag:s3], $0x2000  }
0x57: {  	[sflag:s3] =	ssyncset.done $0x0  }
0x58: {  	s13 =	simm.s32 $0x200;
	[sflag:s3] =	ssyncadd.s32 $0xFFFFE000  }
0x59: {  	[tilespmem:s22], [sflag:$0x1] =	stream.indirect.gather [hbm4b:s11+s21], $0x40, s13, s21, $0xb8;
	[tilespmem:$0x1E000] =	vst v63  }
0x5a: {  	_ =	swait.ge [sflag:s19], $0x2000  }
0x5b: {  	[sflag:s19] =	ssyncset.done $0x0  }
0x5c: {  	s12 =	simm.s32 $0x280;
	[sflag:s19] =	ssyncadd.s32 $0xFFFFE000  }
0x5d: {  	[tilespmem:s23], [sflag:$0x2] =	stream.indirect.gather [hbm4b:s11+s21], $0x40, s12, s21, $0xb8;
	[tilespmem:$0x1E000] =	vst v63  }
0x5e: {  	_ =	swait.ge [sflag:s24], $0x2000  }
0x5f: {  	[sflag:s24] =	ssyncset.done $0x0  }
0x60: {  	s13 =	simm.s32 $0x300;
	[sflag:s24] =	ssyncadd.s32 $0xFFFFE000  }
0x61: {  	[tilespmem:s25], [sflag:$0x3] =	stream.indirect.gather [hbm4b:s11+s21], $0x40, s13, s21, $0xb8;
	[tilespmem:$0x1E000] =	vst v63  }
0x62: {  	_ =	swait.ge [sflag:s26], $0x2000  }
0x63: {  	[sflag:s26] =	ssyncset.done $0x0  }
0x64: {  	s5 =	simm.s32 $0x800;
	s12 =	simm.s32 $0x380;
	[sflag:s26] =	ssyncadd.s32 $0xFFFFE000  }
.LBB2_4:
0x65: {  	[tilespmem:s28], [sflag:$0x4] =	stream.indirect.gather [hbm4b:s11+s21], $0x40, s12, s21, $0xb8;
	[tilespmem:$0x1E000] =	vst v63  }
0x66: {  	s12 =	smov.u32 s5  }
0x67: {  	p0 =	sne.s32 s5, $0x13000;
	s5 =	sadd.s32 $0x800, s5;
	_ =	swait.ge [sflag:s29], $0x2000  }
0x68: {  	s12 =	sshra.s32 s12, $0x2;
	[sflag:s29] =	ssyncset.done $0x0  }
0x69: {  	s13 =	sadd.s32 $0x5000, s12;
	[sflag:s29] =	ssyncadd.s32 $0xFFFFE000  }
0x6a: {  	[spmem:s1] =	stream.indirect.scatter.add.f32 [tilespmem:s22], [sflag:$0x5], $0x40, s13, s21, $0xb8;
	[tilespmem:$0x1E000] =	vst v63  }
0x6b: {  	_ =	swait.ge [sflag:s30], $0x2000  }
0x6c: {  	[sflag:s30] =	ssyncset.done $0x0  }
0x6d: {  	s13 =	sadd.s32 $0x5080, s12;
	[sflag:s30] =	ssyncadd.s32 $0xFFFFE000  }
0x6e: {  	[spmem:s1] =	stream.indirect.scatter.add.f32 [tilespmem:s23], [sflag:$0x6], $0x40, s13, s21, $0xb8;
	[tilespmem:$0x1E000] =	vst v63  }
0x6f: {  	_ =	swait.ge [sflag:s31], $0x2000  }
0x70: {  	[sflag:s31] =	ssyncset.done $0x0  }
0x71: {  	s13 =	sadd.s32 $0x5100, s12;
	[sflag:s31] =	ssyncadd.s32 $0xFFFFE000  }
0x72: {  	[spmem:s1] =	stream.indirect.scatter.add.f32 [tilespmem:s25], [sflag:$0x7], $0x40, s13, s21, $0xb8;
	[tilespmem:$0x1E000] =	vst v63  }
0x73: {  	_ =	swait.ge [sflag:s0], $0x2000  }
0x74: {  	[sflag:s0] =	ssyncset.done $0x0  }
0x75: {  	s13 =	sadd.s32 $0x5180, s12;
	[sflag:s0] =	ssyncadd.s32 $0xFFFFE000  }
0x76: {  	[spmem:s1] =	stream.indirect.scatter.add.f32 [tilespmem:s28], [sflag:$0x8], $0x40, s13, s21, $0xb8;
	[tilespmem:$0x1E000] =	vst v63  }
0x77: {  	_ =	swait.ge [sflag:s3], $0x2000  }
0x78: {  	[sflag:s3] =	ssyncset.done $0x0  }
0x79: {  	s13 =	sadd.s32 $0x200, s12;
	[sflag:s3] =	ssyncadd.s32 $0xFFFFE000  }
0x7a: {  	[tilespmem:s22], [sflag:$0x1] =	stream.indirect.gather [hbm4b:s11+s21], $0x40, s13, s21, $0xb8;
	[tilespmem:$0x1E000] =	vst v63  }
0x7b: {  	_ =	swait.ge [sflag:s19], $0x2000  }
0x7c: {  	[sflag:s19] =	ssyncset.done $0x0  }
0x7d: {  	s13 =	sadd.s32 $0x280, s12;
	[sflag:s19] =	ssyncadd.s32 $0xFFFFE000  }
0x7e: {  	[tilespmem:s23], [sflag:$0x2] =	stream.indirect.gather [hbm4b:s11+s21], $0x40, s13, s21, $0xb8;
	[tilespmem:$0x1E000] =	vst v63  }
0x7f: {  	_ =	swait.ge [sflag:s24], $0x2000  }
0x80: {  	[sflag:s24] =	ssyncset.done $0x0  }
.Ltmp1:
0x81: {  	s13 =	sadd.s32 $0x300, s12;
	[sflag:s24] =	ssyncadd.s32 $0xFFFFE000;
	(pc) =	sbr.rel @p0 .LBB2_4-.Ltmp1, $4  }
0x82: {  	[tilespmem:s25], [sflag:$0x3] =	stream.indirect.gather [hbm4b:s11+s21], $0x40, s13, s21, $0xb8;
	[tilespmem:$0x1E000] =	vst v63  }
0x83: {  	_ =	swait.ge [sflag:s26], $0x2000  }
0x84: {  	[sflag:s26] =	ssyncset.done $0x0  }
0x85: {  	s12 =	sadd.s32 $0x380, s12;
	[sflag:s26] =	ssyncadd.s32 $0xFFFFE000  }
0x86: {  	[tilespmem:s28], [sflag:$0x4] =	stream.indirect.gather [hbm4b:s11+s21], $0x40, s12, s21, $0xb8;
	[tilespmem:$0x1E000] =	vst v63  }
0x87: {  	_ =	swait.ge [sflag:s29], $0x2000  }
0x88: {  	[sflag:s29] =	ssyncset.done $0x0  }
0x89: {  	s5 =	simm.s32 $0x9E00;
	[sflag:s29] =	ssyncadd.s32 $0xFFFFE000  }
0x8a: {  	[spmem:s1] =	stream.indirect.scatter.add.f32 [tilespmem:s22], [sflag:$0x5], $0x40, s5, s21, $0xb8;
	[tilespmem:$0x1E000] =	vst v63  }
0x8b: {  	_ =	swait.ge [sflag:s30], $0x2000  }
0x8c: {  	[sflag:s30] =	ssyncset.done $0x0  }
0x8d: {  	s13 =	simm.s32 $0x9E80;
	[sflag:s30] =	ssyncadd.s32 $0xFFFFE000  }
0x8e: {  	[spmem:s1] =	stream.indirect.scatter.add.f32 [tilespmem:s23], [sflag:$0x6], $0x40, s13, s21, $0xb8;
	[tilespmem:$0x1E000] =	vst v63  }
0x8f: {  	_ =	swait.ge [sflag:s31], $0x2000  }
0x90: {  	[sflag:s31] =	ssyncset.done $0x0  }
0x91: {  	s12 =	simm.s32 $0x9F00;
	[sflag:s31] =	ssyncadd.s32 $0xFFFFE000  }
0x92: {  	[spmem:s1] =	stream.indirect.scatter.add.f32 [tilespmem:s25], [sflag:$0x7], $0x40, s12, s21, $0xb8;
	[tilespmem:$0x1E000] =	vst v63  }
0x93: {  	_ =	swait.ge [sflag:s0], $0x2000  }
0x94: {  	[sflag:s0] =	ssyncset.done $0x0  }
0x95: {  	s13 =	simm.s32 $0x9F80;
	[sflag:s0] =	ssyncadd.s32 $0xFFFFE000  }
0x96: {  	[spmem:s1] =	stream.indirect.scatter.add.f32 [tilespmem:s28], [sflag:$0x8], $0x40, s13, s21, $0xb8;
	[tilespmem:$0x1E000] =	vst v63  }
0x97: {  	_ =	swait.ge [sflag:s3], $0x2000  }
0x98: {  	[sflag:s3] =	ssyncset.done $0x0  }
0x99: {  	[sflag:s3] =	ssyncadd.s32 $0xFFFFE000  }
0x9a: {  	_ =	swait.ge [sflag:s19], $0x2000  }
0x9b: {  	[sflag:s19] =	ssyncset.done $0x0  }
0x9c: {  	[sflag:s19] =	ssyncadd.s32 $0xFFFFE000  }
0x9d: {  	_ =	swait.ge [sflag:s24], $0x2000  }
0x9e: {  	[sflag:s24] =	ssyncset.done $0x0  }
0x9f: {  	[sflag:s24] =	ssyncadd.s32 $0xFFFFE000  }
0xa0: {  	_ =	swait.ge [sflag:s26], $0x2000  }
0xa1: {  	[sflag:s26] =	ssyncset.done $0x0  }
0xa2: {  	[sflag:s26] =	ssyncadd.s32 $0xFFFFE000  }
0xa3: {  	[bflag:$0x0] =	sbarrier.arrive $0xFFFF  }
0xa4: {  	[tilespmem:s20], [sflag:$0x9] =	stream.linear.gather [spmem:s6], $0x2000, $0x38;
	[tilespmem:$0x1E000] =	vst v63  }
0xa5: {  	_ =	swait.ge [sflag:s18], $0x2000  }
0xa6: {  	[sflag:s18] =	ssyncset.done $0x0  }
0xa7: {  	s12 =	rddreg [dreg:$0x5];
	[sflag:s18] =	ssyncadd.s32 $0xFFFFE000  }
0xa8: {  	[hbm4b:s12+s2] =	stream.linear.scatter [tilespmem:s20], [sflag:$0x9], $0x2000, $0x38;
	[tilespmem:$0x1E000] =	vst v63  }
0xa9: {  	_ =	swait.ge [sflag:s18], $0x2000  }
0xaa: {  	[sflag:s18] =	ssyncset.done $0x0  }
0xab: {  	[sflag:s18] =	ssyncadd.s32 $0xFFFFE000  }
0xac: {  	[tilespmem:s20], [sflag:$0x9] =	stream.linear.gather [spmem:s7], $0x2000, $0x38;
	[tilespmem:$0x1E000] =	vst v63  }
0xad: {  	_ =	swait.ge [sflag:s18], $0x2000  }
0xae: {  	[sflag:s18] =	ssyncset.done $0x0  }
0xaf: {  	s13 =	rddreg [dreg:$0x6];
	[sflag:s18] =	ssyncadd.s32 $0xFFFFE000  }
0xb0: {  	[hbm4b:s13+s2] =	stream.linear.scatter [tilespmem:s20], [sflag:$0x9], $0x2000, $0x38;
	[tilespmem:$0x1E000] =	vst v63  }
0xb1: {  	_ =	swait.ge [sflag:s18], $0x2000  }
0xb2: {  	[sflag:s18] =	ssyncset.done $0x0  }
0xb3: {  	[sflag:s18] =	ssyncadd.s32 $0xFFFFE000  }
0xb4: {  	[tilespmem:s20], [sflag:$0x9] =	stream.linear.gather [spmem:s8], $0x2000, $0x38;
	[tilespmem:$0x1E000] =	vst v63  }
0xb5: {  	_ =	swait.ge [sflag:s18], $0x2000  }
0xb6: {  	[sflag:s18] =	ssyncset.done $0x0  }
0xb7: {  	[sflag:s18] =	ssyncadd.s32 $0xFFFFE000  }
0xb8: {  	[hbm4b:s14+s2] =	stream.linear.scatter [tilespmem:s20], [sflag:$0x9], $0x2000, $0x38;
	[tilespmem:$0x1E000] =	vst v63  }
0xb9: {  	_ =	swait.ge [sflag:s18], $0x2000  }
0xba: {  	[sflag:s18] =	ssyncset.done $0x0  }
0xbb: {  	[sflag:s18] =	ssyncadd.s32 $0xFFFFE000  }
0xbc: {  	[tilespmem:s20], [sflag:$0x9] =	stream.linear.gather [spmem:s9], $0x2000, $0x38;
	[tilespmem:$0x1E000] =	vst v63  }
0xbd: {  	_ =	swait.ge [sflag:s18], $0x2000  }
0xbe: {  	[sflag:s18] =	ssyncset.done $0x0  }
0xbf: {  	[sflag:s18] =	ssyncadd.s32 $0xFFFFE000  }
0xc0: {  	[hbm4b:s15+s2] =	stream.linear.scatter [tilespmem:s20], [sflag:$0x9], $0x2000, $0x38;
	[tilespmem:$0x1E000] =	vst v63  }
0xc1: {  	_ =	swait.ge [sflag:s18], $0x2000  }
0xc2: {  	[sflag:s18] =	ssyncset.done $0x0  }
0xc3: {  	[sflag:s18] =	ssyncadd.s32 $0xFFFFE000  }
0xc4: {  	[tilespmem:s20], [sflag:$0x9] =	stream.linear.gather [spmem:s10], $0x2000, $0x38;
	[tilespmem:$0x1E000] =	vst v63  }
0xc5: {  	s4 =	sadd.s32 $0x1, s4;
	_ =	swait.ge [sflag:s18], $0x2000  }
0xc6: {  	p0 =	sne.s32 s4, s17;
	[sflag:s18] =	ssyncset.done $0x0  }
.Ltmp2:
0xc7: {  	[sflag:s18] =	ssyncadd.s32 $0xFFFFE000;
	(pc) =	sbr.rel @p0 .LBB2_1-.Ltmp2, $4  }
0xc8: {  	[hbm4b:s16+s2] =	stream.linear.scatter [tilespmem:s20], [sflag:$0x9], $0x2000, $0x38;
	[tilespmem:$0x1E000] =	vst v63  }
0xc9: {  	_ =	swait.ge [sflag:s18], $0x2000  }
0xca: {  	[sflag:s18] =	ssyncset.done $0x0  }
0xcb: {  	[sflag:s18] =	ssyncadd.s32 $0xFFFFE000  }
0xcc: {  	_ =	sfence.sel $0x180000  }
0xcd: {  	[bflag:$0x0] =	sbarrier.arrive $0xFFFF  }
0xce: {  	_ =	strace $0x90000053  }
0xcf: {  	s0 =	stileid.u32;
	[bflag:$0x2] =	sbarrier.arrive $0xFFFF  }
0xd0: {  	p0 =	sne.s32 s0, $0x0;
	s0 =	rddreg [dreg:$0x2]  }
0xd1: {  	s0 =	sadd.s32 @!p0 $0x100000, s0  }
0xd2: {  	[sflag:s0] =	ssyncadd.tile.s32 @!p0 $0x1;
	_ =	shalt  }
.Lfunc_end2:
_tile_overlayer_lowered:
.L_overlay_start_2:
0xd3: {  	(tag) =	ssettag $0x2  }
0xd4: {  	s0 =	rddreg [dreg:$0x0];
	s2 =	stileid.u32  }
0xd5: {  	s1 =	rddreg [dreg:$0x1];
	p0 =	sne.s32 s2, $0x0  }
0xd6: {  	s3 =	rddreg [dreg:$0x2];
	[bflag:$0x3] =	sbarrier.arrive $0xFFFF;
	s2 =	simm.s32 @!p0 $0x1C09  }
0xd7: {  	[timem:s3], [sflag:s2] =	dma.local @!p0 [hbm:s0], s1  }
0xd8: {  	s0 =	simm.s32 @!p0 $0x9  }
0xd9: {  	_ =	swait.ge @!p0 [sflag:s0], s1  }
0xda: {  	s1 =	ssub.s32 @!p0 $0x0, s1;
	[sflag:s0] =	ssyncset.done @!p0 $0x0  }
0xdb: {  	[sflag:s0] =	ssyncadd.s32 @!p0 s1  }
0xdc: {  	[bflag:$0x3] =	sbarrier.arrive $0xFFFF  }
0xdd: {  	_ =	shalt  }

</sc_bundles>
